<compile_context>
chip_gen: v7x
topology: tpu7x:2x2x1
jax: 0.10.2.dev20260603
libtpu: 0.0.44.dev20260713+nightly
codegen_flags: <defaults>
</compile_context>

<pallas_src>
import functools

import jax
import jax.numpy as jnp
from jax import lax
from jax.experimental import pallas as pl
from jax.experimental.pallas import tpu as pltpu
from jax.experimental.pallas import tpu_sc as plsc

L = 64
N = 16384
D = 16
B = 8

NC = 2
NS = 16
NW = NC * NS
CHUNK = N // NW
LANES = 16
GPR = CHUNK // LANES


def _body(histT_hbm, valueT_hbm, pack_hbm, outT_hbm,
          pack_v, d00, d01, d10, d11, ob0, ob1,
          sg00, sg01, sg10, sg11, so0, so1):
    wid = lax.axis_index("s") * NC + lax.axis_index("c")
    ns = pl.ds(wid * CHUNK, CHUNK)

    pltpu.sync_copy(pack_hbm, pack_v)

    idxv = plsc.bitcast(pack_v[2, pl.ds(0, LANES)], jnp.int32)
    selv = plsc.bitcast(pack_v[3, pl.ds(0, LANES)], jnp.int32)
    lane = lax.broadcasted_iota(jnp.int32, (LANES,), 0)

    def extract(vec, m):
        return jnp.max(jnp.where(m, vec, 0))

    i0s, i1s, s0s, s1s = {}, {}, {}, {}

    def extract_entry(b):
        m0 = lane == b
        m1 = lane == (B + b)
        i0s[b] = extract(idxv, m0)
        i1s[b] = extract(idxv, m1)
        s0s[b] = jnp.any(m0 & (selv == 1))
        s1s[b] = jnp.any(m1 & (selv == 1))

    d0bufs = (d00, d01)
    d1bufs = (d10, d11)
    obufs = (ob0, ob1)
    g0sems = (sg00, sg01)
    g1sems = (sg10, sg11)
    osems = (so0, so1)

    def issue(b):
        p = b % 2
        d0, d1 = d0bufs[p], d1bufs[p]

        @pl.when(s0s[b])
        def _():
            pltpu.async_copy(valueT_hbm.at[:, ns], d0, g0sems[p])

        @pl.when(jnp.logical_not(s0s[b]))
        def _():
            pltpu.async_copy(histT_hbm.at[i0s[b], :, ns], d0, g0sems[p])

        @pl.when(s1s[b])
        def _():
            pltpu.async_copy(valueT_hbm.at[:, ns], d1, g1sems[p])

        @pl.when(jnp.logical_not(s1s[b]))
        def _():
            pltpu.async_copy(histT_hbm.at[i1s[b], :, ns], d1, g1sems[p])

    extract_entry(0)
    issue(0)
    for b in range(1, B):
        extract_entry(b)
    out_pending = [None, None]

    for b in range(B):
        p = b % 2
        if b < B - 1:
            issue(b + 1)
        pltpu.make_async_copy(histT_hbm.at[0, :, ns], d0bufs[p], g0sems[p]).wait()
        pltpu.make_async_copy(histT_hbm.at[0, :, ns], d1bufs[p], g1sems[p]).wait()
        if out_pending[p] is not None:
            out_pending[p].wait()
            out_pending[p] = None

        d0, d1, ob = d0bufs[p], d1bufs[p], obufs[p]
        bs = pl.ds(b * LANES, LANES)
        wa = pack_v[0, bs]
        wb = pack_v[1, bs]

        def compute(g, carry):
            sl = pl.ds(g * LANES, LANES)
            for r in range(D):
                a = d0[r, sl]
                c = d1[r, sl]
                ob[r, sl] = wa * a + wb * c
            return carry

        lax.fori_loop(0, GPR, compute, 0)

        out_pending[p] = pltpu.async_copy(ob, outT_hbm.at[b, :, ns], osems[p])

    for p in range(2):
        if out_pending[p] is not None:
            out_pending[p].wait()


@jax.jit
def _sc_delay(histT, valueT, pack):
    call = functools.partial(
        pl.kernel,
        mesh=plsc.VectorSubcoreMesh(core_axis_name="c", subcore_axis_name="s"),
        compiler_params=pltpu.CompilerParams(needs_layout_passes=False),
        out_type=jax.ShapeDtypeStruct((B, D, N), jnp.float32),
        scratch_types=[
            pltpu.VMEM((8, 128), jnp.float32),
            pltpu.VMEM((D, CHUNK), jnp.float32),
            pltpu.VMEM((D, CHUNK), jnp.float32),
            pltpu.VMEM((D, CHUNK), jnp.float32),
            pltpu.VMEM((D, CHUNK), jnp.float32),
            pltpu.VMEM((D, CHUNK), jnp.float32),
            pltpu.VMEM((D, CHUNK), jnp.float32),
            pltpu.SemaphoreType.DMA,
            pltpu.SemaphoreType.DMA,
            pltpu.SemaphoreType.DMA,
            pltpu.SemaphoreType.DMA,
            pltpu.SemaphoreType.DMA,
            pltpu.SemaphoreType.DMA,
        ],
    )(_body)
    return call(histT, valueT, pack)


def kernel(history, value, delay_frac, write_idx, delay_int):
    histT = history.transpose(0, 2, 1)
    valueT = value.transpose(1, 0)

    wi = jnp.asarray(write_idx, jnp.int32)
    i0 = jnp.mod(wi - delay_int, L)
    i1 = jnp.mod(wi - delay_int - 1, L)
    wrow = jnp.mod(wi, L)
    w = delay_frac.astype(jnp.float32)
    ids = jnp.concatenate([i0, i1]).astype(jnp.int32)
    sel = jnp.concatenate([i0 == wrow, i1 == wrow]).astype(jnp.int32)

    pad = jnp.zeros((112,), jnp.float32)
    zrow = jnp.zeros((128,), jnp.float32)
    pack = jnp.stack([
        jnp.repeat(1.0 - w, LANES),
        jnp.repeat(w, LANES),
        jnp.concatenate([jax.lax.bitcast_convert_type(ids, jnp.float32), pad]),
        jnp.concatenate([jax.lax.bitcast_convert_type(sel, jnp.float32), pad]),
        zrow, zrow, zrow, zrow,
    ])

    outT = _sc_delay(histT, valueT, pack)
    return outT.transpose(0, 2, 1)

# --- scband reference (transcript-rebuilt; emitter-appended) ---
"""Pipeline reference for scband-delay-90443421319669 (READ-ONLY COPY).

The authoritative reference and input builder live on the scoring server;
editing this copy changes nothing except your own understanding.
"""

import jax, jax.numpy as jnp
import numpy as np

L = 64      # max_length = ceil(time/dt) + 1
N = 16384   # number of nodes in target_info
D = 16      # per-node feature dim
B = 8       # number of registered delay entries


def setup_inputs(seed: int = 0) -> dict:
    key = jax.random.key(seed)
    k1, k2, k3, k4 = jax.random.split(key, 4)
    history = jax.random.normal(k1, (L, N, D), dtype=jnp.float32)
    value = jax.random.normal(k2, (N, D), dtype=jnp.float32)
    delay_frac = jax.random.uniform(k3, (B,), dtype=jnp.float32)
    delay_int = jax.random.randint(k4, (B,), 0, 62, dtype=jnp.int32)
    write_idx = 37  # current circular-buffer write position
    return {
        'history': history,
        'value': value,
        'delay_frac': delay_frac,
        'write_idx': write_idx,
        'delay_int': delay_int,
    }


def reference(history, value, delay_frac, write_idx, delay_int):
    # Delay.update: scatter-overwrite current value into the circular history buffer
    Lm = history.shape[0]
    hist = history.at[write_idx % Lm].set(value)
    # Delay.at(entry): read each registered entry's delayed value with linear interpolation
    idx0 = jnp.mod(write_idx - delay_int, Lm)          # floor delay step
    idx1 = jnp.mod(write_idx - delay_int - 1, Lm)      # floor delay step + 1 (older)
    d0 = jnp.take(hist, idx0, axis=0)                   # [B, N, D]
    d1 = jnp.take(hist, idx1, axis=0)                   # [B, N, D]
    w = delay_frac[:, None, None]
    out = d0 * (1.0 - w) + d1 * w                       # linear interpolation between steps
    return out

if __name__ == "__main__":
    import jax
    _d = setup_inputs()
    print(jax.jit(kernel)(*tuple(_d.values())))

</pallas_src>

<mosaic_0001>
#map = affine_map<(d0, d1) -> (0, 0, 0)>
#map1 = affine_map<(d0, d1) -> (0, 0)>
module attributes {stable_mosaic.version = 14 : i64} {
  func.func @_body(%arg0: i32, %arg1: i32, %arg2: memref<64x16x16384xf32, #tpu.memory_space<hbm>>, %arg3: memref<16x16384xf32, #tpu.memory_space<hbm>>, %arg4: memref<8x128xf32, #tpu.memory_space<hbm>>, %arg5: memref<8x16x16384xf32, #tpu.memory_space<hbm>>, %arg6: memref<8x128xf32, #tpu.memory_space<vmem>>, %arg7: memref<16x512xf32, #tpu.memory_space<vmem>>, %arg8: memref<16x512xf32, #tpu.memory_space<vmem>>, %arg9: memref<16x512xf32, #tpu.memory_space<vmem>>, %arg10: memref<16x512xf32, #tpu.memory_space<vmem>>, %arg11: memref<16x512xf32, #tpu.memory_space<vmem>>, %arg12: memref<16x512xf32, #tpu.memory_space<vmem>>, %arg13: memref<!tpu.dma_semaphore, #tpu.memory_space<semaphore_mem>>, %arg14: memref<!tpu.dma_semaphore, #tpu.memory_space<semaphore_mem>>, %arg15: memref<!tpu.dma_semaphore, #tpu.memory_space<semaphore_mem>>, %arg16: memref<!tpu.dma_semaphore, #tpu.memory_space<semaphore_mem>>, %arg17: memref<!tpu.dma_semaphore, #tpu.memory_space<semaphore_mem>>, %arg18: memref<!tpu.dma_semaphore, #tpu.memory_space<semaphore_mem>>) attributes {dimension_semantics = [#tpu.dimension_semantics<core_parallel>, #tpu.dimension_semantics<subcore_parallel>], iteration_bounds = array<i64: 2, 16>, scalar_prefetch = 0 : i64, scratch_operands = 13 : i64, tpu.core_type = #tpu.core_type<sc_vector_subcore>, window_params = [{transform_indices = #map}, {transform_indices = #map1}, {transform_indices = #map1}, {transform_indices = #map}]} {
    %mul3A = arith.constant 2 : i32
    %mul3A_0 = arith.muli %arg1, %mul3A : i32
    %add3A = arith.addi %mul3A_0, %arg0 : i32
    %mul3A_1 = arith.constant 512 : i32
    %mul3A_2 = arith.muli %add3A, %mul3A_1 : i32
    "tpu.region"() ({
      %run_scoped3A = tpu.sem_alloc : memref<!tpu.dma_semaphore, #tpu.memory_space<semaphore_mem>>
      tpu.enqueue_dma source(%arg4 : memref<8x128xf32, #tpu.memory_space<hbm>>) target(%arg6 : memref<8x128xf32, #tpu.memory_space<vmem>>) target_semaphore(%run_scoped3A : memref<!tpu.dma_semaphore, #tpu.memory_space<semaphore_mem>>)
      tpu.wait_dma2 semaphore(%run_scoped3A : memref<!tpu.dma_semaphore, #tpu.memory_space<semaphore_mem>>) src(%arg4 : memref<8x128xf32, #tpu.memory_space<hbm>>) dst(%arg6 : memref<8x128xf32, #tpu.memory_space<vmem>>)
      tpu.yield
    }) : () -> ()
    %get3A = arith.constant 2 : i32
    %get3A_3 = arith.index_cast %get3A : i32 to index
    %get3A_4 = arith.constant 0 : index
    %get3A_5 = tpu.vector_load %arg6[%get3A_3, %get3A_4] {strides = array<i32>} : memref<8x128xf32, #tpu.memory_space<vmem>>, vector<16xf32>,
    %bitcast3A = vector.bitcast %get3A_5 : vector<16xf32> to vector<16xi32>
    %get3A_6 = arith.constant 3 : i32
    %get3A_7 = arith.index_cast %get3A_6 : i32 to index
    %get3A_8 = arith.constant 0 : index
    %get3A_9 = tpu.vector_load %arg6[%get3A_7, %get3A_8] {strides = array<i32>} : memref<8x128xf32, #tpu.memory_space<vmem>>, vector<16xf32>,
    %bitcast3A_10 = vector.bitcast %get3A_9 : vector<16xf32> to vector<16xi32>
    %iota3A = tpu.iota {dimensions = array<i32: 0>} : vector<16xi32>
    %eq3A = arith.constant 0 : i32
    %eq3A_11 = vector.broadcast %eq3A : i32 to vector<16xi32>
    %eq3A_12 = arith.cmpi eq, %iota3A, %eq3A_11 : vector<16xi32>
    %eq3A_13 = arith.constant 8 : i32
    %eq3A_14 = vector.broadcast %eq3A_13 : i32 to vector<16xi32>
    %eq3A_15 = arith.cmpi eq, %iota3A, %eq3A_14 : vector<16xi32>
    %jit3A = arith.constant 0 : i32
    %broadcast_in_dim3A = vector.broadcast %jit3A : i32 to vector<16xi32>
    %select_n3A = arith.select %eq3A_12, %bitcast3A, %broadcast_in_dim3A : vector<16xi1>, vector<16xi32>
    %reduce_max3A = arith.constant true
    %reduce_max3A_16 = vector.broadcast %reduce_max3A : i1 to vector<16xi1>
    %reduce_max3A_17 = arith.constant -2147483648 : i32
    %reduce_max3A_18 = vector.broadcast %reduce_max3A_17 : i32 to vector<16xi32>
    %reduce_max3A_19 = arith.xori %select_n3A, %reduce_max3A_18 : vector<16xi32>
    %reduce_max3A_20 = tpu.scan <max>, %reduce_max3A_19 masked %reduce_max3A_16 : vector<16xi32>, vector<16xi1> -> vector<16xi32>
    %reduce_max3A_21 = arith.xori %reduce_max3A_20, %reduce_max3A_18 : vector<16xi32>
    %reduce_max3A_22 = vector.extract %reduce_max3A_21[15] : i32 from vector<16xi32>
    %jit3A_23 = arith.constant 0 : i32
    %broadcast_in_dim3A_24 = vector.broadcast %jit3A_23 : i32 to vector<16xi32>
    %select_n3A_25 = arith.select %eq3A_15, %bitcast3A, %broadcast_in_dim3A_24 : vector<16xi1>, vector<16xi32>
    %reduce_max3A_26 = arith.constant true
    %reduce_max3A_27 = vector.broadcast %reduce_max3A_26 : i1 to vector<16xi1>
    %reduce_max3A_28 = arith.constant -2147483648 : i32
    %reduce_max3A_29 = vector.broadcast %reduce_max3A_28 : i32 to vector<16xi32>
    %reduce_max3A_30 = arith.xori %select_n3A_25, %reduce_max3A_29 : vector<16xi32>
    %reduce_max3A_31 = tpu.scan <max>, %reduce_max3A_30 masked %reduce_max3A_27 : vector<16xi32>, vector<16xi1> -> vector<16xi32>
    %reduce_max3A_32 = arith.xori %reduce_max3A_31, %reduce_max3A_29 : vector<16xi32>
    %reduce_max3A_33 = vector.extract %reduce_max3A_32[15] : i32 from vector<16xi32>
    %eq3A_34 = arith.constant 1 : i32
    %eq3A_35 = vector.broadcast %eq3A_34 : i32 to vector<16xi32>
    %eq3A_36 = arith.cmpi eq, %bitcast3A_10, %eq3A_35 : vector<16xi32>
    %and3A = arith.andi %eq3A_12, %eq3A_36 : vector<16xi1>
    %reduce_or3A = arith.constant 1.000000e+00 : f32
    %reduce_or3A_37 = arith.constant 0.000000e+00 : f32
    %reduce_or3A_38 = vector.broadcast %reduce_or3A : f32 to vector<16xf32>
    %reduce_or3A_39 = vector.broadcast %reduce_or3A_37 : f32 to vector<16xf32>
    %reduce_or3A_40 = arith.select %and3A, %reduce_or3A_38, %reduce_or3A_39 : vector<16xi1>, vector<16xf32>
    %reduce_or3A_41 = arith.constant true
    %reduce_or3A_42 = vector.broadcast %reduce_or3A_41 : i1 to vector<16xi1>
    %reduce_or3A_43 = tpu.scan <max>, %reduce_or3A_40 masked %reduce_or3A_42 : vector<16xf32>, vector<16xi1> -> vector<16xf32>
    %reduce_or3A_44 = vector.extract %reduce_or3A_43[15] : f32 from vector<16xf32>
    %reduce_or3A_45 = arith.constant 0.000000e+00 : f32
    %reduce_or3A_46 = arith.cmpf ogt, %reduce_or3A_44, %reduce_or3A_45 : f32
    %eq3A_47 = arith.constant 1 : i32
    %eq3A_48 = vector.broadcast %eq3A_47 : i32 to vector<16xi32>
    %eq3A_49 = arith.cmpi eq, %bitcast3A_10, %eq3A_48 : vector<16xi32>
    %and3A_50 = arith.andi %eq3A_15, %eq3A_49 : vector<16xi1>
    %reduce_or3A_51 = arith.constant 1.000000e+00 : f32
    %reduce_or3A_52 = arith.constant 0.000000e+00 : f32
    %reduce_or3A_53 = vector.broadcast %reduce_or3A_51 : f32 to vector<16xf32>
    %reduce_or3A_54 = vector.broadcast %reduce_or3A_52 : f32 to vector<16xf32>
    %reduce_or3A_55 = arith.select %and3A_50, %reduce_or3A_53, %reduce_or3A_54 : vector<16xi1>, vector<16xf32>
    %reduce_or3A_56 = arith.constant true
    %reduce_or3A_57 = vector.broadcast %reduce_or3A_56 : i1 to vector<16xi1>
    %reduce_or3A_58 = tpu.scan <max>, %reduce_or3A_55 masked %reduce_or3A_57 : vector<16xf32>, vector<16xi1> -> vector<16xf32>
    %reduce_or3A_59 = vector.extract %reduce_or3A_58[15] : f32 from vector<16xf32>
    %reduce_or3A_60 = arith.constant 0.000000e+00 : f32
    %reduce_or3A_61 = arith.cmpf ogt, %reduce_or3A_59, %reduce_or3A_60 : f32
    %convert_element_type3A = arith.extui %reduce_or3A_46 : i1 to i32
    %cond3A = arith.constant 0 : i32
    %cond3A_62 = arith.cmpi ne, %convert_element_type3A, %cond3A : i32
    scf.if %cond3A_62 {
      %dma_start3A_926 = arith.constant 0 : i32
      %dma_start3A_927 = tpu.memref_slice %arg3[%dma_start3A_926, %mul3A_2] : memref<16x16384xf32, #tpu.memory_space<hbm>> -> memref<16x512xf32, #tpu.memory_space<hbm>>
      %dma_start3A_928 = arith.constant 0 : i32
      %dma_start3A_929 = tpu.memref_slice %arg3[%dma_start3A_928, %mul3A_2] : memref<16x16384xf32, #tpu.memory_space<hbm>> -> memref<16x512xf32, #tpu.memory_space<hbm>>
      tpu.enqueue_dma source(%dma_start3A_929 : memref<16x512xf32, #tpu.memory_space<hbm>>) target(%arg7 : memref<16x512xf32, #tpu.memory_space<vmem>>) target_semaphore(%arg13 : memref<!tpu.dma_semaphore, #tpu.memory_space<semaphore_mem>>)
    } else {
    }
    %not3A = arith.constant true
    %not3A_63 = arith.xori %reduce_or3A_46, %not3A : i1
    %convert_element_type3A_64 = arith.extui %not3A_63 : i1 to i32
    %cond3A_65 = arith.constant 0 : i32
    %cond3A_66 = arith.cmpi ne, %convert_element_type3A_64, %cond3A_65 : i32
    scf.if %cond3A_66 {
      %dma_start3A_926 = arith.constant 0 : i32
      %dma_start3A_927 = tpu.memref_slice %arg2[%reduce_max3A_22, %dma_start3A_926, %mul3A_2] : memref<64x16x16384xf32, #tpu.memory_space<hbm>> -> memref<1x16x512xf32, #tpu.memory_space<hbm>>
      %dma_start3A_928 = tpu.memref_squeeze %dma_start3A_927 : memref<1x16x512xf32, #tpu.memory_space<hbm>> -> memref<16x512xf32, #tpu.memory_space<hbm>>
      %dma_start3A_929 = arith.constant 0 : i32
      %dma_start3A_930 = tpu.memref_slice %arg2[%reduce_max3A_22, %dma_start3A_929, %mul3A_2] : memref<64x16x16384xf32, #tpu.memory_space<hbm>> -> memref<1x16x512xf32, #tpu.memory_space<hbm>>
      %dma_start3A_931 = tpu.memref_squeeze %dma_start3A_930 : memref<1x16x512xf32, #tpu.memory_space<hbm>> -> memref<16x512xf32, #tpu.memory_space<hbm>>
      tpu.enqueue_dma source(%dma_start3A_931 : memref<16x512xf32, #tpu.memory_space<hbm>>) target(%arg7 : memref<16x512xf32, #tpu.memory_space<vmem>>) target_semaphore(%arg13 : memref<!tpu.dma_semaphore, #tpu.memory_space<semaphore_mem>>)
    } else {
    }
    %convert_element_type3A_67 = arith.extui %reduce_or3A_61 : i1 to i32
    %cond3A_68 = arith.constant 0 : i32
    %cond3A_69 = arith.cmpi ne, %convert_element_type3A_67, %cond3A_68 : i32
    scf.if %cond3A_69 {
      %dma_start3A_926 = arith.constant 0 : i32
      %dma_start3A_927 = tpu.memref_slice %arg3[%dma_start3A_926, %mul3A_2] : memref<16x16384xf32, #tpu.memory_space<hbm>> -> memref<16x512xf32, #tpu.memory_space<hbm>>
      %dma_start3A_928 = arith.constant 0 : i32
      %dma_start3A_929 = tpu.memref_slice %arg3[%dma_start3A_928, %mul3A_2] : memref<16x16384xf32, #tpu.memory_space<hbm>> -> memref<16x512xf32, #tpu.memory_space<hbm>>
      tpu.enqueue_dma source(%dma_start3A_929 : memref<16x512xf32, #tpu.memory_space<hbm>>) target(%arg9 : memref<16x512xf32, #tpu.memory_space<vmem>>) target_semaphore(%arg15 : memref<!tpu.dma_semaphore, #tpu.memory_space<semaphore_mem>>)
    } else {
    }
    %not3A_70 = arith.constant true
    %not3A_71 = arith.xori %reduce_or3A_61, %not3A_70 : i1
    %convert_element_type3A_72 = arith.extui %not3A_71 : i1 to i32
    %cond3A_73 = arith.constant 0 : i32
    %cond3A_74 = arith.cmpi ne, %convert_element_type3A_72, %cond3A_73 : i32
    scf.if %cond3A_74 {
      %dma_start3A_926 = arith.constant 0 : i32
      %dma_start3A_927 = tpu.memref_slice %arg2[%reduce_max3A_33, %dma_start3A_926, %mul3A_2] : memref<64x16x16384xf32, #tpu.memory_space<hbm>> -> memref<1x16x512xf32, #tpu.memory_space<hbm>>
      %dma_start3A_928 = tpu.memref_squeeze %dma_start3A_927 : memref<1x16x512xf32, #tpu.memory_space<hbm>> -> memref<16x512xf32, #tpu.memory_space<hbm>>
      %dma_start3A_929 = arith.constant 0 : i32
      %dma_start3A_930 = tpu.memref_slice %arg2[%reduce_max3A_33, %dma_start3A_929, %mul3A_2] : memref<64x16x16384xf32, #tpu.memory_space<hbm>> -> memref<1x16x512xf32, #tpu.memory_space<hbm>>
      %dma_start3A_931 = tpu.memref_squeeze %dma_start3A_930 : memref<1x16x512xf32, #tpu.memory_space<hbm>> -> memref<16x512xf32, #tpu.memory_space<hbm>>
      tpu.enqueue_dma source(%dma_start3A_931 : memref<16x512xf32, #tpu.memory_space<hbm>>) target(%arg9 : memref<16x512xf32, #tpu.memory_space<vmem>>) target_semaphore(%arg15 : memref<!tpu.dma_semaphore, #tpu.memory_space<semaphore_mem>>)
    } else {
    }
    %eq3A_75 = arith.constant 1 : i32
    %eq3A_76 = vector.broadcast %eq3A_75 : i32 to vector<16xi32>
    %eq3A_77 = arith.cmpi eq, %iota3A, %eq3A_76 : vector<16xi32>
    %eq3A_78 = arith.constant 9 : i32
    %eq3A_79 = vector.broadcast %eq3A_78 : i32 to vector<16xi32>
    %eq3A_80 = arith.cmpi eq, %iota3A, %eq3A_79 : vector<16xi32>
    %jit3A_81 = arith.constant 0 : i32
    %broadcast_in_dim3A_82 = vector.broadcast %jit3A_81 : i32 to vector<16xi32>
    %select_n3A_83 = arith.select %eq3A_77, %bitcast3A, %broadcast_in_dim3A_82 : vector<16xi1>, vector<16xi32>
    %reduce_max3A_84 = arith.constant true
    %reduce_max3A_85 = vector.broadcast %reduce_max3A_84 : i1 to vector<16xi1>
    %reduce_max3A_86 = arith.constant -2147483648 : i32
    %reduce_max3A_87 = vector.broadcast %reduce_max3A_86 : i32 to vector<16xi32>
    %reduce_max3A_88 = arith.xori %select_n3A_83, %reduce_max3A_87 : vector<16xi32>
    %reduce_max3A_89 = tpu.scan <max>, %reduce_max3A_88 masked %reduce_max3A_85 : vector<16xi32>, vector<16xi1> -> vector<16xi32>
    %reduce_max3A_90 = arith.xori %reduce_max3A_89, %reduce_max3A_87 : vector<16xi32>
    %reduce_max3A_91 = vector.extract %reduce_max3A_90[15] : i32 from vector<16xi32>
    %jit3A_92 = arith.constant 0 : i32
    %broadcast_in_dim3A_93 = vector.broadcast %jit3A_92 : i32 to vector<16xi32>
    %select_n3A_94 = arith.select %eq3A_80, %bitcast3A, %broadcast_in_dim3A_93 : vector<16xi1>, vector<16xi32>
    %reduce_max3A_95 = arith.constant true
    %reduce_max3A_96 = vector.broadcast %reduce_max3A_95 : i1 to vector<16xi1>
    %reduce_max3A_97 = arith.constant -2147483648 : i32
    %reduce_max3A_98 = vector.broadcast %reduce_max3A_97 : i32 to vector<16xi32>
    %reduce_max3A_99 = arith.xori %select_n3A_94, %reduce_max3A_98 : vector<16xi32>
    %reduce_max3A_100 = tpu.scan <max>, %reduce_max3A_99 masked %reduce_max3A_96 : vector<16xi32>, vector<16xi1> -> vector<16xi32>
    %reduce_max3A_101 = arith.xori %reduce_max3A_100, %reduce_max3A_98 : vector<16xi32>
    %reduce_max3A_102 = vector.extract %reduce_max3A_101[15] : i32 from vector<16xi32>
    %eq3A_103 = arith.constant 1 : i32
    %eq3A_104 = vector.broadcast %eq3A_103 : i32 to vector<16xi32>
    %eq3A_105 = arith.cmpi eq, %bitcast3A_10, %eq3A_104 : vector<16xi32>
    %and3A_106 = arith.andi %eq3A_77, %eq3A_105 : vector<16xi1>
    %reduce_or3A_107 = arith.constant 1.000000e+00 : f32
    %reduce_or3A_108 = arith.constant 0.000000e+00 : f32
    %reduce_or3A_109 = vector.broadcast %reduce_or3A_107 : f32 to vector<16xf32>
    %reduce_or3A_110 = vector.broadcast %reduce_or3A_108 : f32 to vector<16xf32>
    %reduce_or3A_111 = arith.select %and3A_106, %reduce_or3A_109, %reduce_or3A_110 : vector<16xi1>, vector<16xf32>
    %reduce_or3A_112 = arith.constant true
    %reduce_or3A_113 = vector.broadcast %reduce_or3A_112 : i1 to vector<16xi1>
    %reduce_or3A_114 = tpu.scan <max>, %reduce_or3A_111 masked %reduce_or3A_113 : vector<16xf32>, vector<16xi1> -> vector<16xf32>
    %reduce_or3A_115 = vector.extract %reduce_or3A_114[15] : f32 from vector<16xf32>
    %reduce_or3A_116 = arith.constant 0.000000e+00 : f32
    %reduce_or3A_117 = arith.cmpf ogt, %reduce_or3A_115, %reduce_or3A_116 : f32
    %eq3A_118 = arith.constant 1 : i32
    %eq3A_119 = vector.broadcast %eq3A_118 : i32 to vector<16xi32>
    %eq3A_120 = arith.cmpi eq, %bitcast3A_10, %eq3A_119 : vector<16xi32>
    %and3A_121 = arith.andi %eq3A_80, %eq3A_120 : vector<16xi1>
    %reduce_or3A_122 = arith.constant 1.000000e+00 : f32
    %reduce_or3A_123 = arith.constant 0.000000e+00 : f32
    %reduce_or3A_124 = vector.broadcast %reduce_or3A_122 : f32 to vector<16xf32>
    %reduce_or3A_125 = vector.broadcast %reduce_or3A_123 : f32 to vector<16xf32>
    %reduce_or3A_126 = arith.select %and3A_121, %reduce_or3A_124, %reduce_or3A_125 : vector<16xi1>, vector<16xf32>
    %reduce_or3A_127 = arith.constant true
    %reduce_or3A_128 = vector.broadcast %reduce_or3A_127 : i1 to vector<16xi1>
    %reduce_or3A_129 = tpu.scan <max>, %reduce_or3A_126 masked %reduce_or3A_128 : vector<16xf32>, vector<16xi1> -> vector<16xf32>
    %reduce_or3A_130 = vector.extract %reduce_or3A_129[15] : f32 from vector<16xf32>
    %reduce_or3A_131 = arith.constant 0.000000e+00 : f32
    %reduce_or3A_132 = arith.cmpf ogt, %reduce_or3A_130, %reduce_or3A_131 : f32
    %eq3A_133 = arith.constant 2 : i32
    %eq3A_134 = vector.broadcast %eq3A_133 : i32 to vector<16xi32>
    %eq3A_135 = arith.cmpi eq, %iota3A, %eq3A_134 : vector<16xi32>
    %eq3A_136 = arith.constant 10 : i32
    %eq3A_137 = vector.broadcast %eq3A_136 : i32 to vector<16xi32>
    %eq3A_138 = arith.cmpi eq, %iota3A, %eq3A_137 : vector<16xi32>
    %jit3A_139 = arith.constant 0 : i32
    %broadcast_in_dim3A_140 = vector.broadcast %jit3A_139 : i32 to vector<16xi32>
    %select_n3A_141 = arith.select %eq3A_135, %bitcast3A, %broadcast_in_dim3A_140 : vector<16xi1>, vector<16xi32>
    %reduce_max3A_142 = arith.constant true
    %reduce_max3A_143 = vector.broadcast %reduce_max3A_142 : i1 to vector<16xi1>
    %reduce_max3A_144 = arith.constant -2147483648 : i32
    %reduce_max3A_145 = vector.broadcast %reduce_max3A_144 : i32 to vector<16xi32>
    %reduce_max3A_146 = arith.xori %select_n3A_141, %reduce_max3A_145 : vector<16xi32>
    %reduce_max3A_147 = tpu.scan <max>, %reduce_max3A_146 masked %reduce_max3A_143 : vector<16xi32>, vector<16xi1> -> vector<16xi32>
    %reduce_max3A_148 = arith.xori %reduce_max3A_147, %reduce_max3A_145 : vector<16xi32>
    %reduce_max3A_149 = vector.extract %reduce_max3A_148[15] : i32 from vector<16xi32>
    %jit3A_150 = arith.constant 0 : i32
    %broadcast_in_dim3A_151 = vector.broadcast %jit3A_150 : i32 to vector<16xi32>
    %select_n3A_152 = arith.select %eq3A_138, %bitcast3A, %broadcast_in_dim3A_151 : vector<16xi1>, vector<16xi32>
    %reduce_max3A_153 = arith.constant true
    %reduce_max3A_154 = vector.broadcast %reduce_max3A_153 : i1 to vector<16xi1>
    %reduce_max3A_155 = arith.constant -2147483648 : i32
    %reduce_max3A_156 = vector.broadcast %reduce_max3A_155 : i32 to vector<16xi32>
    %reduce_max3A_157 = arith.xori %select_n3A_152, %reduce_max3A_156 : vector<16xi32>
    %reduce_max3A_158 = tpu.scan <max>, %reduce_max3A_157 masked %reduce_max3A_154 : vector<16xi32>, vector<16xi1> -> vector<16xi32>
    %reduce_max3A_159 = arith.xori %reduce_max3A_158, %reduce_max3A_156 : vector<16xi32>
    %reduce_max3A_160 = vector.extract %reduce_max3A_159[15] : i32 from vector<16xi32>
    %eq3A_161 = arith.constant 1 : i32
    %eq3A_162 = vector.broadcast %eq3A_161 : i32 to vector<16xi32>
    %eq3A_163 = arith.cmpi eq, %bitcast3A_10, %eq3A_162 : vector<16xi32>
    %and3A_164 = arith.andi %eq3A_135, %eq3A_163 : vector<16xi1>
    %reduce_or3A_165 = arith.constant 1.000000e+00 : f32
    %reduce_or3A_166 = arith.constant 0.000000e+00 : f32
    %reduce_or3A_167 = vector.broadcast %reduce_or3A_165 : f32 to vector<16xf32>
    %reduce_or3A_168 = vector.broadcast %reduce_or3A_166 : f32 to vector<16xf32>
    %reduce_or3A_169 = arith.select %and3A_164, %reduce_or3A_167, %reduce_or3A_168 : vector<16xi1>, vector<16xf32>
    %reduce_or3A_170 = arith.constant true
    %reduce_or3A_171 = vector.broadcast %reduce_or3A_170 : i1 to vector<16xi1>
    %reduce_or3A_172 = tpu.scan <max>, %reduce_or3A_169 masked %reduce_or3A_171 : vector<16xf32>, vector<16xi1> -> vector<16xf32>
    %reduce_or3A_173 = vector.extract %reduce_or3A_172[15] : f32 from vector<16xf32>
    %reduce_or3A_174 = arith.constant 0.000000e+00 : f32
    %reduce_or3A_175 = arith.cmpf ogt, %reduce_or3A_173, %reduce_or3A_174 : f32
    %eq3A_176 = arith.constant 1 : i32
    %eq3A_177 = vector.broadcast %eq3A_176 : i32 to vector<16xi32>
    %eq3A_178 = arith.cmpi eq, %bitcast3A_10, %eq3A_177 : vector<16xi32>
    %and3A_179 = arith.andi %eq3A_138, %eq3A_178 : vector<16xi1>
    %reduce_or3A_180 = arith.constant 1.000000e+00 : f32
    %reduce_or3A_181 = arith.constant 0.000000e+00 : f32
    %reduce_or3A_182 = vector.broadcast %reduce_or3A_180 : f32 to vector<16xf32>
    %reduce_or3A_183 = vector.broadcast %reduce_or3A_181 : f32 to vector<16xf32>
    %reduce_or3A_184 = arith.select %and3A_179, %reduce_or3A_182, %reduce_or3A_183 : vector<16xi1>, vector<16xf32>
    %reduce_or3A_185 = arith.constant true
    %reduce_or3A_186 = vector.broadcast %reduce_or3A_185 : i1 to vector<16xi1>
    %reduce_or3A_187 = tpu.scan <max>, %reduce_or3A_184 masked %reduce_or3A_186 : vector<16xf32>, vector<16xi1> -> vector<16xf32>
    %reduce_or3A_188 = vector.extract %reduce_or3A_187[15] : f32 from vector<16xf32>
    %reduce_or3A_189 = arith.constant 0.000000e+00 : f32
    %reduce_or3A_190 = arith.cmpf ogt, %reduce_or3A_188, %reduce_or3A_189 : f32
    %eq3A_191 = arith.constant 3 : i32
    %eq3A_192 = vector.broadcast %eq3A_191 : i32 to vector<16xi32>
    %eq3A_193 = arith.cmpi eq, %iota3A, %eq3A_192 : vector<16xi32>
    %eq3A_194 = arith.constant 11 : i32
    %eq3A_195 = vector.broadcast %eq3A_194 : i32 to vector<16xi32>
    %eq3A_196 = arith.cmpi eq, %iota3A, %eq3A_195 : vector<16xi32>
    %jit3A_197 = arith.constant 0 : i32
    %broadcast_in_dim3A_198 = vector.broadcast %jit3A_197 : i32 to vector<16xi32>
    %select_n3A_199 = arith.select %eq3A_193, %bitcast3A, %broadcast_in_dim3A_198 : vector<16xi1>, vector<16xi32>
    %reduce_max3A_200 = arith.constant true
    %reduce_max3A_201 = vector.broadcast %reduce_max3A_200 : i1 to vector<16xi1>
    %reduce_max3A_202 = arith.constant -2147483648 : i32
    %reduce_max3A_203 = vector.broadcast %reduce_max3A_202 : i32 to vector<16xi32>
    %reduce_max3A_204 = arith.xori %select_n3A_199, %reduce_max3A_203 : vector<16xi32>
    %reduce_max3A_205 = tpu.scan <max>, %reduce_max3A_204 masked %reduce_max3A_201 : vector<16xi32>, vector<16xi1> -> vector<16xi32>
    %reduce_max3A_206 = arith.xori %reduce_max3A_205, %reduce_max3A_203 : vector<16xi32>
    %reduce_max3A_207 = vector.extract %reduce_max3A_206[15] : i32 from vector<16xi32>
    %jit3A_208 = arith.constant 0 : i32
    %broadcast_in_dim3A_209 = vector.broadcast %jit3A_208 : i32 to vector<16xi32>
    %select_n3A_210 = arith.select %eq3A_196, %bitcast3A, %broadcast_in_dim3A_209 : vector<16xi1>, vector<16xi32>
    %reduce_max3A_211 = arith.constant true
    %reduce_max3A_212 = vector.broadcast %reduce_max3A_211 : i1 to vector<16xi1>
    %reduce_max3A_213 = arith.constant -2147483648 : i32
    %reduce_max3A_214 = vector.broadcast %reduce_max3A_213 : i32 to vector<16xi32>
    %reduce_max3A_215 = arith.xori %select_n3A_210, %reduce_max3A_214 : vector<16xi32>
    %reduce_max3A_216 = tpu.scan <max>, %reduce_max3A_215 masked %reduce_max3A_212 : vector<16xi32>, vector<16xi1> -> vector<16xi32>
    %reduce_max3A_217 = arith.xori %reduce_max3A_216, %reduce_max3A_214 : vector<16xi32>
    %reduce_max3A_218 = vector.extract %reduce_max3A_217[15] : i32 from vector<16xi32>
    %eq3A_219 = arith.constant 1 : i32
    %eq3A_220 = vector.broadcast %eq3A_219 : i32 to vector<16xi32>
    %eq3A_221 = arith.cmpi eq, %bitcast3A_10, %eq3A_220 : vector<16xi32>
    %and3A_222 = arith.andi %eq3A_193, %eq3A_221 : vector<16xi1>
    %reduce_or3A_223 = arith.constant 1.000000e+00 : f32
    %reduce_or3A_224 = arith.constant 0.000000e+00 : f32
    %reduce_or3A_225 = vector.broadcast %reduce_or3A_223 : f32 to vector<16xf32>
    %reduce_or3A_226 = vector.broadcast %reduce_or3A_224 : f32 to vector<16xf32>
    %reduce_or3A_227 = arith.select %and3A_222, %reduce_or3A_225, %reduce_or3A_226 : vector<16xi1>, vector<16xf32>
    %reduce_or3A_228 = arith.constant true
    %reduce_or3A_229 = vector.broadcast %reduce_or3A_228 : i1 to vector<16xi1>
    %reduce_or3A_230 = tpu.scan <max>, %reduce_or3A_227 masked %reduce_or3A_229 : vector<16xf32>, vector<16xi1> -> vector<16xf32>
    %reduce_or3A_231 = vector.extract %reduce_or3A_230[15] : f32 from vector<16xf32>
    %reduce_or3A_232 = arith.constant 0.000000e+00 : f32
    %reduce_or3A_233 = arith.cmpf ogt, %reduce_or3A_231, %reduce_or3A_232 : f32
    %eq3A_234 = arith.constant 1 : i32
    %eq3A_235 = vector.broadcast %eq3A_234 : i32 to vector<16xi32>
    %eq3A_236 = arith.cmpi eq, %bitcast3A_10, %eq3A_235 : vector<16xi32>
    %and3A_237 = arith.andi %eq3A_196, %eq3A_236 : vector<16xi1>
    %reduce_or3A_238 = arith.constant 1.000000e+00 : f32
    %reduce_or3A_239 = arith.constant 0.000000e+00 : f32
    %reduce_or3A_240 = vector.broadcast %reduce_or3A_238 : f32 to vector<16xf32>
    %reduce_or3A_241 = vector.broadcast %reduce_or3A_239 : f32 to vector<16xf32>
    %reduce_or3A_242 = arith.select %and3A_237, %reduce_or3A_240, %reduce_or3A_241 : vector<16xi1>, vector<16xf32>
    %reduce_or3A_243 = arith.constant true
    %reduce_or3A_244 = vector.broadcast %reduce_or3A_243 : i1 to vector<16xi1>
    %reduce_or3A_245 = tpu.scan <max>, %reduce_or3A_242 masked %reduce_or3A_244 : vector<16xf32>, vector<16xi1> -> vector<16xf32>
    %reduce_or3A_246 = vector.extract %reduce_or3A_245[15] : f32 from vector<16xf32>
    %reduce_or3A_247 = arith.constant 0.000000e+00 : f32
    %reduce_or3A_248 = arith.cmpf ogt, %reduce_or3A_246, %reduce_or3A_247 : f32
    %eq3A_249 = arith.constant 4 : i32
    %eq3A_250 = vector.broadcast %eq3A_249 : i32 to vector<16xi32>
    %eq3A_251 = arith.cmpi eq, %iota3A, %eq3A_250 : vector<16xi32>
    %eq3A_252 = arith.constant 12 : i32
    %eq3A_253 = vector.broadcast %eq3A_252 : i32 to vector<16xi32>
    %eq3A_254 = arith.cmpi eq, %iota3A, %eq3A_253 : vector<16xi32>
    %jit3A_255 = arith.constant 0 : i32
    %broadcast_in_dim3A_256 = vector.broadcast %jit3A_255 : i32 to vector<16xi32>
    %select_n3A_257 = arith.select %eq3A_251, %bitcast3A, %broadcast_in_dim3A_256 : vector<16xi1>, vector<16xi32>
    %reduce_max3A_258 = arith.constant true
    %reduce_max3A_259 = vector.broadcast %reduce_max3A_258 : i1 to vector<16xi1>
    %reduce_max3A_260 = arith.constant -2147483648 : i32
    %reduce_max3A_261 = vector.broadcast %reduce_max3A_260 : i32 to vector<16xi32>
    %reduce_max3A_262 = arith.xori %select_n3A_257, %reduce_max3A_261 : vector<16xi32>
    %reduce_max3A_263 = tpu.scan <max>, %reduce_max3A_262 masked %reduce_max3A_259 : vector<16xi32>, vector<16xi1> -> vector<16xi32>
    %reduce_max3A_264 = arith.xori %reduce_max3A_263, %reduce_max3A_261 : vector<16xi32>
    %reduce_max3A_265 = vector.extract %reduce_max3A_264[15] : i32 from vector<16xi32>
    %jit3A_266 = arith.constant 0 : i32
    %broadcast_in_dim3A_267 = vector.broadcast %jit3A_266 : i32 to vector<16xi32>
    %select_n3A_268 = arith.select %eq3A_254, %bitcast3A, %broadcast_in_dim3A_267 : vector<16xi1>, vector<16xi32>
    %reduce_max3A_269 = arith.constant true
    %reduce_max3A_270 = vector.broadcast %reduce_max3A_269 : i1 to vector<16xi1>
    %reduce_max3A_271 = arith.constant -2147483648 : i32
    %reduce_max3A_272 = vector.broadcast %reduce_max3A_271 : i32 to vector<16xi32>
    %reduce_max3A_273 = arith.xori %select_n3A_268, %reduce_max3A_272 : vector<16xi32>
    %reduce_max3A_274 = tpu.scan <max>, %reduce_max3A_273 masked %reduce_max3A_270 : vector<16xi32>, vector<16xi1> -> vector<16xi32>
    %reduce_max3A_275 = arith.xori %reduce_max3A_274, %reduce_max3A_272 : vector<16xi32>
    %reduce_max3A_276 = vector.extract %reduce_max3A_275[15] : i32 from vector<16xi32>
    %eq3A_277 = arith.constant 1 : i32
    %eq3A_278 = vector.broadcast %eq3A_277 : i32 to vector<16xi32>
    %eq3A_279 = arith.cmpi eq, %bitcast3A_10, %eq3A_278 : vector<16xi32>
    %and3A_280 = arith.andi %eq3A_251, %eq3A_279 : vector<16xi1>
    %reduce_or3A_281 = arith.constant 1.000000e+00 : f32
    %reduce_or3A_282 = arith.constant 0.000000e+00 : f32
    %reduce_or3A_283 = vector.broadcast %reduce_or3A_281 : f32 to vector<16xf32>
    %reduce_or3A_284 = vector.broadcast %reduce_or3A_282 : f32 to vector<16xf32>
    %reduce_or3A_285 = arith.select %and3A_280, %reduce_or3A_283, %reduce_or3A_284 : vector<16xi1>, vector<16xf32>
    %reduce_or3A_286 = arith.constant true
    %reduce_or3A_287 = vector.broadcast %reduce_or3A_286 : i1 to vector<16xi1>
    %reduce_or3A_288 = tpu.scan <max>, %reduce_or3A_285 masked %reduce_or3A_287 : vector<16xf32>, vector<16xi1> -> vector<16xf32>
    %reduce_or3A_289 = vector.extract %reduce_or3A_288[15] : f32 from vector<16xf32>
    %reduce_or3A_290 = arith.constant 0.000000e+00 : f32
    %reduce_or3A_291 = arith.cmpf ogt, %reduce_or3A_289, %reduce_or3A_290 : f32
    %eq3A_292 = arith.constant 1 : i32
    %eq3A_293 = vector.broadcast %eq3A_292 : i32 to vector<16xi32>
    %eq3A_294 = arith.cmpi eq, %bitcast3A_10, %eq3A_293 : vector<16xi32>
    %and3A_295 = arith.andi %eq3A_254, %eq3A_294 : vector<16xi1>
    %reduce_or3A_296 = arith.constant 1.000000e+00 : f32
    %reduce_or3A_297 = arith.constant 0.000000e+00 : f32
    %reduce_or3A_298 = vector.broadcast %reduce_or3A_296 : f32 to vector<16xf32>
    %reduce_or3A_299 = vector.broadcast %reduce_or3A_297 : f32 to vector<16xf32>
    %reduce_or3A_300 = arith.select %and3A_295, %reduce_or3A_298, %reduce_or3A_299 : vector<16xi1>, vector<16xf32>
    %reduce_or3A_301 = arith.constant true
    %reduce_or3A_302 = vector.broadcast %reduce_or3A_301 : i1 to vector<16xi1>
    %reduce_or3A_303 = tpu.scan <max>, %reduce_or3A_300 masked %reduce_or3A_302 : vector<16xf32>, vector<16xi1> -> vector<16xf32>
    %reduce_or3A_304 = vector.extract %reduce_or3A_303[15] : f32 from vector<16xf32>
    %reduce_or3A_305 = arith.constant 0.000000e+00 : f32
    %reduce_or3A_306 = arith.cmpf ogt, %reduce_or3A_304, %reduce_or3A_305 : f32
    %eq3A_307 = arith.constant 5 : i32
    %eq3A_308 = vector.broadcast %eq3A_307 : i32 to vector<16xi32>
    %eq3A_309 = arith.cmpi eq, %iota3A, %eq3A_308 : vector<16xi32>
    %eq3A_310 = arith.constant 13 : i32
    %eq3A_311 = vector.broadcast %eq3A_310 : i32 to vector<16xi32>
    %eq3A_312 = arith.cmpi eq, %iota3A, %eq3A_311 : vector<16xi32>
    %jit3A_313 = arith.constant 0 : i32
    %broadcast_in_dim3A_314 = vector.broadcast %jit3A_313 : i32 to vector<16xi32>
    %select_n3A_315 = arith.select %eq3A_309, %bitcast3A, %broadcast_in_dim3A_314 : vector<16xi1>, vector<16xi32>
    %reduce_max3A_316 = arith.constant true
    %reduce_max3A_317 = vector.broadcast %reduce_max3A_316 : i1 to vector<16xi1>
    %reduce_max3A_318 = arith.constant -2147483648 : i32
    %reduce_max3A_319 = vector.broadcast %reduce_max3A_318 : i32 to vector<16xi32>
    %reduce_max3A_320 = arith.xori %select_n3A_315, %reduce_max3A_319 : vector<16xi32>
    %reduce_max3A_321 = tpu.scan <max>, %reduce_max3A_320 masked %reduce_max3A_317 : vector<16xi32>, vector<16xi1> -> vector<16xi32>
    %reduce_max3A_322 = arith.xori %reduce_max3A_321, %reduce_max3A_319 : vector<16xi32>
    %reduce_max3A_323 = vector.extract %reduce_max3A_322[15] : i32 from vector<16xi32>
    %jit3A_324 = arith.constant 0 : i32
    %broadcast_in_dim3A_325 = vector.broadcast %jit3A_324 : i32 to vector<16xi32>
    %select_n3A_326 = arith.select %eq3A_312, %bitcast3A, %broadcast_in_dim3A_325 : vector<16xi1>, vector<16xi32>
    %reduce_max3A_327 = arith.constant true
    %reduce_max3A_328 = vector.broadcast %reduce_max3A_327 : i1 to vector<16xi1>
    %reduce_max3A_329 = arith.constant -2147483648 : i32
    %reduce_max3A_330 = vector.broadcast %reduce_max3A_329 : i32 to vector<16xi32>
    %reduce_max3A_331 = arith.xori %select_n3A_326, %reduce_max3A_330 : vector<16xi32>
    %reduce_max3A_332 = tpu.scan <max>, %reduce_max3A_331 masked %reduce_max3A_328 : vector<16xi32>, vector<16xi1> -> vector<16xi32>
    %reduce_max3A_333 = arith.xori %reduce_max3A_332, %reduce_max3A_330 : vector<16xi32>
    %reduce_max3A_334 = vector.extract %reduce_max3A_333[15] : i32 from vector<16xi32>
    %eq3A_335 = arith.constant 1 : i32
    %eq3A_336 = vector.broadcast %eq3A_335 : i32 to vector<16xi32>
    %eq3A_337 = arith.cmpi eq, %bitcast3A_10, %eq3A_336 : vector<16xi32>
    %and3A_338 = arith.andi %eq3A_309, %eq3A_337 : vector<16xi1>
    %reduce_or3A_339 = arith.constant 1.000000e+00 : f32
    %reduce_or3A_340 = arith.constant 0.000000e+00 : f32
    %reduce_or3A_341 = vector.broadcast %reduce_or3A_339 : f32 to vector<16xf32>
    %reduce_or3A_342 = vector.broadcast %reduce_or3A_340 : f32 to vector<16xf32>
    %reduce_or3A_343 = arith.select %and3A_338, %reduce_or3A_341, %reduce_or3A_342 : vector<16xi1>, vector<16xf32>
    %reduce_or3A_344 = arith.constant true
    %reduce_or3A_345 = vector.broadcast %reduce_or3A_344 : i1 to vector<16xi1>
    %reduce_or3A_346 = tpu.scan <max>, %reduce_or3A_343 masked %reduce_or3A_345 : vector<16xf32>, vector<16xi1> -> vector<16xf32>
    %reduce_or3A_347 = vector.extract %reduce_or3A_346[15] : f32 from vector<16xf32>
    %reduce_or3A_348 = arith.constant 0.000000e+00 : f32
    %reduce_or3A_349 = arith.cmpf ogt, %reduce_or3A_347, %reduce_or3A_348 : f32
    %eq3A_350 = arith.constant 1 : i32
    %eq3A_351 = vector.broadcast %eq3A_350 : i32 to vector<16xi32>
    %eq3A_352 = arith.cmpi eq, %bitcast3A_10, %eq3A_351 : vector<16xi32>
    %and3A_353 = arith.andi %eq3A_312, %eq3A_352 : vector<16xi1>
    %reduce_or3A_354 = arith.constant 1.000000e+00 : f32
    %reduce_or3A_355 = arith.constant 0.000000e+00 : f32
    %reduce_or3A_356 = vector.broadcast %reduce_or3A_354 : f32 to vector<16xf32>
    %reduce_or3A_357 = vector.broadcast %reduce_or3A_355 : f32 to vector<16xf32>
    %reduce_or3A_358 = arith.select %and3A_353, %reduce_or3A_356, %reduce_or3A_357 : vector<16xi1>, vector<16xf32>
    %reduce_or3A_359 = arith.constant true
    %reduce_or3A_360 = vector.broadcast %reduce_or3A_359 : i1 to vector<16xi1>
    %reduce_or3A_361 = tpu.scan <max>, %reduce_or3A_358 masked %reduce_or3A_360 : vector<16xf32>, vector<16xi1> -> vector<16xf32>
    %reduce_or3A_362 = vector.extract %reduce_or3A_361[15] : f32 from vector<16xf32>
    %reduce_or3A_363 = arith.constant 0.000000e+00 : f32
    %reduce_or3A_364 = arith.cmpf ogt, %reduce_or3A_362, %reduce_or3A_363 : f32
    %eq3A_365 = arith.constant 6 : i32
    %eq3A_366 = vector.broadcast %eq3A_365 : i32 to vector<16xi32>
    %eq3A_367 = arith.cmpi eq, %iota3A, %eq3A_366 : vector<16xi32>
    %eq3A_368 = arith.constant 14 : i32
    %eq3A_369 = vector.broadcast %eq3A_368 : i32 to vector<16xi32>
    %eq3A_370 = arith.cmpi eq, %iota3A, %eq3A_369 : vector<16xi32>
    %jit3A_371 = arith.constant 0 : i32
    %broadcast_in_dim3A_372 = vector.broadcast %jit3A_371 : i32 to vector<16xi32>
    %select_n3A_373 = arith.select %eq3A_367, %bitcast3A, %broadcast_in_dim3A_372 : vector<16xi1>, vector<16xi32>
    %reduce_max3A_374 = arith.constant true
    %reduce_max3A_375 = vector.broadcast %reduce_max3A_374 : i1 to vector<16xi1>
    %reduce_max3A_376 = arith.constant -2147483648 : i32
    %reduce_max3A_377 = vector.broadcast %reduce_max3A_376 : i32 to vector<16xi32>
    %reduce_max3A_378 = arith.xori %select_n3A_373, %reduce_max3A_377 : vector<16xi32>
    %reduce_max3A_379 = tpu.scan <max>, %reduce_max3A_378 masked %reduce_max3A_375 : vector<16xi32>, vector<16xi1> -> vector<16xi32>
    %reduce_max3A_380 = arith.xori %reduce_max3A_379, %reduce_max3A_377 : vector<16xi32>
    %reduce_max3A_381 = vector.extract %reduce_max3A_380[15] : i32 from vector<16xi32>
    %jit3A_382 = arith.constant 0 : i32
    %broadcast_in_dim3A_383 = vector.broadcast %jit3A_382 : i32 to vector<16xi32>
    %select_n3A_384 = arith.select %eq3A_370, %bitcast3A, %broadcast_in_dim3A_383 : vector<16xi1>, vector<16xi32>
    %reduce_max3A_385 = arith.constant true
    %reduce_max3A_386 = vector.broadcast %reduce_max3A_385 : i1 to vector<16xi1>
    %reduce_max3A_387 = arith.constant -2147483648 : i32
    %reduce_max3A_388 = vector.broadcast %reduce_max3A_387 : i32 to vector<16xi32>
    %reduce_max3A_389 = arith.xori %select_n3A_384, %reduce_max3A_388 : vector<16xi32>
    %reduce_max3A_390 = tpu.scan <max>, %reduce_max3A_389 masked %reduce_max3A_386 : vector<16xi32>, vector<16xi1> -> vector<16xi32>
    %reduce_max3A_391 = arith.xori %reduce_max3A_390, %reduce_max3A_388 : vector<16xi32>
    %reduce_max3A_392 = vector.extract %reduce_max3A_391[15] : i32 from vector<16xi32>
    %eq3A_393 = arith.constant 1 : i32
    %eq3A_394 = vector.broadcast %eq3A_393 : i32 to vector<16xi32>
    %eq3A_395 = arith.cmpi eq, %bitcast3A_10, %eq3A_394 : vector<16xi32>
    %and3A_396 = arith.andi %eq3A_367, %eq3A_395 : vector<16xi1>
    %reduce_or3A_397 = arith.constant 1.000000e+00 : f32
    %reduce_or3A_398 = arith.constant 0.000000e+00 : f32
    %reduce_or3A_399 = vector.broadcast %reduce_or3A_397 : f32 to vector<16xf32>
    %reduce_or3A_400 = vector.broadcast %reduce_or3A_398 : f32 to vector<16xf32>
    %reduce_or3A_401 = arith.select %and3A_396, %reduce_or3A_399, %reduce_or3A_400 : vector<16xi1>, vector<16xf32>
    %reduce_or3A_402 = arith.constant true
    %reduce_or3A_403 = vector.broadcast %reduce_or3A_402 : i1 to vector<16xi1>
    %reduce_or3A_404 = tpu.scan <max>, %reduce_or3A_401 masked %reduce_or3A_403 : vector<16xf32>, vector<16xi1> -> vector<16xf32>
    %reduce_or3A_405 = vector.extract %reduce_or3A_404[15] : f32 from vector<16xf32>
    %reduce_or3A_406 = arith.constant 0.000000e+00 : f32
    %reduce_or3A_407 = arith.cmpf ogt, %reduce_or3A_405, %reduce_or3A_406 : f32
    %eq3A_408 = arith.constant 1 : i32
    %eq3A_409 = vector.broadcast %eq3A_408 : i32 to vector<16xi32>
    %eq3A_410 = arith.cmpi eq, %bitcast3A_10, %eq3A_409 : vector<16xi32>
    %and3A_411 = arith.andi %eq3A_370, %eq3A_410 : vector<16xi1>
    %reduce_or3A_412 = arith.constant 1.000000e+00 : f32
    %reduce_or3A_413 = arith.constant 0.000000e+00 : f32
    %reduce_or3A_414 = vector.broadcast %reduce_or3A_412 : f32 to vector<16xf32>
    %reduce_or3A_415 = vector.broadcast %reduce_or3A_413 : f32 to vector<16xf32>
    %reduce_or3A_416 = arith.select %and3A_411, %reduce_or3A_414, %reduce_or3A_415 : vector<16xi1>, vector<16xf32>
    %reduce_or3A_417 = arith.constant true
    %reduce_or3A_418 = vector.broadcast %reduce_or3A_417 : i1 to vector<16xi1>
    %reduce_or3A_419 = tpu.scan <max>, %reduce_or3A_416 masked %reduce_or3A_418 : vector<16xf32>, vector<16xi1> -> vector<16xf32>
    %reduce_or3A_420 = vector.extract %reduce_or3A_419[15] : f32 from vector<16xf32>
    %reduce_or3A_421 = arith.constant 0.000000e+00 : f32
    %reduce_or3A_422 = arith.cmpf ogt, %reduce_or3A_420, %reduce_or3A_421 : f32
    %eq3A_423 = arith.constant 7 : i32
    %eq3A_424 = vector.broadcast %eq3A_423 : i32 to vector<16xi32>
    %eq3A_425 = arith.cmpi eq, %iota3A, %eq3A_424 : vector<16xi32>
    %eq3A_426 = arith.constant 15 : i32
    %eq3A_427 = vector.broadcast %eq3A_426 : i32 to vector<16xi32>
    %eq3A_428 = arith.cmpi eq, %iota3A, %eq3A_427 : vector<16xi32>
    %jit3A_429 = arith.constant 0 : i32
    %broadcast_in_dim3A_430 = vector.broadcast %jit3A_429 : i32 to vector<16xi32>
    %select_n3A_431 = arith.select %eq3A_425, %bitcast3A, %broadcast_in_dim3A_430 : vector<16xi1>, vector<16xi32>
    %reduce_max3A_432 = arith.constant true
    %reduce_max3A_433 = vector.broadcast %reduce_max3A_432 : i1 to vector<16xi1>
    %reduce_max3A_434 = arith.constant -2147483648 : i32
    %reduce_max3A_435 = vector.broadcast %reduce_max3A_434 : i32 to vector<16xi32>
    %reduce_max3A_436 = arith.xori %select_n3A_431, %reduce_max3A_435 : vector<16xi32>
    %reduce_max3A_437 = tpu.scan <max>, %reduce_max3A_436 masked %reduce_max3A_433 : vector<16xi32>, vector<16xi1> -> vector<16xi32>
    %reduce_max3A_438 = arith.xori %reduce_max3A_437, %reduce_max3A_435 : vector<16xi32>
    %reduce_max3A_439 = vector.extract %reduce_max3A_438[15] : i32 from vector<16xi32>
    %jit3A_440 = arith.constant 0 : i32
    %broadcast_in_dim3A_441 = vector.broadcast %jit3A_440 : i32 to vector<16xi32>
    %select_n3A_442 = arith.select %eq3A_428, %bitcast3A, %broadcast_in_dim3A_441 : vector<16xi1>, vector<16xi32>
    %reduce_max3A_443 = arith.constant true
    %reduce_max3A_444 = vector.broadcast %reduce_max3A_443 : i1 to vector<16xi1>
    %reduce_max3A_445 = arith.constant -2147483648 : i32
    %reduce_max3A_446 = vector.broadcast %reduce_max3A_445 : i32 to vector<16xi32>
    %reduce_max3A_447 = arith.xori %select_n3A_442, %reduce_max3A_446 : vector<16xi32>
    %reduce_max3A_448 = tpu.scan <max>, %reduce_max3A_447 masked %reduce_max3A_444 : vector<16xi32>, vector<16xi1> -> vector<16xi32>
    %reduce_max3A_449 = arith.xori %reduce_max3A_448, %reduce_max3A_446 : vector<16xi32>
    %reduce_max3A_450 = vector.extract %reduce_max3A_449[15] : i32 from vector<16xi32>
    %eq3A_451 = arith.constant 1 : i32
    %eq3A_452 = vector.broadcast %eq3A_451 : i32 to vector<16xi32>
    %eq3A_453 = arith.cmpi eq, %bitcast3A_10, %eq3A_452 : vector<16xi32>
    %and3A_454 = arith.andi %eq3A_425, %eq3A_453 : vector<16xi1>
    %reduce_or3A_455 = arith.constant 1.000000e+00 : f32
    %reduce_or3A_456 = arith.constant 0.000000e+00 : f32
    %reduce_or3A_457 = vector.broadcast %reduce_or3A_455 : f32 to vector<16xf32>
    %reduce_or3A_458 = vector.broadcast %reduce_or3A_456 : f32 to vector<16xf32>
    %reduce_or3A_459 = arith.select %and3A_454, %reduce_or3A_457, %reduce_or3A_458 : vector<16xi1>, vector<16xf32>
    %reduce_or3A_460 = arith.constant true
    %reduce_or3A_461 = vector.broadcast %reduce_or3A_460 : i1 to vector<16xi1>
    %reduce_or3A_462 = tpu.scan <max>, %reduce_or3A_459 masked %reduce_or3A_461 : vector<16xf32>, vector<16xi1> -> vector<16xf32>
    %reduce_or3A_463 = vector.extract %reduce_or3A_462[15] : f32 from vector<16xf32>
    %reduce_or3A_464 = arith.constant 0.000000e+00 : f32
    %reduce_or3A_465 = arith.cmpf ogt, %reduce_or3A_463, %reduce_or3A_464 : f32
    %eq3A_466 = arith.constant 1 : i32
    %eq3A_467 = vector.broadcast %eq3A_466 : i32 to vector<16xi32>
    %eq3A_468 = arith.cmpi eq, %bitcast3A_10, %eq3A_467 : vector<16xi32>
    %and3A_469 = arith.andi %eq3A_428, %eq3A_468 : vector<16xi1>
    %reduce_or3A_470 = arith.constant 1.000000e+00 : f32
    %reduce_or3A_471 = arith.constant 0.000000e+00 : f32
    %reduce_or3A_472 = vector.broadcast %reduce_or3A_470 : f32 to vector<16xf32>
    %reduce_or3A_473 = vector.broadcast %reduce_or3A_471 : f32 to vector<16xf32>
    %reduce_or3A_474 = arith.select %and3A_469, %reduce_or3A_472, %reduce_or3A_473 : vector<16xi1>, vector<16xf32>
    %reduce_or3A_475 = arith.constant true
    %reduce_or3A_476 = vector.broadcast %reduce_or3A_475 : i1 to vector<16xi1>
    %reduce_or3A_477 = tpu.scan <max>, %reduce_or3A_474 masked %reduce_or3A_476 : vector<16xf32>, vector<16xi1> -> vector<16xf32>
    %reduce_or3A_478 = vector.extract %reduce_or3A_477[15] : f32 from vector<16xf32>
    %reduce_or3A_479 = arith.constant 0.000000e+00 : f32
    %reduce_or3A_480 = arith.cmpf ogt, %reduce_or3A_478, %reduce_or3A_479 : f32
    %convert_element_type3A_481 = arith.extui %reduce_or3A_117 : i1 to i32
    %cond3A_482 = arith.constant 0 : i32
    %cond3A_483 = arith.cmpi ne, %convert_element_type3A_481, %cond3A_482 : i32
    scf.if %cond3A_483 {
      %dma_start3A_926 = arith.constant 0 : i32
      %dma_start3A_927 = tpu.memref_slice %arg3[%dma_start3A_926, %mul3A_2] : memref<16x16384xf32, #tpu.memory_space<hbm>> -> memref<16x512xf32, #tpu.memory_space<hbm>>
      %dma_start3A_928 = arith.constant 0 : i32
      %dma_start3A_929 = tpu.memref_slice %arg3[%dma_start3A_928, %mul3A_2] : memref<16x16384xf32, #tpu.memory_space<hbm>> -> memref<16x512xf32, #tpu.memory_space<hbm>>
      tpu.enqueue_dma source(%dma_start3A_929 : memref<16x512xf32, #tpu.memory_space<hbm>>) target(%arg8 : memref<16x512xf32, #tpu.memory_space<vmem>>) target_semaphore(%arg14 : memref<!tpu.dma_semaphore, #tpu.memory_space<semaphore_mem>>)
    } else {
    }
    %not3A_484 = arith.constant true
    %not3A_485 = arith.xori %reduce_or3A_117, %not3A_484 : i1
    %convert_element_type3A_486 = arith.extui %not3A_485 : i1 to i32
    %cond3A_487 = arith.constant 0 : i32
    %cond3A_488 = arith.cmpi ne, %convert_element_type3A_486, %cond3A_487 : i32
    scf.if %cond3A_488 {
      %dma_start3A_926 = arith.constant 0 : i32
      %dma_start3A_927 = tpu.memref_slice %arg2[%reduce_max3A_91, %dma_start3A_926, %mul3A_2] : memref<64x16x16384xf32, #tpu.memory_space<hbm>> -> memref<1x16x512xf32, #tpu.memory_space<hbm>>
      %dma_start3A_928 = tpu.memref_squeeze %dma_start3A_927 : memref<1x16x512xf32, #tpu.memory_space<hbm>> -> memref<16x512xf32, #tpu.memory_space<hbm>>
      %dma_start3A_929 = arith.constant 0 : i32
      %dma_start3A_930 = tpu.memref_slice %arg2[%reduce_max3A_91, %dma_start3A_929, %mul3A_2] : memref<64x16x16384xf32, #tpu.memory_space<hbm>> -> memref<1x16x512xf32, #tpu.memory_space<hbm>>
      %dma_start3A_931 = tpu.memref_squeeze %dma_start3A_930 : memref<1x16x512xf32, #tpu.memory_space<hbm>> -> memref<16x512xf32, #tpu.memory_space<hbm>>
      tpu.enqueue_dma source(%dma_start3A_931 : memref<16x512xf32, #tpu.memory_space<hbm>>) target(%arg8 : memref<16x512xf32, #tpu.memory_space<vmem>>) target_semaphore(%arg14 : memref<!tpu.dma_semaphore, #tpu.memory_space<semaphore_mem>>)
    } else {
    }
    %convert_element_type3A_489 = arith.extui %reduce_or3A_132 : i1 to i32
    %cond3A_490 = arith.constant 0 : i32
    %cond3A_491 = arith.cmpi ne, %convert_element_type3A_489, %cond3A_490 : i32
    scf.if %cond3A_491 {
      %dma_start3A_926 = arith.constant 0 : i32
      %dma_start3A_927 = tpu.memref_slice %arg3[%dma_start3A_926, %mul3A_2] : memref<16x16384xf32, #tpu.memory_space<hbm>> -> memref<16x512xf32, #tpu.memory_space<hbm>>
      %dma_start3A_928 = arith.constant 0 : i32
      %dma_start3A_929 = tpu.memref_slice %arg3[%dma_start3A_928, %mul3A_2] : memref<16x16384xf32, #tpu.memory_space<hbm>> -> memref<16x512xf32, #tpu.memory_space<hbm>>
      tpu.enqueue_dma source(%dma_start3A_929 : memref<16x512xf32, #tpu.memory_space<hbm>>) target(%arg10 : memref<16x512xf32, #tpu.memory_space<vmem>>) target_semaphore(%arg16 : memref<!tpu.dma_semaphore, #tpu.memory_space<semaphore_mem>>)
    } else {
    }
    %not3A_492 = arith.constant true
    %not3A_493 = arith.xori %reduce_or3A_132, %not3A_492 : i1
    %convert_element_type3A_494 = arith.extui %not3A_493 : i1 to i32
    %cond3A_495 = arith.constant 0 : i32
    %cond3A_496 = arith.cmpi ne, %convert_element_type3A_494, %cond3A_495 : i32
    scf.if %cond3A_496 {
      %dma_start3A_926 = arith.constant 0 : i32
      %dma_start3A_927 = tpu.memref_slice %arg2[%reduce_max3A_102, %dma_start3A_926, %mul3A_2] : memref<64x16x16384xf32, #tpu.memory_space<hbm>> -> memref<1x16x512xf32, #tpu.memory_space<hbm>>
      %dma_start3A_928 = tpu.memref_squeeze %dma_start3A_927 : memref<1x16x512xf32, #tpu.memory_space<hbm>> -> memref<16x512xf32, #tpu.memory_space<hbm>>
      %dma_start3A_929 = arith.constant 0 : i32
      %dma_start3A_930 = tpu.memref_slice %arg2[%reduce_max3A_102, %dma_start3A_929, %mul3A_2] : memref<64x16x16384xf32, #tpu.memory_space<hbm>> -> memref<1x16x512xf32, #tpu.memory_space<hbm>>
      %dma_start3A_931 = tpu.memref_squeeze %dma_start3A_930 : memref<1x16x512xf32, #tpu.memory_space<hbm>> -> memref<16x512xf32, #tpu.memory_space<hbm>>
      tpu.enqueue_dma source(%dma_start3A_931 : memref<16x512xf32, #tpu.memory_space<hbm>>) target(%arg10 : memref<16x512xf32, #tpu.memory_space<vmem>>) target_semaphore(%arg16 : memref<!tpu.dma_semaphore, #tpu.memory_space<semaphore_mem>>)
    } else {
    }
    %dma_wait3A = arith.constant 0 : i32
    %dma_wait3A_497 = arith.constant 0 : i32
    %dma_wait3A_498 = tpu.memref_slice %arg2[%dma_wait3A, %dma_wait3A_497, %mul3A_2] : memref<64x16x16384xf32, #tpu.memory_space<hbm>> -> memref<1x16x512xf32, #tpu.memory_space<hbm>>
    %dma_wait3A_499 = tpu.memref_squeeze %dma_wait3A_498 : memref<1x16x512xf32, #tpu.memory_space<hbm>> -> memref<16x512xf32, #tpu.memory_space<hbm>>
    %dma_wait3A_500 = arith.constant 0 : i32
    %dma_wait3A_501 = tpu.memref_slice %arg2[%dma_wait3A, %dma_wait3A_500, %mul3A_2] : memref<64x16x16384xf32, #tpu.memory_space<hbm>> -> memref<1x16x512xf32, #tpu.memory_space<hbm>>
    %dma_wait3A_502 = tpu.memref_squeeze %dma_wait3A_501 : memref<1x16x512xf32, #tpu.memory_space<hbm>> -> memref<16x512xf32, #tpu.memory_space<hbm>>
    tpu.wait_dma2 semaphore(%arg13 : memref<!tpu.dma_semaphore, #tpu.memory_space<semaphore_mem>>) src(%dma_wait3A_502 : memref<16x512xf32, #tpu.memory_space<hbm>>) dst(%arg7 : memref<16x512xf32, #tpu.memory_space<vmem>>)
    %dma_wait3A_503 = arith.constant 0 : i32
    %dma_wait3A_504 = arith.constant 0 : i32
    %dma_wait3A_505 = tpu.memref_slice %arg2[%dma_wait3A_503, %dma_wait3A_504, %mul3A_2] : memref<64x16x16384xf32, #tpu.memory_space<hbm>> -> memref<1x16x512xf32, #tpu.memory_space<hbm>>
    %dma_wait3A_506 = tpu.memref_squeeze %dma_wait3A_505 : memref<1x16x512xf32, #tpu.memory_space<hbm>> -> memref<16x512xf32, #tpu.memory_space<hbm>>
    %dma_wait3A_507 = arith.constant 0 : i32
    %dma_wait3A_508 = tpu.memref_slice %arg2[%dma_wait3A_503, %dma_wait3A_507, %mul3A_2] : memref<64x16x16384xf32, #tpu.memory_space<hbm>> -> memref<1x16x512xf32, #tpu.memory_space<hbm>>
    %dma_wait3A_509 = tpu.memref_squeeze %dma_wait3A_508 : memref<1x16x512xf32, #tpu.memory_space<hbm>> -> memref<16x512xf32, #tpu.memory_space<hbm>>
    tpu.wait_dma2 semaphore(%arg15 : memref<!tpu.dma_semaphore, #tpu.memory_space<semaphore_mem>>) src(%dma_wait3A_509 : memref<16x512xf32, #tpu.memory_space<hbm>>) dst(%arg9 : memref<16x512xf32, #tpu.memory_space<vmem>>)
    %get3A_510 = arith.constant 0 : i32
    %get3A_511 = arith.index_cast %get3A_510 : i32 to index
    %get3A_512 = arith.constant 0 : index
    %get3A_513 = tpu.vector_load %arg6[%get3A_511, %get3A_512] {strides = array<i32>} : memref<8x128xf32, #tpu.memory_space<vmem>>, vector<16xf32>,
    %get3A_514 = arith.constant 1 : i32
    %get3A_515 = arith.index_cast %get3A_514 : i32 to index
    %get3A_516 = arith.constant 0 : index
    %get3A_517 = tpu.vector_load %arg6[%get3A_515, %get3A_516] {strides = array<i32>} : memref<8x128xf32, #tpu.memory_space<vmem>>, vector<16xf32>,
    %scan3A = arith.constant 0 : i32
    %scan3A_518 = arith.constant 0 : i32
    %scan3A_519 = arith.constant 32 : i32
    %scan3A_520 = arith.addi %scan3A_518, %scan3A_519 : i32
    %scan3A_521 = arith.constant 1 : i32
    scf.for %scan3A_926 = %scan3A_518 to %scan3A_520 step %scan3A_521  : i32 {
      %mul3A_927 = arith.constant 16 : i32
      %mul3A_928 = arith.muli %scan3A_926, %mul3A_927 : i32
      %get3A_929 = arith.constant 0 : i32
      %get3A_930 = arith.index_cast %get3A_929 : i32 to index
      %get3A_931 = arith.index_cast %mul3A_928 : i32 to index
      %get3A_932 = tpu.vector_load %arg7[%get3A_930, %get3A_931] {strides = array<i32>} : memref<16x512xf32, #tpu.memory_space<vmem>>, vector<16xf32>,
      %get3A_933 = arith.constant 0 : i32
      %get3A_934 = arith.index_cast %get3A_933 : i32 to index
      %get3A_935 = arith.index_cast %mul3A_928 : i32 to index
      %get3A_936 = tpu.vector_load %arg9[%get3A_934, %get3A_935] {strides = array<i32>} : memref<16x512xf32, #tpu.memory_space<vmem>>, vector<16xf32>,
      %mul3A_937 = arith.mulf %get3A_513, %get3A_932 : vector<16xf32>
      %mul3A_938 = arith.mulf %get3A_517, %get3A_936 : vector<16xf32>
      %add3A_939 = arith.addf %mul3A_937, %mul3A_938 : vector<16xf32>
      %swap3A = arith.constant 0 : i32
      %swap3A_940 = arith.index_cast %swap3A : i32 to index
      %swap3A_941 = arith.index_cast %mul3A_928 : i32 to index
      %swap3A_942 = tpu.vector_load %arg11[%swap3A_940, %swap3A_941] {strides = array<i32>} : memref<16x512xf32, #tpu.memory_space<vmem>>, vector<16xf32>,
      tpu.vector_store %arg11[%swap3A_940, %swap3A_941], %add3A_939 {strides = array<i32>} : memref<16x512xf32, #tpu.memory_space<vmem>>, vector<16xf32>,
      %get3A_943 = arith.constant 1 : i32
      %get3A_944 = arith.index_cast %get3A_943 : i32 to index
      %get3A_945 = arith.index_cast %mul3A_928 : i32 to index
      %get3A_946 = tpu.vector_load %arg7[%get3A_944, %get3A_945] {strides = array<i32>} : memref<16x512xf32, #tpu.memory_space<vmem>>, vector<16xf32>,
      %get3A_947 = arith.constant 1 : i32
      %get3A_948 = arith.index_cast %get3A_947 : i32 to index
      %get3A_949 = arith.index_cast %mul3A_928 : i32 to index
      %get3A_950 = tpu.vector_load %arg9[%get3A_948, %get3A_949] {strides = array<i32>} : memref<16x512xf32, #tpu.memory_space<vmem>>, vector<16xf32>,
      %mul3A_951 = arith.mulf %get3A_513, %get3A_946 : vector<16xf32>
      %mul3A_952 = arith.mulf %get3A_517, %get3A_950 : vector<16xf32>
      %add3A_953 = arith.addf %mul3A_951, %mul3A_952 : vector<16xf32>
      %swap3A_954 = arith.constant 1 : i32
      %swap3A_955 = arith.index_cast %swap3A_954 : i32 to index
      %swap3A_956 = arith.index_cast %mul3A_928 : i32 to index
      %swap3A_957 = tpu.vector_load %arg11[%swap3A_955, %swap3A_956] {strides = array<i32>} : memref<16x512xf32, #tpu.memory_space<vmem>>, vector<16xf32>,
      tpu.vector_store %arg11[%swap3A_955, %swap3A_956], %add3A_953 {strides = array<i32>} : memref<16x512xf32, #tpu.memory_space<vmem>>, vector<16xf32>,
      %get3A_958 = arith.constant 2 : i32
      %get3A_959 = arith.index_cast %get3A_958 : i32 to index
      %get3A_960 = arith.index_cast %mul3A_928 : i32 to index
      %get3A_961 = tpu.vector_load %arg7[%get3A_959, %get3A_960] {strides = array<i32>} : memref<16x512xf32, #tpu.memory_space<vmem>>, vector<16xf32>,
      %get3A_962 = arith.constant 2 : i32
      %get3A_963 = arith.index_cast %get3A_962 : i32 to index
      %get3A_964 = arith.index_cast %mul3A_928 : i32 to index
      %get3A_965 = tpu.vector_load %arg9[%get3A_963, %get3A_964] {strides = array<i32>} : memref<16x512xf32, #tpu.memory_space<vmem>>, vector<16xf32>,
      %mul3A_966 = arith.mulf %get3A_513, %get3A_961 : vector<16xf32>
      %mul3A_967 = arith.mulf %get3A_517, %get3A_965 : vector<16xf32>
      %add3A_968 = arith.addf %mul3A_966, %mul3A_967 : vector<16xf32>
      %swap3A_969 = arith.constant 2 : i32
      %swap3A_970 = arith.index_cast %swap3A_969 : i32 to index
      %swap3A_971 = arith.index_cast %mul3A_928 : i32 to index
      %swap3A_972 = tpu.vector_load %arg11[%swap3A_970, %swap3A_971] {strides = array<i32>} : memref<16x512xf32, #tpu.memory_space<vmem>>, vector<16xf32>,
      tpu.vector_store %arg11[%swap3A_970, %swap3A_971], %add3A_968 {strides = array<i32>} : memref<16x512xf32, #tpu.memory_space<vmem>>, vector<16xf32>,
      %get3A_973 = arith.constant 3 : i32
      %get3A_974 = arith.index_cast %get3A_973 : i32 to index
      %get3A_975 = arith.index_cast %mul3A_928 : i32 to index
      %get3A_976 = tpu.vector_load %arg7[%get3A_974, %get3A_975] {strides = array<i32>} : memref<16x512xf32, #tpu.memory_space<vmem>>, vector<16xf32>,
      %get3A_977 = arith.constant 3 : i32
      %get3A_978 = arith.index_cast %get3A_977 : i32 to index
      %get3A_979 = arith.index_cast %mul3A_928 : i32 to index
      %get3A_980 = tpu.vector_load %arg9[%get3A_978, %get3A_979] {strides = array<i32>} : memref<16x512xf32, #tpu.memory_space<vmem>>, vector<16xf32>,
      %mul3A_981 = arith.mulf %get3A_513, %get3A_976 : vector<16xf32>
      %mul3A_982 = arith.mulf %get3A_517, %get3A_980 : vector<16xf32>
      %add3A_983 = arith.addf %mul3A_981, %mul3A_982 : vector<16xf32>
      %swap3A_984 = arith.constant 3 : i32
      %swap3A_985 = arith.index_cast %swap3A_984 : i32 to index
      %swap3A_986 = arith.index_cast %mul3A_928 : i32 to index
      %swap3A_987 = tpu.vector_load %arg11[%swap3A_985, %swap3A_986] {strides = array<i32>} : memref<16x512xf32, #tpu.memory_space<vmem>>, vector<16xf32>,
      tpu.vector_store %arg11[%swap3A_985, %swap3A_986], %add3A_983 {strides = array<i32>} : memref<16x512xf32, #tpu.memory_space<vmem>>, vector<16xf32>,
      %get3A_988 = arith.constant 4 : i32
      %get3A_989 = arith.index_cast %get3A_988 : i32 to index
      %get3A_990 = arith.index_cast %mul3A_928 : i32 to index
      %get3A_991 = tpu.vector_load %arg7[%get3A_989, %get3A_990] {strides = array<i32>} : memref<16x512xf32, #tpu.memory_space<vmem>>, vector<16xf32>,
      %get3A_992 = arith.constant 4 : i32
      %get3A_993 = arith.index_cast %get3A_992 : i32 to index
      %get3A_994 = arith.index_cast %mul3A_928 : i32 to index
      %get3A_995 = tpu.vector_load %arg9[%get3A_993, %get3A_994] {strides = array<i32>} : memref<16x512xf32, #tpu.memory_space<vmem>>, vector<16xf32>,
      %mul3A_996 = arith.mulf %get3A_513, %get3A_991 : vector<16xf32>
      %mul3A_997 = arith.mulf %get3A_517, %get3A_995 : vector<16xf32>
      %add3A_998 = arith.addf %mul3A_996, %mul3A_997 : vector<16xf32>
      %swap3A_999 = arith.constant 4 : i32
      %swap3A_1000 = arith.index_cast %swap3A_999 : i32 to index
      %swap3A_1001 = arith.index_cast %mul3A_928 : i32 to index
      %swap3A_1002 = tpu.vector_load %arg11[%swap3A_1000, %swap3A_1001] {strides = array<i32>} : memref<16x512xf32, #tpu.memory_space<vmem>>, vector<16xf32>,
      tpu.vector_store %arg11[%swap3A_1000, %swap3A_1001], %add3A_998 {strides = array<i32>} : memref<16x512xf32, #tpu.memory_space<vmem>>, vector<16xf32>,
      %get3A_1003 = arith.constant 5 : i32
      %get3A_1004 = arith.index_cast %get3A_1003 : i32 to index
      %get3A_1005 = arith.index_cast %mul3A_928 : i32 to index
      %get3A_1006 = tpu.vector_load %arg7[%get3A_1004, %get3A_1005] {strides = array<i32>} : memref<16x512xf32, #tpu.memory_space<vmem>>, vector<16xf32>,
      %get3A_1007 = arith.constant 5 : i32
      %get3A_1008 = arith.index_cast %get3A_1007 : i32 to index
      %get3A_1009 = arith.index_cast %mul3A_928 : i32 to index
      %get3A_1010 = tpu.vector_load %arg9[%get3A_1008, %get3A_1009] {strides = array<i32>} : memref<16x512xf32, #tpu.memory_space<vmem>>, vector<16xf32>,
      %mul3A_1011 = arith.mulf %get3A_513, %get3A_1006 : vector<16xf32>
      %mul3A_1012 = arith.mulf %get3A_517, %get3A_1010 : vector<16xf32>
      %add3A_1013 = arith.addf %mul3A_1011, %mul3A_1012 : vector<16xf32>
      %swap3A_1014 = arith.constant 5 : i32
      %swap3A_1015 = arith.index_cast %swap3A_1014 : i32 to index
      %swap3A_1016 = arith.index_cast %mul3A_928 : i32 to index
      %swap3A_1017 = tpu.vector_load %arg11[%swap3A_1015, %swap3A_1016] {strides = array<i32>} : memref<16x512xf32, #tpu.memory_space<vmem>>, vector<16xf32>,
      tpu.vector_store %arg11[%swap3A_1015, %swap3A_1016], %add3A_1013 {strides = array<i32>} : memref<16x512xf32, #tpu.memory_space<vmem>>, vector<16xf32>,
      %get3A_1018 = arith.constant 6 : i32
      %get3A_1019 = arith.index_cast %get3A_1018 : i32 to index
      %get3A_1020 = arith.index_cast %mul3A_928 : i32 to index
      %get3A_1021 = tpu.vector_load %arg7[%get3A_1019, %get3A_1020] {strides = array<i32>} : memref<16x512xf32, #tpu.memory_space<vmem>>, vector<16xf32>,
      %get3A_1022 = arith.constant 6 : i32
      %get3A_1023 = arith.index_cast %get3A_1022 : i32 to index
      %get3A_1024 = arith.index_cast %mul3A_928 : i32 to index
      %get3A_1025 = tpu.vector_load %arg9[%get3A_1023, %get3A_1024] {strides = array<i32>} : memref<16x512xf32, #tpu.memory_space<vmem>>, vector<16xf32>,
      %mul3A_1026 = arith.mulf %get3A_513, %get3A_1021 : vector<16xf32>
      %mul3A_1027 = arith.mulf %get3A_517, %get3A_1025 : vector<16xf32>
      %add3A_1028 = arith.addf %mul3A_1026, %mul3A_1027 : vector<16xf32>
      %swap3A_1029 = arith.constant 6 : i32
      %swap3A_1030 = arith.index_cast %swap3A_1029 : i32 to index
      %swap3A_1031 = arith.index_cast %mul3A_928 : i32 to index
      %swap3A_1032 = tpu.vector_load %arg11[%swap3A_1030, %swap3A_1031] {strides = array<i32>} : memref<16x512xf32, #tpu.memory_space<vmem>>, vector<16xf32>,
      tpu.vector_store %arg11[%swap3A_1030, %swap3A_1031], %add3A_1028 {strides = array<i32>} : memref<16x512xf32, #tpu.memory_space<vmem>>, vector<16xf32>,
      %get3A_1033 = arith.constant 7 : i32
      %get3A_1034 = arith.index_cast %get3A_1033 : i32 to index
      %get3A_1035 = arith.index_cast %mul3A_928 : i32 to index
      %get3A_1036 = tpu.vector_load %arg7[%get3A_1034, %get3A_1035] {strides = array<i32>} : memref<16x512xf32, #tpu.memory_space<vmem>>, vector<16xf32>,
      %get3A_1037 = arith.constant 7 : i32
      %get3A_1038 = arith.index_cast %get3A_1037 : i32 to index
      %get3A_1039 = arith.index_cast %mul3A_928 : i32 to index
      %get3A_1040 = tpu.vector_load %arg9[%get3A_1038, %get3A_1039] {strides = array<i32>} : memref<16x512xf32, #tpu.memory_space<vmem>>, vector<16xf32>,
      %mul3A_1041 = arith.mulf %get3A_513, %get3A_1036 : vector<16xf32>
      %mul3A_1042 = arith.mulf %get3A_517, %get3A_1040 : vector<16xf32>
      %add3A_1043 = arith.addf %mul3A_1041, %mul3A_1042 : vector<16xf32>
      %swap3A_1044 = arith.constant 7 : i32
      %swap3A_1045 = arith.index_cast %swap3A_1044 : i32 to index
      %swap3A_1046 = arith.index_cast %mul3A_928 : i32 to index
      %swap3A_1047 = tpu.vector_load %arg11[%swap3A_1045, %swap3A_1046] {strides = array<i32>} : memref<16x512xf32, #tpu.memory_space<vmem>>, vector<16xf32>,
      tpu.vector_store %arg11[%swap3A_1045, %swap3A_1046], %add3A_1043 {strides = array<i32>} : memref<16x512xf32, #tpu.memory_space<vmem>>, vector<16xf32>,
      %get3A_1048 = arith.constant 8 : i32
      %get3A_1049 = arith.index_cast %get3A_1048 : i32 to index
      %get3A_1050 = arith.index_cast %mul3A_928 : i32 to index
      %get3A_1051 = tpu.vector_load %arg7[%get3A_1049, %get3A_1050] {strides = array<i32>} : memref<16x512xf32, #tpu.memory_space<vmem>>, vector<16xf32>,
      %get3A_1052 = arith.constant 8 : i32
      %get3A_1053 = arith.index_cast %get3A_1052 : i32 to index
      %get3A_1054 = arith.index_cast %mul3A_928 : i32 to index
      %get3A_1055 = tpu.vector_load %arg9[%get3A_1053, %get3A_1054] {strides = array<i32>} : memref<16x512xf32, #tpu.memory_space<vmem>>, vector<16xf32>,
      %mul3A_1056 = arith.mulf %get3A_513, %get3A_1051 : vector<16xf32>
      %mul3A_1057 = arith.mulf %get3A_517, %get3A_1055 : vector<16xf32>
      %add3A_1058 = arith.addf %mul3A_1056, %mul3A_1057 : vector<16xf32>
      %swap3A_1059 = arith.constant 8 : i32
      %swap3A_1060 = arith.index_cast %swap3A_1059 : i32 to index
      %swap3A_1061 = arith.index_cast %mul3A_928 : i32 to index
      %swap3A_1062 = tpu.vector_load %arg11[%swap3A_1060, %swap3A_1061] {strides = array<i32>} : memref<16x512xf32, #tpu.memory_space<vmem>>, vector<16xf32>,
      tpu.vector_store %arg11[%swap3A_1060, %swap3A_1061], %add3A_1058 {strides = array<i32>} : memref<16x512xf32, #tpu.memory_space<vmem>>, vector<16xf32>,
      %get3A_1063 = arith.constant 9 : i32
      %get3A_1064 = arith.index_cast %get3A_1063 : i32 to index
      %get3A_1065 = arith.index_cast %mul3A_928 : i32 to index
      %get3A_1066 = tpu.vector_load %arg7[%get3A_1064, %get3A_1065] {strides = array<i32>} : memref<16x512xf32, #tpu.memory_space<vmem>>, vector<16xf32>,
      %get3A_1067 = arith.constant 9 : i32
      %get3A_1068 = arith.index_cast %get3A_1067 : i32 to index
      %get3A_1069 = arith.index_cast %mul3A_928 : i32 to index
      %get3A_1070 = tpu.vector_load %arg9[%get3A_1068, %get3A_1069] {strides = array<i32>} : memref<16x512xf32, #tpu.memory_space<vmem>>, vector<16xf32>,
      %mul3A_1071 = arith.mulf %get3A_513, %get3A_1066 : vector<16xf32>
      %mul3A_1072 = arith.mulf %get3A_517, %get3A_1070 : vector<16xf32>
      %add3A_1073 = arith.addf %mul3A_1071, %mul3A_1072 : vector<16xf32>
      %swap3A_1074 = arith.constant 9 : i32
      %swap3A_1075 = arith.index_cast %swap3A_1074 : i32 to index
      %swap3A_1076 = arith.index_cast %mul3A_928 : i32 to index
      %swap3A_1077 = tpu.vector_load %arg11[%swap3A_1075, %swap3A_1076] {strides = array<i32>} : memref<16x512xf32, #tpu.memory_space<vmem>>, vector<16xf32>,
      tpu.vector_store %arg11[%swap3A_1075, %swap3A_1076], %add3A_1073 {strides = array<i32>} : memref<16x512xf32, #tpu.memory_space<vmem>>, vector<16xf32>,
      %get3A_1078 = arith.constant 10 : i32
      %get3A_1079 = arith.index_cast %get3A_1078 : i32 to index
      %get3A_1080 = arith.index_cast %mul3A_928 : i32 to index
      %get3A_1081 = tpu.vector_load %arg7[%get3A_1079, %get3A_1080] {strides = array<i32>} : memref<16x512xf32, #tpu.memory_space<vmem>>, vector<16xf32>,
      %get3A_1082 = arith.constant 10 : i32
      %get3A_1083 = arith.index_cast %get3A_1082 : i32 to index
      %get3A_1084 = arith.index_cast %mul3A_928 : i32 to index
      %get3A_1085 = tpu.vector_load %arg9[%get3A_1083, %get3A_1084] {strides = array<i32>} : memref<16x512xf32, #tpu.memory_space<vmem>>, vector<16xf32>,
      %mul3A_1086 = arith.mulf %get3A_513, %get3A_1081 : vector<16xf32>
      %mul3A_1087 = arith.mulf %get3A_517, %get3A_1085 : vector<16xf32>
      %add3A_1088 = arith.addf %mul3A_1086, %mul3A_1087 : vector<16xf32>
      %swap3A_1089 = arith.constant 10 : i32
      %swap3A_1090 = arith.index_cast %swap3A_1089 : i32 to index
      %swap3A_1091 = arith.index_cast %mul3A_928 : i32 to index
      %swap3A_1092 = tpu.vector_load %arg11[%swap3A_1090, %swap3A_1091] {strides = array<i32>} : memref<16x512xf32, #tpu.memory_space<vmem>>, vector<16xf32>,
      tpu.vector_store %arg11[%swap3A_1090, %swap3A_1091], %add3A_1088 {strides = array<i32>} : memref<16x512xf32, #tpu.memory_space<vmem>>, vector<16xf32>,
      %get3A_1093 = arith.constant 11 : i32
      %get3A_1094 = arith.index_cast %get3A_1093 : i32 to index
      %get3A_1095 = arith.index_cast %mul3A_928 : i32 to index
      %get3A_1096 = tpu.vector_load %arg7[%get3A_1094, %get3A_1095] {strides = array<i32>} : memref<16x512xf32, #tpu.memory_space<vmem>>, vector<16xf32>,
      %get3A_1097 = arith.constant 11 : i32
      %get3A_1098 = arith.index_cast %get3A_1097 : i32 to index
      %get3A_1099 = arith.index_cast %mul3A_928 : i32 to index
      %get3A_1100 = tpu.vector_load %arg9[%get3A_1098, %get3A_1099] {strides = array<i32>} : memref<16x512xf32, #tpu.memory_space<vmem>>, vector<16xf32>,
      %mul3A_1101 = arith.mulf %get3A_513, %get3A_1096 : vector<16xf32>
      %mul3A_1102 = arith.mulf %get3A_517, %get3A_1100 : vector<16xf32>
      %add3A_1103 = arith.addf %mul3A_1101, %mul3A_1102 : vector<16xf32>
      %swap3A_1104 = arith.constant 11 : i32
      %swap3A_1105 = arith.index_cast %swap3A_1104 : i32 to index
      %swap3A_1106 = arith.index_cast %mul3A_928 : i32 to index
      %swap3A_1107 = tpu.vector_load %arg11[%swap3A_1105, %swap3A_1106] {strides = array<i32>} : memref<16x512xf32, #tpu.memory_space<vmem>>, vector<16xf32>,
      tpu.vector_store %arg11[%swap3A_1105, %swap3A_1106], %add3A_1103 {strides = array<i32>} : memref<16x512xf32, #tpu.memory_space<vmem>>, vector<16xf32>,
      %get3A_1108 = arith.constant 12 : i32
      %get3A_1109 = arith.index_cast %get3A_1108 : i32 to index
      %get3A_1110 = arith.index_cast %mul3A_928 : i32 to index
      %get3A_1111 = tpu.vector_load %arg7[%get3A_1109, %get3A_1110] {strides = array<i32>} : memref<16x512xf32, #tpu.memory_space<vmem>>, vector<16xf32>,
      %get3A_1112 = arith.constant 12 : i32
      %get3A_1113 = arith.index_cast %get3A_1112 : i32 to index
      %get3A_1114 = arith.index_cast %mul3A_928 : i32 to index
      %get3A_1115 = tpu.vector_load %arg9[%get3A_1113, %get3A_1114] {strides = array<i32>} : memref<16x512xf32, #tpu.memory_space<vmem>>, vector<16xf32>,
      %mul3A_1116 = arith.mulf %get3A_513, %get3A_1111 : vector<16xf32>
      %mul3A_1117 = arith.mulf %get3A_517, %get3A_1115 : vector<16xf32>
      %add3A_1118 = arith.addf %mul3A_1116, %mul3A_1117 : vector<16xf32>
      %swap3A_1119 = arith.constant 12 : i32
      %swap3A_1120 = arith.index_cast %swap3A_1119 : i32 to index
      %swap3A_1121 = arith.index_cast %mul3A_928 : i32 to index
      %swap3A_1122 = tpu.vector_load %arg11[%swap3A_1120, %swap3A_1121] {strides = array<i32>} : memref<16x512xf32, #tpu.memory_space<vmem>>, vector<16xf32>,
      tpu.vector_store %arg11[%swap3A_1120, %swap3A_1121], %add3A_1118 {strides = array<i32>} : memref<16x512xf32, #tpu.memory_space<vmem>>, vector<16xf32>,
      %get3A_1123 = arith.constant 13 : i32
      %get3A_1124 = arith.index_cast %get3A_1123 : i32 to index
      %get3A_1125 = arith.index_cast %mul3A_928 : i32 to index
      %get3A_1126 = tpu.vector_load %arg7[%get3A_1124, %get3A_1125] {strides = array<i32>} : memref<16x512xf32, #tpu.memory_space<vmem>>, vector<16xf32>,
      %get3A_1127 = arith.constant 13 : i32
      %get3A_1128 = arith.index_cast %get3A_1127 : i32 to index
      %get3A_1129 = arith.index_cast %mul3A_928 : i32 to index
      %get3A_1130 = tpu.vector_load %arg9[%get3A_1128, %get3A_1129] {strides = array<i32>} : memref<16x512xf32, #tpu.memory_space<vmem>>, vector<16xf32>,
      %mul3A_1131 = arith.mulf %get3A_513, %get3A_1126 : vector<16xf32>
      %mul3A_1132 = arith.mulf %get3A_517, %get3A_1130 : vector<16xf32>
      %add3A_1133 = arith.addf %mul3A_1131, %mul3A_1132 : vector<16xf32>
      %swap3A_1134 = arith.constant 13 : i32
      %swap3A_1135 = arith.index_cast %swap3A_1134 : i32 to index
      %swap3A_1136 = arith.index_cast %mul3A_928 : i32 to index
      %swap3A_1137 = tpu.vector_load %arg11[%swap3A_1135, %swap3A_1136] {strides = array<i32>} : memref<16x512xf32, #tpu.memory_space<vmem>>, vector<16xf32>,
      tpu.vector_store %arg11[%swap3A_1135, %swap3A_1136], %add3A_1133 {strides = array<i32>} : memref<16x512xf32, #tpu.memory_space<vmem>>, vector<16xf32>,
      %get3A_1138 = arith.constant 14 : i32
      %get3A_1139 = arith.index_cast %get3A_1138 : i32 to index
      %get3A_1140 = arith.index_cast %mul3A_928 : i32 to index
      %get3A_1141 = tpu.vector_load %arg7[%get3A_1139, %get3A_1140] {strides = array<i32>} : memref<16x512xf32, #tpu.memory_space<vmem>>, vector<16xf32>,
      %get3A_1142 = arith.constant 14 : i32
      %get3A_1143 = arith.index_cast %get3A_1142 : i32 to index
      %get3A_1144 = arith.index_cast %mul3A_928 : i32 to index
      %get3A_1145 = tpu.vector_load %arg9[%get3A_1143, %get3A_1144] {strides = array<i32>} : memref<16x512xf32, #tpu.memory_space<vmem>>, vector<16xf32>,
      %mul3A_1146 = arith.mulf %get3A_513, %get3A_1141 : vector<16xf32>
      %mul3A_1147 = arith.mulf %get3A_517, %get3A_1145 : vector<16xf32>
      %add3A_1148 = arith.addf %mul3A_1146, %mul3A_1147 : vector<16xf32>
      %swap3A_1149 = arith.constant 14 : i32
      %swap3A_1150 = arith.index_cast %swap3A_1149 : i32 to index
      %swap3A_1151 = arith.index_cast %mul3A_928 : i32 to index
      %swap3A_1152 = tpu.vector_load %arg11[%swap3A_1150, %swap3A_1151] {strides = array<i32>} : memref<16x512xf32, #tpu.memory_space<vmem>>, vector<16xf32>,
      tpu.vector_store %arg11[%swap3A_1150, %swap3A_1151], %add3A_1148 {strides = array<i32>} : memref<16x512xf32, #tpu.memory_space<vmem>>, vector<16xf32>,
      %get3A_1153 = arith.constant 15 : i32
      %get3A_1154 = arith.index_cast %get3A_1153 : i32 to index
      %get3A_1155 = arith.index_cast %mul3A_928 : i32 to index
      %get3A_1156 = tpu.vector_load %arg7[%get3A_1154, %get3A_1155] {strides = array<i32>} : memref<16x512xf32, #tpu.memory_space<vmem>>, vector<16xf32>,
      %get3A_1157 = arith.constant 15 : i32
      %get3A_1158 = arith.index_cast %get3A_1157 : i32 to index
      %get3A_1159 = arith.index_cast %mul3A_928 : i32 to index
      %get3A_1160 = tpu.vector_load %arg9[%get3A_1158, %get3A_1159] {strides = array<i32>} : memref<16x512xf32, #tpu.memory_space<vmem>>, vector<16xf32>,
      %mul3A_1161 = arith.mulf %get3A_513, %get3A_1156 : vector<16xf32>
      %mul3A_1162 = arith.mulf %get3A_517, %get3A_1160 : vector<16xf32>
      %add3A_1163 = arith.addf %mul3A_1161, %mul3A_1162 : vector<16xf32>
      %swap3A_1164 = arith.constant 15 : i32
      %swap3A_1165 = arith.index_cast %swap3A_1164 : i32 to index
      %swap3A_1166 = arith.index_cast %mul3A_928 : i32 to index
      %swap3A_1167 = tpu.vector_load %arg11[%swap3A_1165, %swap3A_1166] {strides = array<i32>} : memref<16x512xf32, #tpu.memory_space<vmem>>, vector<16xf32>,
      tpu.vector_store %arg11[%swap3A_1165, %swap3A_1166], %add3A_1163 {strides = array<i32>} : memref<16x512xf32, #tpu.memory_space<vmem>>, vector<16xf32>,
    }
    %scan3A_522 = arith.constant 32 : i32
    %dma_start3A = arith.constant 0 : i32
    %dma_start3A_523 = arith.constant 0 : i32
    %dma_start3A_524 = tpu.memref_slice %arg5[%dma_start3A, %dma_start3A_523, %mul3A_2] : memref<8x16x16384xf32, #tpu.memory_space<hbm>> -> memref<1x16x512xf32, #tpu.memory_space<hbm>>
    %dma_start3A_525 = tpu.memref_squeeze %dma_start3A_524 : memref<1x16x512xf32, #tpu.memory_space<hbm>> -> memref<16x512xf32, #tpu.memory_space<hbm>>
    %dma_start3A_526 = arith.constant 0 : i32
    %dma_start3A_527 = tpu.memref_slice %arg5[%dma_start3A, %dma_start3A_526, %mul3A_2] : memref<8x16x16384xf32, #tpu.memory_space<hbm>> -> memref<1x16x512xf32, #tpu.memory_space<hbm>>
    %dma_start3A_528 = tpu.memref_squeeze %dma_start3A_527 : memref<1x16x512xf32, #tpu.memory_space<hbm>> -> memref<16x512xf32, #tpu.memory_space<hbm>>
    tpu.enqueue_dma source(%arg11 : memref<16x512xf32, #tpu.memory_space<vmem>>) target(%dma_start3A_528 : memref<16x512xf32, #tpu.memory_space<hbm>>) target_semaphore(%arg17 : memref<!tpu.dma_semaphore, #tpu.memory_space<semaphore_mem>>)
    %convert_element_type3A_529 = arith.extui %reduce_or3A_175 : i1 to i32
    %cond3A_530 = arith.constant 0 : i32
    %cond3A_531 = arith.cmpi ne, %convert_element_type3A_529, %cond3A_530 : i32
    scf.if %cond3A_531 {
      %dma_start3A_926 = arith.constant 0 : i32
      %dma_start3A_927 = tpu.memref_slice %arg3[%dma_start3A_926, %mul3A_2] : memref<16x16384xf32, #tpu.memory_space<hbm>> -> memref<16x512xf32, #tpu.memory_space<hbm>>
      %dma_start3A_928 = arith.constant 0 : i32
      %dma_start3A_929 = tpu.memref_slice %arg3[%dma_start3A_928, %mul3A_2] : memref<16x16384xf32, #tpu.memory_space<hbm>> -> memref<16x512xf32, #tpu.memory_space<hbm>>
      tpu.enqueue_dma source(%dma_start3A_929 : memref<16x512xf32, #tpu.memory_space<hbm>>) target(%arg7 : memref<16x512xf32, #tpu.memory_space<vmem>>) target_semaphore(%arg13 : memref<!tpu.dma_semaphore, #tpu.memory_space<semaphore_mem>>)
    } else {
    }
    %not3A_532 = arith.constant true
    %not3A_533 = arith.xori %reduce_or3A_175, %not3A_532 : i1
    %convert_element_type3A_534 = arith.extui %not3A_533 : i1 to i32
    %cond3A_535 = arith.constant 0 : i32
    %cond3A_536 = arith.cmpi ne, %convert_element_type3A_534, %cond3A_535 : i32
    scf.if %cond3A_536 {
      %dma_start3A_926 = arith.constant 0 : i32
      %dma_start3A_927 = tpu.memref_slice %arg2[%reduce_max3A_149, %dma_start3A_926, %mul3A_2] : memref<64x16x16384xf32, #tpu.memory_space<hbm>> -> memref<1x16x512xf32, #tpu.memory_space<hbm>>
      %dma_start3A_928 = tpu.memref_squeeze %dma_start3A_927 : memref<1x16x512xf32, #tpu.memory_space<hbm>> -> memref<16x512xf32, #tpu.memory_space<hbm>>
      %dma_start3A_929 = arith.constant 0 : i32
      %dma_start3A_930 = tpu.memref_slice %arg2[%reduce_max3A_149, %dma_start3A_929, %mul3A_2] : memref<64x16x16384xf32, #tpu.memory_space<hbm>> -> memref<1x16x512xf32, #tpu.memory_space<hbm>>
      %dma_start3A_931 = tpu.memref_squeeze %dma_start3A_930 : memref<1x16x512xf32, #tpu.memory_space<hbm>> -> memref<16x512xf32, #tpu.memory_space<hbm>>
      tpu.enqueue_dma source(%dma_start3A_931 : memref<16x512xf32, #tpu.memory_space<hbm>>) target(%arg7 : memref<16x512xf32, #tpu.memory_space<vmem>>) target_semaphore(%arg13 : memref<!tpu.dma_semaphore, #tpu.memory_space<semaphore_mem>>)
    } else {
    }
    %convert_element_type3A_537 = arith.extui %reduce_or3A_190 : i1 to i32
    %cond3A_538 = arith.constant 0 : i32
    %cond3A_539 = arith.cmpi ne, %convert_element_type3A_537, %cond3A_538 : i32
    scf.if %cond3A_539 {
      %dma_start3A_926 = arith.constant 0 : i32
      %dma_start3A_927 = tpu.memref_slice %arg3[%dma_start3A_926, %mul3A_2] : memref<16x16384xf32, #tpu.memory_space<hbm>> -> memref<16x512xf32, #tpu.memory_space<hbm>>
      %dma_start3A_928 = arith.constant 0 : i32
      %dma_start3A_929 = tpu.memref_slice %arg3[%dma_start3A_928, %mul3A_2] : memref<16x16384xf32, #tpu.memory_space<hbm>> -> memref<16x512xf32, #tpu.memory_space<hbm>>
      tpu.enqueue_dma source(%dma_start3A_929 : memref<16x512xf32, #tpu.memory_space<hbm>>) target(%arg9 : memref<16x512xf32, #tpu.memory_space<vmem>>) target_semaphore(%arg15 : memref<!tpu.dma_semaphore, #tpu.memory_space<semaphore_mem>>)
    } else {
    }
    %not3A_540 = arith.constant true
    %not3A_541 = arith.xori %reduce_or3A_190, %not3A_540 : i1
    %convert_element_type3A_542 = arith.extui %not3A_541 : i1 to i32
    %cond3A_543 = arith.constant 0 : i32
    %cond3A_544 = arith.cmpi ne, %convert_element_type3A_542, %cond3A_543 : i32
    scf.if %cond3A_544 {
      %dma_start3A_926 = arith.constant 0 : i32
      %dma_start3A_927 = tpu.memref_slice %arg2[%reduce_max3A_160, %dma_start3A_926, %mul3A_2] : memref<64x16x16384xf32, #tpu.memory_space<hbm>> -> memref<1x16x512xf32, #tpu.memory_space<hbm>>
      %dma_start3A_928 = tpu.memref_squeeze %dma_start3A_927 : memref<1x16x512xf32, #tpu.memory_space<hbm>> -> memref<16x512xf32, #tpu.memory_space<hbm>>
      %dma_start3A_929 = arith.constant 0 : i32
      %dma_start3A_930 = tpu.memref_slice %arg2[%reduce_max3A_160, %dma_start3A_929, %mul3A_2] : memref<64x16x16384xf32, #tpu.memory_space<hbm>> -> memref<1x16x512xf32, #tpu.memory_space<hbm>>
      %dma_start3A_931 = tpu.memref_squeeze %dma_start3A_930 : memref<1x16x512xf32, #tpu.memory_space<hbm>> -> memref<16x512xf32, #tpu.memory_space<hbm>>
      tpu.enqueue_dma source(%dma_start3A_931 : memref<16x512xf32, #tpu.memory_space<hbm>>) target(%arg9 : memref<16x512xf32, #tpu.memory_space<vmem>>) target_semaphore(%arg15 : memref<!tpu.dma_semaphore, #tpu.memory_space<semaphore_mem>>)
    } else {
    }
    %dma_wait3A_545 = arith.constant 0 : i32
    %dma_wait3A_546 = arith.constant 0 : i32
    %dma_wait3A_547 = tpu.memref_slice %arg2[%dma_wait3A_545, %dma_wait3A_546, %mul3A_2] : memref<64x16x16384xf32, #tpu.memory_space<hbm>> -> memref<1x16x512xf32, #tpu.memory_space<hbm>>
    %dma_wait3A_548 = tpu.memref_squeeze %dma_wait3A_547 : memref<1x16x512xf32, #tpu.memory_space<hbm>> -> memref<16x512xf32, #tpu.memory_space<hbm>>
    %dma_wait3A_549 = arith.constant 0 : i32
    %dma_wait3A_550 = tpu.memref_slice %arg2[%dma_wait3A_545, %dma_wait3A_549, %mul3A_2] : memref<64x16x16384xf32, #tpu.memory_space<hbm>> -> memref<1x16x512xf32, #tpu.memory_space<hbm>>
    %dma_wait3A_551 = tpu.memref_squeeze %dma_wait3A_550 : memref<1x16x512xf32, #tpu.memory_space<hbm>> -> memref<16x512xf32, #tpu.memory_space<hbm>>
    tpu.wait_dma2 semaphore(%arg14 : memref<!tpu.dma_semaphore, #tpu.memory_space<semaphore_mem>>) src(%dma_wait3A_551 : memref<16x512xf32, #tpu.memory_space<hbm>>) dst(%arg8 : memref<16x512xf32, #tpu.memory_space<vmem>>)
    %dma_wait3A_552 = arith.constant 0 : i32
    %dma_wait3A_553 = arith.constant 0 : i32
    %dma_wait3A_554 = tpu.memref_slice %arg2[%dma_wait3A_552, %dma_wait3A_553, %mul3A_2] : memref<64x16x16384xf32, #tpu.memory_space<hbm>> -> memref<1x16x512xf32, #tpu.memory_space<hbm>>
    %dma_wait3A_555 = tpu.memref_squeeze %dma_wait3A_554 : memref<1x16x512xf32, #tpu.memory_space<hbm>> -> memref<16x512xf32, #tpu.memory_space<hbm>>
    %dma_wait3A_556 = arith.constant 0 : i32
    %dma_wait3A_557 = tpu.memref_slice %arg2[%dma_wait3A_552, %dma_wait3A_556, %mul3A_2] : memref<64x16x16384xf32, #tpu.memory_space<hbm>> -> memref<1x16x512xf32, #tpu.memory_space<hbm>>
    %dma_wait3A_558 = tpu.memref_squeeze %dma_wait3A_557 : memref<1x16x512xf32, #tpu.memory_space<hbm>> -> memref<16x512xf32, #tpu.memory_space<hbm>>
    tpu.wait_dma2 semaphore(%arg16 : memref<!tpu.dma_semaphore, #tpu.memory_space<semaphore_mem>>) src(%dma_wait3A_558 : memref<16x512xf32, #tpu.memory_space<hbm>>) dst(%arg10 : memref<16x512xf32, #tpu.memory_space<vmem>>)
    %get3A_559 = arith.constant 0 : i32
    %get3A_560 = arith.index_cast %get3A_559 : i32 to index
    %get3A_561 = arith.constant 16 : index
    %get3A_562 = tpu.vector_load %arg6[%get3A_560, %get3A_561] {strides = array<i32>} : memref<8x128xf32, #tpu.memory_space<vmem>>, vector<16xf32>,
    %get3A_563 = arith.constant 1 : i32
    %get3A_564 = arith.index_cast %get3A_563 : i32 to index
    %get3A_565 = arith.constant 16 : index
    %get3A_566 = tpu.vector_load %arg6[%get3A_564, %get3A_565] {strides = array<i32>} : memref<8x128xf32, #tpu.memory_space<vmem>>, vector<16xf32>,
    %scan3A_567 = arith.constant 0 : i32
    %scan3A_568 = arith.constant 0 : i32
    %scan3A_569 = arith.constant 32 : i32
    %scan3A_570 = arith.addi %scan3A_568, %scan3A_569 : i32
    %scan3A_571 = arith.constant 1 : i32
    scf.for %scan3A_926 = %scan3A_568 to %scan3A_570 step %scan3A_571  : i32 {
      %mul3A_927 = arith.constant 16 : i32
      %mul3A_928 = arith.muli %scan3A_926, %mul3A_927 : i32
      %get3A_929 = arith.constant 0 : i32
      %get3A_930 = arith.index_cast %get3A_929 : i32 to index
      %get3A_931 = arith.index_cast %mul3A_928 : i32 to index
      %get3A_932 = tpu.vector_load %arg8[%get3A_930, %get3A_931] {strides = array<i32>} : memref<16x512xf32, #tpu.memory_space<vmem>>, vector<16xf32>,
      %get3A_933 = arith.constant 0 : i32
      %get3A_934 = arith.index_cast %get3A_933 : i32 to index
      %get3A_935 = arith.index_cast %mul3A_928 : i32 to index
      %get3A_936 = tpu.vector_load %arg10[%get3A_934, %get3A_935] {strides = array<i32>} : memref<16x512xf32, #tpu.memory_space<vmem>>, vector<16xf32>,
      %mul3A_937 = arith.mulf %get3A_562, %get3A_932 : vector<16xf32>
      %mul3A_938 = arith.mulf %get3A_566, %get3A_936 : vector<16xf32>
      %add3A_939 = arith.addf %mul3A_937, %mul3A_938 : vector<16xf32>
      %swap3A = arith.constant 0 : i32
      %swap3A_940 = arith.index_cast %swap3A : i32 to index
      %swap3A_941 = arith.index_cast %mul3A_928 : i32 to index
      %swap3A_942 = tpu.vector_load %arg12[%swap3A_940, %swap3A_941] {strides = array<i32>} : memref<16x512xf32, #tpu.memory_space<vmem>>, vector<16xf32>,
      tpu.vector_store %arg12[%swap3A_940, %swap3A_941], %add3A_939 {strides = array<i32>} : memref<16x512xf32, #tpu.memory_space<vmem>>, vector<16xf32>,
      %get3A_943 = arith.constant 1 : i32
      %get3A_944 = arith.index_cast %get3A_943 : i32 to index
      %get3A_945 = arith.index_cast %mul3A_928 : i32 to index
      %get3A_946 = tpu.vector_load %arg8[%get3A_944, %get3A_945] {strides = array<i32>} : memref<16x512xf32, #tpu.memory_space<vmem>>, vector<16xf32>,
      %get3A_947 = arith.constant 1 : i32
      %get3A_948 = arith.index_cast %get3A_947 : i32 to index
      %get3A_949 = arith.index_cast %mul3A_928 : i32 to index
      %get3A_950 = tpu.vector_load %arg10[%get3A_948, %get3A_949] {strides = array<i32>} : memref<16x512xf32, #tpu.memory_space<vmem>>, vector<16xf32>,
      %mul3A_951 = arith.mulf %get3A_562, %get3A_946 : vector<16xf32>
      %mul3A_952 = arith.mulf %get3A_566, %get3A_950 : vector<16xf32>
      %add3A_953 = arith.addf %mul3A_951, %mul3A_952 : vector<16xf32>
      %swap3A_954 = arith.constant 1 : i32
      %swap3A_955 = arith.index_cast %swap3A_954 : i32 to index
      %swap3A_956 = arith.index_cast %mul3A_928 : i32 to index
      %swap3A_957 = tpu.vector_load %arg12[%swap3A_955, %swap3A_956] {strides = array<i32>} : memref<16x512xf32, #tpu.memory_space<vmem>>, vector<16xf32>,
      tpu.vector_store %arg12[%swap3A_955, %swap3A_956], %add3A_953 {strides = array<i32>} : memref<16x512xf32, #tpu.memory_space<vmem>>, vector<16xf32>,
      %get3A_958 = arith.constant 2 : i32
      %get3A_959 = arith.index_cast %get3A_958 : i32 to index
      %get3A_960 = arith.index_cast %mul3A_928 : i32 to index
      %get3A_961 = tpu.vector_load %arg8[%get3A_959, %get3A_960] {strides = array<i32>} : memref<16x512xf32, #tpu.memory_space<vmem>>, vector<16xf32>,
      %get3A_962 = arith.constant 2 : i32
      %get3A_963 = arith.index_cast %get3A_962 : i32 to index
      %get3A_964 = arith.index_cast %mul3A_928 : i32 to index
      %get3A_965 = tpu.vector_load %arg10[%get3A_963, %get3A_964] {strides = array<i32>} : memref<16x512xf32, #tpu.memory_space<vmem>>, vector<16xf32>,
      %mul3A_966 = arith.mulf %get3A_562, %get3A_961 : vector<16xf32>
      %mul3A_967 = arith.mulf %get3A_566, %get3A_965 : vector<16xf32>
      %add3A_968 = arith.addf %mul3A_966, %mul3A_967 : vector<16xf32>
      %swap3A_969 = arith.constant 2 : i32
      %swap3A_970 = arith.index_cast %swap3A_969 : i32 to index
      %swap3A_971 = arith.index_cast %mul3A_928 : i32 to index
      %swap3A_972 = tpu.vector_load %arg12[%swap3A_970, %swap3A_971] {strides = array<i32>} : memref<16x512xf32, #tpu.memory_space<vmem>>, vector<16xf32>,
      tpu.vector_store %arg12[%swap3A_970, %swap3A_971], %add3A_968 {strides = array<i32>} : memref<16x512xf32, #tpu.memory_space<vmem>>, vector<16xf32>,
      %get3A_973 = arith.constant 3 : i32
      %get3A_974 = arith.index_cast %get3A_973 : i32 to index
      %get3A_975 = arith.index_cast %mul3A_928 : i32 to index
      %get3A_976 = tpu.vector_load %arg8[%get3A_974, %get3A_975] {strides = array<i32>} : memref<16x512xf32, #tpu.memory_space<vmem>>, vector<16xf32>,
      %get3A_977 = arith.constant 3 : i32
      %get3A_978 = arith.index_cast %get3A_977 : i32 to index
      %get3A_979 = arith.index_cast %mul3A_928 : i32 to index
      %get3A_980 = tpu.vector_load %arg10[%get3A_978, %get3A_979] {strides = array<i32>} : memref<16x512xf32, #tpu.memory_space<vmem>>, vector<16xf32>,
      %mul3A_981 = arith.mulf %get3A_562, %get3A_976 : vector<16xf32>
      %mul3A_982 = arith.mulf %get3A_566, %get3A_980 : vector<16xf32>
      %add3A_983 = arith.addf %mul3A_981, %mul3A_982 : vector<16xf32>
      %swap3A_984 = arith.constant 3 : i32
      %swap3A_985 = arith.index_cast %swap3A_984 : i32 to index
      %swap3A_986 = arith.index_cast %mul3A_928 : i32 to index
      %swap3A_987 = tpu.vector_load %arg12[%swap3A_985, %swap3A_986] {strides = array<i32>} : memref<16x512xf32, #tpu.memory_space<vmem>>, vector<16xf32>,
      tpu.vector_store %arg12[%swap3A_985, %swap3A_986], %add3A_983 {strides = array<i32>} : memref<16x512xf32, #tpu.memory_space<vmem>>, vector<16xf32>,
      %get3A_988 = arith.constant 4 : i32
      %get3A_989 = arith.index_cast %get3A_988 : i32 to index
      %get3A_990 = arith.index_cast %mul3A_928 : i32 to index
      %get3A_991 = tpu.vector_load %arg8[%get3A_989, %get3A_990] {strides = array<i32>} : memref<16x512xf32, #tpu.memory_space<vmem>>, vector<16xf32>,
      %get3A_992 = arith.constant 4 : i32
      %get3A_993 = arith.index_cast %get3A_992 : i32 to index
      %get3A_994 = arith.index_cast %mul3A_928 : i32 to index
      %get3A_995 = tpu.vector_load %arg10[%get3A_993, %get3A_994] {strides = array<i32>} : memref<16x512xf32, #tpu.memory_space<vmem>>, vector<16xf32>,
      %mul3A_996 = arith.mulf %get3A_562, %get3A_991 : vector<16xf32>
      %mul3A_997 = arith.mulf %get3A_566, %get3A_995 : vector<16xf32>
      %add3A_998 = arith.addf %mul3A_996, %mul3A_997 : vector<16xf32>
      %swap3A_999 = arith.constant 4 : i32
      %swap3A_1000 = arith.index_cast %swap3A_999 : i32 to index
      %swap3A_1001 = arith.index_cast %mul3A_928 : i32 to index
      %swap3A_1002 = tpu.vector_load %arg12[%swap3A_1000, %swap3A_1001] {strides = array<i32>} : memref<16x512xf32, #tpu.memory_space<vmem>>, vector<16xf32>,
      tpu.vector_store %arg12[%swap3A_1000, %swap3A_1001], %add3A_998 {strides = array<i32>} : memref<16x512xf32, #tpu.memory_space<vmem>>, vector<16xf32>,
      %get3A_1003 = arith.constant 5 : i32
      %get3A_1004 = arith.index_cast %get3A_1003 : i32 to index
      %get3A_1005 = arith.index_cast %mul3A_928 : i32 to index
      %get3A_1006 = tpu.vector_load %arg8[%get3A_1004, %get3A_1005] {strides = array<i32>} : memref<16x512xf32, #tpu.memory_space<vmem>>, vector<16xf32>,
      %get3A_1007 = arith.constant 5 : i32
      %get3A_1008 = arith.index_cast %get3A_1007 : i32 to index
      %get3A_1009 = arith.index_cast %mul3A_928 : i32 to index
      %get3A_1010 = tpu.vector_load %arg10[%get3A_1008, %get3A_1009] {strides = array<i32>} : memref<16x512xf32, #tpu.memory_space<vmem>>, vector<16xf32>,
      %mul3A_1011 = arith.mulf %get3A_562, %get3A_1006 : vector<16xf32>
      %mul3A_1012 = arith.mulf %get3A_566, %get3A_1010 : vector<16xf32>
      %add3A_1013 = arith.addf %mul3A_1011, %mul3A_1012 : vector<16xf32>
      %swap3A_1014 = arith.constant 5 : i32
      %swap3A_1015 = arith.index_cast %swap3A_1014 : i32 to index
      %swap3A_1016 = arith.index_cast %mul3A_928 : i32 to index
      %swap3A_1017 = tpu.vector_load %arg12[%swap3A_1015, %swap3A_1016] {strides = array<i32>} : memref<16x512xf32, #tpu.memory_space<vmem>>, vector<16xf32>,
      tpu.vector_store %arg12[%swap3A_1015, %swap3A_1016], %add3A_1013 {strides = array<i32>} : memref<16x512xf32, #tpu.memory_space<vmem>>, vector<16xf32>,
      %get3A_1018 = arith.constant 6 : i32
      %get3A_1019 = arith.index_cast %get3A_1018 : i32 to index
      %get3A_1020 = arith.index_cast %mul3A_928 : i32 to index
      %get3A_1021 = tpu.vector_load %arg8[%get3A_1019, %get3A_1020] {strides = array<i32>} : memref<16x512xf32, #tpu.memory_space<vmem>>, vector<16xf32>,
      %get3A_1022 = arith.constant 6 : i32
      %get3A_1023 = arith.index_cast %get3A_1022 : i32 to index
      %get3A_1024 = arith.index_cast %mul3A_928 : i32 to index
      %get3A_1025 = tpu.vector_load %arg10[%get3A_1023, %get3A_1024] {strides = array<i32>} : memref<16x512xf32, #tpu.memory_space<vmem>>, vector<16xf32>,
      %mul3A_1026 = arith.mulf %get3A_562, %get3A_1021 : vector<16xf32>
      %mul3A_1027 = arith.mulf %get3A_566, %get3A_1025 : vector<16xf32>
      %add3A_1028 = arith.addf %mul3A_1026, %mul3A_1027 : vector<16xf32>
      %swap3A_1029 = arith.constant 6 : i32
      %swap3A_1030 = arith.index_cast %swap3A_1029 : i32 to index
      %swap3A_1031 = arith.index_cast %mul3A_928 : i32 to index
      %swap3A_1032 = tpu.vector_load %arg12[%swap3A_1030, %swap3A_1031] {strides = array<i32>} : memref<16x512xf32, #tpu.memory_space<vmem>>, vector<16xf32>,
      tpu.vector_store %arg12[%swap3A_1030, %swap3A_1031], %add3A_1028 {strides = array<i32>} : memref<16x512xf32, #tpu.memory_space<vmem>>, vector<16xf32>,
      %get3A_1033 = arith.constant 7 : i32
      %get3A_1034 = arith.index_cast %get3A_1033 : i32 to index
      %get3A_1035 = arith.index_cast %mul3A_928 : i32 to index
      %get3A_1036 = tpu.vector_load %arg8[%get3A_1034, %get3A_1035] {strides = array<i32>} : memref<16x512xf32, #tpu.memory_space<vmem>>, vector<16xf32>,
      %get3A_1037 = arith.constant 7 : i32
      %get3A_1038 = arith.index_cast %get3A_1037 : i32 to index
      %get3A_1039 = arith.index_cast %mul3A_928 : i32 to index
      %get3A_1040 = tpu.vector_load %arg10[%get3A_1038, %get3A_1039] {strides = array<i32>} : memref<16x512xf32, #tpu.memory_space<vmem>>, vector<16xf32>,
      %mul3A_1041 = arith.mulf %get3A_562, %get3A_1036 : vector<16xf32>
      %mul3A_1042 = arith.mulf %get3A_566, %get3A_1040 : vector<16xf32>
      %add3A_1043 = arith.addf %mul3A_1041, %mul3A_1042 : vector<16xf32>
      %swap3A_1044 = arith.constant 7 : i32
      %swap3A_1045 = arith.index_cast %swap3A_1044 : i32 to index
      %swap3A_1046 = arith.index_cast %mul3A_928 : i32 to index
      %swap3A_1047 = tpu.vector_load %arg12[%swap3A_1045, %swap3A_1046] {strides = array<i32>} : memref<16x512xf32, #tpu.memory_space<vmem>>, vector<16xf32>,
      tpu.vector_store %arg12[%swap3A_1045, %swap3A_1046], %add3A_1043 {strides = array<i32>} : memref<16x512xf32, #tpu.memory_space<vmem>>, vector<16xf32>,
      %get3A_1048 = arith.constant 8 : i32
      %get3A_1049 = arith.index_cast %get3A_1048 : i32 to index
      %get3A_1050 = arith.index_cast %mul3A_928 : i32 to index
      %get3A_1051 = tpu.vector_load %arg8[%get3A_1049, %get3A_1050] {strides = array<i32>} : memref<16x512xf32, #tpu.memory_space<vmem>>, vector<16xf32>,
      %get3A_1052 = arith.constant 8 : i32
      %get3A_1053 = arith.index_cast %get3A_1052 : i32 to index
      %get3A_1054 = arith.index_cast %mul3A_928 : i32 to index
      %get3A_1055 = tpu.vector_load %arg10[%get3A_1053, %get3A_1054] {strides = array<i32>} : memref<16x512xf32, #tpu.memory_space<vmem>>, vector<16xf32>,
      %mul3A_1056 = arith.mulf %get3A_562, %get3A_1051 : vector<16xf32>
      %mul3A_1057 = arith.mulf %get3A_566, %get3A_1055 : vector<16xf32>
      %add3A_1058 = arith.addf %mul3A_1056, %mul3A_1057 : vector<16xf32>
      %swap3A_1059 = arith.constant 8 : i32
      %swap3A_1060 = arith.index_cast %swap3A_1059 : i32 to index
      %swap3A_1061 = arith.index_cast %mul3A_928 : i32 to index
      %swap3A_1062 = tpu.vector_load %arg12[%swap3A_1060, %swap3A_1061] {strides = array<i32>} : memref<16x512xf32, #tpu.memory_space<vmem>>, vector<16xf32>,
      tpu.vector_store %arg12[%swap3A_1060, %swap3A_1061], %add3A_1058 {strides = array<i32>} : memref<16x512xf32, #tpu.memory_space<vmem>>, vector<16xf32>,
      %get3A_1063 = arith.constant 9 : i32
      %get3A_1064 = arith.index_cast %get3A_1063 : i32 to index
      %get3A_1065 = arith.index_cast %mul3A_928 : i32 to index
      %get3A_1066 = tpu.vector_load %arg8[%get3A_1064, %get3A_1065] {strides = array<i32>} : memref<16x512xf32, #tpu.memory_space<vmem>>, vector<16xf32>,
      %get3A_1067 = arith.constant 9 : i32
      %get3A_1068 = arith.index_cast %get3A_1067 : i32 to index
      %get3A_1069 = arith.index_cast %mul3A_928 : i32 to index
      %get3A_1070 = tpu.vector_load %arg10[%get3A_1068, %get3A_1069] {strides = array<i32>} : memref<16x512xf32, #tpu.memory_space<vmem>>, vector<16xf32>,
      %mul3A_1071 = arith.mulf %get3A_562, %get3A_1066 : vector<16xf32>
      %mul3A_1072 = arith.mulf %get3A_566, %get3A_1070 : vector<16xf32>
      %add3A_1073 = arith.addf %mul3A_1071, %mul3A_1072 : vector<16xf32>
      %swap3A_1074 = arith.constant 9 : i32
      %swap3A_1075 = arith.index_cast %swap3A_1074 : i32 to index
      %swap3A_1076 = arith.index_cast %mul3A_928 : i32 to index
      %swap3A_1077 = tpu.vector_load %arg12[%swap3A_1075, %swap3A_1076] {strides = array<i32>} : memref<16x512xf32, #tpu.memory_space<vmem>>, vector<16xf32>,
      tpu.vector_store %arg12[%swap3A_1075, %swap3A_1076], %add3A_1073 {strides = array<i32>} : memref<16x512xf32, #tpu.memory_space<vmem>>, vector<16xf32>,
      %get3A_1078 = arith.constant 10 : i32
      %get3A_1079 = arith.index_cast %get3A_1078 : i32 to index
      %get3A_1080 = arith.index_cast %mul3A_928 : i32 to index
      %get3A_1081 = tpu.vector_load %arg8[%get3A_1079, %get3A_1080] {strides = array<i32>} : memref<16x512xf32, #tpu.memory_space<vmem>>, vector<16xf32>,
      %get3A_1082 = arith.constant 10 : i32
      %get3A_1083 = arith.index_cast %get3A_1082 : i32 to index
      %get3A_1084 = arith.index_cast %mul3A_928 : i32 to index
      %get3A_1085 = tpu.vector_load %arg10[%get3A_1083, %get3A_1084] {strides = array<i32>} : memref<16x512xf32, #tpu.memory_space<vmem>>, vector<16xf32>,
      %mul3A_1086 = arith.mulf %get3A_562, %get3A_1081 : vector<16xf32>
      %mul3A_1087 = arith.mulf %get3A_566, %get3A_1085 : vector<16xf32>
      %add3A_1088 = arith.addf %mul3A_1086, %mul3A_1087 : vector<16xf32>
      %swap3A_1089 = arith.constant 10 : i32
      %swap3A_1090 = arith.index_cast %swap3A_1089 : i32 to index
      %swap3A_1091 = arith.index_cast %mul3A_928 : i32 to index
      %swap3A_1092 = tpu.vector_load %arg12[%swap3A_1090, %swap3A_1091] {strides = array<i32>} : memref<16x512xf32, #tpu.memory_space<vmem>>, vector<16xf32>,
      tpu.vector_store %arg12[%swap3A_1090, %swap3A_1091], %add3A_1088 {strides = array<i32>} : memref<16x512xf32, #tpu.memory_space<vmem>>, vector<16xf32>,
      %get3A_1093 = arith.constant 11 : i32
      %get3A_1094 = arith.index_cast %get3A_1093 : i32 to index
      %get3A_1095 = arith.index_cast %mul3A_928 : i32 to index
      %get3A_1096 = tpu.vector_load %arg8[%get3A_1094, %get3A_1095] {strides = array<i32>} : memref<16x512xf32, #tpu.memory_space<vmem>>, vector<16xf32>,
      %get3A_1097 = arith.constant 11 : i32
      %get3A_1098 = arith.index_cast %get3A_1097 : i32 to index
      %get3A_1099 = arith.index_cast %mul3A_928 : i32 to index
      %get3A_1100 = tpu.vector_load %arg10[%get3A_1098, %get3A_1099] {strides = array<i32>} : memref<16x512xf32, #tpu.memory_space<vmem>>, vector<16xf32>,
      %mul3A_1101 = arith.mulf %get3A_562, %get3A_1096 : vector<16xf32>
      %mul3A_1102 = arith.mulf %get3A_566, %get3A_1100 : vector<16xf32>
      %add3A_1103 = arith.addf %mul3A_1101, %mul3A_1102 : vector<16xf32>
      %swap3A_1104 = arith.constant 11 : i32
      %swap3A_1105 = arith.index_cast %swap3A_1104 : i32 to index
      %swap3A_1106 = arith.index_cast %mul3A_928 : i32 to index
      %swap3A_1107 = tpu.vector_load %arg12[%swap3A_1105, %swap3A_1106] {strides = array<i32>} : memref<16x512xf32, #tpu.memory_space<vmem>>, vector<16xf32>,
      tpu.vector_store %arg12[%swap3A_1105, %swap3A_1106], %add3A_1103 {strides = array<i32>} : memref<16x512xf32, #tpu.memory_space<vmem>>, vector<16xf32>,
      %get3A_1108 = arith.constant 12 : i32
      %get3A_1109 = arith.index_cast %get3A_1108 : i32 to index
      %get3A_1110 = arith.index_cast %mul3A_928 : i32 to index
      %get3A_1111 = tpu.vector_load %arg8[%get3A_1109, %get3A_1110] {strides = array<i32>} : memref<16x512xf32, #tpu.memory_space<vmem>>, vector<16xf32>,
      %get3A_1112 = arith.constant 12 : i32
      %get3A_1113 = arith.index_cast %get3A_1112 : i32 to index
      %get3A_1114 = arith.index_cast %mul3A_928 : i32 to index
      %get3A_1115 = tpu.vector_load %arg10[%get3A_1113, %get3A_1114] {strides = array<i32>} : memref<16x512xf32, #tpu.memory_space<vmem>>, vector<16xf32>,
      %mul3A_1116 = arith.mulf %get3A_562, %get3A_1111 : vector<16xf32>
      %mul3A_1117 = arith.mulf %get3A_566, %get3A_1115 : vector<16xf32>
      %add3A_1118 = arith.addf %mul3A_1116, %mul3A_1117 : vector<16xf32>
      %swap3A_1119 = arith.constant 12 : i32
      %swap3A_1120 = arith.index_cast %swap3A_1119 : i32 to index
      %swap3A_1121 = arith.index_cast %mul3A_928 : i32 to index
      %swap3A_1122 = tpu.vector_load %arg12[%swap3A_1120, %swap3A_1121] {strides = array<i32>} : memref<16x512xf32, #tpu.memory_space<vmem>>, vector<16xf32>,
      tpu.vector_store %arg12[%swap3A_1120, %swap3A_1121], %add3A_1118 {strides = array<i32>} : memref<16x512xf32, #tpu.memory_space<vmem>>, vector<16xf32>,
      %get3A_1123 = arith.constant 13 : i32
      %get3A_1124 = arith.index_cast %get3A_1123 : i32 to index
      %get3A_1125 = arith.index_cast %mul3A_928 : i32 to index
      %get3A_1126 = tpu.vector_load %arg8[%get3A_1124, %get3A_1125] {strides = array<i32>} : memref<16x512xf32, #tpu.memory_space<vmem>>, vector<16xf32>,
      %get3A_1127 = arith.constant 13 : i32
      %get3A_1128 = arith.index_cast %get3A_1127 : i32 to index
      %get3A_1129 = arith.index_cast %mul3A_928 : i32 to index
      %get3A_1130 = tpu.vector_load %arg10[%get3A_1128, %get3A_1129] {strides = array<i32>} : memref<16x512xf32, #tpu.memory_space<vmem>>, vector<16xf32>,
      %mul3A_1131 = arith.mulf %get3A_562, %get3A_1126 : vector<16xf32>
      %mul3A_1132 = arith.mulf %get3A_566, %get3A_1130 : vector<16xf32>
      %add3A_1133 = arith.addf %mul3A_1131, %mul3A_1132 : vector<16xf32>
      %swap3A_1134 = arith.constant 13 : i32
      %swap3A_1135 = arith.index_cast %swap3A_1134 : i32 to index
      %swap3A_1136 = arith.index_cast %mul3A_928 : i32 to index
      %swap3A_1137 = tpu.vector_load %arg12[%swap3A_1135, %swap3A_1136] {strides = array<i32>} : memref<16x512xf32, #tpu.memory_space<vmem>>, vector<16xf32>,
      tpu.vector_store %arg12[%swap3A_1135, %swap3A_1136], %add3A_1133 {strides = array<i32>} : memref<16x512xf32, #tpu.memory_space<vmem>>, vector<16xf32>,
      %get3A_1138 = arith.constant 14 : i32
      %get3A_1139 = arith.index_cast %get3A_1138 : i32 to index
      %get3A_1140 = arith.index_cast %mul3A_928 : i32 to index
      %get3A_1141 = tpu.vector_load %arg8[%get3A_1139, %get3A_1140] {strides = array<i32>} : memref<16x512xf32, #tpu.memory_space<vmem>>, vector<16xf32>,
      %get3A_1142 = arith.constant 14 : i32
      %get3A_1143 = arith.index_cast %get3A_1142 : i32 to index
      %get3A_1144 = arith.index_cast %mul3A_928 : i32 to index
      %get3A_1145 = tpu.vector_load %arg10[%get3A_1143, %get3A_1144] {strides = array<i32>} : memref<16x512xf32, #tpu.memory_space<vmem>>, vector<16xf32>,
      %mul3A_1146 = arith.mulf %get3A_562, %get3A_1141 : vector<16xf32>
      %mul3A_1147 = arith.mulf %get3A_566, %get3A_1145 : vector<16xf32>
      %add3A_1148 = arith.addf %mul3A_1146, %mul3A_1147 : vector<16xf32>
      %swap3A_1149 = arith.constant 14 : i32
      %swap3A_1150 = arith.index_cast %swap3A_1149 : i32 to index
      %swap3A_1151 = arith.index_cast %mul3A_928 : i32 to index
      %swap3A_1152 = tpu.vector_load %arg12[%swap3A_1150, %swap3A_1151] {strides = array<i32>} : memref<16x512xf32, #tpu.memory_space<vmem>>, vector<16xf32>,
      tpu.vector_store %arg12[%swap3A_1150, %swap3A_1151], %add3A_1148 {strides = array<i32>} : memref<16x512xf32, #tpu.memory_space<vmem>>, vector<16xf32>,
      %get3A_1153 = arith.constant 15 : i32
      %get3A_1154 = arith.index_cast %get3A_1153 : i32 to index
      %get3A_1155 = arith.index_cast %mul3A_928 : i32 to index
      %get3A_1156 = tpu.vector_load %arg8[%get3A_1154, %get3A_1155] {strides = array<i32>} : memref<16x512xf32, #tpu.memory_space<vmem>>, vector<16xf32>,
      %get3A_1157 = arith.constant 15 : i32
      %get3A_1158 = arith.index_cast %get3A_1157 : i32 to index
      %get3A_1159 = arith.index_cast %mul3A_928 : i32 to index
      %get3A_1160 = tpu.vector_load %arg10[%get3A_1158, %get3A_1159] {strides = array<i32>} : memref<16x512xf32, #tpu.memory_space<vmem>>, vector<16xf32>,
      %mul3A_1161 = arith.mulf %get3A_562, %get3A_1156 : vector<16xf32>
      %mul3A_1162 = arith.mulf %get3A_566, %get3A_1160 : vector<16xf32>
      %add3A_1163 = arith.addf %mul3A_1161, %mul3A_1162 : vector<16xf32>
      %swap3A_1164 = arith.constant 15 : i32
      %swap3A_1165 = arith.index_cast %swap3A_1164 : i32 to index
      %swap3A_1166 = arith.index_cast %mul3A_928 : i32 to index
      %swap3A_1167 = tpu.vector_load %arg12[%swap3A_1165, %swap3A_1166] {strides = array<i32>} : memref<16x512xf32, #tpu.memory_space<vmem>>, vector<16xf32>,
      tpu.vector_store %arg12[%swap3A_1165, %swap3A_1166], %add3A_1163 {strides = array<i32>} : memref<16x512xf32, #tpu.memory_space<vmem>>, vector<16xf32>,
    }
    %scan3A_572 = arith.constant 32 : i32
    %dma_start3A_573 = arith.constant 1 : i32
    %dma_start3A_574 = arith.constant 0 : i32
    %dma_start3A_575 = tpu.memref_slice %arg5[%dma_start3A_573, %dma_start3A_574, %mul3A_2] : memref<8x16x16384xf32, #tpu.memory_space<hbm>> -> memref<1x16x512xf32, #tpu.memory_space<hbm>>
    %dma_start3A_576 = tpu.memref_squeeze %dma_start3A_575 : memref<1x16x512xf32, #tpu.memory_space<hbm>> -> memref<16x512xf32, #tpu.memory_space<hbm>>
    %dma_start3A_577 = arith.constant 0 : i32
    %dma_start3A_578 = tpu.memref_slice %arg5[%dma_start3A_573, %dma_start3A_577, %mul3A_2] : memref<8x16x16384xf32, #tpu.memory_space<hbm>> -> memref<1x16x512xf32, #tpu.memory_space<hbm>>
    %dma_start3A_579 = tpu.memref_squeeze %dma_start3A_578 : memref<1x16x512xf32, #tpu.memory_space<hbm>> -> memref<16x512xf32, #tpu.memory_space<hbm>>
    tpu.enqueue_dma source(%arg12 : memref<16x512xf32, #tpu.memory_space<vmem>>) target(%dma_start3A_579 : memref<16x512xf32, #tpu.memory_space<hbm>>) target_semaphore(%arg18 : memref<!tpu.dma_semaphore, #tpu.memory_space<semaphore_mem>>)
    %convert_element_type3A_580 = arith.extui %reduce_or3A_233 : i1 to i32
    %cond3A_581 = arith.constant 0 : i32
    %cond3A_582 = arith.cmpi ne, %convert_element_type3A_580, %cond3A_581 : i32
    scf.if %cond3A_582 {
      %dma_start3A_926 = arith.constant 0 : i32
      %dma_start3A_927 = tpu.memref_slice %arg3[%dma_start3A_926, %mul3A_2] : memref<16x16384xf32, #tpu.memory_space<hbm>> -> memref<16x512xf32, #tpu.memory_space<hbm>>
      %dma_start3A_928 = arith.constant 0 : i32
      %dma_start3A_929 = tpu.memref_slice %arg3[%dma_start3A_928, %mul3A_2] : memref<16x16384xf32, #tpu.memory_space<hbm>> -> memref<16x512xf32, #tpu.memory_space<hbm>>
      tpu.enqueue_dma source(%dma_start3A_929 : memref<16x512xf32, #tpu.memory_space<hbm>>) target(%arg8 : memref<16x512xf32, #tpu.memory_space<vmem>>) target_semaphore(%arg14 : memref<!tpu.dma_semaphore, #tpu.memory_space<semaphore_mem>>)
    } else {
    }
    %not3A_583 = arith.constant true
    %not3A_584 = arith.xori %reduce_or3A_233, %not3A_583 : i1
    %convert_element_type3A_585 = arith.extui %not3A_584 : i1 to i32
    %cond3A_586 = arith.constant 0 : i32
    %cond3A_587 = arith.cmpi ne, %convert_element_type3A_585, %cond3A_586 : i32
    scf.if %cond3A_587 {
      %dma_start3A_926 = arith.constant 0 : i32
      %dma_start3A_927 = tpu.memref_slice %arg2[%reduce_max3A_207, %dma_start3A_926, %mul3A_2] : memref<64x16x16384xf32, #tpu.memory_space<hbm>> -> memref<1x16x512xf32, #tpu.memory_space<hbm>>
      %dma_start3A_928 = tpu.memref_squeeze %dma_start3A_927 : memref<1x16x512xf32, #tpu.memory_space<hbm>> -> memref<16x512xf32, #tpu.memory_space<hbm>>
      %dma_start3A_929 = arith.constant 0 : i32
      %dma_start3A_930 = tpu.memref_slice %arg2[%reduce_max3A_207, %dma_start3A_929, %mul3A_2] : memref<64x16x16384xf32, #tpu.memory_space<hbm>> -> memref<1x16x512xf32, #tpu.memory_space<hbm>>
      %dma_start3A_931 = tpu.memref_squeeze %dma_start3A_930 : memref<1x16x512xf32, #tpu.memory_space<hbm>> -> memref<16x512xf32, #tpu.memory_space<hbm>>
      tpu.enqueue_dma source(%dma_start3A_931 : memref<16x512xf32, #tpu.memory_space<hbm>>) target(%arg8 : memref<16x512xf32, #tpu.memory_space<vmem>>) target_semaphore(%arg14 : memref<!tpu.dma_semaphore, #tpu.memory_space<semaphore_mem>>)
    } else {
    }
    %convert_element_type3A_588 = arith.extui %reduce_or3A_248 : i1 to i32
    %cond3A_589 = arith.constant 0 : i32
    %cond3A_590 = arith.cmpi ne, %convert_element_type3A_588, %cond3A_589 : i32
    scf.if %cond3A_590 {
      %dma_start3A_926 = arith.constant 0 : i32
      %dma_start3A_927 = tpu.memref_slice %arg3[%dma_start3A_926, %mul3A_2] : memref<16x16384xf32, #tpu.memory_space<hbm>> -> memref<16x512xf32, #tpu.memory_space<hbm>>
      %dma_start3A_928 = arith.constant 0 : i32
      %dma_start3A_929 = tpu.memref_slice %arg3[%dma_start3A_928, %mul3A_2] : memref<16x16384xf32, #tpu.memory_space<hbm>> -> memref<16x512xf32, #tpu.memory_space<hbm>>
      tpu.enqueue_dma source(%dma_start3A_929 : memref<16x512xf32, #tpu.memory_space<hbm>>) target(%arg10 : memref<16x512xf32, #tpu.memory_space<vmem>>) target_semaphore(%arg16 : memref<!tpu.dma_semaphore, #tpu.memory_space<semaphore_mem>>)
    } else {
    }
    %not3A_591 = arith.constant true
    %not3A_592 = arith.xori %reduce_or3A_248, %not3A_591 : i1
    %convert_element_type3A_593 = arith.extui %not3A_592 : i1 to i32
    %cond3A_594 = arith.constant 0 : i32
    %cond3A_595 = arith.cmpi ne, %convert_element_type3A_593, %cond3A_594 : i32
    scf.if %cond3A_595 {
      %dma_start3A_926 = arith.constant 0 : i32
      %dma_start3A_927 = tpu.memref_slice %arg2[%reduce_max3A_218, %dma_start3A_926, %mul3A_2] : memref<64x16x16384xf32, #tpu.memory_space<hbm>> -> memref<1x16x512xf32, #tpu.memory_space<hbm>>
      %dma_start3A_928 = tpu.memref_squeeze %dma_start3A_927 : memref<1x16x512xf32, #tpu.memory_space<hbm>> -> memref<16x512xf32, #tpu.memory_space<hbm>>
      %dma_start3A_929 = arith.constant 0 : i32
      %dma_start3A_930 = tpu.memref_slice %arg2[%reduce_max3A_218, %dma_start3A_929, %mul3A_2] : memref<64x16x16384xf32, #tpu.memory_space<hbm>> -> memref<1x16x512xf32, #tpu.memory_space<hbm>>
      %dma_start3A_931 = tpu.memref_squeeze %dma_start3A_930 : memref<1x16x512xf32, #tpu.memory_space<hbm>> -> memref<16x512xf32, #tpu.memory_space<hbm>>
      tpu.enqueue_dma source(%dma_start3A_931 : memref<16x512xf32, #tpu.memory_space<hbm>>) target(%arg10 : memref<16x512xf32, #tpu.memory_space<vmem>>) target_semaphore(%arg16 : memref<!tpu.dma_semaphore, #tpu.memory_space<semaphore_mem>>)
    } else {
    }
    %dma_wait3A_596 = arith.constant 0 : i32
    %dma_wait3A_597 = arith.constant 0 : i32
    %dma_wait3A_598 = tpu.memref_slice %arg2[%dma_wait3A_596, %dma_wait3A_597, %mul3A_2] : memref<64x16x16384xf32, #tpu.memory_space<hbm>> -> memref<1x16x512xf32, #tpu.memory_space<hbm>>
    %dma_wait3A_599 = tpu.memref_squeeze %dma_wait3A_598 : memref<1x16x512xf32, #tpu.memory_space<hbm>> -> memref<16x512xf32, #tpu.memory_space<hbm>>
    %dma_wait3A_600 = arith.constant 0 : i32
    %dma_wait3A_601 = tpu.memref_slice %arg2[%dma_wait3A_596, %dma_wait3A_600, %mul3A_2] : memref<64x16x16384xf32, #tpu.memory_space<hbm>> -> memref<1x16x512xf32, #tpu.memory_space<hbm>>
    %dma_wait3A_602 = tpu.memref_squeeze %dma_wait3A_601 : memref<1x16x512xf32, #tpu.memory_space<hbm>> -> memref<16x512xf32, #tpu.memory_space<hbm>>
    tpu.wait_dma2 semaphore(%arg13 : memref<!tpu.dma_semaphore, #tpu.memory_space<semaphore_mem>>) src(%dma_wait3A_602 : memref<16x512xf32, #tpu.memory_space<hbm>>) dst(%arg7 : memref<16x512xf32, #tpu.memory_space<vmem>>)
    %dma_wait3A_603 = arith.constant 0 : i32
    %dma_wait3A_604 = arith.constant 0 : i32
    %dma_wait3A_605 = tpu.memref_slice %arg2[%dma_wait3A_603, %dma_wait3A_604, %mul3A_2] : memref<64x16x16384xf32, #tpu.memory_space<hbm>> -> memref<1x16x512xf32, #tpu.memory_space<hbm>>
    %dma_wait3A_606 = tpu.memref_squeeze %dma_wait3A_605 : memref<1x16x512xf32, #tpu.memory_space<hbm>> -> memref<16x512xf32, #tpu.memory_space<hbm>>
    %dma_wait3A_607 = arith.constant 0 : i32
    %dma_wait3A_608 = tpu.memref_slice %arg2[%dma_wait3A_603, %dma_wait3A_607, %mul3A_2] : memref<64x16x16384xf32, #tpu.memory_space<hbm>> -> memref<1x16x512xf32, #tpu.memory_space<hbm>>
    %dma_wait3A_609 = tpu.memref_squeeze %dma_wait3A_608 : memref<1x16x512xf32, #tpu.memory_space<hbm>> -> memref<16x512xf32, #tpu.memory_space<hbm>>
    tpu.wait_dma2 semaphore(%arg15 : memref<!tpu.dma_semaphore, #tpu.memory_space<semaphore_mem>>) src(%dma_wait3A_609 : memref<16x512xf32, #tpu.memory_space<hbm>>) dst(%arg9 : memref<16x512xf32, #tpu.memory_space<vmem>>)
    %dma_wait3A_610 = arith.constant 0 : i32
    %dma_wait3A_611 = arith.constant 0 : i32
    %dma_wait3A_612 = tpu.memref_slice %arg5[%dma_wait3A_610, %dma_wait3A_611, %mul3A_2] : memref<8x16x16384xf32, #tpu.memory_space<hbm>> -> memref<1x16x512xf32, #tpu.memory_space<hbm>>
    %dma_wait3A_613 = tpu.memref_squeeze %dma_wait3A_612 : memref<1x16x512xf32, #tpu.memory_space<hbm>> -> memref<16x512xf32, #tpu.memory_space<hbm>>
    %dma_wait3A_614 = arith.constant 0 : i32
    %dma_wait3A_615 = tpu.memref_slice %arg5[%dma_wait3A_610, %dma_wait3A_614, %mul3A_2] : memref<8x16x16384xf32, #tpu.memory_space<hbm>> -> memref<1x16x512xf32, #tpu.memory_space<hbm>>
    %dma_wait3A_616 = tpu.memref_squeeze %dma_wait3A_615 : memref<1x16x512xf32, #tpu.memory_space<hbm>> -> memref<16x512xf32, #tpu.memory_space<hbm>>
    tpu.wait_dma2 semaphore(%arg17 : memref<!tpu.dma_semaphore, #tpu.memory_space<semaphore_mem>>) src(%arg11 : memref<16x512xf32, #tpu.memory_space<vmem>>) dst(%dma_wait3A_616 : memref<16x512xf32, #tpu.memory_space<hbm>>)
    %get3A_617 = arith.constant 0 : i32
    %get3A_618 = arith.index_cast %get3A_617 : i32 to index
    %get3A_619 = arith.constant 32 : index
    %get3A_620 = tpu.vector_load %arg6[%get3A_618, %get3A_619] {strides = array<i32>} : memref<8x128xf32, #tpu.memory_space<vmem>>, vector<16xf32>,
    %get3A_621 = arith.constant 1 : i32
    %get3A_622 = arith.index_cast %get3A_621 : i32 to index
    %get3A_623 = arith.constant 32 : index
    %get3A_624 = tpu.vector_load %arg6[%get3A_622, %get3A_623] {strides = array<i32>} : memref<8x128xf32, #tpu.memory_space<vmem>>, vector<16xf32>,
    %scan3A_625 = arith.constant 0 : i32
    %scan3A_626 = arith.constant 0 : i32
    %scan3A_627 = arith.constant 32 : i32
    %scan3A_628 = arith.addi %scan3A_626, %scan3A_627 : i32
    %scan3A_629 = arith.constant 1 : i32
    scf.for %scan3A_926 = %scan3A_626 to %scan3A_628 step %scan3A_629  : i32 {
      %mul3A_927 = arith.constant 16 : i32
      %mul3A_928 = arith.muli %scan3A_926, %mul3A_927 : i32
      %get3A_929 = arith.constant 0 : i32
      %get3A_930 = arith.index_cast %get3A_929 : i32 to index
      %get3A_931 = arith.index_cast %mul3A_928 : i32 to index
      %get3A_932 = tpu.vector_load %arg7[%get3A_930, %get3A_931] {strides = array<i32>} : memref<16x512xf32, #tpu.memory_space<vmem>>, vector<16xf32>,
      %get3A_933 = arith.constant 0 : i32
      %get3A_934 = arith.index_cast %get3A_933 : i32 to index
      %get3A_935 = arith.index_cast %mul3A_928 : i32 to index
      %get3A_936 = tpu.vector_load %arg9[%get3A_934, %get3A_935] {strides = array<i32>} : memref<16x512xf32, #tpu.memory_space<vmem>>, vector<16xf32>,
      %mul3A_937 = arith.mulf %get3A_620, %get3A_932 : vector<16xf32>
      %mul3A_938 = arith.mulf %get3A_624, %get3A_936 : vector<16xf32>
      %add3A_939 = arith.addf %mul3A_937, %mul3A_938 : vector<16xf32>
      %swap3A = arith.constant 0 : i32
      %swap3A_940 = arith.index_cast %swap3A : i32 to index
      %swap3A_941 = arith.index_cast %mul3A_928 : i32 to index
      %swap3A_942 = tpu.vector_load %arg11[%swap3A_940, %swap3A_941] {strides = array<i32>} : memref<16x512xf32, #tpu.memory_space<vmem>>, vector<16xf32>,
      tpu.vector_store %arg11[%swap3A_940, %swap3A_941], %add3A_939 {strides = array<i32>} : memref<16x512xf32, #tpu.memory_space<vmem>>, vector<16xf32>,
      %get3A_943 = arith.constant 1 : i32
      %get3A_944 = arith.index_cast %get3A_943 : i32 to index
      %get3A_945 = arith.index_cast %mul3A_928 : i32 to index
      %get3A_946 = tpu.vector_load %arg7[%get3A_944, %get3A_945] {strides = array<i32>} : memref<16x512xf32, #tpu.memory_space<vmem>>, vector<16xf32>,
      %get3A_947 = arith.constant 1 : i32
      %get3A_948 = arith.index_cast %get3A_947 : i32 to index
      %get3A_949 = arith.index_cast %mul3A_928 : i32 to index
      %get3A_950 = tpu.vector_load %arg9[%get3A_948, %get3A_949] {strides = array<i32>} : memref<16x512xf32, #tpu.memory_space<vmem>>, vector<16xf32>,
      %mul3A_951 = arith.mulf %get3A_620, %get3A_946 : vector<16xf32>
      %mul3A_952 = arith.mulf %get3A_624, %get3A_950 : vector<16xf32>
      %add3A_953 = arith.addf %mul3A_951, %mul3A_952 : vector<16xf32>
      %swap3A_954 = arith.constant 1 : i32
      %swap3A_955 = arith.index_cast %swap3A_954 : i32 to index
      %swap3A_956 = arith.index_cast %mul3A_928 : i32 to index
      %swap3A_957 = tpu.vector_load %arg11[%swap3A_955, %swap3A_956] {strides = array<i32>} : memref<16x512xf32, #tpu.memory_space<vmem>>, vector<16xf32>,
      tpu.vector_store %arg11[%swap3A_955, %swap3A_956], %add3A_953 {strides = array<i32>} : memref<16x512xf32, #tpu.memory_space<vmem>>, vector<16xf32>,
      %get3A_958 = arith.constant 2 : i32
      %get3A_959 = arith.index_cast %get3A_958 : i32 to index
      %get3A_960 = arith.index_cast %mul3A_928 : i32 to index
      %get3A_961 = tpu.vector_load %arg7[%get3A_959, %get3A_960] {strides = array<i32>} : memref<16x512xf32, #tpu.memory_space<vmem>>, vector<16xf32>,
      %get3A_962 = arith.constant 2 : i32
      %get3A_963 = arith.index_cast %get3A_962 : i32 to index
      %get3A_964 = arith.index_cast %mul3A_928 : i32 to index
      %get3A_965 = tpu.vector_load %arg9[%get3A_963, %get3A_964] {strides = array<i32>} : memref<16x512xf32, #tpu.memory_space<vmem>>, vector<16xf32>,
      %mul3A_966 = arith.mulf %get3A_620, %get3A_961 : vector<16xf32>
      %mul3A_967 = arith.mulf %get3A_624, %get3A_965 : vector<16xf32>
      %add3A_968 = arith.addf %mul3A_966, %mul3A_967 : vector<16xf32>
      %swap3A_969 = arith.constant 2 : i32
      %swap3A_970 = arith.index_cast %swap3A_969 : i32 to index
      %swap3A_971 = arith.index_cast %mul3A_928 : i32 to index
      %swap3A_972 = tpu.vector_load %arg11[%swap3A_970, %swap3A_971] {strides = array<i32>} : memref<16x512xf32, #tpu.memory_space<vmem>>, vector<16xf32>,
      tpu.vector_store %arg11[%swap3A_970, %swap3A_971], %add3A_968 {strides = array<i32>} : memref<16x512xf32, #tpu.memory_space<vmem>>, vector<16xf32>,
      %get3A_973 = arith.constant 3 : i32
      %get3A_974 = arith.index_cast %get3A_973 : i32 to index
      %get3A_975 = arith.index_cast %mul3A_928 : i32 to index
      %get3A_976 = tpu.vector_load %arg7[%get3A_974, %get3A_975] {strides = array<i32>} : memref<16x512xf32, #tpu.memory_space<vmem>>, vector<16xf32>,
      %get3A_977 = arith.constant 3 : i32
      %get3A_978 = arith.index_cast %get3A_977 : i32 to index
      %get3A_979 = arith.index_cast %mul3A_928 : i32 to index
      %get3A_980 = tpu.vector_load %arg9[%get3A_978, %get3A_979] {strides = array<i32>} : memref<16x512xf32, #tpu.memory_space<vmem>>, vector<16xf32>,
      %mul3A_981 = arith.mulf %get3A_620, %get3A_976 : vector<16xf32>
      %mul3A_982 = arith.mulf %get3A_624, %get3A_980 : vector<16xf32>
      %add3A_983 = arith.addf %mul3A_981, %mul3A_982 : vector<16xf32>
      %swap3A_984 = arith.constant 3 : i32
      %swap3A_985 = arith.index_cast %swap3A_984 : i32 to index
      %swap3A_986 = arith.index_cast %mul3A_928 : i32 to index
      %swap3A_987 = tpu.vector_load %arg11[%swap3A_985, %swap3A_986] {strides = array<i32>} : memref<16x512xf32, #tpu.memory_space<vmem>>, vector<16xf32>,
      tpu.vector_store %arg11[%swap3A_985, %swap3A_986], %add3A_983 {strides = array<i32>} : memref<16x512xf32, #tpu.memory_space<vmem>>, vector<16xf32>,
      %get3A_988 = arith.constant 4 : i32
      %get3A_989 = arith.index_cast %get3A_988 : i32 to index
      %get3A_990 = arith.index_cast %mul3A_928 : i32 to index
      %get3A_991 = tpu.vector_load %arg7[%get3A_989, %get3A_990] {strides = array<i32>} : memref<16x512xf32, #tpu.memory_space<vmem>>, vector<16xf32>,
      %get3A_992 = arith.constant 4 : i32
      %get3A_993 = arith.index_cast %get3A_992 : i32 to index
      %get3A_994 = arith.index_cast %mul3A_928 : i32 to index
      %get3A_995 = tpu.vector_load %arg9[%get3A_993, %get3A_994] {strides = array<i32>} : memref<16x512xf32, #tpu.memory_space<vmem>>, vector<16xf32>,
      %mul3A_996 = arith.mulf %get3A_620, %get3A_991 : vector<16xf32>
      %mul3A_997 = arith.mulf %get3A_624, %get3A_995 : vector<16xf32>
      %add3A_998 = arith.addf %mul3A_996, %mul3A_997 : vector<16xf32>
      %swap3A_999 = arith.constant 4 : i32
      %swap3A_1000 = arith.index_cast %swap3A_999 : i32 to index
      %swap3A_1001 = arith.index_cast %mul3A_928 : i32 to index
      %swap3A_1002 = tpu.vector_load %arg11[%swap3A_1000, %swap3A_1001] {strides = array<i32>} : memref<16x512xf32, #tpu.memory_space<vmem>>, vector<16xf32>,
      tpu.vector_store %arg11[%swap3A_1000, %swap3A_1001], %add3A_998 {strides = array<i32>} : memref<16x512xf32, #tpu.memory_space<vmem>>, vector<16xf32>,
      %get3A_1003 = arith.constant 5 : i32
      %get3A_1004 = arith.index_cast %get3A_1003 : i32 to index
      %get3A_1005 = arith.index_cast %mul3A_928 : i32 to index
      %get3A_1006 = tpu.vector_load %arg7[%get3A_1004, %get3A_1005] {strides = array<i32>} : memref<16x512xf32, #tpu.memory_space<vmem>>, vector<16xf32>,
      %get3A_1007 = arith.constant 5 : i32
      %get3A_1008 = arith.index_cast %get3A_1007 : i32 to index
      %get3A_1009 = arith.index_cast %mul3A_928 : i32 to index
      %get3A_1010 = tpu.vector_load %arg9[%get3A_1008, %get3A_1009] {strides = array<i32>} : memref<16x512xf32, #tpu.memory_space<vmem>>, vector<16xf32>,
      %mul3A_1011 = arith.mulf %get3A_620, %get3A_1006 : vector<16xf32>
      %mul3A_1012 = arith.mulf %get3A_624, %get3A_1010 : vector<16xf32>
      %add3A_1013 = arith.addf %mul3A_1011, %mul3A_1012 : vector<16xf32>
      %swap3A_1014 = arith.constant 5 : i32
      %swap3A_1015 = arith.index_cast %swap3A_1014 : i32 to index
      %swap3A_1016 = arith.index_cast %mul3A_928 : i32 to index
      %swap3A_1017 = tpu.vector_load %arg11[%swap3A_1015, %swap3A_1016] {strides = array<i32>} : memref<16x512xf32, #tpu.memory_space<vmem>>, vector<16xf32>,
      tpu.vector_store %arg11[%swap3A_1015, %swap3A_1016], %add3A_1013 {strides = array<i32>} : memref<16x512xf32, #tpu.memory_space<vmem>>, vector<16xf32>,
      %get3A_1018 = arith.constant 6 : i32
      %get3A_1019 = arith.index_cast %get3A_1018 : i32 to index
      %get3A_1020 = arith.index_cast %mul3A_928 : i32 to index
      %get3A_1021 = tpu.vector_load %arg7[%get3A_1019, %get3A_1020] {strides = array<i32>} : memref<16x512xf32, #tpu.memory_space<vmem>>, vector<16xf32>,
      %get3A_1022 = arith.constant 6 : i32
      %get3A_1023 = arith.index_cast %get3A_1022 : i32 to index
      %get3A_1024 = arith.index_cast %mul3A_928 : i32 to index
      %get3A_1025 = tpu.vector_load %arg9[%get3A_1023, %get3A_1024] {strides = array<i32>} : memref<16x512xf32, #tpu.memory_space<vmem>>, vector<16xf32>,
      %mul3A_1026 = arith.mulf %get3A_620, %get3A_1021 : vector<16xf32>
      %mul3A_1027 = arith.mulf %get3A_624, %get3A_1025 : vector<16xf32>
      %add3A_1028 = arith.addf %mul3A_1026, %mul3A_1027 : vector<16xf32>
      %swap3A_1029 = arith.constant 6 : i32
      %swap3A_1030 = arith.index_cast %swap3A_1029 : i32 to index
      %swap3A_1031 = arith.index_cast %mul3A_928 : i32 to index
      %swap3A_1032 = tpu.vector_load %arg11[%swap3A_1030, %swap3A_1031] {strides = array<i32>} : memref<16x512xf32, #tpu.memory_space<vmem>>, vector<16xf32>,
      tpu.vector_store %arg11[%swap3A_1030, %swap3A_1031], %add3A_1028 {strides = array<i32>} : memref<16x512xf32, #tpu.memory_space<vmem>>, vector<16xf32>,
      %get3A_1033 = arith.constant 7 : i32
      %get3A_1034 = arith.index_cast %get3A_1033 : i32 to index
      %get3A_1035 = arith.index_cast %mul3A_928 : i32 to index
      %get3A_1036 = tpu.vector_load %arg7[%get3A_1034, %get3A_1035] {strides = array<i32>} : memref<16x512xf32, #tpu.memory_space<vmem>>, vector<16xf32>,
      %get3A_1037 = arith.constant 7 : i32
      %get3A_1038 = arith.index_cast %get3A_1037 : i32 to index
      %get3A_1039 = arith.index_cast %mul3A_928 : i32 to index
      %get3A_1040 = tpu.vector_load %arg9[%get3A_1038, %get3A_1039] {strides = array<i32>} : memref<16x512xf32, #tpu.memory_space<vmem>>, vector<16xf32>,
      %mul3A_1041 = arith.mulf %get3A_620, %get3A_1036 : vector<16xf32>
      %mul3A_1042 = arith.mulf %get3A_624, %get3A_1040 : vector<16xf32>
      %add3A_1043 = arith.addf %mul3A_1041, %mul3A_1042 : vector<16xf32>
      %swap3A_1044 = arith.constant 7 : i32
      %swap3A_1045 = arith.index_cast %swap3A_1044 : i32 to index
      %swap3A_1046 = arith.index_cast %mul3A_928 : i32 to index
      %swap3A_1047 = tpu.vector_load %arg11[%swap3A_1045, %swap3A_1046] {strides = array<i32>} : memref<16x512xf32, #tpu.memory_space<vmem>>, vector<16xf32>,
      tpu.vector_store %arg11[%swap3A_1045, %swap3A_1046], %add3A_1043 {strides = array<i32>} : memref<16x512xf32, #tpu.memory_space<vmem>>, vector<16xf32>,
      %get3A_1048 = arith.constant 8 : i32
      %get3A_1049 = arith.index_cast %get3A_1048 : i32 to index
      %get3A_1050 = arith.index_cast %mul3A_928 : i32 to index
      %get3A_1051 = tpu.vector_load %arg7[%get3A_1049, %get3A_1050] {strides = array<i32>} : memref<16x512xf32, #tpu.memory_space<vmem>>, vector<16xf32>,
      %get3A_1052 = arith.constant 8 : i32
      %get3A_1053 = arith.index_cast %get3A_1052 : i32 to index
      %get3A_1054 = arith.index_cast %mul3A_928 : i32 to index
      %get3A_1055 = tpu.vector_load %arg9[%get3A_1053, %get3A_1054] {strides = array<i32>} : memref<16x512xf32, #tpu.memory_space<vmem>>, vector<16xf32>,
      %mul3A_1056 = arith.mulf %get3A_620, %get3A_1051 : vector<16xf32>
      %mul3A_1057 = arith.mulf %get3A_624, %get3A_1055 : vector<16xf32>
      %add3A_1058 = arith.addf %mul3A_1056, %mul3A_1057 : vector<16xf32>
      %swap3A_1059 = arith.constant 8 : i32
      %swap3A_1060 = arith.index_cast %swap3A_1059 : i32 to index
      %swap3A_1061 = arith.index_cast %mul3A_928 : i32 to index
      %swap3A_1062 = tpu.vector_load %arg11[%swap3A_1060, %swap3A_1061] {strides = array<i32>} : memref<16x512xf32, #tpu.memory_space<vmem>>, vector<16xf32>,
      tpu.vector_store %arg11[%swap3A_1060, %swap3A_1061], %add3A_1058 {strides = array<i32>} : memref<16x512xf32, #tpu.memory_space<vmem>>, vector<16xf32>,
      %get3A_1063 = arith.constant 9 : i32
      %get3A_1064 = arith.index_cast %get3A_1063 : i32 to index
      %get3A_1065 = arith.index_cast %mul3A_928 : i32 to index
      %get3A_1066 = tpu.vector_load %arg7[%get3A_1064, %get3A_1065] {strides = array<i32>} : memref<16x512xf32, #tpu.memory_space<vmem>>, vector<16xf32>,
      %get3A_1067 = arith.constant 9 : i32
      %get3A_1068 = arith.index_cast %get3A_1067 : i32 to index
      %get3A_1069 = arith.index_cast %mul3A_928 : i32 to index
      %get3A_1070 = tpu.vector_load %arg9[%get3A_1068, %get3A_1069] {strides = array<i32>} : memref<16x512xf32, #tpu.memory_space<vmem>>, vector<16xf32>,
      %mul3A_1071 = arith.mulf %get3A_620, %get3A_1066 : vector<16xf32>
      %mul3A_1072 = arith.mulf %get3A_624, %get3A_1070 : vector<16xf32>
      %add3A_1073 = arith.addf %mul3A_1071, %mul3A_1072 : vector<16xf32>
      %swap3A_1074 = arith.constant 9 : i32
      %swap3A_1075 = arith.index_cast %swap3A_1074 : i32 to index
      %swap3A_1076 = arith.index_cast %mul3A_928 : i32 to index
      %swap3A_1077 = tpu.vector_load %arg11[%swap3A_1075, %swap3A_1076] {strides = array<i32>} : memref<16x512xf32, #tpu.memory_space<vmem>>, vector<16xf32>,
      tpu.vector_store %arg11[%swap3A_1075, %swap3A_1076], %add3A_1073 {strides = array<i32>} : memref<16x512xf32, #tpu.memory_space<vmem>>, vector<16xf32>,
      %get3A_1078 = arith.constant 10 : i32
      %get3A_1079 = arith.index_cast %get3A_1078 : i32 to index
      %get3A_1080 = arith.index_cast %mul3A_928 : i32 to index
      %get3A_1081 = tpu.vector_load %arg7[%get3A_1079, %get3A_1080] {strides = array<i32>} : memref<16x512xf32, #tpu.memory_space<vmem>>, vector<16xf32>,
      %get3A_1082 = arith.constant 10 : i32
      %get3A_1083 = arith.index_cast %get3A_1082 : i32 to index
      %get3A_1084 = arith.index_cast %mul3A_928 : i32 to index
      %get3A_1085 = tpu.vector_load %arg9[%get3A_1083, %get3A_1084] {strides = array<i32>} : memref<16x512xf32, #tpu.memory_space<vmem>>, vector<16xf32>,
      %mul3A_1086 = arith.mulf %get3A_620, %get3A_1081 : vector<16xf32>
      %mul3A_1087 = arith.mulf %get3A_624, %get3A_1085 : vector<16xf32>
      %add3A_1088 = arith.addf %mul3A_1086, %mul3A_1087 : vector<16xf32>
      %swap3A_1089 = arith.constant 10 : i32
      %swap3A_1090 = arith.index_cast %swap3A_1089 : i32 to index
      %swap3A_1091 = arith.index_cast %mul3A_928 : i32 to index
      %swap3A_1092 = tpu.vector_load %arg11[%swap3A_1090, %swap3A_1091] {strides = array<i32>} : memref<16x512xf32, #tpu.memory_space<vmem>>, vector<16xf32>,
      tpu.vector_store %arg11[%swap3A_1090, %swap3A_1091], %add3A_1088 {strides = array<i32>} : memref<16x512xf32, #tpu.memory_space<vmem>>, vector<16xf32>,
      %get3A_1093 = arith.constant 11 : i32
      %get3A_1094 = arith.index_cast %get3A_1093 : i32 to index
      %get3A_1095 = arith.index_cast %mul3A_928 : i32 to index
      %get3A_1096 = tpu.vector_load %arg7[%get3A_1094, %get3A_1095] {strides = array<i32>} : memref<16x512xf32, #tpu.memory_space<vmem>>, vector<16xf32>,
      %get3A_1097 = arith.constant 11 : i32
      %get3A_1098 = arith.index_cast %get3A_1097 : i32 to index
      %get3A_1099 = arith.index_cast %mul3A_928 : i32 to index
      %get3A_1100 = tpu.vector_load %arg9[%get3A_1098, %get3A_1099] {strides = array<i32>} : memref<16x512xf32, #tpu.memory_space<vmem>>, vector<16xf32>,
      %mul3A_1101 = arith.mulf %get3A_620, %get3A_1096 : vector<16xf32>
      %mul3A_1102 = arith.mulf %get3A_624, %get3A_1100 : vector<16xf32>
      %add3A_1103 = arith.addf %mul3A_1101, %mul3A_1102 : vector<16xf32>
      %swap3A_1104 = arith.constant 11 : i32
      %swap3A_1105 = arith.index_cast %swap3A_1104 : i32 to index
      %swap3A_1106 = arith.index_cast %mul3A_928 : i32 to index
      %swap3A_1107 = tpu.vector_load %arg11[%swap3A_1105, %swap3A_1106] {strides = array<i32>} : memref<16x512xf32, #tpu.memory_space<vmem>>, vector<16xf32>,
      tpu.vector_store %arg11[%swap3A_1105, %swap3A_1106], %add3A_1103 {strides = array<i32>} : memref<16x512xf32, #tpu.memory_space<vmem>>, vector<16xf32>,
      %get3A_1108 = arith.constant 12 : i32
      %get3A_1109 = arith.index_cast %get3A_1108 : i32 to index
      %get3A_1110 = arith.index_cast %mul3A_928 : i32 to index
      %get3A_1111 = tpu.vector_load %arg7[%get3A_1109, %get3A_1110] {strides = array<i32>} : memref<16x512xf32, #tpu.memory_space<vmem>>, vector<16xf32>,
      %get3A_1112 = arith.constant 12 : i32
      %get3A_1113 = arith.index_cast %get3A_1112 : i32 to index
      %get3A_1114 = arith.index_cast %mul3A_928 : i32 to index
      %get3A_1115 = tpu.vector_load %arg9[%get3A_1113, %get3A_1114] {strides = array<i32>} : memref<16x512xf32, #tpu.memory_space<vmem>>, vector<16xf32>,
      %mul3A_1116 = arith.mulf %get3A_620, %get3A_1111 : vector<16xf32>
      %mul3A_1117 = arith.mulf %get3A_624, %get3A_1115 : vector<16xf32>
      %add3A_1118 = arith.addf %mul3A_1116, %mul3A_1117 : vector<16xf32>
      %swap3A_1119 = arith.constant 12 : i32
      %swap3A_1120 = arith.index_cast %swap3A_1119 : i32 to index
      %swap3A_1121 = arith.index_cast %mul3A_928 : i32 to index
      %swap3A_1122 = tpu.vector_load %arg11[%swap3A_1120, %swap3A_1121] {strides = array<i32>} : memref<16x512xf32, #tpu.memory_space<vmem>>, vector<16xf32>,
      tpu.vector_store %arg11[%swap3A_1120, %swap3A_1121], %add3A_1118 {strides = array<i32>} : memref<16x512xf32, #tpu.memory_space<vmem>>, vector<16xf32>,
      %get3A_1123 = arith.constant 13 : i32
      %get3A_1124 = arith.index_cast %get3A_1123 : i32 to index
      %get3A_1125 = arith.index_cast %mul3A_928 : i32 to index
      %get3A_1126 = tpu.vector_load %arg7[%get3A_1124, %get3A_1125] {strides = array<i32>} : memref<16x512xf32, #tpu.memory_space<vmem>>, vector<16xf32>,
      %get3A_1127 = arith.constant 13 : i32
      %get3A_1128 = arith.index_cast %get3A_1127 : i32 to index
      %get3A_1129 = arith.index_cast %mul3A_928 : i32 to index
      %get3A_1130 = tpu.vector_load %arg9[%get3A_1128, %get3A_1129] {strides = array<i32>} : memref<16x512xf32, #tpu.memory_space<vmem>>, vector<16xf32>,
      %mul3A_1131 = arith.mulf %get3A_620, %get3A_1126 : vector<16xf32>
      %mul3A_1132 = arith.mulf %get3A_624, %get3A_1130 : vector<16xf32>
      %add3A_1133 = arith.addf %mul3A_1131, %mul3A_1132 : vector<16xf32>
      %swap3A_1134 = arith.constant 13 : i32
      %swap3A_1135 = arith.index_cast %swap3A_1134 : i32 to index
      %swap3A_1136 = arith.index_cast %mul3A_928 : i32 to index
      %swap3A_1137 = tpu.vector_load %arg11[%swap3A_1135, %swap3A_1136] {strides = array<i32>} : memref<16x512xf32, #tpu.memory_space<vmem>>, vector<16xf32>,
      tpu.vector_store %arg11[%swap3A_1135, %swap3A_1136], %add3A_1133 {strides = array<i32>} : memref<16x512xf32, #tpu.memory_space<vmem>>, vector<16xf32>,
      %get3A_1138 = arith.constant 14 : i32
      %get3A_1139 = arith.index_cast %get3A_1138 : i32 to index
      %get3A_1140 = arith.index_cast %mul3A_928 : i32 to index
      %get3A_1141 = tpu.vector_load %arg7[%get3A_1139, %get3A_1140] {strides = array<i32>} : memref<16x512xf32, #tpu.memory_space<vmem>>, vector<16xf32>,
      %get3A_1142 = arith.constant 14 : i32
      %get3A_1143 = arith.index_cast %get3A_1142 : i32 to index
      %get3A_1144 = arith.index_cast %mul3A_928 : i32 to index
      %get3A_1145 = tpu.vector_load %arg9[%get3A_1143, %get3A_1144] {strides = array<i32>} : memref<16x512xf32, #tpu.memory_space<vmem>>, vector<16xf32>,
      %mul3A_1146 = arith.mulf %get3A_620, %get3A_1141 : vector<16xf32>
      %mul3A_1147 = arith.mulf %get3A_624, %get3A_1145 : vector<16xf32>
      %add3A_1148 = arith.addf %mul3A_1146, %mul3A_1147 : vector<16xf32>
      %swap3A_1149 = arith.constant 14 : i32
      %swap3A_1150 = arith.index_cast %swap3A_1149 : i32 to index
      %swap3A_1151 = arith.index_cast %mul3A_928 : i32 to index
      %swap3A_1152 = tpu.vector_load %arg11[%swap3A_1150, %swap3A_1151] {strides = array<i32>} : memref<16x512xf32, #tpu.memory_space<vmem>>, vector<16xf32>,
      tpu.vector_store %arg11[%swap3A_1150, %swap3A_1151], %add3A_1148 {strides = array<i32>} : memref<16x512xf32, #tpu.memory_space<vmem>>, vector<16xf32>,
      %get3A_1153 = arith.constant 15 : i32
      %get3A_1154 = arith.index_cast %get3A_1153 : i32 to index
      %get3A_1155 = arith.index_cast %mul3A_928 : i32 to index
      %get3A_1156 = tpu.vector_load %arg7[%get3A_1154, %get3A_1155] {strides = array<i32>} : memref<16x512xf32, #tpu.memory_space<vmem>>, vector<16xf32>,
      %get3A_1157 = arith.constant 15 : i32
      %get3A_1158 = arith.index_cast %get3A_1157 : i32 to index
      %get3A_1159 = arith.index_cast %mul3A_928 : i32 to index
      %get3A_1160 = tpu.vector_load %arg9[%get3A_1158, %get3A_1159] {strides = array<i32>} : memref<16x512xf32, #tpu.memory_space<vmem>>, vector<16xf32>,
      %mul3A_1161 = arith.mulf %get3A_620, %get3A_1156 : vector<16xf32>
      %mul3A_1162 = arith.mulf %get3A_624, %get3A_1160 : vector<16xf32>
      %add3A_1163 = arith.addf %mul3A_1161, %mul3A_1162 : vector<16xf32>
      %swap3A_1164 = arith.constant 15 : i32
      %swap3A_1165 = arith.index_cast %swap3A_1164 : i32 to index
      %swap3A_1166 = arith.index_cast %mul3A_928 : i32 to index
      %swap3A_1167 = tpu.vector_load %arg11[%swap3A_1165, %swap3A_1166] {strides = array<i32>} : memref<16x512xf32, #tpu.memory_space<vmem>>, vector<16xf32>,
      tpu.vector_store %arg11[%swap3A_1165, %swap3A_1166], %add3A_1163 {strides = array<i32>} : memref<16x512xf32, #tpu.memory_space<vmem>>, vector<16xf32>,
    }
    %scan3A_630 = arith.constant 32 : i32
    %dma_start3A_631 = arith.constant 2 : i32
    %dma_start3A_632 = arith.constant 0 : i32
    %dma_start3A_633 = tpu.memref_slice %arg5[%dma_start3A_631, %dma_start3A_632, %mul3A_2] : memref<8x16x16384xf32, #tpu.memory_space<hbm>> -> memref<1x16x512xf32, #tpu.memory_space<hbm>>
    %dma_start3A_634 = tpu.memref_squeeze %dma_start3A_633 : memref<1x16x512xf32, #tpu.memory_space<hbm>> -> memref<16x512xf32, #tpu.memory_space<hbm>>
    %dma_start3A_635 = arith.constant 0 : i32
    %dma_start3A_636 = tpu.memref_slice %arg5[%dma_start3A_631, %dma_start3A_635, %mul3A_2] : memref<8x16x16384xf32, #tpu.memory_space<hbm>> -> memref<1x16x512xf32, #tpu.memory_space<hbm>>
    %dma_start3A_637 = tpu.memref_squeeze %dma_start3A_636 : memref<1x16x512xf32, #tpu.memory_space<hbm>> -> memref<16x512xf32, #tpu.memory_space<hbm>>
    tpu.enqueue_dma source(%arg11 : memref<16x512xf32, #tpu.memory_space<vmem>>) target(%dma_start3A_637 : memref<16x512xf32, #tpu.memory_space<hbm>>) target_semaphore(%arg17 : memref<!tpu.dma_semaphore, #tpu.memory_space<semaphore_mem>>)
    %convert_element_type3A_638 = arith.extui %reduce_or3A_291 : i1 to i32
    %cond3A_639 = arith.constant 0 : i32
    %cond3A_640 = arith.cmpi ne, %convert_element_type3A_638, %cond3A_639 : i32
    scf.if %cond3A_640 {
      %dma_start3A_926 = arith.constant 0 : i32
      %dma_start3A_927 = tpu.memref_slice %arg3[%dma_start3A_926, %mul3A_2] : memref<16x16384xf32, #tpu.memory_space<hbm>> -> memref<16x512xf32, #tpu.memory_space<hbm>>
      %dma_start3A_928 = arith.constant 0 : i32
      %dma_start3A_929 = tpu.memref_slice %arg3[%dma_start3A_928, %mul3A_2] : memref<16x16384xf32, #tpu.memory_space<hbm>> -> memref<16x512xf32, #tpu.memory_space<hbm>>
      tpu.enqueue_dma source(%dma_start3A_929 : memref<16x512xf32, #tpu.memory_space<hbm>>) target(%arg7 : memref<16x512xf32, #tpu.memory_space<vmem>>) target_semaphore(%arg13 : memref<!tpu.dma_semaphore, #tpu.memory_space<semaphore_mem>>)
    } else {
    }
    %not3A_641 = arith.constant true
    %not3A_642 = arith.xori %reduce_or3A_291, %not3A_641 : i1
    %convert_element_type3A_643 = arith.extui %not3A_642 : i1 to i32
    %cond3A_644 = arith.constant 0 : i32
    %cond3A_645 = arith.cmpi ne, %convert_element_type3A_643, %cond3A_644 : i32
    scf.if %cond3A_645 {
      %dma_start3A_926 = arith.constant 0 : i32
      %dma_start3A_927 = tpu.memref_slice %arg2[%reduce_max3A_265, %dma_start3A_926, %mul3A_2] : memref<64x16x16384xf32, #tpu.memory_space<hbm>> -> memref<1x16x512xf32, #tpu.memory_space<hbm>>
      %dma_start3A_928 = tpu.memref_squeeze %dma_start3A_927 : memref<1x16x512xf32, #tpu.memory_space<hbm>> -> memref<16x512xf32, #tpu.memory_space<hbm>>
      %dma_start3A_929 = arith.constant 0 : i32
      %dma_start3A_930 = tpu.memref_slice %arg2[%reduce_max3A_265, %dma_start3A_929, %mul3A_2] : memref<64x16x16384xf32, #tpu.memory_space<hbm>> -> memref<1x16x512xf32, #tpu.memory_space<hbm>>
      %dma_start3A_931 = tpu.memref_squeeze %dma_start3A_930 : memref<1x16x512xf32, #tpu.memory_space<hbm>> -> memref<16x512xf32, #tpu.memory_space<hbm>>
      tpu.enqueue_dma source(%dma_start3A_931 : memref<16x512xf32, #tpu.memory_space<hbm>>) target(%arg7 : memref<16x512xf32, #tpu.memory_space<vmem>>) target_semaphore(%arg13 : memref<!tpu.dma_semaphore, #tpu.memory_space<semaphore_mem>>)
    } else {
    }
    %convert_element_type3A_646 = arith.extui %reduce_or3A_306 : i1 to i32
    %cond3A_647 = arith.constant 0 : i32
    %cond3A_648 = arith.cmpi ne, %convert_element_type3A_646, %cond3A_647 : i32
    scf.if %cond3A_648 {
      %dma_start3A_926 = arith.constant 0 : i32
      %dma_start3A_927 = tpu.memref_slice %arg3[%dma_start3A_926, %mul3A_2] : memref<16x16384xf32, #tpu.memory_space<hbm>> -> memref<16x512xf32, #tpu.memory_space<hbm>>
      %dma_start3A_928 = arith.constant 0 : i32
      %dma_start3A_929 = tpu.memref_slice %arg3[%dma_start3A_928, %mul3A_2] : memref<16x16384xf32, #tpu.memory_space<hbm>> -> memref<16x512xf32, #tpu.memory_space<hbm>>
      tpu.enqueue_dma source(%dma_start3A_929 : memref<16x512xf32, #tpu.memory_space<hbm>>) target(%arg9 : memref<16x512xf32, #tpu.memory_space<vmem>>) target_semaphore(%arg15 : memref<!tpu.dma_semaphore, #tpu.memory_space<semaphore_mem>>)
    } else {
    }
    %not3A_649 = arith.constant true
    %not3A_650 = arith.xori %reduce_or3A_306, %not3A_649 : i1
    %convert_element_type3A_651 = arith.extui %not3A_650 : i1 to i32
    %cond3A_652 = arith.constant 0 : i32
    %cond3A_653 = arith.cmpi ne, %convert_element_type3A_651, %cond3A_652 : i32
    scf.if %cond3A_653 {
      %dma_start3A_926 = arith.constant 0 : i32
      %dma_start3A_927 = tpu.memref_slice %arg2[%reduce_max3A_276, %dma_start3A_926, %mul3A_2] : memref<64x16x16384xf32, #tpu.memory_space<hbm>> -> memref<1x16x512xf32, #tpu.memory_space<hbm>>
      %dma_start3A_928 = tpu.memref_squeeze %dma_start3A_927 : memref<1x16x512xf32, #tpu.memory_space<hbm>> -> memref<16x512xf32, #tpu.memory_space<hbm>>
      %dma_start3A_929 = arith.constant 0 : i32
      %dma_start3A_930 = tpu.memref_slice %arg2[%reduce_max3A_276, %dma_start3A_929, %mul3A_2] : memref<64x16x16384xf32, #tpu.memory_space<hbm>> -> memref<1x16x512xf32, #tpu.memory_space<hbm>>
      %dma_start3A_931 = tpu.memref_squeeze %dma_start3A_930 : memref<1x16x512xf32, #tpu.memory_space<hbm>> -> memref<16x512xf32, #tpu.memory_space<hbm>>
      tpu.enqueue_dma source(%dma_start3A_931 : memref<16x512xf32, #tpu.memory_space<hbm>>) target(%arg9 : memref<16x512xf32, #tpu.memory_space<vmem>>) target_semaphore(%arg15 : memref<!tpu.dma_semaphore, #tpu.memory_space<semaphore_mem>>)
    } else {
    }
    %dma_wait3A_654 = arith.constant 0 : i32
    %dma_wait3A_655 = arith.constant 0 : i32
    %dma_wait3A_656 = tpu.memref_slice %arg2[%dma_wait3A_654, %dma_wait3A_655, %mul3A_2] : memref<64x16x16384xf32, #tpu.memory_space<hbm>> -> memref<1x16x512xf32, #tpu.memory_space<hbm>>
    %dma_wait3A_657 = tpu.memref_squeeze %dma_wait3A_656 : memref<1x16x512xf32, #tpu.memory_space<hbm>> -> memref<16x512xf32, #tpu.memory_space<hbm>>
    %dma_wait3A_658 = arith.constant 0 : i32
    %dma_wait3A_659 = tpu.memref_slice %arg2[%dma_wait3A_654, %dma_wait3A_658, %mul3A_2] : memref<64x16x16384xf32, #tpu.memory_space<hbm>> -> memref<1x16x512xf32, #tpu.memory_space<hbm>>
    %dma_wait3A_660 = tpu.memref_squeeze %dma_wait3A_659 : memref<1x16x512xf32, #tpu.memory_space<hbm>> -> memref<16x512xf32, #tpu.memory_space<hbm>>
    tpu.wait_dma2 semaphore(%arg14 : memref<!tpu.dma_semaphore, #tpu.memory_space<semaphore_mem>>) src(%dma_wait3A_660 : memref<16x512xf32, #tpu.memory_space<hbm>>) dst(%arg8 : memref<16x512xf32, #tpu.memory_space<vmem>>)
    %dma_wait3A_661 = arith.constant 0 : i32
    %dma_wait3A_662 = arith.constant 0 : i32
    %dma_wait3A_663 = tpu.memref_slice %arg2[%dma_wait3A_661, %dma_wait3A_662, %mul3A_2] : memref<64x16x16384xf32, #tpu.memory_space<hbm>> -> memref<1x16x512xf32, #tpu.memory_space<hbm>>
    %dma_wait3A_664 = tpu.memref_squeeze %dma_wait3A_663 : memref<1x16x512xf32, #tpu.memory_space<hbm>> -> memref<16x512xf32, #tpu.memory_space<hbm>>
    %dma_wait3A_665 = arith.constant 0 : i32
    %dma_wait3A_666 = tpu.memref_slice %arg2[%dma_wait3A_661, %dma_wait3A_665, %mul3A_2] : memref<64x16x16384xf32, #tpu.memory_space<hbm>> -> memref<1x16x512xf32, #tpu.memory_space<hbm>>
    %dma_wait3A_667 = tpu.memref_squeeze %dma_wait3A_666 : memref<1x16x512xf32, #tpu.memory_space<hbm>> -> memref<16x512xf32, #tpu.memory_space<hbm>>
    tpu.wait_dma2 semaphore(%arg16 : memref<!tpu.dma_semaphore, #tpu.memory_space<semaphore_mem>>) src(%dma_wait3A_667 : memref<16x512xf32, #tpu.memory_space<hbm>>) dst(%arg10 : memref<16x512xf32, #tpu.memory_space<vmem>>)
    %dma_wait3A_668 = arith.constant 1 : i32
    %dma_wait3A_669 = arith.constant 0 : i32
    %dma_wait3A_670 = tpu.memref_slice %arg5[%dma_wait3A_668, %dma_wait3A_669, %mul3A_2] : memref<8x16x16384xf32, #tpu.memory_space<hbm>> -> memref<1x16x512xf32, #tpu.memory_space<hbm>>
    %dma_wait3A_671 = tpu.memref_squeeze %dma_wait3A_670 : memref<1x16x512xf32, #tpu.memory_space<hbm>> -> memref<16x512xf32, #tpu.memory_space<hbm>>
    %dma_wait3A_672 = arith.constant 0 : i32
    %dma_wait3A_673 = tpu.memref_slice %arg5[%dma_wait3A_668, %dma_wait3A_672, %mul3A_2] : memref<8x16x16384xf32, #tpu.memory_space<hbm>> -> memref<1x16x512xf32, #tpu.memory_space<hbm>>
    %dma_wait3A_674 = tpu.memref_squeeze %dma_wait3A_673 : memref<1x16x512xf32, #tpu.memory_space<hbm>> -> memref<16x512xf32, #tpu.memory_space<hbm>>
    tpu.wait_dma2 semaphore(%arg18 : memref<!tpu.dma_semaphore, #tpu.memory_space<semaphore_mem>>) src(%arg12 : memref<16x512xf32, #tpu.memory_space<vmem>>) dst(%dma_wait3A_674 : memref<16x512xf32, #tpu.memory_space<hbm>>)
    %get3A_675 = arith.constant 0 : i32
    %get3A_676 = arith.index_cast %get3A_675 : i32 to index
    %get3A_677 = arith.constant 48 : index
    %get3A_678 = tpu.vector_load %arg6[%get3A_676, %get3A_677] {strides = array<i32>} : memref<8x128xf32, #tpu.memory_space<vmem>>, vector<16xf32>,
    %get3A_679 = arith.constant 1 : i32
    %get3A_680 = arith.index_cast %get3A_679 : i32 to index
    %get3A_681 = arith.constant 48 : index
    %get3A_682 = tpu.vector_load %arg6[%get3A_680, %get3A_681] {strides = array<i32>} : memref<8x128xf32, #tpu.memory_space<vmem>>, vector<16xf32>,
    %scan3A_683 = arith.constant 0 : i32
    %scan3A_684 = arith.constant 0 : i32
    %scan3A_685 = arith.constant 32 : i32
    %scan3A_686 = arith.addi %scan3A_684, %scan3A_685 : i32
    %scan3A_687 = arith.constant 1 : i32
    scf.for %scan3A_926 = %scan3A_684 to %scan3A_686 step %scan3A_687  : i32 {
      %mul3A_927 = arith.constant 16 : i32
      %mul3A_928 = arith.muli %scan3A_926, %mul3A_927 : i32
      %get3A_929 = arith.constant 0 : i32
      %get3A_930 = arith.index_cast %get3A_929 : i32 to index
      %get3A_931 = arith.index_cast %mul3A_928 : i32 to index
      %get3A_932 = tpu.vector_load %arg8[%get3A_930, %get3A_931] {strides = array<i32>} : memref<16x512xf32, #tpu.memory_space<vmem>>, vector<16xf32>,
      %get3A_933 = arith.constant 0 : i32
      %get3A_934 = arith.index_cast %get3A_933 : i32 to index
      %get3A_935 = arith.index_cast %mul3A_928 : i32 to index
      %get3A_936 = tpu.vector_load %arg10[%get3A_934, %get3A_935] {strides = array<i32>} : memref<16x512xf32, #tpu.memory_space<vmem>>, vector<16xf32>,
      %mul3A_937 = arith.mulf %get3A_678, %get3A_932 : vector<16xf32>
      %mul3A_938 = arith.mulf %get3A_682, %get3A_936 : vector<16xf32>
      %add3A_939 = arith.addf %mul3A_937, %mul3A_938 : vector<16xf32>
      %swap3A = arith.constant 0 : i32
      %swap3A_940 = arith.index_cast %swap3A : i32 to index
      %swap3A_941 = arith.index_cast %mul3A_928 : i32 to index
      %swap3A_942 = tpu.vector_load %arg12[%swap3A_940, %swap3A_941] {strides = array<i32>} : memref<16x512xf32, #tpu.memory_space<vmem>>, vector<16xf32>,
      tpu.vector_store %arg12[%swap3A_940, %swap3A_941], %add3A_939 {strides = array<i32>} : memref<16x512xf32, #tpu.memory_space<vmem>>, vector<16xf32>,
      %get3A_943 = arith.constant 1 : i32
      %get3A_944 = arith.index_cast %get3A_943 : i32 to index
      %get3A_945 = arith.index_cast %mul3A_928 : i32 to index
      %get3A_946 = tpu.vector_load %arg8[%get3A_944, %get3A_945] {strides = array<i32>} : memref<16x512xf32, #tpu.memory_space<vmem>>, vector<16xf32>,
      %get3A_947 = arith.constant 1 : i32
      %get3A_948 = arith.index_cast %get3A_947 : i32 to index
      %get3A_949 = arith.index_cast %mul3A_928 : i32 to index
      %get3A_950 = tpu.vector_load %arg10[%get3A_948, %get3A_949] {strides = array<i32>} : memref<16x512xf32, #tpu.memory_space<vmem>>, vector<16xf32>,
      %mul3A_951 = arith.mulf %get3A_678, %get3A_946 : vector<16xf32>
      %mul3A_952 = arith.mulf %get3A_682, %get3A_950 : vector<16xf32>
      %add3A_953 = arith.addf %mul3A_951, %mul3A_952 : vector<16xf32>
      %swap3A_954 = arith.constant 1 : i32
      %swap3A_955 = arith.index_cast %swap3A_954 : i32 to index
      %swap3A_956 = arith.index_cast %mul3A_928 : i32 to index
      %swap3A_957 = tpu.vector_load %arg12[%swap3A_955, %swap3A_956] {strides = array<i32>} : memref<16x512xf32, #tpu.memory_space<vmem>>, vector<16xf32>,
      tpu.vector_store %arg12[%swap3A_955, %swap3A_956], %add3A_953 {strides = array<i32>} : memref<16x512xf32, #tpu.memory_space<vmem>>, vector<16xf32>,
      %get3A_958 = arith.constant 2 : i32
      %get3A_959 = arith.index_cast %get3A_958 : i32 to index
      %get3A_960 = arith.index_cast %mul3A_928 : i32 to index
      %get3A_961 = tpu.vector_load %arg8[%get3A_959, %get3A_960] {strides = array<i32>} : memref<16x512xf32, #tpu.memory_space<vmem>>, vector<16xf32>,
      %get3A_962 = arith.constant 2 : i32
      %get3A_963 = arith.index_cast %get3A_962 : i32 to index
      %get3A_964 = arith.index_cast %mul3A_928 : i32 to index
      %get3A_965 = tpu.vector_load %arg10[%get3A_963, %get3A_964] {strides = array<i32>} : memref<16x512xf32, #tpu.memory_space<vmem>>, vector<16xf32>,
      %mul3A_966 = arith.mulf %get3A_678, %get3A_961 : vector<16xf32>
      %mul3A_967 = arith.mulf %get3A_682, %get3A_965 : vector<16xf32>
      %add3A_968 = arith.addf %mul3A_966, %mul3A_967 : vector<16xf32>
      %swap3A_969 = arith.constant 2 : i32
      %swap3A_970 = arith.index_cast %swap3A_969 : i32 to index
      %swap3A_971 = arith.index_cast %mul3A_928 : i32 to index
      %swap3A_972 = tpu.vector_load %arg12[%swap3A_970, %swap3A_971] {strides = array<i32>} : memref<16x512xf32, #tpu.memory_space<vmem>>, vector<16xf32>,
      tpu.vector_store %arg12[%swap3A_970, %swap3A_971], %add3A_968 {strides = array<i32>} : memref<16x512xf32, #tpu.memory_space<vmem>>, vector<16xf32>,
      %get3A_973 = arith.constant 3 : i32
      %get3A_974 = arith.index_cast %get3A_973 : i32 to index
      %get3A_975 = arith.index_cast %mul3A_928 : i32 to index
      %get3A_976 = tpu.vector_load %arg8[%get3A_974, %get3A_975] {strides = array<i32>} : memref<16x512xf32, #tpu.memory_space<vmem>>, vector<16xf32>,
      %get3A_977 = arith.constant 3 : i32
      %get3A_978 = arith.index_cast %get3A_977 : i32 to index
      %get3A_979 = arith.index_cast %mul3A_928 : i32 to index
      %get3A_980 = tpu.vector_load %arg10[%get3A_978, %get3A_979] {strides = array<i32>} : memref<16x512xf32, #tpu.memory_space<vmem>>, vector<16xf32>,
      %mul3A_981 = arith.mulf %get3A_678, %get3A_976 : vector<16xf32>
      %mul3A_982 = arith.mulf %get3A_682, %get3A_980 : vector<16xf32>
      %add3A_983 = arith.addf %mul3A_981, %mul3A_982 : vector<16xf32>
      %swap3A_984 = arith.constant 3 : i32
      %swap3A_985 = arith.index_cast %swap3A_984 : i32 to index
      %swap3A_986 = arith.index_cast %mul3A_928 : i32 to index
      %swap3A_987 = tpu.vector_load %arg12[%swap3A_985, %swap3A_986] {strides = array<i32>} : memref<16x512xf32, #tpu.memory_space<vmem>>, vector<16xf32>,
      tpu.vector_store %arg12[%swap3A_985, %swap3A_986], %add3A_983 {strides = array<i32>} : memref<16x512xf32, #tpu.memory_space<vmem>>, vector<16xf32>,
      %get3A_988 = arith.constant 4 : i32
      %get3A_989 = arith.index_cast %get3A_988 : i32 to index
      %get3A_990 = arith.index_cast %mul3A_928 : i32 to index
      %get3A_991 = tpu.vector_load %arg8[%get3A_989, %get3A_990] {strides = array<i32>} : memref<16x512xf32, #tpu.memory_space<vmem>>, vector<16xf32>,
      %get3A_992 = arith.constant 4 : i32
      %get3A_993 = arith.index_cast %get3A_992 : i32 to index
      %get3A_994 = arith.index_cast %mul3A_928 : i32 to index
      %get3A_995 = tpu.vector_load %arg10[%get3A_993, %get3A_994] {strides = array<i32>} : memref<16x512xf32, #tpu.memory_space<vmem>>, vector<16xf32>,
      %mul3A_996 = arith.mulf %get3A_678, %get3A_991 : vector<16xf32>
      %mul3A_997 = arith.mulf %get3A_682, %get3A_995 : vector<16xf32>
      %add3A_998 = arith.addf %mul3A_996, %mul3A_997 : vector<16xf32>
      %swap3A_999 = arith.constant 4 : i32
      %swap3A_1000 = arith.index_cast %swap3A_999 : i32 to index
      %swap3A_1001 = arith.index_cast %mul3A_928 : i32 to index
      %swap3A_1002 = tpu.vector_load %arg12[%swap3A_1000, %swap3A_1001] {strides = array<i32>} : memref<16x512xf32, #tpu.memory_space<vmem>>, vector<16xf32>,
      tpu.vector_store %arg12[%swap3A_1000, %swap3A_1001], %add3A_998 {strides = array<i32>} : memref<16x512xf32, #tpu.memory_space<vmem>>, vector<16xf32>,
      %get3A_1003 = arith.constant 5 : i32
      %get3A_1004 = arith.index_cast %get3A_1003 : i32 to index
      %get3A_1005 = arith.index_cast %mul3A_928 : i32 to index
      %get3A_1006 = tpu.vector_load %arg8[%get3A_1004, %get3A_1005] {strides = array<i32>} : memref<16x512xf32, #tpu.memory_space<vmem>>, vector<16xf32>,
      %get3A_1007 = arith.constant 5 : i32
      %get3A_1008 = arith.index_cast %get3A_1007 : i32 to index
      %get3A_1009 = arith.index_cast %mul3A_928 : i32 to index
      %get3A_1010 = tpu.vector_load %arg10[%get3A_1008, %get3A_1009] {strides = array<i32>} : memref<16x512xf32, #tpu.memory_space<vmem>>, vector<16xf32>,
      %mul3A_1011 = arith.mulf %get3A_678, %get3A_1006 : vector<16xf32>
      %mul3A_1012 = arith.mulf %get3A_682, %get3A_1010 : vector<16xf32>
      %add3A_1013 = arith.addf %mul3A_1011, %mul3A_1012 : vector<16xf32>
      %swap3A_1014 = arith.constant 5 : i32
      %swap3A_1015 = arith.index_cast %swap3A_1014 : i32 to index
      %swap3A_1016 = arith.index_cast %mul3A_928 : i32 to index
      %swap3A_1017 = tpu.vector_load %arg12[%swap3A_1015, %swap3A_1016] {strides = array<i32>} : memref<16x512xf32, #tpu.memory_space<vmem>>, vector<16xf32>,
      tpu.vector_store %arg12[%swap3A_1015, %swap3A_1016], %add3A_1013 {strides = array<i32>} : memref<16x512xf32, #tpu.memory_space<vmem>>, vector<16xf32>,
      %get3A_1018 = arith.constant 6 : i32
      %get3A_1019 = arith.index_cast %get3A_1018 : i32 to index
      %get3A_1020 = arith.index_cast %mul3A_928 : i32 to index
      %get3A_1021 = tpu.vector_load %arg8[%get3A_1019, %get3A_1020] {strides = array<i32>} : memref<16x512xf32, #tpu.memory_space<vmem>>, vector<16xf32>,
      %get3A_1022 = arith.constant 6 : i32
      %get3A_1023 = arith.index_cast %get3A_1022 : i32 to index
      %get3A_1024 = arith.index_cast %mul3A_928 : i32 to index
      %get3A_1025 = tpu.vector_load %arg10[%get3A_1023, %get3A_1024] {strides = array<i32>} : memref<16x512xf32, #tpu.memory_space<vmem>>, vector<16xf32>,
      %mul3A_1026 = arith.mulf %get3A_678, %get3A_1021 : vector<16xf32>
      %mul3A_1027 = arith.mulf %get3A_682, %get3A_1025 : vector<16xf32>
      %add3A_1028 = arith.addf %mul3A_1026, %mul3A_1027 : vector<16xf32>
      %swap3A_1029 = arith.constant 6 : i32
      %swap3A_1030 = arith.index_cast %swap3A_1029 : i32 to index
      %swap3A_1031 = arith.index_cast %mul3A_928 : i32 to index
      %swap3A_1032 = tpu.vector_load %arg12[%swap3A_1030, %swap3A_1031] {strides = array<i32>} : memref<16x512xf32, #tpu.memory_space<vmem>>, vector<16xf32>,
      tpu.vector_store %arg12[%swap3A_1030, %swap3A_1031], %add3A_1028 {strides = array<i32>} : memref<16x512xf32, #tpu.memory_space<vmem>>, vector<16xf32>,
      %get3A_1033 = arith.constant 7 : i32
      %get3A_1034 = arith.index_cast %get3A_1033 : i32 to index
      %get3A_1035 = arith.index_cast %mul3A_928 : i32 to index
      %get3A_1036 = tpu.vector_load %arg8[%get3A_1034, %get3A_1035] {strides = array<i32>} : memref<16x512xf32, #tpu.memory_space<vmem>>, vector<16xf32>,
      %get3A_1037 = arith.constant 7 : i32
      %get3A_1038 = arith.index_cast %get3A_1037 : i32 to index
      %get3A_1039 = arith.index_cast %mul3A_928 : i32 to index
      %get3A_1040 = tpu.vector_load %arg10[%get3A_1038, %get3A_1039] {strides = array<i32>} : memref<16x512xf32, #tpu.memory_space<vmem>>, vector<16xf32>,
      %mul3A_1041 = arith.mulf %get3A_678, %get3A_1036 : vector<16xf32>
      %mul3A_1042 = arith.mulf %get3A_682, %get3A_1040 : vector<16xf32>
      %add3A_1043 = arith.addf %mul3A_1041, %mul3A_1042 : vector<16xf32>
      %swap3A_1044 = arith.constant 7 : i32
      %swap3A_1045 = arith.index_cast %swap3A_1044 : i32 to index
      %swap3A_1046 = arith.index_cast %mul3A_928 : i32 to index
      %swap3A_1047 = tpu.vector_load %arg12[%swap3A_1045, %swap3A_1046] {strides = array<i32>} : memref<16x512xf32, #tpu.memory_space<vmem>>, vector<16xf32>,
      tpu.vector_store %arg12[%swap3A_1045, %swap3A_1046], %add3A_1043 {strides = array<i32>} : memref<16x512xf32, #tpu.memory_space<vmem>>, vector<16xf32>,
      %get3A_1048 = arith.constant 8 : i32
      %get3A_1049 = arith.index_cast %get3A_1048 : i32 to index
      %get3A_1050 = arith.index_cast %mul3A_928 : i32 to index
      %get3A_1051 = tpu.vector_load %arg8[%get3A_1049, %get3A_1050] {strides = array<i32>} : memref<16x512xf32, #tpu.memory_space<vmem>>, vector<16xf32>,
      %get3A_1052 = arith.constant 8 : i32
      %get3A_1053 = arith.index_cast %get3A_1052 : i32 to index
      %get3A_1054 = arith.index_cast %mul3A_928 : i32 to index
      %get3A_1055 = tpu.vector_load %arg10[%get3A_1053, %get3A_1054] {strides = array<i32>} : memref<16x512xf32, #tpu.memory_space<vmem>>, vector<16xf32>,
      %mul3A_1056 = arith.mulf %get3A_678, %get3A_1051 : vector<16xf32>
      %mul3A_1057 = arith.mulf %get3A_682, %get3A_1055 : vector<16xf32>
      %add3A_1058 = arith.addf %mul3A_1056, %mul3A_1057 : vector<16xf32>
      %swap3A_1059 = arith.constant 8 : i32
      %swap3A_1060 = arith.index_cast %swap3A_1059 : i32 to index
      %swap3A_1061 = arith.index_cast %mul3A_928 : i32 to index
      %swap3A_1062 = tpu.vector_load %arg12[%swap3A_1060, %swap3A_1061] {strides = array<i32>} : memref<16x512xf32, #tpu.memory_space<vmem>>, vector<16xf32>,
      tpu.vector_store %arg12[%swap3A_1060, %swap3A_1061], %add3A_1058 {strides = array<i32>} : memref<16x512xf32, #tpu.memory_space<vmem>>, vector<16xf32>,
      %get3A_1063 = arith.constant 9 : i32
      %get3A_1064 = arith.index_cast %get3A_1063 : i32 to index
      %get3A_1065 = arith.index_cast %mul3A_928 : i32 to index
      %get3A_1066 = tpu.vector_load %arg8[%get3A_1064, %get3A_1065] {strides = array<i32>} : memref<16x512xf32, #tpu.memory_space<vmem>>, vector<16xf32>,
      %get3A_1067 = arith.constant 9 : i32
      %get3A_1068 = arith.index_cast %get3A_1067 : i32 to index
      %get3A_1069 = arith.index_cast %mul3A_928 : i32 to index
      %get3A_1070 = tpu.vector_load %arg10[%get3A_1068, %get3A_1069] {strides = array<i32>} : memref<16x512xf32, #tpu.memory_space<vmem>>, vector<16xf32>,
      %mul3A_1071 = arith.mulf %get3A_678, %get3A_1066 : vector<16xf32>
      %mul3A_1072 = arith.mulf %get3A_682, %get3A_1070 : vector<16xf32>
      %add3A_1073 = arith.addf %mul3A_1071, %mul3A_1072 : vector<16xf32>
      %swap3A_1074 = arith.constant 9 : i32
      %swap3A_1075 = arith.index_cast %swap3A_1074 : i32 to index
      %swap3A_1076 = arith.index_cast %mul3A_928 : i32 to index
      %swap3A_1077 = tpu.vector_load %arg12[%swap3A_1075, %swap3A_1076] {strides = array<i32>} : memref<16x512xf32, #tpu.memory_space<vmem>>, vector<16xf32>,
      tpu.vector_store %arg12[%swap3A_1075, %swap3A_1076], %add3A_1073 {strides = array<i32>} : memref<16x512xf32, #tpu.memory_space<vmem>>, vector<16xf32>,
      %get3A_1078 = arith.constant 10 : i32
      %get3A_1079 = arith.index_cast %get3A_1078 : i32 to index
      %get3A_1080 = arith.index_cast %mul3A_928 : i32 to index
      %get3A_1081 = tpu.vector_load %arg8[%get3A_1079, %get3A_1080] {strides = array<i32>} : memref<16x512xf32, #tpu.memory_space<vmem>>, vector<16xf32>,
      %get3A_1082 = arith.constant 10 : i32
      %get3A_1083 = arith.index_cast %get3A_1082 : i32 to index
      %get3A_1084 = arith.index_cast %mul3A_928 : i32 to index
      %get3A_1085 = tpu.vector_load %arg10[%get3A_1083, %get3A_1084] {strides = array<i32>} : memref<16x512xf32, #tpu.memory_space<vmem>>, vector<16xf32>,
      %mul3A_1086 = arith.mulf %get3A_678, %get3A_1081 : vector<16xf32>
      %mul3A_1087 = arith.mulf %get3A_682, %get3A_1085 : vector<16xf32>
      %add3A_1088 = arith.addf %mul3A_1086, %mul3A_1087 : vector<16xf32>
      %swap3A_1089 = arith.constant 10 : i32
      %swap3A_1090 = arith.index_cast %swap3A_1089 : i32 to index
      %swap3A_1091 = arith.index_cast %mul3A_928 : i32 to index
      %swap3A_1092 = tpu.vector_load %arg12[%swap3A_1090, %swap3A_1091] {strides = array<i32>} : memref<16x512xf32, #tpu.memory_space<vmem>>, vector<16xf32>,
      tpu.vector_store %arg12[%swap3A_1090, %swap3A_1091], %add3A_1088 {strides = array<i32>} : memref<16x512xf32, #tpu.memory_space<vmem>>, vector<16xf32>,
      %get3A_1093 = arith.constant 11 : i32
      %get3A_1094 = arith.index_cast %get3A_1093 : i32 to index
      %get3A_1095 = arith.index_cast %mul3A_928 : i32 to index
      %get3A_1096 = tpu.vector_load %arg8[%get3A_1094, %get3A_1095] {strides = array<i32>} : memref<16x512xf32, #tpu.memory_space<vmem>>, vector<16xf32>,
      %get3A_1097 = arith.constant 11 : i32
      %get3A_1098 = arith.index_cast %get3A_1097 : i32 to index
      %get3A_1099 = arith.index_cast %mul3A_928 : i32 to index
      %get3A_1100 = tpu.vector_load %arg10[%get3A_1098, %get3A_1099] {strides = array<i32>} : memref<16x512xf32, #tpu.memory_space<vmem>>, vector<16xf32>,
      %mul3A_1101 = arith.mulf %get3A_678, %get3A_1096 : vector<16xf32>
      %mul3A_1102 = arith.mulf %get3A_682, %get3A_1100 : vector<16xf32>
      %add3A_1103 = arith.addf %mul3A_1101, %mul3A_1102 : vector<16xf32>
      %swap3A_1104 = arith.constant 11 : i32
      %swap3A_1105 = arith.index_cast %swap3A_1104 : i32 to index
      %swap3A_1106 = arith.index_cast %mul3A_928 : i32 to index
      %swap3A_1107 = tpu.vector_load %arg12[%swap3A_1105, %swap3A_1106] {strides = array<i32>} : memref<16x512xf32, #tpu.memory_space<vmem>>, vector<16xf32>,
      tpu.vector_store %arg12[%swap3A_1105, %swap3A_1106], %add3A_1103 {strides = array<i32>} : memref<16x512xf32, #tpu.memory_space<vmem>>, vector<16xf32>,
      %get3A_1108 = arith.constant 12 : i32
      %get3A_1109 = arith.index_cast %get3A_1108 : i32 to index
      %get3A_1110 = arith.index_cast %mul3A_928 : i32 to index
      %get3A_1111 = tpu.vector_load %arg8[%get3A_1109, %get3A_1110] {strides = array<i32>} : memref<16x512xf32, #tpu.memory_space<vmem>>, vector<16xf32>,
      %get3A_1112 = arith.constant 12 : i32
      %get3A_1113 = arith.index_cast %get3A_1112 : i32 to index
      %get3A_1114 = arith.index_cast %mul3A_928 : i32 to index
      %get3A_1115 = tpu.vector_load %arg10[%get3A_1113, %get3A_1114] {strides = array<i32>} : memref<16x512xf32, #tpu.memory_space<vmem>>, vector<16xf32>,
      %mul3A_1116 = arith.mulf %get3A_678, %get3A_1111 : vector<16xf32>
      %mul3A_1117 = arith.mulf %get3A_682, %get3A_1115 : vector<16xf32>
      %add3A_1118 = arith.addf %mul3A_1116, %mul3A_1117 : vector<16xf32>
      %swap3A_1119 = arith.constant 12 : i32
      %swap3A_1120 = arith.index_cast %swap3A_1119 : i32 to index
      %swap3A_1121 = arith.index_cast %mul3A_928 : i32 to index
      %swap3A_1122 = tpu.vector_load %arg12[%swap3A_1120, %swap3A_1121] {strides = array<i32>} : memref<16x512xf32, #tpu.memory_space<vmem>>, vector<16xf32>,
      tpu.vector_store %arg12[%swap3A_1120, %swap3A_1121], %add3A_1118 {strides = array<i32>} : memref<16x512xf32, #tpu.memory_space<vmem>>, vector<16xf32>,
      %get3A_1123 = arith.constant 13 : i32
      %get3A_1124 = arith.index_cast %get3A_1123 : i32 to index
      %get3A_1125 = arith.index_cast %mul3A_928 : i32 to index
      %get3A_1126 = tpu.vector_load %arg8[%get3A_1124, %get3A_1125] {strides = array<i32>} : memref<16x512xf32, #tpu.memory_space<vmem>>, vector<16xf32>,
      %get3A_1127 = arith.constant 13 : i32
      %get3A_1128 = arith.index_cast %get3A_1127 : i32 to index
      %get3A_1129 = arith.index_cast %mul3A_928 : i32 to index
      %get3A_1130 = tpu.vector_load %arg10[%get3A_1128, %get3A_1129] {strides = array<i32>} : memref<16x512xf32, #tpu.memory_space<vmem>>, vector<16xf32>,
      %mul3A_1131 = arith.mulf %get3A_678, %get3A_1126 : vector<16xf32>
      %mul3A_1132 = arith.mulf %get3A_682, %get3A_1130 : vector<16xf32>
      %add3A_1133 = arith.addf %mul3A_1131, %mul3A_1132 : vector<16xf32>
      %swap3A_1134 = arith.constant 13 : i32
      %swap3A_1135 = arith.index_cast %swap3A_1134 : i32 to index
      %swap3A_1136 = arith.index_cast %mul3A_928 : i32 to index
      %swap3A_1137 = tpu.vector_load %arg12[%swap3A_1135, %swap3A_1136] {strides = array<i32>} : memref<16x512xf32, #tpu.memory_space<vmem>>, vector<16xf32>,
      tpu.vector_store %arg12[%swap3A_1135, %swap3A_1136], %add3A_1133 {strides = array<i32>} : memref<16x512xf32, #tpu.memory_space<vmem>>, vector<16xf32>,
      %get3A_1138 = arith.constant 14 : i32
      %get3A_1139 = arith.index_cast %get3A_1138 : i32 to index
      %get3A_1140 = arith.index_cast %mul3A_928 : i32 to index
      %get3A_1141 = tpu.vector_load %arg8[%get3A_1139, %get3A_1140] {strides = array<i32>} : memref<16x512xf32, #tpu.memory_space<vmem>>, vector<16xf32>,
      %get3A_1142 = arith.constant 14 : i32
      %get3A_1143 = arith.index_cast %get3A_1142 : i32 to index
      %get3A_1144 = arith.index_cast %mul3A_928 : i32 to index
      %get3A_1145 = tpu.vector_load %arg10[%get3A_1143, %get3A_1144] {strides = array<i32>} : memref<16x512xf32, #tpu.memory_space<vmem>>, vector<16xf32>,
      %mul3A_1146 = arith.mulf %get3A_678, %get3A_1141 : vector<16xf32>
      %mul3A_1147 = arith.mulf %get3A_682, %get3A_1145 : vector<16xf32>
      %add3A_1148 = arith.addf %mul3A_1146, %mul3A_1147 : vector<16xf32>
      %swap3A_1149 = arith.constant 14 : i32
      %swap3A_1150 = arith.index_cast %swap3A_1149 : i32 to index
      %swap3A_1151 = arith.index_cast %mul3A_928 : i32 to index
      %swap3A_1152 = tpu.vector_load %arg12[%swap3A_1150, %swap3A_1151] {strides = array<i32>} : memref<16x512xf32, #tpu.memory_space<vmem>>, vector<16xf32>,
      tpu.vector_store %arg12[%swap3A_1150, %swap3A_1151], %add3A_1148 {strides = array<i32>} : memref<16x512xf32, #tpu.memory_space<vmem>>, vector<16xf32>,
      %get3A_1153 = arith.constant 15 : i32
      %get3A_1154 = arith.index_cast %get3A_1153 : i32 to index
      %get3A_1155 = arith.index_cast %mul3A_928 : i32 to index
      %get3A_1156 = tpu.vector_load %arg8[%get3A_1154, %get3A_1155] {strides = array<i32>} : memref<16x512xf32, #tpu.memory_space<vmem>>, vector<16xf32>,
      %get3A_1157 = arith.constant 15 : i32
      %get3A_1158 = arith.index_cast %get3A_1157 : i32 to index
      %get3A_1159 = arith.index_cast %mul3A_928 : i32 to index
      %get3A_1160 = tpu.vector_load %arg10[%get3A_1158, %get3A_1159] {strides = array<i32>} : memref<16x512xf32, #tpu.memory_space<vmem>>, vector<16xf32>,
      %mul3A_1161 = arith.mulf %get3A_678, %get3A_1156 : vector<16xf32>
      %mul3A_1162 = arith.mulf %get3A_682, %get3A_1160 : vector<16xf32>
      %add3A_1163 = arith.addf %mul3A_1161, %mul3A_1162 : vector<16xf32>
      %swap3A_1164 = arith.constant 15 : i32
      %swap3A_1165 = arith.index_cast %swap3A_1164 : i32 to index
      %swap3A_1166 = arith.index_cast %mul3A_928 : i32 to index
      %swap3A_1167 = tpu.vector_load %arg12[%swap3A_1165, %swap3A_1166] {strides = array<i32>} : memref<16x512xf32, #tpu.memory_space<vmem>>, vector<16xf32>,
      tpu.vector_store %arg12[%swap3A_1165, %swap3A_1166], %add3A_1163 {strides = array<i32>} : memref<16x512xf32, #tpu.memory_space<vmem>>, vector<16xf32>,
    }
    %scan3A_688 = arith.constant 32 : i32
    %dma_start3A_689 = arith.constant 3 : i32
    %dma_start3A_690 = arith.constant 0 : i32
    %dma_start3A_691 = tpu.memref_slice %arg5[%dma_start3A_689, %dma_start3A_690, %mul3A_2] : memref<8x16x16384xf32, #tpu.memory_space<hbm>> -> memref<1x16x512xf32, #tpu.memory_space<hbm>>
    %dma_start3A_692 = tpu.memref_squeeze %dma_start3A_691 : memref<1x16x512xf32, #tpu.memory_space<hbm>> -> memref<16x512xf32, #tpu.memory_space<hbm>>
    %dma_start3A_693 = arith.constant 0 : i32
    %dma_start3A_694 = tpu.memref_slice %arg5[%dma_start3A_689, %dma_start3A_693, %mul3A_2] : memref<8x16x16384xf32, #tpu.memory_space<hbm>> -> memref<1x16x512xf32, #tpu.memory_space<hbm>>
    %dma_start3A_695 = tpu.memref_squeeze %dma_start3A_694 : memref<1x16x512xf32, #tpu.memory_space<hbm>> -> memref<16x512xf32, #tpu.memory_space<hbm>>
    tpu.enqueue_dma source(%arg12 : memref<16x512xf32, #tpu.memory_space<vmem>>) target(%dma_start3A_695 : memref<16x512xf32, #tpu.memory_space<hbm>>) target_semaphore(%arg18 : memref<!tpu.dma_semaphore, #tpu.memory_space<semaphore_mem>>)
    %convert_element_type3A_696 = arith.extui %reduce_or3A_349 : i1 to i32
    %cond3A_697 = arith.constant 0 : i32
    %cond3A_698 = arith.cmpi ne, %convert_element_type3A_696, %cond3A_697 : i32
    scf.if %cond3A_698 {
      %dma_start3A_926 = arith.constant 0 : i32
      %dma_start3A_927 = tpu.memref_slice %arg3[%dma_start3A_926, %mul3A_2] : memref<16x16384xf32, #tpu.memory_space<hbm>> -> memref<16x512xf32, #tpu.memory_space<hbm>>
      %dma_start3A_928 = arith.constant 0 : i32
      %dma_start3A_929 = tpu.memref_slice %arg3[%dma_start3A_928, %mul3A_2] : memref<16x16384xf32, #tpu.memory_space<hbm>> -> memref<16x512xf32, #tpu.memory_space<hbm>>
      tpu.enqueue_dma source(%dma_start3A_929 : memref<16x512xf32, #tpu.memory_space<hbm>>) target(%arg8 : memref<16x512xf32, #tpu.memory_space<vmem>>) target_semaphore(%arg14 : memref<!tpu.dma_semaphore, #tpu.memory_space<semaphore_mem>>)
    } else {
    }
    %not3A_699 = arith.constant true
    %not3A_700 = arith.xori %reduce_or3A_349, %not3A_699 : i1
    %convert_element_type3A_701 = arith.extui %not3A_700 : i1 to i32
    %cond3A_702 = arith.constant 0 : i32
    %cond3A_703 = arith.cmpi ne, %convert_element_type3A_701, %cond3A_702 : i32
    scf.if %cond3A_703 {
      %dma_start3A_926 = arith.constant 0 : i32
      %dma_start3A_927 = tpu.memref_slice %arg2[%reduce_max3A_323, %dma_start3A_926, %mul3A_2] : memref<64x16x16384xf32, #tpu.memory_space<hbm>> -> memref<1x16x512xf32, #tpu.memory_space<hbm>>
      %dma_start3A_928 = tpu.memref_squeeze %dma_start3A_927 : memref<1x16x512xf32, #tpu.memory_space<hbm>> -> memref<16x512xf32, #tpu.memory_space<hbm>>
      %dma_start3A_929 = arith.constant 0 : i32
      %dma_start3A_930 = tpu.memref_slice %arg2[%reduce_max3A_323, %dma_start3A_929, %mul3A_2] : memref<64x16x16384xf32, #tpu.memory_space<hbm>> -> memref<1x16x512xf32, #tpu.memory_space<hbm>>
      %dma_start3A_931 = tpu.memref_squeeze %dma_start3A_930 : memref<1x16x512xf32, #tpu.memory_space<hbm>> -> memref<16x512xf32, #tpu.memory_space<hbm>>
      tpu.enqueue_dma source(%dma_start3A_931 : memref<16x512xf32, #tpu.memory_space<hbm>>) target(%arg8 : memref<16x512xf32, #tpu.memory_space<vmem>>) target_semaphore(%arg14 : memref<!tpu.dma_semaphore, #tpu.memory_space<semaphore_mem>>)
    } else {
    }
    %convert_element_type3A_704 = arith.extui %reduce_or3A_364 : i1 to i32
    %cond3A_705 = arith.constant 0 : i32
    %cond3A_706 = arith.cmpi ne, %convert_element_type3A_704, %cond3A_705 : i32
    scf.if %cond3A_706 {
      %dma_start3A_926 = arith.constant 0 : i32
      %dma_start3A_927 = tpu.memref_slice %arg3[%dma_start3A_926, %mul3A_2] : memref<16x16384xf32, #tpu.memory_space<hbm>> -> memref<16x512xf32, #tpu.memory_space<hbm>>
      %dma_start3A_928 = arith.constant 0 : i32
      %dma_start3A_929 = tpu.memref_slice %arg3[%dma_start3A_928, %mul3A_2] : memref<16x16384xf32, #tpu.memory_space<hbm>> -> memref<16x512xf32, #tpu.memory_space<hbm>>
      tpu.enqueue_dma source(%dma_start3A_929 : memref<16x512xf32, #tpu.memory_space<hbm>>) target(%arg10 : memref<16x512xf32, #tpu.memory_space<vmem>>) target_semaphore(%arg16 : memref<!tpu.dma_semaphore, #tpu.memory_space<semaphore_mem>>)
    } else {
    }
    %not3A_707 = arith.constant true
    %not3A_708 = arith.xori %reduce_or3A_364, %not3A_707 : i1
    %convert_element_type3A_709 = arith.extui %not3A_708 : i1 to i32
    %cond3A_710 = arith.constant 0 : i32
    %cond3A_711 = arith.cmpi ne, %convert_element_type3A_709, %cond3A_710 : i32
    scf.if %cond3A_711 {
      %dma_start3A_926 = arith.constant 0 : i32
      %dma_start3A_927 = tpu.memref_slice %arg2[%reduce_max3A_334, %dma_start3A_926, %mul3A_2] : memref<64x16x16384xf32, #tpu.memory_space<hbm>> -> memref<1x16x512xf32, #tpu.memory_space<hbm>>
      %dma_start3A_928 = tpu.memref_squeeze %dma_start3A_927 : memref<1x16x512xf32, #tpu.memory_space<hbm>> -> memref<16x512xf32, #tpu.memory_space<hbm>>
      %dma_start3A_929 = arith.constant 0 : i32
      %dma_start3A_930 = tpu.memref_slice %arg2[%reduce_max3A_334, %dma_start3A_929, %mul3A_2] : memref<64x16x16384xf32, #tpu.memory_space<hbm>> -> memref<1x16x512xf32, #tpu.memory_space<hbm>>
      %dma_start3A_931 = tpu.memref_squeeze %dma_start3A_930 : memref<1x16x512xf32, #tpu.memory_space<hbm>> -> memref<16x512xf32, #tpu.memory_space<hbm>>
      tpu.enqueue_dma source(%dma_start3A_931 : memref<16x512xf32, #tpu.memory_space<hbm>>) target(%arg10 : memref<16x512xf32, #tpu.memory_space<vmem>>) target_semaphore(%arg16 : memref<!tpu.dma_semaphore, #tpu.memory_space<semaphore_mem>>)
    } else {
    }
    %dma_wait3A_712 = arith.constant 0 : i32
    %dma_wait3A_713 = arith.constant 0 : i32
    %dma_wait3A_714 = tpu.memref_slice %arg2[%dma_wait3A_712, %dma_wait3A_713, %mul3A_2] : memref<64x16x16384xf32, #tpu.memory_space<hbm>> -> memref<1x16x512xf32, #tpu.memory_space<hbm>>
    %dma_wait3A_715 = tpu.memref_squeeze %dma_wait3A_714 : memref<1x16x512xf32, #tpu.memory_space<hbm>> -> memref<16x512xf32, #tpu.memory_space<hbm>>
    %dma_wait3A_716 = arith.constant 0 : i32
    %dma_wait3A_717 = tpu.memref_slice %arg2[%dma_wait3A_712, %dma_wait3A_716, %mul3A_2] : memref<64x16x16384xf32, #tpu.memory_space<hbm>> -> memref<1x16x512xf32, #tpu.memory_space<hbm>>
    %dma_wait3A_718 = tpu.memref_squeeze %dma_wait3A_717 : memref<1x16x512xf32, #tpu.memory_space<hbm>> -> memref<16x512xf32, #tpu.memory_space<hbm>>
    tpu.wait_dma2 semaphore(%arg13 : memref<!tpu.dma_semaphore, #tpu.memory_space<semaphore_mem>>) src(%dma_wait3A_718 : memref<16x512xf32, #tpu.memory_space<hbm>>) dst(%arg7 : memref<16x512xf32, #tpu.memory_space<vmem>>)
    %dma_wait3A_719 = arith.constant 0 : i32
    %dma_wait3A_720 = arith.constant 0 : i32
    %dma_wait3A_721 = tpu.memref_slice %arg2[%dma_wait3A_719, %dma_wait3A_720, %mul3A_2] : memref<64x16x16384xf32, #tpu.memory_space<hbm>> -> memref<1x16x512xf32, #tpu.memory_space<hbm>>
    %dma_wait3A_722 = tpu.memref_squeeze %dma_wait3A_721 : memref<1x16x512xf32, #tpu.memory_space<hbm>> -> memref<16x512xf32, #tpu.memory_space<hbm>>
    %dma_wait3A_723 = arith.constant 0 : i32
    %dma_wait3A_724 = tpu.memref_slice %arg2[%dma_wait3A_719, %dma_wait3A_723, %mul3A_2] : memref<64x16x16384xf32, #tpu.memory_space<hbm>> -> memref<1x16x512xf32, #tpu.memory_space<hbm>>
    %dma_wait3A_725 = tpu.memref_squeeze %dma_wait3A_724 : memref<1x16x512xf32, #tpu.memory_space<hbm>> -> memref<16x512xf32, #tpu.memory_space<hbm>>
    tpu.wait_dma2 semaphore(%arg15 : memref<!tpu.dma_semaphore, #tpu.memory_space<semaphore_mem>>) src(%dma_wait3A_725 : memref<16x512xf32, #tpu.memory_space<hbm>>) dst(%arg9 : memref<16x512xf32, #tpu.memory_space<vmem>>)
    %dma_wait3A_726 = arith.constant 2 : i32
    %dma_wait3A_727 = arith.constant 0 : i32
    %dma_wait3A_728 = tpu.memref_slice %arg5[%dma_wait3A_726, %dma_wait3A_727, %mul3A_2] : memref<8x16x16384xf32, #tpu.memory_space<hbm>> -> memref<1x16x512xf32, #tpu.memory_space<hbm>>
    %dma_wait3A_729 = tpu.memref_squeeze %dma_wait3A_728 : memref<1x16x512xf32, #tpu.memory_space<hbm>> -> memref<16x512xf32, #tpu.memory_space<hbm>>
    %dma_wait3A_730 = arith.constant 0 : i32
    %dma_wait3A_731 = tpu.memref_slice %arg5[%dma_wait3A_726, %dma_wait3A_730, %mul3A_2] : memref<8x16x16384xf32, #tpu.memory_space<hbm>> -> memref<1x16x512xf32, #tpu.memory_space<hbm>>
    %dma_wait3A_732 = tpu.memref_squeeze %dma_wait3A_731 : memref<1x16x512xf32, #tpu.memory_space<hbm>> -> memref<16x512xf32, #tpu.memory_space<hbm>>
    tpu.wait_dma2 semaphore(%arg17 : memref<!tpu.dma_semaphore, #tpu.memory_space<semaphore_mem>>) src(%arg11 : memref<16x512xf32, #tpu.memory_space<vmem>>) dst(%dma_wait3A_732 : memref<16x512xf32, #tpu.memory_space<hbm>>)
    %get3A_733 = arith.constant 0 : i32
    %get3A_734 = arith.index_cast %get3A_733 : i32 to index
    %get3A_735 = arith.constant 64 : index
    %get3A_736 = tpu.vector_load %arg6[%get3A_734, %get3A_735] {strides = array<i32>} : memref<8x128xf32, #tpu.memory_space<vmem>>, vector<16xf32>,
    %get3A_737 = arith.constant 1 : i32
    %get3A_738 = arith.index_cast %get3A_737 : i32 to index
    %get3A_739 = arith.constant 64 : index
    %get3A_740 = tpu.vector_load %arg6[%get3A_738, %get3A_739] {strides = array<i32>} : memref<8x128xf32, #tpu.memory_space<vmem>>, vector<16xf32>,
    %scan3A_741 = arith.constant 0 : i32
    %scan3A_742 = arith.constant 0 : i32
    %scan3A_743 = arith.constant 32 : i32
    %scan3A_744 = arith.addi %scan3A_742, %scan3A_743 : i32
    %scan3A_745 = arith.constant 1 : i32
    scf.for %scan3A_926 = %scan3A_742 to %scan3A_744 step %scan3A_745  : i32 {
      %mul3A_927 = arith.constant 16 : i32
      %mul3A_928 = arith.muli %scan3A_926, %mul3A_927 : i32
      %get3A_929 = arith.constant 0 : i32
      %get3A_930 = arith.index_cast %get3A_929 : i32 to index
      %get3A_931 = arith.index_cast %mul3A_928 : i32 to index
      %get3A_932 = tpu.vector_load %arg7[%get3A_930, %get3A_931] {strides = array<i32>} : memref<16x512xf32, #tpu.memory_space<vmem>>, vector<16xf32>,
      %get3A_933 = arith.constant 0 : i32
      %get3A_934 = arith.index_cast %get3A_933 : i32 to index
      %get3A_935 = arith.index_cast %mul3A_928 : i32 to index
      %get3A_936 = tpu.vector_load %arg9[%get3A_934, %get3A_935] {strides = array<i32>} : memref<16x512xf32, #tpu.memory_space<vmem>>, vector<16xf32>,
      %mul3A_937 = arith.mulf %get3A_736, %get3A_932 : vector<16xf32>
      %mul3A_938 = arith.mulf %get3A_740, %get3A_936 : vector<16xf32>
      %add3A_939 = arith.addf %mul3A_937, %mul3A_938 : vector<16xf32>
      %swap3A = arith.constant 0 : i32
      %swap3A_940 = arith.index_cast %swap3A : i32 to index
      %swap3A_941 = arith.index_cast %mul3A_928 : i32 to index
      %swap3A_942 = tpu.vector_load %arg11[%swap3A_940, %swap3A_941] {strides = array<i32>} : memref<16x512xf32, #tpu.memory_space<vmem>>, vector<16xf32>,
      tpu.vector_store %arg11[%swap3A_940, %swap3A_941], %add3A_939 {strides = array<i32>} : memref<16x512xf32, #tpu.memory_space<vmem>>, vector<16xf32>,
      %get3A_943 = arith.constant 1 : i32
      %get3A_944 = arith.index_cast %get3A_943 : i32 to index
      %get3A_945 = arith.index_cast %mul3A_928 : i32 to index
      %get3A_946 = tpu.vector_load %arg7[%get3A_944, %get3A_945] {strides = array<i32>} : memref<16x512xf32, #tpu.memory_space<vmem>>, vector<16xf32>,
      %get3A_947 = arith.constant 1 : i32
      %get3A_948 = arith.index_cast %get3A_947 : i32 to index
      %get3A_949 = arith.index_cast %mul3A_928 : i32 to index
      %get3A_950 = tpu.vector_load %arg9[%get3A_948, %get3A_949] {strides = array<i32>} : memref<16x512xf32, #tpu.memory_space<vmem>>, vector<16xf32>,
      %mul3A_951 = arith.mulf %get3A_736, %get3A_946 : vector<16xf32>
      %mul3A_952 = arith.mulf %get3A_740, %get3A_950 : vector<16xf32>
      %add3A_953 = arith.addf %mul3A_951, %mul3A_952 : vector<16xf32>
      %swap3A_954 = arith.constant 1 : i32
      %swap3A_955 = arith.index_cast %swap3A_954 : i32 to index
      %swap3A_956 = arith.index_cast %mul3A_928 : i32 to index
      %swap3A_957 = tpu.vector_load %arg11[%swap3A_955, %swap3A_956] {strides = array<i32>} : memref<16x512xf32, #tpu.memory_space<vmem>>, vector<16xf32>,
      tpu.vector_store %arg11[%swap3A_955, %swap3A_956], %add3A_953 {strides = array<i32>} : memref<16x512xf32, #tpu.memory_space<vmem>>, vector<16xf32>,
      %get3A_958 = arith.constant 2 : i32
      %get3A_959 = arith.index_cast %get3A_958 : i32 to index
      %get3A_960 = arith.index_cast %mul3A_928 : i32 to index
      %get3A_961 = tpu.vector_load %arg7[%get3A_959, %get3A_960] {strides = array<i32>} : memref<16x512xf32, #tpu.memory_space<vmem>>, vector<16xf32>,
      %get3A_962 = arith.constant 2 : i32
      %get3A_963 = arith.index_cast %get3A_962 : i32 to index
      %get3A_964 = arith.index_cast %mul3A_928 : i32 to index
      %get3A_965 = tpu.vector_load %arg9[%get3A_963, %get3A_964] {strides = array<i32>} : memref<16x512xf32, #tpu.memory_space<vmem>>, vector<16xf32>,
      %mul3A_966 = arith.mulf %get3A_736, %get3A_961 : vector<16xf32>
      %mul3A_967 = arith.mulf %get3A_740, %get3A_965 : vector<16xf32>
      %add3A_968 = arith.addf %mul3A_966, %mul3A_967 : vector<16xf32>
      %swap3A_969 = arith.constant 2 : i32
      %swap3A_970 = arith.index_cast %swap3A_969 : i32 to index
      %swap3A_971 = arith.index_cast %mul3A_928 : i32 to index
      %swap3A_972 = tpu.vector_load %arg11[%swap3A_970, %swap3A_971] {strides = array<i32>} : memref<16x512xf32, #tpu.memory_space<vmem>>, vector<16xf32>,
      tpu.vector_store %arg11[%swap3A_970, %swap3A_971], %add3A_968 {strides = array<i32>} : memref<16x512xf32, #tpu.memory_space<vmem>>, vector<16xf32>,
      %get3A_973 = arith.constant 3 : i32
      %get3A_974 = arith.index_cast %get3A_973 : i32 to index
      %get3A_975 = arith.index_cast %mul3A_928 : i32 to index
      %get3A_976 = tpu.vector_load %arg7[%get3A_974, %get3A_975] {strides = array<i32>} : memref<16x512xf32, #tpu.memory_space<vmem>>, vector<16xf32>,
      %get3A_977 = arith.constant 3 : i32
      %get3A_978 = arith.index_cast %get3A_977 : i32 to index
      %get3A_979 = arith.index_cast %mul3A_928 : i32 to index
      %get3A_980 = tpu.vector_load %arg9[%get3A_978, %get3A_979] {strides = array<i32>} : memref<16x512xf32, #tpu.memory_space<vmem>>, vector<16xf32>,
      %mul3A_981 = arith.mulf %get3A_736, %get3A_976 : vector<16xf32>
      %mul3A_982 = arith.mulf %get3A_740, %get3A_980 : vector<16xf32>
      %add3A_983 = arith.addf %mul3A_981, %mul3A_982 : vector<16xf32>
      %swap3A_984 = arith.constant 3 : i32
      %swap3A_985 = arith.index_cast %swap3A_984 : i32 to index
      %swap3A_986 = arith.index_cast %mul3A_928 : i32 to index
      %swap3A_987 = tpu.vector_load %arg11[%swap3A_985, %swap3A_986] {strides = array<i32>} : memref<16x512xf32, #tpu.memory_space<vmem>>, vector<16xf32>,
      tpu.vector_store %arg11[%swap3A_985, %swap3A_986], %add3A_983 {strides = array<i32>} : memref<16x512xf32, #tpu.memory_space<vmem>>, vector<16xf32>,
      %get3A_988 = arith.constant 4 : i32
      %get3A_989 = arith.index_cast %get3A_988 : i32 to index
      %get3A_990 = arith.index_cast %mul3A_928 : i32 to index
      %get3A_991 = tpu.vector_load %arg7[%get3A_989, %get3A_990] {strides = array<i32>} : memref<16x512xf32, #tpu.memory_space<vmem>>, vector<16xf32>,
      %get3A_992 = arith.constant 4 : i32
      %get3A_993 = arith.index_cast %get3A_992 : i32 to index
      %get3A_994 = arith.index_cast %mul3A_928 : i32 to index
      %get3A_995 = tpu.vector_load %arg9[%get3A_993, %get3A_994] {strides = array<i32>} : memref<16x512xf32, #tpu.memory_space<vmem>>, vector<16xf32>,
      %mul3A_996 = arith.mulf %get3A_736, %get3A_991 : vector<16xf32>
      %mul3A_997 = arith.mulf %get3A_740, %get3A_995 : vector<16xf32>
      %add3A_998 = arith.addf %mul3A_996, %mul3A_997 : vector<16xf32>
      %swap3A_999 = arith.constant 4 : i32
      %swap3A_1000 = arith.index_cast %swap3A_999 : i32 to index
      %swap3A_1001 = arith.index_cast %mul3A_928 : i32 to index
      %swap3A_1002 = tpu.vector_load %arg11[%swap3A_1000, %swap3A_1001] {strides = array<i32>} : memref<16x512xf32, #tpu.memory_space<vmem>>, vector<16xf32>,
      tpu.vector_store %arg11[%swap3A_1000, %swap3A_1001], %add3A_998 {strides = array<i32>} : memref<16x512xf32, #tpu.memory_space<vmem>>, vector<16xf32>,
      %get3A_1003 = arith.constant 5 : i32
      %get3A_1004 = arith.index_cast %get3A_1003 : i32 to index
      %get3A_1005 = arith.index_cast %mul3A_928 : i32 to index
      %get3A_1006 = tpu.vector_load %arg7[%get3A_1004, %get3A_1005] {strides = array<i32>} : memref<16x512xf32, #tpu.memory_space<vmem>>, vector<16xf32>,
      %get3A_1007 = arith.constant 5 : i32
      %get3A_1008 = arith.index_cast %get3A_1007 : i32 to index
      %get3A_1009 = arith.index_cast %mul3A_928 : i32 to index
      %get3A_1010 = tpu.vector_load %arg9[%get3A_1008, %get3A_1009] {strides = array<i32>} : memref<16x512xf32, #tpu.memory_space<vmem>>, vector<16xf32>,
      %mul3A_1011 = arith.mulf %get3A_736, %get3A_1006 : vector<16xf32>
      %mul3A_1012 = arith.mulf %get3A_740, %get3A_1010 : vector<16xf32>
      %add3A_1013 = arith.addf %mul3A_1011, %mul3A_1012 : vector<16xf32>
      %swap3A_1014 = arith.constant 5 : i32
      %swap3A_1015 = arith.index_cast %swap3A_1014 : i32 to index
      %swap3A_1016 = arith.index_cast %mul3A_928 : i32 to index
      %swap3A_1017 = tpu.vector_load %arg11[%swap3A_1015, %swap3A_1016] {strides = array<i32>} : memref<16x512xf32, #tpu.memory_space<vmem>>, vector<16xf32>,
      tpu.vector_store %arg11[%swap3A_1015, %swap3A_1016], %add3A_1013 {strides = array<i32>} : memref<16x512xf32, #tpu.memory_space<vmem>>, vector<16xf32>,
      %get3A_1018 = arith.constant 6 : i32
      %get3A_1019 = arith.index_cast %get3A_1018 : i32 to index
      %get3A_1020 = arith.index_cast %mul3A_928 : i32 to index
      %get3A_1021 = tpu.vector_load %arg7[%get3A_1019, %get3A_1020] {strides = array<i32>} : memref<16x512xf32, #tpu.memory_space<vmem>>, vector<16xf32>,
      %get3A_1022 = arith.constant 6 : i32
      %get3A_1023 = arith.index_cast %get3A_1022 : i32 to index
      %get3A_1024 = arith.index_cast %mul3A_928 : i32 to index
      %get3A_1025 = tpu.vector_load %arg9[%get3A_1023, %get3A_1024] {strides = array<i32>} : memref<16x512xf32, #tpu.memory_space<vmem>>, vector<16xf32>,
      %mul3A_1026 = arith.mulf %get3A_736, %get3A_1021 : vector<16xf32>
      %mul3A_1027 = arith.mulf %get3A_740, %get3A_1025 : vector<16xf32>
      %add3A_1028 = arith.addf %mul3A_1026, %mul3A_1027 : vector<16xf32>
      %swap3A_1029 = arith.constant 6 : i32
      %swap3A_1030 = arith.index_cast %swap3A_1029 : i32 to index
      %swap3A_1031 = arith.index_cast %mul3A_928 : i32 to index
      %swap3A_1032 = tpu.vector_load %arg11[%swap3A_1030, %swap3A_1031] {strides = array<i32>} : memref<16x512xf32, #tpu.memory_space<vmem>>, vector<16xf32>,
      tpu.vector_store %arg11[%swap3A_1030, %swap3A_1031], %add3A_1028 {strides = array<i32>} : memref<16x512xf32, #tpu.memory_space<vmem>>, vector<16xf32>,
      %get3A_1033 = arith.constant 7 : i32
      %get3A_1034 = arith.index_cast %get3A_1033 : i32 to index
      %get3A_1035 = arith.index_cast %mul3A_928 : i32 to index
      %get3A_1036 = tpu.vector_load %arg7[%get3A_1034, %get3A_1035] {strides = array<i32>} : memref<16x512xf32, #tpu.memory_space<vmem>>, vector<16xf32>,
      %get3A_1037 = arith.constant 7 : i32
      %get3A_1038 = arith.index_cast %get3A_1037 : i32 to index
      %get3A_1039 = arith.index_cast %mul3A_928 : i32 to index
      %get3A_1040 = tpu.vector_load %arg9[%get3A_1038, %get3A_1039] {strides = array<i32>} : memref<16x512xf32, #tpu.memory_space<vmem>>, vector<16xf32>,
      %mul3A_1041 = arith.mulf %get3A_736, %get3A_1036 : vector<16xf32>
      %mul3A_1042 = arith.mulf %get3A_740, %get3A_1040 : vector<16xf32>
      %add3A_1043 = arith.addf %mul3A_1041, %mul3A_1042 : vector<16xf32>
      %swap3A_1044 = arith.constant 7 : i32
      %swap3A_1045 = arith.index_cast %swap3A_1044 : i32 to index
      %swap3A_1046 = arith.index_cast %mul3A_928 : i32 to index
      %swap3A_1047 = tpu.vector_load %arg11[%swap3A_1045, %swap3A_1046] {strides = array<i32>} : memref<16x512xf32, #tpu.memory_space<vmem>>, vector<16xf32>,
      tpu.vector_store %arg11[%swap3A_1045, %swap3A_1046], %add3A_1043 {strides = array<i32>} : memref<16x512xf32, #tpu.memory_space<vmem>>, vector<16xf32>,
      %get3A_1048 = arith.constant 8 : i32
      %get3A_1049 = arith.index_cast %get3A_1048 : i32 to index
      %get3A_1050 = arith.index_cast %mul3A_928 : i32 to index
      %get3A_1051 = tpu.vector_load %arg7[%get3A_1049, %get3A_1050] {strides = array<i32>} : memref<16x512xf32, #tpu.memory_space<vmem>>, vector<16xf32>,
      %get3A_1052 = arith.constant 8 : i32
      %get3A_1053 = arith.index_cast %get3A_1052 : i32 to index
      %get3A_1054 = arith.index_cast %mul3A_928 : i32 to index
      %get3A_1055 = tpu.vector_load %arg9[%get3A_1053, %get3A_1054] {strides = array<i32>} : memref<16x512xf32, #tpu.memory_space<vmem>>, vector<16xf32>,
      %mul3A_1056 = arith.mulf %get3A_736, %get3A_1051 : vector<16xf32>
      %mul3A_1057 = arith.mulf %get3A_740, %get3A_1055 : vector<16xf32>
      %add3A_1058 = arith.addf %mul3A_1056, %mul3A_1057 : vector<16xf32>
      %swap3A_1059 = arith.constant 8 : i32
      %swap3A_1060 = arith.index_cast %swap3A_1059 : i32 to index
      %swap3A_1061 = arith.index_cast %mul3A_928 : i32 to index
      %swap3A_1062 = tpu.vector_load %arg11[%swap3A_1060, %swap3A_1061] {strides = array<i32>} : memref<16x512xf32, #tpu.memory_space<vmem>>, vector<16xf32>,
      tpu.vector_store %arg11[%swap3A_1060, %swap3A_1061], %add3A_1058 {strides = array<i32>} : memref<16x512xf32, #tpu.memory_space<vmem>>, vector<16xf32>,
      %get3A_1063 = arith.constant 9 : i32
      %get3A_1064 = arith.index_cast %get3A_1063 : i32 to index
      %get3A_1065 = arith.index_cast %mul3A_928 : i32 to index
      %get3A_1066 = tpu.vector_load %arg7[%get3A_1064, %get3A_1065] {strides = array<i32>} : memref<16x512xf32, #tpu.memory_space<vmem>>, vector<16xf32>,
      %get3A_1067 = arith.constant 9 : i32
      %get3A_1068 = arith.index_cast %get3A_1067 : i32 to index
      %get3A_1069 = arith.index_cast %mul3A_928 : i32 to index
      %get3A_1070 = tpu.vector_load %arg9[%get3A_1068, %get3A_1069] {strides = array<i32>} : memref<16x512xf32, #tpu.memory_space<vmem>>, vector<16xf32>,
      %mul3A_1071 = arith.mulf %get3A_736, %get3A_1066 : vector<16xf32>
      %mul3A_1072 = arith.mulf %get3A_740, %get3A_1070 : vector<16xf32>
      %add3A_1073 = arith.addf %mul3A_1071, %mul3A_1072 : vector<16xf32>
      %swap3A_1074 = arith.constant 9 : i32
      %swap3A_1075 = arith.index_cast %swap3A_1074 : i32 to index
      %swap3A_1076 = arith.index_cast %mul3A_928 : i32 to index
      %swap3A_1077 = tpu.vector_load %arg11[%swap3A_1075, %swap3A_1076] {strides = array<i32>} : memref<16x512xf32, #tpu.memory_space<vmem>>, vector<16xf32>,
      tpu.vector_store %arg11[%swap3A_1075, %swap3A_1076], %add3A_1073 {strides = array<i32>} : memref<16x512xf32, #tpu.memory_space<vmem>>, vector<16xf32>,
      %get3A_1078 = arith.constant 10 : i32
      %get3A_1079 = arith.index_cast %get3A_1078 : i32 to index
      %get3A_1080 = arith.index_cast %mul3A_928 : i32 to index
      %get3A_1081 = tpu.vector_load %arg7[%get3A_1079, %get3A_1080] {strides = array<i32>} : memref<16x512xf32, #tpu.memory_space<vmem>>, vector<16xf32>,
      %get3A_1082 = arith.constant 10 : i32
      %get3A_1083 = arith.index_cast %get3A_1082 : i32 to index
      %get3A_1084 = arith.index_cast %mul3A_928 : i32 to index
      %get3A_1085 = tpu.vector_load %arg9[%get3A_1083, %get3A_1084] {strides = array<i32>} : memref<16x512xf32, #tpu.memory_space<vmem>>, vector<16xf32>,
      %mul3A_1086 = arith.mulf %get3A_736, %get3A_1081 : vector<16xf32>
      %mul3A_1087 = arith.mulf %get3A_740, %get3A_1085 : vector<16xf32>
      %add3A_1088 = arith.addf %mul3A_1086, %mul3A_1087 : vector<16xf32>
      %swap3A_1089 = arith.constant 10 : i32
      %swap3A_1090 = arith.index_cast %swap3A_1089 : i32 to index
      %swap3A_1091 = arith.index_cast %mul3A_928 : i32 to index
      %swap3A_1092 = tpu.vector_load %arg11[%swap3A_1090, %swap3A_1091] {strides = array<i32>} : memref<16x512xf32, #tpu.memory_space<vmem>>, vector<16xf32>,
      tpu.vector_store %arg11[%swap3A_1090, %swap3A_1091], %add3A_1088 {strides = array<i32>} : memref<16x512xf32, #tpu.memory_space<vmem>>, vector<16xf32>,
      %get3A_1093 = arith.constant 11 : i32
      %get3A_1094 = arith.index_cast %get3A_1093 : i32 to index
      %get3A_1095 = arith.index_cast %mul3A_928 : i32 to index
      %get3A_1096 = tpu.vector_load %arg7[%get3A_1094, %get3A_1095] {strides = array<i32>} : memref<16x512xf32, #tpu.memory_space<vmem>>, vector<16xf32>,
      %get3A_1097 = arith.constant 11 : i32
      %get3A_1098 = arith.index_cast %get3A_1097 : i32 to index
      %get3A_1099 = arith.index_cast %mul3A_928 : i32 to index
      %get3A_1100 = tpu.vector_load %arg9[%get3A_1098, %get3A_1099] {strides = array<i32>} : memref<16x512xf32, #tpu.memory_space<vmem>>, vector<16xf32>,
      %mul3A_1101 = arith.mulf %get3A_736, %get3A_1096 : vector<16xf32>
      %mul3A_1102 = arith.mulf %get3A_740, %get3A_1100 : vector<16xf32>
      %add3A_1103 = arith.addf %mul3A_1101, %mul3A_1102 : vector<16xf32>
      %swap3A_1104 = arith.constant 11 : i32
      %swap3A_1105 = arith.index_cast %swap3A_1104 : i32 to index
      %swap3A_1106 = arith.index_cast %mul3A_928 : i32 to index
      %swap3A_1107 = tpu.vector_load %arg11[%swap3A_1105, %swap3A_1106] {strides = array<i32>} : memref<16x512xf32, #tpu.memory_space<vmem>>, vector<16xf32>,
      tpu.vector_store %arg11[%swap3A_1105, %swap3A_1106], %add3A_1103 {strides = array<i32>} : memref<16x512xf32, #tpu.memory_space<vmem>>, vector<16xf32>,
      %get3A_1108 = arith.constant 12 : i32
      %get3A_1109 = arith.index_cast %get3A_1108 : i32 to index
      %get3A_1110 = arith.index_cast %mul3A_928 : i32 to index
      %get3A_1111 = tpu.vector_load %arg7[%get3A_1109, %get3A_1110] {strides = array<i32>} : memref<16x512xf32, #tpu.memory_space<vmem>>, vector<16xf32>,
      %get3A_1112 = arith.constant 12 : i32
      %get3A_1113 = arith.index_cast %get3A_1112 : i32 to index
      %get3A_1114 = arith.index_cast %mul3A_928 : i32 to index
      %get3A_1115 = tpu.vector_load %arg9[%get3A_1113, %get3A_1114] {strides = array<i32>} : memref<16x512xf32, #tpu.memory_space<vmem>>, vector<16xf32>,
      %mul3A_1116 = arith.mulf %get3A_736, %get3A_1111 : vector<16xf32>
      %mul3A_1117 = arith.mulf %get3A_740, %get3A_1115 : vector<16xf32>
      %add3A_1118 = arith.addf %mul3A_1116, %mul3A_1117 : vector<16xf32>
      %swap3A_1119 = arith.constant 12 : i32
      %swap3A_1120 = arith.index_cast %swap3A_1119 : i32 to index
      %swap3A_1121 = arith.index_cast %mul3A_928 : i32 to index
      %swap3A_1122 = tpu.vector_load %arg11[%swap3A_1120, %swap3A_1121] {strides = array<i32>} : memref<16x512xf32, #tpu.memory_space<vmem>>, vector<16xf32>,
      tpu.vector_store %arg11[%swap3A_1120, %swap3A_1121], %add3A_1118 {strides = array<i32>} : memref<16x512xf32, #tpu.memory_space<vmem>>, vector<16xf32>,
      %get3A_1123 = arith.constant 13 : i32
      %get3A_1124 = arith.index_cast %get3A_1123 : i32 to index
      %get3A_1125 = arith.index_cast %mul3A_928 : i32 to index
      %get3A_1126 = tpu.vector_load %arg7[%get3A_1124, %get3A_1125] {strides = array<i32>} : memref<16x512xf32, #tpu.memory_space<vmem>>, vector<16xf32>,
      %get3A_1127 = arith.constant 13 : i32
      %get3A_1128 = arith.index_cast %get3A_1127 : i32 to index
      %get3A_1129 = arith.index_cast %mul3A_928 : i32 to index
      %get3A_1130 = tpu.vector_load %arg9[%get3A_1128, %get3A_1129] {strides = array<i32>} : memref<16x512xf32, #tpu.memory_space<vmem>>, vector<16xf32>,
      %mul3A_1131 = arith.mulf %get3A_736, %get3A_1126 : vector<16xf32>
      %mul3A_1132 = arith.mulf %get3A_740, %get3A_1130 : vector<16xf32>
      %add3A_1133 = arith.addf %mul3A_1131, %mul3A_1132 : vector<16xf32>
      %swap3A_1134 = arith.constant 13 : i32
      %swap3A_1135 = arith.index_cast %swap3A_1134 : i32 to index
      %swap3A_1136 = arith.index_cast %mul3A_928 : i32 to index
      %swap3A_1137 = tpu.vector_load %arg11[%swap3A_1135, %swap3A_1136] {strides = array<i32>} : memref<16x512xf32, #tpu.memory_space<vmem>>, vector<16xf32>,
      tpu.vector_store %arg11[%swap3A_1135, %swap3A_1136], %add3A_1133 {strides = array<i32>} : memref<16x512xf32, #tpu.memory_space<vmem>>, vector<16xf32>,
      %get3A_1138 = arith.constant 14 : i32
      %get3A_1139 = arith.index_cast %get3A_1138 : i32 to index
      %get3A_1140 = arith.index_cast %mul3A_928 : i32 to index
      %get3A_1141 = tpu.vector_load %arg7[%get3A_1139, %get3A_1140] {strides = array<i32>} : memref<16x512xf32, #tpu.memory_space<vmem>>, vector<16xf32>,
      %get3A_1142 = arith.constant 14 : i32
      %get3A_1143 = arith.index_cast %get3A_1142 : i32 to index
      %get3A_1144 = arith.index_cast %mul3A_928 : i32 to index
      %get3A_1145 = tpu.vector_load %arg9[%get3A_1143, %get3A_1144] {strides = array<i32>} : memref<16x512xf32, #tpu.memory_space<vmem>>, vector<16xf32>,
      %mul3A_1146 = arith.mulf %get3A_736, %get3A_1141 : vector<16xf32>
      %mul3A_1147 = arith.mulf %get3A_740, %get3A_1145 : vector<16xf32>
      %add3A_1148 = arith.addf %mul3A_1146, %mul3A_1147 : vector<16xf32>
      %swap3A_1149 = arith.constant 14 : i32
      %swap3A_1150 = arith.index_cast %swap3A_1149 : i32 to index
      %swap3A_1151 = arith.index_cast %mul3A_928 : i32 to index
      %swap3A_1152 = tpu.vector_load %arg11[%swap3A_1150, %swap3A_1151] {strides = array<i32>} : memref<16x512xf32, #tpu.memory_space<vmem>>, vector<16xf32>,
      tpu.vector_store %arg11[%swap3A_1150, %swap3A_1151], %add3A_1148 {strides = array<i32>} : memref<16x512xf32, #tpu.memory_space<vmem>>, vector<16xf32>,
      %get3A_1153 = arith.constant 15 : i32
      %get3A_1154 = arith.index_cast %get3A_1153 : i32 to index
      %get3A_1155 = arith.index_cast %mul3A_928 : i32 to index
      %get3A_1156 = tpu.vector_load %arg7[%get3A_1154, %get3A_1155] {strides = array<i32>} : memref<16x512xf32, #tpu.memory_space<vmem>>, vector<16xf32>,
      %get3A_1157 = arith.constant 15 : i32
      %get3A_1158 = arith.index_cast %get3A_1157 : i32 to index
      %get3A_1159 = arith.index_cast %mul3A_928 : i32 to index
      %get3A_1160 = tpu.vector_load %arg9[%get3A_1158, %get3A_1159] {strides = array<i32>} : memref<16x512xf32, #tpu.memory_space<vmem>>, vector<16xf32>,
      %mul3A_1161 = arith.mulf %get3A_736, %get3A_1156 : vector<16xf32>
      %mul3A_1162 = arith.mulf %get3A_740, %get3A_1160 : vector<16xf32>
      %add3A_1163 = arith.addf %mul3A_1161, %mul3A_1162 : vector<16xf32>
      %swap3A_1164 = arith.constant 15 : i32
      %swap3A_1165 = arith.index_cast %swap3A_1164 : i32 to index
      %swap3A_1166 = arith.index_cast %mul3A_928 : i32 to index
      %swap3A_1167 = tpu.vector_load %arg11[%swap3A_1165, %swap3A_1166] {strides = array<i32>} : memref<16x512xf32, #tpu.memory_space<vmem>>, vector<16xf32>,
      tpu.vector_store %arg11[%swap3A_1165, %swap3A_1166], %add3A_1163 {strides = array<i32>} : memref<16x512xf32, #tpu.memory_space<vmem>>, vector<16xf32>,
    }
    %scan3A_746 = arith.constant 32 : i32
    %dma_start3A_747 = arith.constant 4 : i32
    %dma_start3A_748 = arith.constant 0 : i32
    %dma_start3A_749 = tpu.memref_slice %arg5[%dma_start3A_747, %dma_start3A_748, %mul3A_2] : memref<8x16x16384xf32, #tpu.memory_space<hbm>> -> memref<1x16x512xf32, #tpu.memory_space<hbm>>
    %dma_start3A_750 = tpu.memref_squeeze %dma_start3A_749 : memref<1x16x512xf32, #tpu.memory_space<hbm>> -> memref<16x512xf32, #tpu.memory_space<hbm>>
    %dma_start3A_751 = arith.constant 0 : i32
    %dma_start3A_752 = tpu.memref_slice %arg5[%dma_start3A_747, %dma_start3A_751, %mul3A_2] : memref<8x16x16384xf32, #tpu.memory_space<hbm>> -> memref<1x16x512xf32, #tpu.memory_space<hbm>>
    %dma_start3A_753 = tpu.memref_squeeze %dma_start3A_752 : memref<1x16x512xf32, #tpu.memory_space<hbm>> -> memref<16x512xf32, #tpu.memory_space<hbm>>
    tpu.enqueue_dma source(%arg11 : memref<16x512xf32, #tpu.memory_space<vmem>>) target(%dma_start3A_753 : memref<16x512xf32, #tpu.memory_space<hbm>>) target_semaphore(%arg17 : memref<!tpu.dma_semaphore, #tpu.memory_space<semaphore_mem>>)
    %convert_element_type3A_754 = arith.extui %reduce_or3A_407 : i1 to i32
    %cond3A_755 = arith.constant 0 : i32
    %cond3A_756 = arith.cmpi ne, %convert_element_type3A_754, %cond3A_755 : i32
    scf.if %cond3A_756 {
      %dma_start3A_926 = arith.constant 0 : i32
      %dma_start3A_927 = tpu.memref_slice %arg3[%dma_start3A_926, %mul3A_2] : memref<16x16384xf32, #tpu.memory_space<hbm>> -> memref<16x512xf32, #tpu.memory_space<hbm>>
      %dma_start3A_928 = arith.constant 0 : i32
      %dma_start3A_929 = tpu.memref_slice %arg3[%dma_start3A_928, %mul3A_2] : memref<16x16384xf32, #tpu.memory_space<hbm>> -> memref<16x512xf32, #tpu.memory_space<hbm>>
      tpu.enqueue_dma source(%dma_start3A_929 : memref<16x512xf32, #tpu.memory_space<hbm>>) target(%arg7 : memref<16x512xf32, #tpu.memory_space<vmem>>) target_semaphore(%arg13 : memref<!tpu.dma_semaphore, #tpu.memory_space<semaphore_mem>>)
    } else {
    }
    %not3A_757 = arith.constant true
    %not3A_758 = arith.xori %reduce_or3A_407, %not3A_757 : i1
    %convert_element_type3A_759 = arith.extui %not3A_758 : i1 to i32
    %cond3A_760 = arith.constant 0 : i32
    %cond3A_761 = arith.cmpi ne, %convert_element_type3A_759, %cond3A_760 : i32
    scf.if %cond3A_761 {
      %dma_start3A_926 = arith.constant 0 : i32
      %dma_start3A_927 = tpu.memref_slice %arg2[%reduce_max3A_381, %dma_start3A_926, %mul3A_2] : memref<64x16x16384xf32, #tpu.memory_space<hbm>> -> memref<1x16x512xf32, #tpu.memory_space<hbm>>
      %dma_start3A_928 = tpu.memref_squeeze %dma_start3A_927 : memref<1x16x512xf32, #tpu.memory_space<hbm>> -> memref<16x512xf32, #tpu.memory_space<hbm>>
      %dma_start3A_929 = arith.constant 0 : i32
      %dma_start3A_930 = tpu.memref_slice %arg2[%reduce_max3A_381, %dma_start3A_929, %mul3A_2] : memref<64x16x16384xf32, #tpu.memory_space<hbm>> -> memref<1x16x512xf32, #tpu.memory_space<hbm>>
      %dma_start3A_931 = tpu.memref_squeeze %dma_start3A_930 : memref<1x16x512xf32, #tpu.memory_space<hbm>> -> memref<16x512xf32, #tpu.memory_space<hbm>>
      tpu.enqueue_dma source(%dma_start3A_931 : memref<16x512xf32, #tpu.memory_space<hbm>>) target(%arg7 : memref<16x512xf32, #tpu.memory_space<vmem>>) target_semaphore(%arg13 : memref<!tpu.dma_semaphore, #tpu.memory_space<semaphore_mem>>)
    } else {
    }
    %convert_element_type3A_762 = arith.extui %reduce_or3A_422 : i1 to i32
    %cond3A_763 = arith.constant 0 : i32
    %cond3A_764 = arith.cmpi ne, %convert_element_type3A_762, %cond3A_763 : i32
    scf.if %cond3A_764 {
      %dma_start3A_926 = arith.constant 0 : i32
      %dma_start3A_927 = tpu.memref_slice %arg3[%dma_start3A_926, %mul3A_2] : memref<16x16384xf32, #tpu.memory_space<hbm>> -> memref<16x512xf32, #tpu.memory_space<hbm>>
      %dma_start3A_928 = arith.constant 0 : i32
      %dma_start3A_929 = tpu.memref_slice %arg3[%dma_start3A_928, %mul3A_2] : memref<16x16384xf32, #tpu.memory_space<hbm>> -> memref<16x512xf32, #tpu.memory_space<hbm>>
      tpu.enqueue_dma source(%dma_start3A_929 : memref<16x512xf32, #tpu.memory_space<hbm>>) target(%arg9 : memref<16x512xf32, #tpu.memory_space<vmem>>) target_semaphore(%arg15 : memref<!tpu.dma_semaphore, #tpu.memory_space<semaphore_mem>>)
    } else {
    }
    %not3A_765 = arith.constant true
    %not3A_766 = arith.xori %reduce_or3A_422, %not3A_765 : i1
    %convert_element_type3A_767 = arith.extui %not3A_766 : i1 to i32
    %cond3A_768 = arith.constant 0 : i32
    %cond3A_769 = arith.cmpi ne, %convert_element_type3A_767, %cond3A_768 : i32
    scf.if %cond3A_769 {
      %dma_start3A_926 = arith.constant 0 : i32
      %dma_start3A_927 = tpu.memref_slice %arg2[%reduce_max3A_392, %dma_start3A_926, %mul3A_2] : memref<64x16x16384xf32, #tpu.memory_space<hbm>> -> memref<1x16x512xf32, #tpu.memory_space<hbm>>
      %dma_start3A_928 = tpu.memref_squeeze %dma_start3A_927 : memref<1x16x512xf32, #tpu.memory_space<hbm>> -> memref<16x512xf32, #tpu.memory_space<hbm>>
      %dma_start3A_929 = arith.constant 0 : i32
      %dma_start3A_930 = tpu.memref_slice %arg2[%reduce_max3A_392, %dma_start3A_929, %mul3A_2] : memref<64x16x16384xf32, #tpu.memory_space<hbm>> -> memref<1x16x512xf32, #tpu.memory_space<hbm>>
      %dma_start3A_931 = tpu.memref_squeeze %dma_start3A_930 : memref<1x16x512xf32, #tpu.memory_space<hbm>> -> memref<16x512xf32, #tpu.memory_space<hbm>>
      tpu.enqueue_dma source(%dma_start3A_931 : memref<16x512xf32, #tpu.memory_space<hbm>>) target(%arg9 : memref<16x512xf32, #tpu.memory_space<vmem>>) target_semaphore(%arg15 : memref<!tpu.dma_semaphore, #tpu.memory_space<semaphore_mem>>)
    } else {
    }
    %dma_wait3A_770 = arith.constant 0 : i32
    %dma_wait3A_771 = arith.constant 0 : i32
    %dma_wait3A_772 = tpu.memref_slice %arg2[%dma_wait3A_770, %dma_wait3A_771, %mul3A_2] : memref<64x16x16384xf32, #tpu.memory_space<hbm>> -> memref<1x16x512xf32, #tpu.memory_space<hbm>>
    %dma_wait3A_773 = tpu.memref_squeeze %dma_wait3A_772 : memref<1x16x512xf32, #tpu.memory_space<hbm>> -> memref<16x512xf32, #tpu.memory_space<hbm>>
    %dma_wait3A_774 = arith.constant 0 : i32
    %dma_wait3A_775 = tpu.memref_slice %arg2[%dma_wait3A_770, %dma_wait3A_774, %mul3A_2] : memref<64x16x16384xf32, #tpu.memory_space<hbm>> -> memref<1x16x512xf32, #tpu.memory_space<hbm>>
    %dma_wait3A_776 = tpu.memref_squeeze %dma_wait3A_775 : memref<1x16x512xf32, #tpu.memory_space<hbm>> -> memref<16x512xf32, #tpu.memory_space<hbm>>
    tpu.wait_dma2 semaphore(%arg14 : memref<!tpu.dma_semaphore, #tpu.memory_space<semaphore_mem>>) src(%dma_wait3A_776 : memref<16x512xf32, #tpu.memory_space<hbm>>) dst(%arg8 : memref<16x512xf32, #tpu.memory_space<vmem>>)
    %dma_wait3A_777 = arith.constant 0 : i32
    %dma_wait3A_778 = arith.constant 0 : i32
    %dma_wait3A_779 = tpu.memref_slice %arg2[%dma_wait3A_777, %dma_wait3A_778, %mul3A_2] : memref<64x16x16384xf32, #tpu.memory_space<hbm>> -> memref<1x16x512xf32, #tpu.memory_space<hbm>>
    %dma_wait3A_780 = tpu.memref_squeeze %dma_wait3A_779 : memref<1x16x512xf32, #tpu.memory_space<hbm>> -> memref<16x512xf32, #tpu.memory_space<hbm>>
    %dma_wait3A_781 = arith.constant 0 : i32
    %dma_wait3A_782 = tpu.memref_slice %arg2[%dma_wait3A_777, %dma_wait3A_781, %mul3A_2] : memref<64x16x16384xf32, #tpu.memory_space<hbm>> -> memref<1x16x512xf32, #tpu.memory_space<hbm>>
    %dma_wait3A_783 = tpu.memref_squeeze %dma_wait3A_782 : memref<1x16x512xf32, #tpu.memory_space<hbm>> -> memref<16x512xf32, #tpu.memory_space<hbm>>
    tpu.wait_dma2 semaphore(%arg16 : memref<!tpu.dma_semaphore, #tpu.memory_space<semaphore_mem>>) src(%dma_wait3A_783 : memref<16x512xf32, #tpu.memory_space<hbm>>) dst(%arg10 : memref<16x512xf32, #tpu.memory_space<vmem>>)
    %dma_wait3A_784 = arith.constant 3 : i32
    %dma_wait3A_785 = arith.constant 0 : i32
    %dma_wait3A_786 = tpu.memref_slice %arg5[%dma_wait3A_784, %dma_wait3A_785, %mul3A_2] : memref<8x16x16384xf32, #tpu.memory_space<hbm>> -> memref<1x16x512xf32, #tpu.memory_space<hbm>>
    %dma_wait3A_787 = tpu.memref_squeeze %dma_wait3A_786 : memref<1x16x512xf32, #tpu.memory_space<hbm>> -> memref<16x512xf32, #tpu.memory_space<hbm>>
    %dma_wait3A_788 = arith.constant 0 : i32
    %dma_wait3A_789 = tpu.memref_slice %arg5[%dma_wait3A_784, %dma_wait3A_788, %mul3A_2] : memref<8x16x16384xf32, #tpu.memory_space<hbm>> -> memref<1x16x512xf32, #tpu.memory_space<hbm>>
    %dma_wait3A_790 = tpu.memref_squeeze %dma_wait3A_789 : memref<1x16x512xf32, #tpu.memory_space<hbm>> -> memref<16x512xf32, #tpu.memory_space<hbm>>
    tpu.wait_dma2 semaphore(%arg18 : memref<!tpu.dma_semaphore, #tpu.memory_space<semaphore_mem>>) src(%arg12 : memref<16x512xf32, #tpu.memory_space<vmem>>) dst(%dma_wait3A_790 : memref<16x512xf32, #tpu.memory_space<hbm>>)
    %get3A_791 = arith.constant 0 : i32
    %get3A_792 = arith.index_cast %get3A_791 : i32 to index
    %get3A_793 = arith.constant 80 : index
    %get3A_794 = tpu.vector_load %arg6[%get3A_792, %get3A_793] {strides = array<i32>} : memref<8x128xf32, #tpu.memory_space<vmem>>, vector<16xf32>,
    %get3A_795 = arith.constant 1 : i32
    %get3A_796 = arith.index_cast %get3A_795 : i32 to index
    %get3A_797 = arith.constant 80 : index
    %get3A_798 = tpu.vector_load %arg6[%get3A_796, %get3A_797] {strides = array<i32>} : memref<8x128xf32, #tpu.memory_space<vmem>>, vector<16xf32>,
    %scan3A_799 = arith.constant 0 : i32
    %scan3A_800 = arith.constant 0 : i32
    %scan3A_801 = arith.constant 32 : i32
    %scan3A_802 = arith.addi %scan3A_800, %scan3A_801 : i32
    %scan3A_803 = arith.constant 1 : i32
    scf.for %scan3A_926 = %scan3A_800 to %scan3A_802 step %scan3A_803  : i32 {
      %mul3A_927 = arith.constant 16 : i32
      %mul3A_928 = arith.muli %scan3A_926, %mul3A_927 : i32
      %get3A_929 = arith.constant 0 : i32
      %get3A_930 = arith.index_cast %get3A_929 : i32 to index
      %get3A_931 = arith.index_cast %mul3A_928 : i32 to index
      %get3A_932 = tpu.vector_load %arg8[%get3A_930, %get3A_931] {strides = array<i32>} : memref<16x512xf32, #tpu.memory_space<vmem>>, vector<16xf32>,
      %get3A_933 = arith.constant 0 : i32
      %get3A_934 = arith.index_cast %get3A_933 : i32 to index
      %get3A_935 = arith.index_cast %mul3A_928 : i32 to index
      %get3A_936 = tpu.vector_load %arg10[%get3A_934, %get3A_935] {strides = array<i32>} : memref<16x512xf32, #tpu.memory_space<vmem>>, vector<16xf32>,
      %mul3A_937 = arith.mulf %get3A_794, %get3A_932 : vector<16xf32>
      %mul3A_938 = arith.mulf %get3A_798, %get3A_936 : vector<16xf32>
      %add3A_939 = arith.addf %mul3A_937, %mul3A_938 : vector<16xf32>
      %swap3A = arith.constant 0 : i32
      %swap3A_940 = arith.index_cast %swap3A : i32 to index
      %swap3A_941 = arith.index_cast %mul3A_928 : i32 to index
      %swap3A_942 = tpu.vector_load %arg12[%swap3A_940, %swap3A_941] {strides = array<i32>} : memref<16x512xf32, #tpu.memory_space<vmem>>, vector<16xf32>,
      tpu.vector_store %arg12[%swap3A_940, %swap3A_941], %add3A_939 {strides = array<i32>} : memref<16x512xf32, #tpu.memory_space<vmem>>, vector<16xf32>,
      %get3A_943 = arith.constant 1 : i32
      %get3A_944 = arith.index_cast %get3A_943 : i32 to index
      %get3A_945 = arith.index_cast %mul3A_928 : i32 to index
      %get3A_946 = tpu.vector_load %arg8[%get3A_944, %get3A_945] {strides = array<i32>} : memref<16x512xf32, #tpu.memory_space<vmem>>, vector<16xf32>,
      %get3A_947 = arith.constant 1 : i32
      %get3A_948 = arith.index_cast %get3A_947 : i32 to index
      %get3A_949 = arith.index_cast %mul3A_928 : i32 to index
      %get3A_950 = tpu.vector_load %arg10[%get3A_948, %get3A_949] {strides = array<i32>} : memref<16x512xf32, #tpu.memory_space<vmem>>, vector<16xf32>,
      %mul3A_951 = arith.mulf %get3A_794, %get3A_946 : vector<16xf32>
      %mul3A_952 = arith.mulf %get3A_798, %get3A_950 : vector<16xf32>
      %add3A_953 = arith.addf %mul3A_951, %mul3A_952 : vector<16xf32>
      %swap3A_954 = arith.constant 1 : i32
      %swap3A_955 = arith.index_cast %swap3A_954 : i32 to index
      %swap3A_956 = arith.index_cast %mul3A_928 : i32 to index
      %swap3A_957 = tpu.vector_load %arg12[%swap3A_955, %swap3A_956] {strides = array<i32>} : memref<16x512xf32, #tpu.memory_space<vmem>>, vector<16xf32>,
      tpu.vector_store %arg12[%swap3A_955, %swap3A_956], %add3A_953 {strides = array<i32>} : memref<16x512xf32, #tpu.memory_space<vmem>>, vector<16xf32>,
      %get3A_958 = arith.constant 2 : i32
      %get3A_959 = arith.index_cast %get3A_958 : i32 to index
      %get3A_960 = arith.index_cast %mul3A_928 : i32 to index
      %get3A_961 = tpu.vector_load %arg8[%get3A_959, %get3A_960] {strides = array<i32>} : memref<16x512xf32, #tpu.memory_space<vmem>>, vector<16xf32>,
      %get3A_962 = arith.constant 2 : i32
      %get3A_963 = arith.index_cast %get3A_962 : i32 to index
      %get3A_964 = arith.index_cast %mul3A_928 : i32 to index
      %get3A_965 = tpu.vector_load %arg10[%get3A_963, %get3A_964] {strides = array<i32>} : memref<16x512xf32, #tpu.memory_space<vmem>>, vector<16xf32>,
      %mul3A_966 = arith.mulf %get3A_794, %get3A_961 : vector<16xf32>
      %mul3A_967 = arith.mulf %get3A_798, %get3A_965 : vector<16xf32>
      %add3A_968 = arith.addf %mul3A_966, %mul3A_967 : vector<16xf32>
      %swap3A_969 = arith.constant 2 : i32
      %swap3A_970 = arith.index_cast %swap3A_969 : i32 to index
      %swap3A_971 = arith.index_cast %mul3A_928 : i32 to index
      %swap3A_972 = tpu.vector_load %arg12[%swap3A_970, %swap3A_971] {strides = array<i32>} : memref<16x512xf32, #tpu.memory_space<vmem>>, vector<16xf32>,
      tpu.vector_store %arg12[%swap3A_970, %swap3A_971], %add3A_968 {strides = array<i32>} : memref<16x512xf32, #tpu.memory_space<vmem>>, vector<16xf32>,
      %get3A_973 = arith.constant 3 : i32
      %get3A_974 = arith.index_cast %get3A_973 : i32 to index
      %get3A_975 = arith.index_cast %mul3A_928 : i32 to index
      %get3A_976 = tpu.vector_load %arg8[%get3A_974, %get3A_975] {strides = array<i32>} : memref<16x512xf32, #tpu.memory_space<vmem>>, vector<16xf32>,
      %get3A_977 = arith.constant 3 : i32
      %get3A_978 = arith.index_cast %get3A_977 : i32 to index
      %get3A_979 = arith.index_cast %mul3A_928 : i32 to index
      %get3A_980 = tpu.vector_load %arg10[%get3A_978, %get3A_979] {strides = array<i32>} : memref<16x512xf32, #tpu.memory_space<vmem>>, vector<16xf32>,
      %mul3A_981 = arith.mulf %get3A_794, %get3A_976 : vector<16xf32>
      %mul3A_982 = arith.mulf %get3A_798, %get3A_980 : vector<16xf32>
      %add3A_983 = arith.addf %mul3A_981, %mul3A_982 : vector<16xf32>
      %swap3A_984 = arith.constant 3 : i32
      %swap3A_985 = arith.index_cast %swap3A_984 : i32 to index
      %swap3A_986 = arith.index_cast %mul3A_928 : i32 to index
      %swap3A_987 = tpu.vector_load %arg12[%swap3A_985, %swap3A_986] {strides = array<i32>} : memref<16x512xf32, #tpu.memory_space<vmem>>, vector<16xf32>,
      tpu.vector_store %arg12[%swap3A_985, %swap3A_986], %add3A_983 {strides = array<i32>} : memref<16x512xf32, #tpu.memory_space<vmem>>, vector<16xf32>,
      %get3A_988 = arith.constant 4 : i32
      %get3A_989 = arith.index_cast %get3A_988 : i32 to index
      %get3A_990 = arith.index_cast %mul3A_928 : i32 to index
      %get3A_991 = tpu.vector_load %arg8[%get3A_989, %get3A_990] {strides = array<i32>} : memref<16x512xf32, #tpu.memory_space<vmem>>, vector<16xf32>,
      %get3A_992 = arith.constant 4 : i32
      %get3A_993 = arith.index_cast %get3A_992 : i32 to index
      %get3A_994 = arith.index_cast %mul3A_928 : i32 to index
      %get3A_995 = tpu.vector_load %arg10[%get3A_993, %get3A_994] {strides = array<i32>} : memref<16x512xf32, #tpu.memory_space<vmem>>, vector<16xf32>,
      %mul3A_996 = arith.mulf %get3A_794, %get3A_991 : vector<16xf32>
      %mul3A_997 = arith.mulf %get3A_798, %get3A_995 : vector<16xf32>
      %add3A_998 = arith.addf %mul3A_996, %mul3A_997 : vector<16xf32>
      %swap3A_999 = arith.constant 4 : i32
      %swap3A_1000 = arith.index_cast %swap3A_999 : i32 to index
      %swap3A_1001 = arith.index_cast %mul3A_928 : i32 to index
      %swap3A_1002 = tpu.vector_load %arg12[%swap3A_1000, %swap3A_1001] {strides = array<i32>} : memref<16x512xf32, #tpu.memory_space<vmem>>, vector<16xf32>,
      tpu.vector_store %arg12[%swap3A_1000, %swap3A_1001], %add3A_998 {strides = array<i32>} : memref<16x512xf32, #tpu.memory_space<vmem>>, vector<16xf32>,
      %get3A_1003 = arith.constant 5 : i32
      %get3A_1004 = arith.index_cast %get3A_1003 : i32 to index
      %get3A_1005 = arith.index_cast %mul3A_928 : i32 to index
      %get3A_1006 = tpu.vector_load %arg8[%get3A_1004, %get3A_1005] {strides = array<i32>} : memref<16x512xf32, #tpu.memory_space<vmem>>, vector<16xf32>,
      %get3A_1007 = arith.constant 5 : i32
      %get3A_1008 = arith.index_cast %get3A_1007 : i32 to index
      %get3A_1009 = arith.index_cast %mul3A_928 : i32 to index
      %get3A_1010 = tpu.vector_load %arg10[%get3A_1008, %get3A_1009] {strides = array<i32>} : memref<16x512xf32, #tpu.memory_space<vmem>>, vector<16xf32>,
      %mul3A_1011 = arith.mulf %get3A_794, %get3A_1006 : vector<16xf32>
      %mul3A_1012 = arith.mulf %get3A_798, %get3A_1010 : vector<16xf32>
      %add3A_1013 = arith.addf %mul3A_1011, %mul3A_1012 : vector<16xf32>
      %swap3A_1014 = arith.constant 5 : i32
      %swap3A_1015 = arith.index_cast %swap3A_1014 : i32 to index
      %swap3A_1016 = arith.index_cast %mul3A_928 : i32 to index
      %swap3A_1017 = tpu.vector_load %arg12[%swap3A_1015, %swap3A_1016] {strides = array<i32>} : memref<16x512xf32, #tpu.memory_space<vmem>>, vector<16xf32>,
      tpu.vector_store %arg12[%swap3A_1015, %swap3A_1016], %add3A_1013 {strides = array<i32>} : memref<16x512xf32, #tpu.memory_space<vmem>>, vector<16xf32>,
      %get3A_1018 = arith.constant 6 : i32
      %get3A_1019 = arith.index_cast %get3A_1018 : i32 to index
      %get3A_1020 = arith.index_cast %mul3A_928 : i32 to index
      %get3A_1021 = tpu.vector_load %arg8[%get3A_1019, %get3A_1020] {strides = array<i32>} : memref<16x512xf32, #tpu.memory_space<vmem>>, vector<16xf32>,
      %get3A_1022 = arith.constant 6 : i32
      %get3A_1023 = arith.index_cast %get3A_1022 : i32 to index
      %get3A_1024 = arith.index_cast %mul3A_928 : i32 to index
      %get3A_1025 = tpu.vector_load %arg10[%get3A_1023, %get3A_1024] {strides = array<i32>} : memref<16x512xf32, #tpu.memory_space<vmem>>, vector<16xf32>,
      %mul3A_1026 = arith.mulf %get3A_794, %get3A_1021 : vector<16xf32>
      %mul3A_1027 = arith.mulf %get3A_798, %get3A_1025 : vector<16xf32>
      %add3A_1028 = arith.addf %mul3A_1026, %mul3A_1027 : vector<16xf32>
      %swap3A_1029 = arith.constant 6 : i32
      %swap3A_1030 = arith.index_cast %swap3A_1029 : i32 to index
      %swap3A_1031 = arith.index_cast %mul3A_928 : i32 to index
      %swap3A_1032 = tpu.vector_load %arg12[%swap3A_1030, %swap3A_1031] {strides = array<i32>} : memref<16x512xf32, #tpu.memory_space<vmem>>, vector<16xf32>,
      tpu.vector_store %arg12[%swap3A_1030, %swap3A_1031], %add3A_1028 {strides = array<i32>} : memref<16x512xf32, #tpu.memory_space<vmem>>, vector<16xf32>,
      %get3A_1033 = arith.constant 7 : i32
      %get3A_1034 = arith.index_cast %get3A_1033 : i32 to index
      %get3A_1035 = arith.index_cast %mul3A_928 : i32 to index
      %get3A_1036 = tpu.vector_load %arg8[%get3A_1034, %get3A_1035] {strides = array<i32>} : memref<16x512xf32, #tpu.memory_space<vmem>>, vector<16xf32>,
      %get3A_1037 = arith.constant 7 : i32
      %get3A_1038 = arith.index_cast %get3A_1037 : i32 to index
      %get3A_1039 = arith.index_cast %mul3A_928 : i32 to index
      %get3A_1040 = tpu.vector_load %arg10[%get3A_1038, %get3A_1039] {strides = array<i32>} : memref<16x512xf32, #tpu.memory_space<vmem>>, vector<16xf32>,
      %mul3A_1041 = arith.mulf %get3A_794, %get3A_1036 : vector<16xf32>
      %mul3A_1042 = arith.mulf %get3A_798, %get3A_1040 : vector<16xf32>
      %add3A_1043 = arith.addf %mul3A_1041, %mul3A_1042 : vector<16xf32>
      %swap3A_1044 = arith.constant 7 : i32
      %swap3A_1045 = arith.index_cast %swap3A_1044 : i32 to index
      %swap3A_1046 = arith.index_cast %mul3A_928 : i32 to index
      %swap3A_1047 = tpu.vector_load %arg12[%swap3A_1045, %swap3A_1046] {strides = array<i32>} : memref<16x512xf32, #tpu.memory_space<vmem>>, vector<16xf32>,
      tpu.vector_store %arg12[%swap3A_1045, %swap3A_1046], %add3A_1043 {strides = array<i32>} : memref<16x512xf32, #tpu.memory_space<vmem>>, vector<16xf32>,
      %get3A_1048 = arith.constant 8 : i32
      %get3A_1049 = arith.index_cast %get3A_1048 : i32 to index
      %get3A_1050 = arith.index_cast %mul3A_928 : i32 to index
      %get3A_1051 = tpu.vector_load %arg8[%get3A_1049, %get3A_1050] {strides = array<i32>} : memref<16x512xf32, #tpu.memory_space<vmem>>, vector<16xf32>,
      %get3A_1052 = arith.constant 8 : i32
      %get3A_1053 = arith.index_cast %get3A_1052 : i32 to index
      %get3A_1054 = arith.index_cast %mul3A_928 : i32 to index
      %get3A_1055 = tpu.vector_load %arg10[%get3A_1053, %get3A_1054] {strides = array<i32>} : memref<16x512xf32, #tpu.memory_space<vmem>>, vector<16xf32>,
      %mul3A_1056 = arith.mulf %get3A_794, %get3A_1051 : vector<16xf32>
      %mul3A_1057 = arith.mulf %get3A_798, %get3A_1055 : vector<16xf32>
      %add3A_1058 = arith.addf %mul3A_1056, %mul3A_1057 : vector<16xf32>
      %swap3A_1059 = arith.constant 8 : i32
      %swap3A_1060 = arith.index_cast %swap3A_1059 : i32 to index
      %swap3A_1061 = arith.index_cast %mul3A_928 : i32 to index
      %swap3A_1062 = tpu.vector_load %arg12[%swap3A_1060, %swap3A_1061] {strides = array<i32>} : memref<16x512xf32, #tpu.memory_space<vmem>>, vector<16xf32>,
      tpu.vector_store %arg12[%swap3A_1060, %swap3A_1061], %add3A_1058 {strides = array<i32>} : memref<16x512xf32, #tpu.memory_space<vmem>>, vector<16xf32>,
      %get3A_1063 = arith.constant 9 : i32
      %get3A_1064 = arith.index_cast %get3A_1063 : i32 to index
      %get3A_1065 = arith.index_cast %mul3A_928 : i32 to index
      %get3A_1066 = tpu.vector_load %arg8[%get3A_1064, %get3A_1065] {strides = array<i32>} : memref<16x512xf32, #tpu.memory_space<vmem>>, vector<16xf32>,
      %get3A_1067 = arith.constant 9 : i32
      %get3A_1068 = arith.index_cast %get3A_1067 : i32 to index
      %get3A_1069 = arith.index_cast %mul3A_928 : i32 to index
      %get3A_1070 = tpu.vector_load %arg10[%get3A_1068, %get3A_1069] {strides = array<i32>} : memref<16x512xf32, #tpu.memory_space<vmem>>, vector<16xf32>,
      %mul3A_1071 = arith.mulf %get3A_794, %get3A_1066 : vector<16xf32>
      %mul3A_1072 = arith.mulf %get3A_798, %get3A_1070 : vector<16xf32>
      %add3A_1073 = arith.addf %mul3A_1071, %mul3A_1072 : vector<16xf32>
      %swap3A_1074 = arith.constant 9 : i32
      %swap3A_1075 = arith.index_cast %swap3A_1074 : i32 to index
      %swap3A_1076 = arith.index_cast %mul3A_928 : i32 to index
      %swap3A_1077 = tpu.vector_load %arg12[%swap3A_1075, %swap3A_1076] {strides = array<i32>} : memref<16x512xf32, #tpu.memory_space<vmem>>, vector<16xf32>,
      tpu.vector_store %arg12[%swap3A_1075, %swap3A_1076], %add3A_1073 {strides = array<i32>} : memref<16x512xf32, #tpu.memory_space<vmem>>, vector<16xf32>,
      %get3A_1078 = arith.constant 10 : i32
      %get3A_1079 = arith.index_cast %get3A_1078 : i32 to index
      %get3A_1080 = arith.index_cast %mul3A_928 : i32 to index
      %get3A_1081 = tpu.vector_load %arg8[%get3A_1079, %get3A_1080] {strides = array<i32>} : memref<16x512xf32, #tpu.memory_space<vmem>>, vector<16xf32>,
      %get3A_1082 = arith.constant 10 : i32
      %get3A_1083 = arith.index_cast %get3A_1082 : i32 to index
      %get3A_1084 = arith.index_cast %mul3A_928 : i32 to index
      %get3A_1085 = tpu.vector_load %arg10[%get3A_1083, %get3A_1084] {strides = array<i32>} : memref<16x512xf32, #tpu.memory_space<vmem>>, vector<16xf32>,
      %mul3A_1086 = arith.mulf %get3A_794, %get3A_1081 : vector<16xf32>
      %mul3A_1087 = arith.mulf %get3A_798, %get3A_1085 : vector<16xf32>
      %add3A_1088 = arith.addf %mul3A_1086, %mul3A_1087 : vector<16xf32>
      %swap3A_1089 = arith.constant 10 : i32
      %swap3A_1090 = arith.index_cast %swap3A_1089 : i32 to index
      %swap3A_1091 = arith.index_cast %mul3A_928 : i32 to index
      %swap3A_1092 = tpu.vector_load %arg12[%swap3A_1090, %swap3A_1091] {strides = array<i32>} : memref<16x512xf32, #tpu.memory_space<vmem>>, vector<16xf32>,
      tpu.vector_store %arg12[%swap3A_1090, %swap3A_1091], %add3A_1088 {strides = array<i32>} : memref<16x512xf32, #tpu.memory_space<vmem>>, vector<16xf32>,
      %get3A_1093 = arith.constant 11 : i32
      %get3A_1094 = arith.index_cast %get3A_1093 : i32 to index
      %get3A_1095 = arith.index_cast %mul3A_928 : i32 to index
      %get3A_1096 = tpu.vector_load %arg8[%get3A_1094, %get3A_1095] {strides = array<i32>} : memref<16x512xf32, #tpu.memory_space<vmem>>, vector<16xf32>,
      %get3A_1097 = arith.constant 11 : i32
      %get3A_1098 = arith.index_cast %get3A_1097 : i32 to index
      %get3A_1099 = arith.index_cast %mul3A_928 : i32 to index
      %get3A_1100 = tpu.vector_load %arg10[%get3A_1098, %get3A_1099] {strides = array<i32>} : memref<16x512xf32, #tpu.memory_space<vmem>>, vector<16xf32>,
      %mul3A_1101 = arith.mulf %get3A_794, %get3A_1096 : vector<16xf32>
      %mul3A_1102 = arith.mulf %get3A_798, %get3A_1100 : vector<16xf32>
      %add3A_1103 = arith.addf %mul3A_1101, %mul3A_1102 : vector<16xf32>
      %swap3A_1104 = arith.constant 11 : i32
      %swap3A_1105 = arith.index_cast %swap3A_1104 : i32 to index
      %swap3A_1106 = arith.index_cast %mul3A_928 : i32 to index
      %swap3A_1107 = tpu.vector_load %arg12[%swap3A_1105, %swap3A_1106] {strides = array<i32>} : memref<16x512xf32, #tpu.memory_space<vmem>>, vector<16xf32>,
      tpu.vector_store %arg12[%swap3A_1105, %swap3A_1106], %add3A_1103 {strides = array<i32>} : memref<16x512xf32, #tpu.memory_space<vmem>>, vector<16xf32>,
      %get3A_1108 = arith.constant 12 : i32
      %get3A_1109 = arith.index_cast %get3A_1108 : i32 to index
      %get3A_1110 = arith.index_cast %mul3A_928 : i32 to index
      %get3A_1111 = tpu.vector_load %arg8[%get3A_1109, %get3A_1110] {strides = array<i32>} : memref<16x512xf32, #tpu.memory_space<vmem>>, vector<16xf32>,
      %get3A_1112 = arith.constant 12 : i32
      %get3A_1113 = arith.index_cast %get3A_1112 : i32 to index
      %get3A_1114 = arith.index_cast %mul3A_928 : i32 to index
      %get3A_1115 = tpu.vector_load %arg10[%get3A_1113, %get3A_1114] {strides = array<i32>} : memref<16x512xf32, #tpu.memory_space<vmem>>, vector<16xf32>,
      %mul3A_1116 = arith.mulf %get3A_794, %get3A_1111 : vector<16xf32>
      %mul3A_1117 = arith.mulf %get3A_798, %get3A_1115 : vector<16xf32>
      %add3A_1118 = arith.addf %mul3A_1116, %mul3A_1117 : vector<16xf32>
      %swap3A_1119 = arith.constant 12 : i32
      %swap3A_1120 = arith.index_cast %swap3A_1119 : i32 to index
      %swap3A_1121 = arith.index_cast %mul3A_928 : i32 to index
      %swap3A_1122 = tpu.vector_load %arg12[%swap3A_1120, %swap3A_1121] {strides = array<i32>} : memref<16x512xf32, #tpu.memory_space<vmem>>, vector<16xf32>,
      tpu.vector_store %arg12[%swap3A_1120, %swap3A_1121], %add3A_1118 {strides = array<i32>} : memref<16x512xf32, #tpu.memory_space<vmem>>, vector<16xf32>,
      %get3A_1123 = arith.constant 13 : i32
      %get3A_1124 = arith.index_cast %get3A_1123 : i32 to index
      %get3A_1125 = arith.index_cast %mul3A_928 : i32 to index
      %get3A_1126 = tpu.vector_load %arg8[%get3A_1124, %get3A_1125] {strides = array<i32>} : memref<16x512xf32, #tpu.memory_space<vmem>>, vector<16xf32>,
      %get3A_1127 = arith.constant 13 : i32
      %get3A_1128 = arith.index_cast %get3A_1127 : i32 to index
      %get3A_1129 = arith.index_cast %mul3A_928 : i32 to index
      %get3A_1130 = tpu.vector_load %arg10[%get3A_1128, %get3A_1129] {strides = array<i32>} : memref<16x512xf32, #tpu.memory_space<vmem>>, vector<16xf32>,
      %mul3A_1131 = arith.mulf %get3A_794, %get3A_1126 : vector<16xf32>
      %mul3A_1132 = arith.mulf %get3A_798, %get3A_1130 : vector<16xf32>
      %add3A_1133 = arith.addf %mul3A_1131, %mul3A_1132 : vector<16xf32>
      %swap3A_1134 = arith.constant 13 : i32
      %swap3A_1135 = arith.index_cast %swap3A_1134 : i32 to index
      %swap3A_1136 = arith.index_cast %mul3A_928 : i32 to index
      %swap3A_1137 = tpu.vector_load %arg12[%swap3A_1135, %swap3A_1136] {strides = array<i32>} : memref<16x512xf32, #tpu.memory_space<vmem>>, vector<16xf32>,
      tpu.vector_store %arg12[%swap3A_1135, %swap3A_1136], %add3A_1133 {strides = array<i32>} : memref<16x512xf32, #tpu.memory_space<vmem>>, vector<16xf32>,
      %get3A_1138 = arith.constant 14 : i32
      %get3A_1139 = arith.index_cast %get3A_1138 : i32 to index
      %get3A_1140 = arith.index_cast %mul3A_928 : i32 to index
      %get3A_1141 = tpu.vector_load %arg8[%get3A_1139, %get3A_1140] {strides = array<i32>} : memref<16x512xf32, #tpu.memory_space<vmem>>, vector<16xf32>,
      %get3A_1142 = arith.constant 14 : i32
      %get3A_1143 = arith.index_cast %get3A_1142 : i32 to index
      %get3A_1144 = arith.index_cast %mul3A_928 : i32 to index
      %get3A_1145 = tpu.vector_load %arg10[%get3A_1143, %get3A_1144] {strides = array<i32>} : memref<16x512xf32, #tpu.memory_space<vmem>>, vector<16xf32>,
      %mul3A_1146 = arith.mulf %get3A_794, %get3A_1141 : vector<16xf32>
      %mul3A_1147 = arith.mulf %get3A_798, %get3A_1145 : vector<16xf32>
      %add3A_1148 = arith.addf %mul3A_1146, %mul3A_1147 : vector<16xf32>
      %swap3A_1149 = arith.constant 14 : i32
      %swap3A_1150 = arith.index_cast %swap3A_1149 : i32 to index
      %swap3A_1151 = arith.index_cast %mul3A_928 : i32 to index
      %swap3A_1152 = tpu.vector_load %arg12[%swap3A_1150, %swap3A_1151] {strides = array<i32>} : memref<16x512xf32, #tpu.memory_space<vmem>>, vector<16xf32>,
      tpu.vector_store %arg12[%swap3A_1150, %swap3A_1151], %add3A_1148 {strides = array<i32>} : memref<16x512xf32, #tpu.memory_space<vmem>>, vector<16xf32>,
      %get3A_1153 = arith.constant 15 : i32
      %get3A_1154 = arith.index_cast %get3A_1153 : i32 to index
      %get3A_1155 = arith.index_cast %mul3A_928 : i32 to index
      %get3A_1156 = tpu.vector_load %arg8[%get3A_1154, %get3A_1155] {strides = array<i32>} : memref<16x512xf32, #tpu.memory_space<vmem>>, vector<16xf32>,
      %get3A_1157 = arith.constant 15 : i32
      %get3A_1158 = arith.index_cast %get3A_1157 : i32 to index
      %get3A_1159 = arith.index_cast %mul3A_928 : i32 to index
      %get3A_1160 = tpu.vector_load %arg10[%get3A_1158, %get3A_1159] {strides = array<i32>} : memref<16x512xf32, #tpu.memory_space<vmem>>, vector<16xf32>,
      %mul3A_1161 = arith.mulf %get3A_794, %get3A_1156 : vector<16xf32>
      %mul3A_1162 = arith.mulf %get3A_798, %get3A_1160 : vector<16xf32>
      %add3A_1163 = arith.addf %mul3A_1161, %mul3A_1162 : vector<16xf32>
      %swap3A_1164 = arith.constant 15 : i32
      %swap3A_1165 = arith.index_cast %swap3A_1164 : i32 to index
      %swap3A_1166 = arith.index_cast %mul3A_928 : i32 to index
      %swap3A_1167 = tpu.vector_load %arg12[%swap3A_1165, %swap3A_1166] {strides = array<i32>} : memref<16x512xf32, #tpu.memory_space<vmem>>, vector<16xf32>,
      tpu.vector_store %arg12[%swap3A_1165, %swap3A_1166], %add3A_1163 {strides = array<i32>} : memref<16x512xf32, #tpu.memory_space<vmem>>, vector<16xf32>,
    }
    %scan3A_804 = arith.constant 32 : i32
    %dma_start3A_805 = arith.constant 5 : i32
    %dma_start3A_806 = arith.constant 0 : i32
    %dma_start3A_807 = tpu.memref_slice %arg5[%dma_start3A_805, %dma_start3A_806, %mul3A_2] : memref<8x16x16384xf32, #tpu.memory_space<hbm>> -> memref<1x16x512xf32, #tpu.memory_space<hbm>>
    %dma_start3A_808 = tpu.memref_squeeze %dma_start3A_807 : memref<1x16x512xf32, #tpu.memory_space<hbm>> -> memref<16x512xf32, #tpu.memory_space<hbm>>
    %dma_start3A_809 = arith.constant 0 : i32
    %dma_start3A_810 = tpu.memref_slice %arg5[%dma_start3A_805, %dma_start3A_809, %mul3A_2] : memref<8x16x16384xf32, #tpu.memory_space<hbm>> -> memref<1x16x512xf32, #tpu.memory_space<hbm>>
    %dma_start3A_811 = tpu.memref_squeeze %dma_start3A_810 : memref<1x16x512xf32, #tpu.memory_space<hbm>> -> memref<16x512xf32, #tpu.memory_space<hbm>>
    tpu.enqueue_dma source(%arg12 : memref<16x512xf32, #tpu.memory_space<vmem>>) target(%dma_start3A_811 : memref<16x512xf32, #tpu.memory_space<hbm>>) target_semaphore(%arg18 : memref<!tpu.dma_semaphore, #tpu.memory_space<semaphore_mem>>)
    %convert_element_type3A_812 = arith.extui %reduce_or3A_465 : i1 to i32
    %cond3A_813 = arith.constant 0 : i32
    %cond3A_814 = arith.cmpi ne, %convert_element_type3A_812, %cond3A_813 : i32
    scf.if %cond3A_814 {
      %dma_start3A_926 = arith.constant 0 : i32
      %dma_start3A_927 = tpu.memref_slice %arg3[%dma_start3A_926, %mul3A_2] : memref<16x16384xf32, #tpu.memory_space<hbm>> -> memref<16x512xf32, #tpu.memory_space<hbm>>
      %dma_start3A_928 = arith.constant 0 : i32
      %dma_start3A_929 = tpu.memref_slice %arg3[%dma_start3A_928, %mul3A_2] : memref<16x16384xf32, #tpu.memory_space<hbm>> -> memref<16x512xf32, #tpu.memory_space<hbm>>
      tpu.enqueue_dma source(%dma_start3A_929 : memref<16x512xf32, #tpu.memory_space<hbm>>) target(%arg8 : memref<16x512xf32, #tpu.memory_space<vmem>>) target_semaphore(%arg14 : memref<!tpu.dma_semaphore, #tpu.memory_space<semaphore_mem>>)
    } else {
    }
    %not3A_815 = arith.constant true
    %not3A_816 = arith.xori %reduce_or3A_465, %not3A_815 : i1
    %convert_element_type3A_817 = arith.extui %not3A_816 : i1 to i32
    %cond3A_818 = arith.constant 0 : i32
    %cond3A_819 = arith.cmpi ne, %convert_element_type3A_817, %cond3A_818 : i32
    scf.if %cond3A_819 {
      %dma_start3A_926 = arith.constant 0 : i32
      %dma_start3A_927 = tpu.memref_slice %arg2[%reduce_max3A_439, %dma_start3A_926, %mul3A_2] : memref<64x16x16384xf32, #tpu.memory_space<hbm>> -> memref<1x16x512xf32, #tpu.memory_space<hbm>>
      %dma_start3A_928 = tpu.memref_squeeze %dma_start3A_927 : memref<1x16x512xf32, #tpu.memory_space<hbm>> -> memref<16x512xf32, #tpu.memory_space<hbm>>
      %dma_start3A_929 = arith.constant 0 : i32
      %dma_start3A_930 = tpu.memref_slice %arg2[%reduce_max3A_439, %dma_start3A_929, %mul3A_2] : memref<64x16x16384xf32, #tpu.memory_space<hbm>> -> memref<1x16x512xf32, #tpu.memory_space<hbm>>
      %dma_start3A_931 = tpu.memref_squeeze %dma_start3A_930 : memref<1x16x512xf32, #tpu.memory_space<hbm>> -> memref<16x512xf32, #tpu.memory_space<hbm>>
      tpu.enqueue_dma source(%dma_start3A_931 : memref<16x512xf32, #tpu.memory_space<hbm>>) target(%arg8 : memref<16x512xf32, #tpu.memory_space<vmem>>) target_semaphore(%arg14 : memref<!tpu.dma_semaphore, #tpu.memory_space<semaphore_mem>>)
    } else {
    }
    %convert_element_type3A_820 = arith.extui %reduce_or3A_480 : i1 to i32
    %cond3A_821 = arith.constant 0 : i32
    %cond3A_822 = arith.cmpi ne, %convert_element_type3A_820, %cond3A_821 : i32
    scf.if %cond3A_822 {
      %dma_start3A_926 = arith.constant 0 : i32
      %dma_start3A_927 = tpu.memref_slice %arg3[%dma_start3A_926, %mul3A_2] : memref<16x16384xf32, #tpu.memory_space<hbm>> -> memref<16x512xf32, #tpu.memory_space<hbm>>
      %dma_start3A_928 = arith.constant 0 : i32
      %dma_start3A_929 = tpu.memref_slice %arg3[%dma_start3A_928, %mul3A_2] : memref<16x16384xf32, #tpu.memory_space<hbm>> -> memref<16x512xf32, #tpu.memory_space<hbm>>
      tpu.enqueue_dma source(%dma_start3A_929 : memref<16x512xf32, #tpu.memory_space<hbm>>) target(%arg10 : memref<16x512xf32, #tpu.memory_space<vmem>>) target_semaphore(%arg16 : memref<!tpu.dma_semaphore, #tpu.memory_space<semaphore_mem>>)
    } else {
    }
    %not3A_823 = arith.constant true
    %not3A_824 = arith.xori %reduce_or3A_480, %not3A_823 : i1
    %convert_element_type3A_825 = arith.extui %not3A_824 : i1 to i32
    %cond3A_826 = arith.constant 0 : i32
    %cond3A_827 = arith.cmpi ne, %convert_element_type3A_825, %cond3A_826 : i32
    scf.if %cond3A_827 {
      %dma_start3A_926 = arith.constant 0 : i32
      %dma_start3A_927 = tpu.memref_slice %arg2[%reduce_max3A_450, %dma_start3A_926, %mul3A_2] : memref<64x16x16384xf32, #tpu.memory_space<hbm>> -> memref<1x16x512xf32, #tpu.memory_space<hbm>>
      %dma_start3A_928 = tpu.memref_squeeze %dma_start3A_927 : memref<1x16x512xf32, #tpu.memory_space<hbm>> -> memref<16x512xf32, #tpu.memory_space<hbm>>
      %dma_start3A_929 = arith.constant 0 : i32
      %dma_start3A_930 = tpu.memref_slice %arg2[%reduce_max3A_450, %dma_start3A_929, %mul3A_2] : memref<64x16x16384xf32, #tpu.memory_space<hbm>> -> memref<1x16x512xf32, #tpu.memory_space<hbm>>
      %dma_start3A_931 = tpu.memref_squeeze %dma_start3A_930 : memref<1x16x512xf32, #tpu.memory_space<hbm>> -> memref<16x512xf32, #tpu.memory_space<hbm>>
      tpu.enqueue_dma source(%dma_start3A_931 : memref<16x512xf32, #tpu.memory_space<hbm>>) target(%arg10 : memref<16x512xf32, #tpu.memory_space<vmem>>) target_semaphore(%arg16 : memref<!tpu.dma_semaphore, #tpu.memory_space<semaphore_mem>>)
    } else {
    }
    %dma_wait3A_828 = arith.constant 0 : i32
    %dma_wait3A_829 = arith.constant 0 : i32
    %dma_wait3A_830 = tpu.memref_slice %arg2[%dma_wait3A_828, %dma_wait3A_829, %mul3A_2] : memref<64x16x16384xf32, #tpu.memory_space<hbm>> -> memref<1x16x512xf32, #tpu.memory_space<hbm>>
    %dma_wait3A_831 = tpu.memref_squeeze %dma_wait3A_830 : memref<1x16x512xf32, #tpu.memory_space<hbm>> -> memref<16x512xf32, #tpu.memory_space<hbm>>
    %dma_wait3A_832 = arith.constant 0 : i32
    %dma_wait3A_833 = tpu.memref_slice %arg2[%dma_wait3A_828, %dma_wait3A_832, %mul3A_2] : memref<64x16x16384xf32, #tpu.memory_space<hbm>> -> memref<1x16x512xf32, #tpu.memory_space<hbm>>
    %dma_wait3A_834 = tpu.memref_squeeze %dma_wait3A_833 : memref<1x16x512xf32, #tpu.memory_space<hbm>> -> memref<16x512xf32, #tpu.memory_space<hbm>>
    tpu.wait_dma2 semaphore(%arg13 : memref<!tpu.dma_semaphore, #tpu.memory_space<semaphore_mem>>) src(%dma_wait3A_834 : memref<16x512xf32, #tpu.memory_space<hbm>>) dst(%arg7 : memref<16x512xf32, #tpu.memory_space<vmem>>)
    %dma_wait3A_835 = arith.constant 0 : i32
    %dma_wait3A_836 = arith.constant 0 : i32
    %dma_wait3A_837 = tpu.memref_slice %arg2[%dma_wait3A_835, %dma_wait3A_836, %mul3A_2] : memref<64x16x16384xf32, #tpu.memory_space<hbm>> -> memref<1x16x512xf32, #tpu.memory_space<hbm>>
    %dma_wait3A_838 = tpu.memref_squeeze %dma_wait3A_837 : memref<1x16x512xf32, #tpu.memory_space<hbm>> -> memref<16x512xf32, #tpu.memory_space<hbm>>
    %dma_wait3A_839 = arith.constant 0 : i32
    %dma_wait3A_840 = tpu.memref_slice %arg2[%dma_wait3A_835, %dma_wait3A_839, %mul3A_2] : memref<64x16x16384xf32, #tpu.memory_space<hbm>> -> memref<1x16x512xf32, #tpu.memory_space<hbm>>
    %dma_wait3A_841 = tpu.memref_squeeze %dma_wait3A_840 : memref<1x16x512xf32, #tpu.memory_space<hbm>> -> memref<16x512xf32, #tpu.memory_space<hbm>>
    tpu.wait_dma2 semaphore(%arg15 : memref<!tpu.dma_semaphore, #tpu.memory_space<semaphore_mem>>) src(%dma_wait3A_841 : memref<16x512xf32, #tpu.memory_space<hbm>>) dst(%arg9 : memref<16x512xf32, #tpu.memory_space<vmem>>)
    %dma_wait3A_842 = arith.constant 4 : i32
    %dma_wait3A_843 = arith.constant 0 : i32
    %dma_wait3A_844 = tpu.memref_slice %arg5[%dma_wait3A_842, %dma_wait3A_843, %mul3A_2] : memref<8x16x16384xf32, #tpu.memory_space<hbm>> -> memref<1x16x512xf32, #tpu.memory_space<hbm>>
    %dma_wait3A_845 = tpu.memref_squeeze %dma_wait3A_844 : memref<1x16x512xf32, #tpu.memory_space<hbm>> -> memref<16x512xf32, #tpu.memory_space<hbm>>
    %dma_wait3A_846 = arith.constant 0 : i32
    %dma_wait3A_847 = tpu.memref_slice %arg5[%dma_wait3A_842, %dma_wait3A_846, %mul3A_2] : memref<8x16x16384xf32, #tpu.memory_space<hbm>> -> memref<1x16x512xf32, #tpu.memory_space<hbm>>
    %dma_wait3A_848 = tpu.memref_squeeze %dma_wait3A_847 : memref<1x16x512xf32, #tpu.memory_space<hbm>> -> memref<16x512xf32, #tpu.memory_space<hbm>>
    tpu.wait_dma2 semaphore(%arg17 : memref<!tpu.dma_semaphore, #tpu.memory_space<semaphore_mem>>) src(%arg11 : memref<16x512xf32, #tpu.memory_space<vmem>>) dst(%dma_wait3A_848 : memref<16x512xf32, #tpu.memory_space<hbm>>)
    %get3A_849 = arith.constant 0 : i32
    %get3A_850 = arith.index_cast %get3A_849 : i32 to index
    %get3A_851 = arith.constant 96 : index
    %get3A_852 = tpu.vector_load %arg6[%get3A_850, %get3A_851] {strides = array<i32>} : memref<8x128xf32, #tpu.memory_space<vmem>>, vector<16xf32>,
    %get3A_853 = arith.constant 1 : i32
    %get3A_854 = arith.index_cast %get3A_853 : i32 to index
    %get3A_855 = arith.constant 96 : index
    %get3A_856 = tpu.vector_load %arg6[%get3A_854, %get3A_855] {strides = array<i32>} : memref<8x128xf32, #tpu.memory_space<vmem>>, vector<16xf32>,
    %scan3A_857 = arith.constant 0 : i32
    %scan3A_858 = arith.constant 0 : i32
    %scan3A_859 = arith.constant 32 : i32
    %scan3A_860 = arith.addi %scan3A_858, %scan3A_859 : i32
    %scan3A_861 = arith.constant 1 : i32
    scf.for %scan3A_926 = %scan3A_858 to %scan3A_860 step %scan3A_861  : i32 {
      %mul3A_927 = arith.constant 16 : i32
      %mul3A_928 = arith.muli %scan3A_926, %mul3A_927 : i32
      %get3A_929 = arith.constant 0 : i32
      %get3A_930 = arith.index_cast %get3A_929 : i32 to index
      %get3A_931 = arith.index_cast %mul3A_928 : i32 to index
      %get3A_932 = tpu.vector_load %arg7[%get3A_930, %get3A_931] {strides = array<i32>} : memref<16x512xf32, #tpu.memory_space<vmem>>, vector<16xf32>,
      %get3A_933 = arith.constant 0 : i32
      %get3A_934 = arith.index_cast %get3A_933 : i32 to index
      %get3A_935 = arith.index_cast %mul3A_928 : i32 to index
      %get3A_936 = tpu.vector_load %arg9[%get3A_934, %get3A_935] {strides = array<i32>} : memref<16x512xf32, #tpu.memory_space<vmem>>, vector<16xf32>,
      %mul3A_937 = arith.mulf %get3A_852, %get3A_932 : vector<16xf32>
      %mul3A_938 = arith.mulf %get3A_856, %get3A_936 : vector<16xf32>
      %add3A_939 = arith.addf %mul3A_937, %mul3A_938 : vector<16xf32>
      %swap3A = arith.constant 0 : i32
      %swap3A_940 = arith.index_cast %swap3A : i32 to index
      %swap3A_941 = arith.index_cast %mul3A_928 : i32 to index
      %swap3A_942 = tpu.vector_load %arg11[%swap3A_940, %swap3A_941] {strides = array<i32>} : memref<16x512xf32, #tpu.memory_space<vmem>>, vector<16xf32>,
      tpu.vector_store %arg11[%swap3A_940, %swap3A_941], %add3A_939 {strides = array<i32>} : memref<16x512xf32, #tpu.memory_space<vmem>>, vector<16xf32>,
      %get3A_943 = arith.constant 1 : i32
      %get3A_944 = arith.index_cast %get3A_943 : i32 to index
      %get3A_945 = arith.index_cast %mul3A_928 : i32 to index
      %get3A_946 = tpu.vector_load %arg7[%get3A_944, %get3A_945] {strides = array<i32>} : memref<16x512xf32, #tpu.memory_space<vmem>>, vector<16xf32>,
      %get3A_947 = arith.constant 1 : i32
      %get3A_948 = arith.index_cast %get3A_947 : i32 to index
      %get3A_949 = arith.index_cast %mul3A_928 : i32 to index
      %get3A_950 = tpu.vector_load %arg9[%get3A_948, %get3A_949] {strides = array<i32>} : memref<16x512xf32, #tpu.memory_space<vmem>>, vector<16xf32>,
      %mul3A_951 = arith.mulf %get3A_852, %get3A_946 : vector<16xf32>
      %mul3A_952 = arith.mulf %get3A_856, %get3A_950 : vector<16xf32>
      %add3A_953 = arith.addf %mul3A_951, %mul3A_952 : vector<16xf32>
      %swap3A_954 = arith.constant 1 : i32
      %swap3A_955 = arith.index_cast %swap3A_954 : i32 to index
      %swap3A_956 = arith.index_cast %mul3A_928 : i32 to index
      %swap3A_957 = tpu.vector_load %arg11[%swap3A_955, %swap3A_956] {strides = array<i32>} : memref<16x512xf32, #tpu.memory_space<vmem>>, vector<16xf32>,
      tpu.vector_store %arg11[%swap3A_955, %swap3A_956], %add3A_953 {strides = array<i32>} : memref<16x512xf32, #tpu.memory_space<vmem>>, vector<16xf32>,
      %get3A_958 = arith.constant 2 : i32
      %get3A_959 = arith.index_cast %get3A_958 : i32 to index
      %get3A_960 = arith.index_cast %mul3A_928 : i32 to index
      %get3A_961 = tpu.vector_load %arg7[%get3A_959, %get3A_960] {strides = array<i32>} : memref<16x512xf32, #tpu.memory_space<vmem>>, vector<16xf32>,
      %get3A_962 = arith.constant 2 : i32
      %get3A_963 = arith.index_cast %get3A_962 : i32 to index
      %get3A_964 = arith.index_cast %mul3A_928 : i32 to index
      %get3A_965 = tpu.vector_load %arg9[%get3A_963, %get3A_964] {strides = array<i32>} : memref<16x512xf32, #tpu.memory_space<vmem>>, vector<16xf32>,
      %mul3A_966 = arith.mulf %get3A_852, %get3A_961 : vector<16xf32>
      %mul3A_967 = arith.mulf %get3A_856, %get3A_965 : vector<16xf32>
      %add3A_968 = arith.addf %mul3A_966, %mul3A_967 : vector<16xf32>
      %swap3A_969 = arith.constant 2 : i32
      %swap3A_970 = arith.index_cast %swap3A_969 : i32 to index
      %swap3A_971 = arith.index_cast %mul3A_928 : i32 to index
      %swap3A_972 = tpu.vector_load %arg11[%swap3A_970, %swap3A_971] {strides = array<i32>} : memref<16x512xf32, #tpu.memory_space<vmem>>, vector<16xf32>,
      tpu.vector_store %arg11[%swap3A_970, %swap3A_971], %add3A_968 {strides = array<i32>} : memref<16x512xf32, #tpu.memory_space<vmem>>, vector<16xf32>,
      %get3A_973 = arith.constant 3 : i32
      %get3A_974 = arith.index_cast %get3A_973 : i32 to index
      %get3A_975 = arith.index_cast %mul3A_928 : i32 to index
      %get3A_976 = tpu.vector_load %arg7[%get3A_974, %get3A_975] {strides = array<i32>} : memref<16x512xf32, #tpu.memory_space<vmem>>, vector<16xf32>,
      %get3A_977 = arith.constant 3 : i32
      %get3A_978 = arith.index_cast %get3A_977 : i32 to index
      %get3A_979 = arith.index_cast %mul3A_928 : i32 to index
      %get3A_980 = tpu.vector_load %arg9[%get3A_978, %get3A_979] {strides = array<i32>} : memref<16x512xf32, #tpu.memory_space<vmem>>, vector<16xf32>,
      %mul3A_981 = arith.mulf %get3A_852, %get3A_976 : vector<16xf32>
      %mul3A_982 = arith.mulf %get3A_856, %get3A_980 : vector<16xf32>
      %add3A_983 = arith.addf %mul3A_981, %mul3A_982 : vector<16xf32>
      %swap3A_984 = arith.constant 3 : i32
      %swap3A_985 = arith.index_cast %swap3A_984 : i32 to index
      %swap3A_986 = arith.index_cast %mul3A_928 : i32 to index
      %swap3A_987 = tpu.vector_load %arg11[%swap3A_985, %swap3A_986] {strides = array<i32>} : memref<16x512xf32, #tpu.memory_space<vmem>>, vector<16xf32>,
      tpu.vector_store %arg11[%swap3A_985, %swap3A_986], %add3A_983 {strides = array<i32>} : memref<16x512xf32, #tpu.memory_space<vmem>>, vector<16xf32>,
      %get3A_988 = arith.constant 4 : i32
      %get3A_989 = arith.index_cast %get3A_988 : i32 to index
      %get3A_990 = arith.index_cast %mul3A_928 : i32 to index
      %get3A_991 = tpu.vector_load %arg7[%get3A_989, %get3A_990] {strides = array<i32>} : memref<16x512xf32, #tpu.memory_space<vmem>>, vector<16xf32>,
      %get3A_992 = arith.constant 4 : i32
      %get3A_993 = arith.index_cast %get3A_992 : i32 to index
      %get3A_994 = arith.index_cast %mul3A_928 : i32 to index
      %get3A_995 = tpu.vector_load %arg9[%get3A_993, %get3A_994] {strides = array<i32>} : memref<16x512xf32, #tpu.memory_space<vmem>>, vector<16xf32>,
      %mul3A_996 = arith.mulf %get3A_852, %get3A_991 : vector<16xf32>
      %mul3A_997 = arith.mulf %get3A_856, %get3A_995 : vector<16xf32>
      %add3A_998 = arith.addf %mul3A_996, %mul3A_997 : vector<16xf32>
      %swap3A_999 = arith.constant 4 : i32
      %swap3A_1000 = arith.index_cast %swap3A_999 : i32 to index
      %swap3A_1001 = arith.index_cast %mul3A_928 : i32 to index
      %swap3A_1002 = tpu.vector_load %arg11[%swap3A_1000, %swap3A_1001] {strides = array<i32>} : memref<16x512xf32, #tpu.memory_space<vmem>>, vector<16xf32>,
      tpu.vector_store %arg11[%swap3A_1000, %swap3A_1001], %add3A_998 {strides = array<i32>} : memref<16x512xf32, #tpu.memory_space<vmem>>, vector<16xf32>,
      %get3A_1003 = arith.constant 5 : i32
      %get3A_1004 = arith.index_cast %get3A_1003 : i32 to index
      %get3A_1005 = arith.index_cast %mul3A_928 : i32 to index
      %get3A_1006 = tpu.vector_load %arg7[%get3A_1004, %get3A_1005] {strides = array<i32>} : memref<16x512xf32, #tpu.memory_space<vmem>>, vector<16xf32>,
      %get3A_1007 = arith.constant 5 : i32
      %get3A_1008 = arith.index_cast %get3A_1007 : i32 to index
      %get3A_1009 = arith.index_cast %mul3A_928 : i32 to index
      %get3A_1010 = tpu.vector_load %arg9[%get3A_1008, %get3A_1009] {strides = array<i32>} : memref<16x512xf32, #tpu.memory_space<vmem>>, vector<16xf32>,
      %mul3A_1011 = arith.mulf %get3A_852, %get3A_1006 : vector<16xf32>
      %mul3A_1012 = arith.mulf %get3A_856, %get3A_1010 : vector<16xf32>
      %add3A_1013 = arith.addf %mul3A_1011, %mul3A_1012 : vector<16xf32>
      %swap3A_1014 = arith.constant 5 : i32
      %swap3A_1015 = arith.index_cast %swap3A_1014 : i32 to index
      %swap3A_1016 = arith.index_cast %mul3A_928 : i32 to index
      %swap3A_1017 = tpu.vector_load %arg11[%swap3A_1015, %swap3A_1016] {strides = array<i32>} : memref<16x512xf32, #tpu.memory_space<vmem>>, vector<16xf32>,
      tpu.vector_store %arg11[%swap3A_1015, %swap3A_1016], %add3A_1013 {strides = array<i32>} : memref<16x512xf32, #tpu.memory_space<vmem>>, vector<16xf32>,
      %get3A_1018 = arith.constant 6 : i32
      %get3A_1019 = arith.index_cast %get3A_1018 : i32 to index
      %get3A_1020 = arith.index_cast %mul3A_928 : i32 to index
      %get3A_1021 = tpu.vector_load %arg7[%get3A_1019, %get3A_1020] {strides = array<i32>} : memref<16x512xf32, #tpu.memory_space<vmem>>, vector<16xf32>,
      %get3A_1022 = arith.constant 6 : i32
      %get3A_1023 = arith.index_cast %get3A_1022 : i32 to index
      %get3A_1024 = arith.index_cast %mul3A_928 : i32 to index
      %get3A_1025 = tpu.vector_load %arg9[%get3A_1023, %get3A_1024] {strides = array<i32>} : memref<16x512xf32, #tpu.memory_space<vmem>>, vector<16xf32>,
      %mul3A_1026 = arith.mulf %get3A_852, %get3A_1021 : vector<16xf32>
      %mul3A_1027 = arith.mulf %get3A_856, %get3A_1025 : vector<16xf32>
      %add3A_1028 = arith.addf %mul3A_1026, %mul3A_1027 : vector<16xf32>
      %swap3A_1029 = arith.constant 6 : i32
      %swap3A_1030 = arith.index_cast %swap3A_1029 : i32 to index
      %swap3A_1031 = arith.index_cast %mul3A_928 : i32 to index
      %swap3A_1032 = tpu.vector_load %arg11[%swap3A_1030, %swap3A_1031] {strides = array<i32>} : memref<16x512xf32, #tpu.memory_space<vmem>>, vector<16xf32>,
      tpu.vector_store %arg11[%swap3A_1030, %swap3A_1031], %add3A_1028 {strides = array<i32>} : memref<16x512xf32, #tpu.memory_space<vmem>>, vector<16xf32>,
      %get3A_1033 = arith.constant 7 : i32
      %get3A_1034 = arith.index_cast %get3A_1033 : i32 to index
      %get3A_1035 = arith.index_cast %mul3A_928 : i32 to index
      %get3A_1036 = tpu.vector_load %arg7[%get3A_1034, %get3A_1035] {strides = array<i32>} : memref<16x512xf32, #tpu.memory_space<vmem>>, vector<16xf32>,
      %get3A_1037 = arith.constant 7 : i32
      %get3A_1038 = arith.index_cast %get3A_1037 : i32 to index
      %get3A_1039 = arith.index_cast %mul3A_928 : i32 to index
      %get3A_1040 = tpu.vector_load %arg9[%get3A_1038, %get3A_1039] {strides = array<i32>} : memref<16x512xf32, #tpu.memory_space<vmem>>, vector<16xf32>,
      %mul3A_1041 = arith.mulf %get3A_852, %get3A_1036 : vector<16xf32>
      %mul3A_1042 = arith.mulf %get3A_856, %get3A_1040 : vector<16xf32>
      %add3A_1043 = arith.addf %mul3A_1041, %mul3A_1042 : vector<16xf32>
      %swap3A_1044 = arith.constant 7 : i32
      %swap3A_1045 = arith.index_cast %swap3A_1044 : i32 to index
      %swap3A_1046 = arith.index_cast %mul3A_928 : i32 to index
      %swap3A_1047 = tpu.vector_load %arg11[%swap3A_1045, %swap3A_1046] {strides = array<i32>} : memref<16x512xf32, #tpu.memory_space<vmem>>, vector<16xf32>,
      tpu.vector_store %arg11[%swap3A_1045, %swap3A_1046], %add3A_1043 {strides = array<i32>} : memref<16x512xf32, #tpu.memory_space<vmem>>, vector<16xf32>,
      %get3A_1048 = arith.constant 8 : i32
      %get3A_1049 = arith.index_cast %get3A_1048 : i32 to index
      %get3A_1050 = arith.index_cast %mul3A_928 : i32 to index
      %get3A_1051 = tpu.vector_load %arg7[%get3A_1049, %get3A_1050] {strides = array<i32>} : memref<16x512xf32, #tpu.memory_space<vmem>>, vector<16xf32>,
      %get3A_1052 = arith.constant 8 : i32
      %get3A_1053 = arith.index_cast %get3A_1052 : i32 to index
      %get3A_1054 = arith.index_cast %mul3A_928 : i32 to index
      %get3A_1055 = tpu.vector_load %arg9[%get3A_1053, %get3A_1054] {strides = array<i32>} : memref<16x512xf32, #tpu.memory_space<vmem>>, vector<16xf32>,
      %mul3A_1056 = arith.mulf %get3A_852, %get3A_1051 : vector<16xf32>
      %mul3A_1057 = arith.mulf %get3A_856, %get3A_1055 : vector<16xf32>
      %add3A_1058 = arith.addf %mul3A_1056, %mul3A_1057 : vector<16xf32>
      %swap3A_1059 = arith.constant 8 : i32
      %swap3A_1060 = arith.index_cast %swap3A_1059 : i32 to index
      %swap3A_1061 = arith.index_cast %mul3A_928 : i32 to index
      %swap3A_1062 = tpu.vector_load %arg11[%swap3A_1060, %swap3A_1061] {strides = array<i32>} : memref<16x512xf32, #tpu.memory_space<vmem>>, vector<16xf32>,
      tpu.vector_store %arg11[%swap3A_1060, %swap3A_1061], %add3A_1058 {strides = array<i32>} : memref<16x512xf32, #tpu.memory_space<vmem>>, vector<16xf32>,
      %get3A_1063 = arith.constant 9 : i32
      %get3A_1064 = arith.index_cast %get3A_1063 : i32 to index
      %get3A_1065 = arith.index_cast %mul3A_928 : i32 to index
      %get3A_1066 = tpu.vector_load %arg7[%get3A_1064, %get3A_1065] {strides = array<i32>} : memref<16x512xf32, #tpu.memory_space<vmem>>, vector<16xf32>,
      %get3A_1067 = arith.constant 9 : i32
      %get3A_1068 = arith.index_cast %get3A_1067 : i32 to index
      %get3A_1069 = arith.index_cast %mul3A_928 : i32 to index
      %get3A_1070 = tpu.vector_load %arg9[%get3A_1068, %get3A_1069] {strides = array<i32>} : memref<16x512xf32, #tpu.memory_space<vmem>>, vector<16xf32>,
      %mul3A_1071 = arith.mulf %get3A_852, %get3A_1066 : vector<16xf32>
      %mul3A_1072 = arith.mulf %get3A_856, %get3A_1070 : vector<16xf32>
      %add3A_1073 = arith.addf %mul3A_1071, %mul3A_1072 : vector<16xf32>
      %swap3A_1074 = arith.constant 9 : i32
      %swap3A_1075 = arith.index_cast %swap3A_1074 : i32 to index
      %swap3A_1076 = arith.index_cast %mul3A_928 : i32 to index
      %swap3A_1077 = tpu.vector_load %arg11[%swap3A_1075, %swap3A_1076] {strides = array<i32>} : memref<16x512xf32, #tpu.memory_space<vmem>>, vector<16xf32>,
      tpu.vector_store %arg11[%swap3A_1075, %swap3A_1076], %add3A_1073 {strides = array<i32>} : memref<16x512xf32, #tpu.memory_space<vmem>>, vector<16xf32>,
      %get3A_1078 = arith.constant 10 : i32
      %get3A_1079 = arith.index_cast %get3A_1078 : i32 to index
      %get3A_1080 = arith.index_cast %mul3A_928 : i32 to index
      %get3A_1081 = tpu.vector_load %arg7[%get3A_1079, %get3A_1080] {strides = array<i32>} : memref<16x512xf32, #tpu.memory_space<vmem>>, vector<16xf32>,
      %get3A_1082 = arith.constant 10 : i32
      %get3A_1083 = arith.index_cast %get3A_1082 : i32 to index
      %get3A_1084 = arith.index_cast %mul3A_928 : i32 to index
      %get3A_1085 = tpu.vector_load %arg9[%get3A_1083, %get3A_1084] {strides = array<i32>} : memref<16x512xf32, #tpu.memory_space<vmem>>, vector<16xf32>,
      %mul3A_1086 = arith.mulf %get3A_852, %get3A_1081 : vector<16xf32>
      %mul3A_1087 = arith.mulf %get3A_856, %get3A_1085 : vector<16xf32>
      %add3A_1088 = arith.addf %mul3A_1086, %mul3A_1087 : vector<16xf32>
      %swap3A_1089 = arith.constant 10 : i32
      %swap3A_1090 = arith.index_cast %swap3A_1089 : i32 to index
      %swap3A_1091 = arith.index_cast %mul3A_928 : i32 to index
      %swap3A_1092 = tpu.vector_load %arg11[%swap3A_1090, %swap3A_1091] {strides = array<i32>} : memref<16x512xf32, #tpu.memory_space<vmem>>, vector<16xf32>,
      tpu.vector_store %arg11[%swap3A_1090, %swap3A_1091], %add3A_1088 {strides = array<i32>} : memref<16x512xf32, #tpu.memory_space<vmem>>, vector<16xf32>,
      %get3A_1093 = arith.constant 11 : i32
      %get3A_1094 = arith.index_cast %get3A_1093 : i32 to index
      %get3A_1095 = arith.index_cast %mul3A_928 : i32 to index
      %get3A_1096 = tpu.vector_load %arg7[%get3A_1094, %get3A_1095] {strides = array<i32>} : memref<16x512xf32, #tpu.memory_space<vmem>>, vector<16xf32>,
      %get3A_1097 = arith.constant 11 : i32
      %get3A_1098 = arith.index_cast %get3A_1097 : i32 to index
      %get3A_1099 = arith.index_cast %mul3A_928 : i32 to index
      %get3A_1100 = tpu.vector_load %arg9[%get3A_1098, %get3A_1099] {strides = array<i32>} : memref<16x512xf32, #tpu.memory_space<vmem>>, vector<16xf32>,
      %mul3A_1101 = arith.mulf %get3A_852, %get3A_1096 : vector<16xf32>
      %mul3A_1102 = arith.mulf %get3A_856, %get3A_1100 : vector<16xf32>
      %add3A_1103 = arith.addf %mul3A_1101, %mul3A_1102 : vector<16xf32>
      %swap3A_1104 = arith.constant 11 : i32
      %swap3A_1105 = arith.index_cast %swap3A_1104 : i32 to index
      %swap3A_1106 = arith.index_cast %mul3A_928 : i32 to index
      %swap3A_1107 = tpu.vector_load %arg11[%swap3A_1105, %swap3A_1106] {strides = array<i32>} : memref<16x512xf32, #tpu.memory_space<vmem>>, vector<16xf32>,
      tpu.vector_store %arg11[%swap3A_1105, %swap3A_1106], %add3A_1103 {strides = array<i32>} : memref<16x512xf32, #tpu.memory_space<vmem>>, vector<16xf32>,
      %get3A_1108 = arith.constant 12 : i32
      %get3A_1109 = arith.index_cast %get3A_1108 : i32 to index
      %get3A_1110 = arith.index_cast %mul3A_928 : i32 to index
      %get3A_1111 = tpu.vector_load %arg7[%get3A_1109, %get3A_1110] {strides = array<i32>} : memref<16x512xf32, #tpu.memory_space<vmem>>, vector<16xf32>,
      %get3A_1112 = arith.constant 12 : i32
      %get3A_1113 = arith.index_cast %get3A_1112 : i32 to index
      %get3A_1114 = arith.index_cast %mul3A_928 : i32 to index
      %get3A_1115 = tpu.vector_load %arg9[%get3A_1113, %get3A_1114] {strides = array<i32>} : memref<16x512xf32, #tpu.memory_space<vmem>>, vector<16xf32>,
      %mul3A_1116 = arith.mulf %get3A_852, %get3A_1111 : vector<16xf32>
      %mul3A_1117 = arith.mulf %get3A_856, %get3A_1115 : vector<16xf32>
      %add3A_1118 = arith.addf %mul3A_1116, %mul3A_1117 : vector<16xf32>
      %swap3A_1119 = arith.constant 12 : i32
      %swap3A_1120 = arith.index_cast %swap3A_1119 : i32 to index
      %swap3A_1121 = arith.index_cast %mul3A_928 : i32 to index
      %swap3A_1122 = tpu.vector_load %arg11[%swap3A_1120, %swap3A_1121] {strides = array<i32>} : memref<16x512xf32, #tpu.memory_space<vmem>>, vector<16xf32>,
      tpu.vector_store %arg11[%swap3A_1120, %swap3A_1121], %add3A_1118 {strides = array<i32>} : memref<16x512xf32, #tpu.memory_space<vmem>>, vector<16xf32>,
      %get3A_1123 = arith.constant 13 : i32
      %get3A_1124 = arith.index_cast %get3A_1123 : i32 to index
      %get3A_1125 = arith.index_cast %mul3A_928 : i32 to index
      %get3A_1126 = tpu.vector_load %arg7[%get3A_1124, %get3A_1125] {strides = array<i32>} : memref<16x512xf32, #tpu.memory_space<vmem>>, vector<16xf32>,
      %get3A_1127 = arith.constant 13 : i32
      %get3A_1128 = arith.index_cast %get3A_1127 : i32 to index
      %get3A_1129 = arith.index_cast %mul3A_928 : i32 to index
      %get3A_1130 = tpu.vector_load %arg9[%get3A_1128, %get3A_1129] {strides = array<i32>} : memref<16x512xf32, #tpu.memory_space<vmem>>, vector<16xf32>,
      %mul3A_1131 = arith.mulf %get3A_852, %get3A_1126 : vector<16xf32>
      %mul3A_1132 = arith.mulf %get3A_856, %get3A_1130 : vector<16xf32>
      %add3A_1133 = arith.addf %mul3A_1131, %mul3A_1132 : vector<16xf32>
      %swap3A_1134 = arith.constant 13 : i32
      %swap3A_1135 = arith.index_cast %swap3A_1134 : i32 to index
      %swap3A_1136 = arith.index_cast %mul3A_928 : i32 to index
      %swap3A_1137 = tpu.vector_load %arg11[%swap3A_1135, %swap3A_1136] {strides = array<i32>} : memref<16x512xf32, #tpu.memory_space<vmem>>, vector<16xf32>,
      tpu.vector_store %arg11[%swap3A_1135, %swap3A_1136], %add3A_1133 {strides = array<i32>} : memref<16x512xf32, #tpu.memory_space<vmem>>, vector<16xf32>,
      %get3A_1138 = arith.constant 14 : i32
      %get3A_1139 = arith.index_cast %get3A_1138 : i32 to index
      %get3A_1140 = arith.index_cast %mul3A_928 : i32 to index
      %get3A_1141 = tpu.vector_load %arg7[%get3A_1139, %get3A_1140] {strides = array<i32>} : memref<16x512xf32, #tpu.memory_space<vmem>>, vector<16xf32>,
      %get3A_1142 = arith.constant 14 : i32
      %get3A_1143 = arith.index_cast %get3A_1142 : i32 to index
      %get3A_1144 = arith.index_cast %mul3A_928 : i32 to index
      %get3A_1145 = tpu.vector_load %arg9[%get3A_1143, %get3A_1144] {strides = array<i32>} : memref<16x512xf32, #tpu.memory_space<vmem>>, vector<16xf32>,
      %mul3A_1146 = arith.mulf %get3A_852, %get3A_1141 : vector<16xf32>
      %mul3A_1147 = arith.mulf %get3A_856, %get3A_1145 : vector<16xf32>
      %add3A_1148 = arith.addf %mul3A_1146, %mul3A_1147 : vector<16xf32>
      %swap3A_1149 = arith.constant 14 : i32
      %swap3A_1150 = arith.index_cast %swap3A_1149 : i32 to index
      %swap3A_1151 = arith.index_cast %mul3A_928 : i32 to index
      %swap3A_1152 = tpu.vector_load %arg11[%swap3A_1150, %swap3A_1151] {strides = array<i32>} : memref<16x512xf32, #tpu.memory_space<vmem>>, vector<16xf32>,
      tpu.vector_store %arg11[%swap3A_1150, %swap3A_1151], %add3A_1148 {strides = array<i32>} : memref<16x512xf32, #tpu.memory_space<vmem>>, vector<16xf32>,
      %get3A_1153 = arith.constant 15 : i32
      %get3A_1154 = arith.index_cast %get3A_1153 : i32 to index
      %get3A_1155 = arith.index_cast %mul3A_928 : i32 to index
      %get3A_1156 = tpu.vector_load %arg7[%get3A_1154, %get3A_1155] {strides = array<i32>} : memref<16x512xf32, #tpu.memory_space<vmem>>, vector<16xf32>,
      %get3A_1157 = arith.constant 15 : i32
      %get3A_1158 = arith.index_cast %get3A_1157 : i32 to index
      %get3A_1159 = arith.index_cast %mul3A_928 : i32 to index
      %get3A_1160 = tpu.vector_load %arg9[%get3A_1158, %get3A_1159] {strides = array<i32>} : memref<16x512xf32, #tpu.memory_space<vmem>>, vector<16xf32>,
      %mul3A_1161 = arith.mulf %get3A_852, %get3A_1156 : vector<16xf32>
      %mul3A_1162 = arith.mulf %get3A_856, %get3A_1160 : vector<16xf32>
      %add3A_1163 = arith.addf %mul3A_1161, %mul3A_1162 : vector<16xf32>
      %swap3A_1164 = arith.constant 15 : i32
      %swap3A_1165 = arith.index_cast %swap3A_1164 : i32 to index
      %swap3A_1166 = arith.index_cast %mul3A_928 : i32 to index
      %swap3A_1167 = tpu.vector_load %arg11[%swap3A_1165, %swap3A_1166] {strides = array<i32>} : memref<16x512xf32, #tpu.memory_space<vmem>>, vector<16xf32>,
      tpu.vector_store %arg11[%swap3A_1165, %swap3A_1166], %add3A_1163 {strides = array<i32>} : memref<16x512xf32, #tpu.memory_space<vmem>>, vector<16xf32>,
    }
    %scan3A_862 = arith.constant 32 : i32
    %dma_start3A_863 = arith.constant 6 : i32
    %dma_start3A_864 = arith.constant 0 : i32
    %dma_start3A_865 = tpu.memref_slice %arg5[%dma_start3A_863, %dma_start3A_864, %mul3A_2] : memref<8x16x16384xf32, #tpu.memory_space<hbm>> -> memref<1x16x512xf32, #tpu.memory_space<hbm>>
    %dma_start3A_866 = tpu.memref_squeeze %dma_start3A_865 : memref<1x16x512xf32, #tpu.memory_space<hbm>> -> memref<16x512xf32, #tpu.memory_space<hbm>>
    %dma_start3A_867 = arith.constant 0 : i32
    %dma_start3A_868 = tpu.memref_slice %arg5[%dma_start3A_863, %dma_start3A_867, %mul3A_2] : memref<8x16x16384xf32, #tpu.memory_space<hbm>> -> memref<1x16x512xf32, #tpu.memory_space<hbm>>
    %dma_start3A_869 = tpu.memref_squeeze %dma_start3A_868 : memref<1x16x512xf32, #tpu.memory_space<hbm>> -> memref<16x512xf32, #tpu.memory_space<hbm>>
    tpu.enqueue_dma source(%arg11 : memref<16x512xf32, #tpu.memory_space<vmem>>) target(%dma_start3A_869 : memref<16x512xf32, #tpu.memory_space<hbm>>) target_semaphore(%arg17 : memref<!tpu.dma_semaphore, #tpu.memory_space<semaphore_mem>>)
    %dma_wait3A_870 = arith.constant 0 : i32
    %dma_wait3A_871 = arith.constant 0 : i32
    %dma_wait3A_872 = tpu.memref_slice %arg2[%dma_wait3A_870, %dma_wait3A_871, %mul3A_2] : memref<64x16x16384xf32, #tpu.memory_space<hbm>> -> memref<1x16x512xf32, #tpu.memory_space<hbm>>
    %dma_wait3A_873 = tpu.memref_squeeze %dma_wait3A_872 : memref<1x16x512xf32, #tpu.memory_space<hbm>> -> memref<16x512xf32, #tpu.memory_space<hbm>>
    %dma_wait3A_874 = arith.constant 0 : i32
    %dma_wait3A_875 = tpu.memref_slice %arg2[%dma_wait3A_870, %dma_wait3A_874, %mul3A_2] : memref<64x16x16384xf32, #tpu.memory_space<hbm>> -> memref<1x16x512xf32, #tpu.memory_space<hbm>>
    %dma_wait3A_876 = tpu.memref_squeeze %dma_wait3A_875 : memref<1x16x512xf32, #tpu.memory_space<hbm>> -> memref<16x512xf32, #tpu.memory_space<hbm>>
    tpu.wait_dma2 semaphore(%arg14 : memref<!tpu.dma_semaphore, #tpu.memory_space<semaphore_mem>>) src(%dma_wait3A_876 : memref<16x512xf32, #tpu.memory_space<hbm>>) dst(%arg8 : memref<16x512xf32, #tpu.memory_space<vmem>>)
    %dma_wait3A_877 = arith.constant 0 : i32
    %dma_wait3A_878 = arith.constant 0 : i32
    %dma_wait3A_879 = tpu.memref_slice %arg2[%dma_wait3A_877, %dma_wait3A_878, %mul3A_2] : memref<64x16x16384xf32, #tpu.memory_space<hbm>> -> memref<1x16x512xf32, #tpu.memory_space<hbm>>
    %dma_wait3A_880 = tpu.memref_squeeze %dma_wait3A_879 : memref<1x16x512xf32, #tpu.memory_space<hbm>> -> memref<16x512xf32, #tpu.memory_space<hbm>>
    %dma_wait3A_881 = arith.constant 0 : i32
    %dma_wait3A_882 = tpu.memref_slice %arg2[%dma_wait3A_877, %dma_wait3A_881, %mul3A_2] : memref<64x16x16384xf32, #tpu.memory_space<hbm>> -> memref<1x16x512xf32, #tpu.memory_space<hbm>>
    %dma_wait3A_883 = tpu.memref_squeeze %dma_wait3A_882 : memref<1x16x512xf32, #tpu.memory_space<hbm>> -> memref<16x512xf32, #tpu.memory_space<hbm>>
    tpu.wait_dma2 semaphore(%arg16 : memref<!tpu.dma_semaphore, #tpu.memory_space<semaphore_mem>>) src(%dma_wait3A_883 : memref<16x512xf32, #tpu.memory_space<hbm>>) dst(%arg10 : memref<16x512xf32, #tpu.memory_space<vmem>>)
    %dma_wait3A_884 = arith.constant 5 : i32
    %dma_wait3A_885 = arith.constant 0 : i32
    %dma_wait3A_886 = tpu.memref_slice %arg5[%dma_wait3A_884, %dma_wait3A_885, %mul3A_2] : memref<8x16x16384xf32, #tpu.memory_space<hbm>> -> memref<1x16x512xf32, #tpu.memory_space<hbm>>
    %dma_wait3A_887 = tpu.memref_squeeze %dma_wait3A_886 : memref<1x16x512xf32, #tpu.memory_space<hbm>> -> memref<16x512xf32, #tpu.memory_space<hbm>>
    %dma_wait3A_888 = arith.constant 0 : i32
    %dma_wait3A_889 = tpu.memref_slice %arg5[%dma_wait3A_884, %dma_wait3A_888, %mul3A_2] : memref<8x16x16384xf32, #tpu.memory_space<hbm>> -> memref<1x16x512xf32, #tpu.memory_space<hbm>>
    %dma_wait3A_890 = tpu.memref_squeeze %dma_wait3A_889 : memref<1x16x512xf32, #tpu.memory_space<hbm>> -> memref<16x512xf32, #tpu.memory_space<hbm>>
    tpu.wait_dma2 semaphore(%arg18 : memref<!tpu.dma_semaphore, #tpu.memory_space<semaphore_mem>>) src(%arg12 : memref<16x512xf32, #tpu.memory_space<vmem>>) dst(%dma_wait3A_890 : memref<16x512xf32, #tpu.memory_space<hbm>>)
    %get3A_891 = arith.constant 0 : i32
    %get3A_892 = arith.index_cast %get3A_891 : i32 to index
    %get3A_893 = arith.constant 112 : index
    %get3A_894 = tpu.vector_load %arg6[%get3A_892, %get3A_893] {strides = array<i32>} : memref<8x128xf32, #tpu.memory_space<vmem>>, vector<16xf32>,
    %get3A_895 = arith.constant 1 : i32
    %get3A_896 = arith.index_cast %get3A_895 : i32 to index
    %get3A_897 = arith.constant 112 : index
    %get3A_898 = tpu.vector_load %arg6[%get3A_896, %get3A_897] {strides = array<i32>} : memref<8x128xf32, #tpu.memory_space<vmem>>, vector<16xf32>,
    %scan3A_899 = arith.constant 0 : i32
    %scan3A_900 = arith.constant 0 : i32
    %scan3A_901 = arith.constant 32 : i32
    %scan3A_902 = arith.addi %scan3A_900, %scan3A_901 : i32
    %scan3A_903 = arith.constant 1 : i32
    scf.for %scan3A_926 = %scan3A_900 to %scan3A_902 step %scan3A_903  : i32 {
      %mul3A_927 = arith.constant 16 : i32
      %mul3A_928 = arith.muli %scan3A_926, %mul3A_927 : i32
      %get3A_929 = arith.constant 0 : i32
      %get3A_930 = arith.index_cast %get3A_929 : i32 to index
      %get3A_931 = arith.index_cast %mul3A_928 : i32 to index
      %get3A_932 = tpu.vector_load %arg8[%get3A_930, %get3A_931] {strides = array<i32>} : memref<16x512xf32, #tpu.memory_space<vmem>>, vector<16xf32>,
      %get3A_933 = arith.constant 0 : i32
      %get3A_934 = arith.index_cast %get3A_933 : i32 to index
      %get3A_935 = arith.index_cast %mul3A_928 : i32 to index
      %get3A_936 = tpu.vector_load %arg10[%get3A_934, %get3A_935] {strides = array<i32>} : memref<16x512xf32, #tpu.memory_space<vmem>>, vector<16xf32>,
      %mul3A_937 = arith.mulf %get3A_894, %get3A_932 : vector<16xf32>
      %mul3A_938 = arith.mulf %get3A_898, %get3A_936 : vector<16xf32>
      %add3A_939 = arith.addf %mul3A_937, %mul3A_938 : vector<16xf32>
      %swap3A = arith.constant 0 : i32
      %swap3A_940 = arith.index_cast %swap3A : i32 to index
      %swap3A_941 = arith.index_cast %mul3A_928 : i32 to index
      %swap3A_942 = tpu.vector_load %arg12[%swap3A_940, %swap3A_941] {strides = array<i32>} : memref<16x512xf32, #tpu.memory_space<vmem>>, vector<16xf32>,
      tpu.vector_store %arg12[%swap3A_940, %swap3A_941], %add3A_939 {strides = array<i32>} : memref<16x512xf32, #tpu.memory_space<vmem>>, vector<16xf32>,
      %get3A_943 = arith.constant 1 : i32
      %get3A_944 = arith.index_cast %get3A_943 : i32 to index
      %get3A_945 = arith.index_cast %mul3A_928 : i32 to index
      %get3A_946 = tpu.vector_load %arg8[%get3A_944, %get3A_945] {strides = array<i32>} : memref<16x512xf32, #tpu.memory_space<vmem>>, vector<16xf32>,
      %get3A_947 = arith.constant 1 : i32
      %get3A_948 = arith.index_cast %get3A_947 : i32 to index
      %get3A_949 = arith.index_cast %mul3A_928 : i32 to index
      %get3A_950 = tpu.vector_load %arg10[%get3A_948, %get3A_949] {strides = array<i32>} : memref<16x512xf32, #tpu.memory_space<vmem>>, vector<16xf32>,
      %mul3A_951 = arith.mulf %get3A_894, %get3A_946 : vector<16xf32>
      %mul3A_952 = arith.mulf %get3A_898, %get3A_950 : vector<16xf32>
      %add3A_953 = arith.addf %mul3A_951, %mul3A_952 : vector<16xf32>
      %swap3A_954 = arith.constant 1 : i32
      %swap3A_955 = arith.index_cast %swap3A_954 : i32 to index
      %swap3A_956 = arith.index_cast %mul3A_928 : i32 to index
      %swap3A_957 = tpu.vector_load %arg12[%swap3A_955, %swap3A_956] {strides = array<i32>} : memref<16x512xf32, #tpu.memory_space<vmem>>, vector<16xf32>,
      tpu.vector_store %arg12[%swap3A_955, %swap3A_956], %add3A_953 {strides = array<i32>} : memref<16x512xf32, #tpu.memory_space<vmem>>, vector<16xf32>,
      %get3A_958 = arith.constant 2 : i32
      %get3A_959 = arith.index_cast %get3A_958 : i32 to index
      %get3A_960 = arith.index_cast %mul3A_928 : i32 to index
      %get3A_961 = tpu.vector_load %arg8[%get3A_959, %get3A_960] {strides = array<i32>} : memref<16x512xf32, #tpu.memory_space<vmem>>, vector<16xf32>,
      %get3A_962 = arith.constant 2 : i32
      %get3A_963 = arith.index_cast %get3A_962 : i32 to index
      %get3A_964 = arith.index_cast %mul3A_928 : i32 to index
      %get3A_965 = tpu.vector_load %arg10[%get3A_963, %get3A_964] {strides = array<i32>} : memref<16x512xf32, #tpu.memory_space<vmem>>, vector<16xf32>,
      %mul3A_966 = arith.mulf %get3A_894, %get3A_961 : vector<16xf32>
      %mul3A_967 = arith.mulf %get3A_898, %get3A_965 : vector<16xf32>
      %add3A_968 = arith.addf %mul3A_966, %mul3A_967 : vector<16xf32>
      %swap3A_969 = arith.constant 2 : i32
      %swap3A_970 = arith.index_cast %swap3A_969 : i32 to index
      %swap3A_971 = arith.index_cast %mul3A_928 : i32 to index
      %swap3A_972 = tpu.vector_load %arg12[%swap3A_970, %swap3A_971] {strides = array<i32>} : memref<16x512xf32, #tpu.memory_space<vmem>>, vector<16xf32>,
      tpu.vector_store %arg12[%swap3A_970, %swap3A_971], %add3A_968 {strides = array<i32>} : memref<16x512xf32, #tpu.memory_space<vmem>>, vector<16xf32>,
      %get3A_973 = arith.constant 3 : i32
      %get3A_974 = arith.index_cast %get3A_973 : i32 to index
      %get3A_975 = arith.index_cast %mul3A_928 : i32 to index
      %get3A_976 = tpu.vector_load %arg8[%get3A_974, %get3A_975] {strides = array<i32>} : memref<16x512xf32, #tpu.memory_space<vmem>>, vector<16xf32>,
      %get3A_977 = arith.constant 3 : i32
      %get3A_978 = arith.index_cast %get3A_977 : i32 to index
      %get3A_979 = arith.index_cast %mul3A_928 : i32 to index
      %get3A_980 = tpu.vector_load %arg10[%get3A_978, %get3A_979] {strides = array<i32>} : memref<16x512xf32, #tpu.memory_space<vmem>>, vector<16xf32>,
      %mul3A_981 = arith.mulf %get3A_894, %get3A_976 : vector<16xf32>
      %mul3A_982 = arith.mulf %get3A_898, %get3A_980 : vector<16xf32>
      %add3A_983 = arith.addf %mul3A_981, %mul3A_982 : vector<16xf32>
      %swap3A_984 = arith.constant 3 : i32
      %swap3A_985 = arith.index_cast %swap3A_984 : i32 to index
      %swap3A_986 = arith.index_cast %mul3A_928 : i32 to index
      %swap3A_987 = tpu.vector_load %arg12[%swap3A_985, %swap3A_986] {strides = array<i32>} : memref<16x512xf32, #tpu.memory_space<vmem>>, vector<16xf32>,
      tpu.vector_store %arg12[%swap3A_985, %swap3A_986], %add3A_983 {strides = array<i32>} : memref<16x512xf32, #tpu.memory_space<vmem>>, vector<16xf32>,
      %get3A_988 = arith.constant 4 : i32
      %get3A_989 = arith.index_cast %get3A_988 : i32 to index
      %get3A_990 = arith.index_cast %mul3A_928 : i32 to index
      %get3A_991 = tpu.vector_load %arg8[%get3A_989, %get3A_990] {strides = array<i32>} : memref<16x512xf32, #tpu.memory_space<vmem>>, vector<16xf32>,
      %get3A_992 = arith.constant 4 : i32
      %get3A_993 = arith.index_cast %get3A_992 : i32 to index
      %get3A_994 = arith.index_cast %mul3A_928 : i32 to index
      %get3A_995 = tpu.vector_load %arg10[%get3A_993, %get3A_994] {strides = array<i32>} : memref<16x512xf32, #tpu.memory_space<vmem>>, vector<16xf32>,
      %mul3A_996 = arith.mulf %get3A_894, %get3A_991 : vector<16xf32>
      %mul3A_997 = arith.mulf %get3A_898, %get3A_995 : vector<16xf32>
      %add3A_998 = arith.addf %mul3A_996, %mul3A_997 : vector<16xf32>
      %swap3A_999 = arith.constant 4 : i32
      %swap3A_1000 = arith.index_cast %swap3A_999 : i32 to index
      %swap3A_1001 = arith.index_cast %mul3A_928 : i32 to index
      %swap3A_1002 = tpu.vector_load %arg12[%swap3A_1000, %swap3A_1001] {strides = array<i32>} : memref<16x512xf32, #tpu.memory_space<vmem>>, vector<16xf32>,
      tpu.vector_store %arg12[%swap3A_1000, %swap3A_1001], %add3A_998 {strides = array<i32>} : memref<16x512xf32, #tpu.memory_space<vmem>>, vector<16xf32>,
      %get3A_1003 = arith.constant 5 : i32
      %get3A_1004 = arith.index_cast %get3A_1003 : i32 to index
      %get3A_1005 = arith.index_cast %mul3A_928 : i32 to index
      %get3A_1006 = tpu.vector_load %arg8[%get3A_1004, %get3A_1005] {strides = array<i32>} : memref<16x512xf32, #tpu.memory_space<vmem>>, vector<16xf32>,
      %get3A_1007 = arith.constant 5 : i32
      %get3A_1008 = arith.index_cast %get3A_1007 : i32 to index
      %get3A_1009 = arith.index_cast %mul3A_928 : i32 to index
      %get3A_1010 = tpu.vector_load %arg10[%get3A_1008, %get3A_1009] {strides = array<i32>} : memref<16x512xf32, #tpu.memory_space<vmem>>, vector<16xf32>,
      %mul3A_1011 = arith.mulf %get3A_894, %get3A_1006 : vector<16xf32>
      %mul3A_1012 = arith.mulf %get3A_898, %get3A_1010 : vector<16xf32>
      %add3A_1013 = arith.addf %mul3A_1011, %mul3A_1012 : vector<16xf32>
      %swap3A_1014 = arith.constant 5 : i32
      %swap3A_1015 = arith.index_cast %swap3A_1014 : i32 to index
      %swap3A_1016 = arith.index_cast %mul3A_928 : i32 to index
      %swap3A_1017 = tpu.vector_load %arg12[%swap3A_1015, %swap3A_1016] {strides = array<i32>} : memref<16x512xf32, #tpu.memory_space<vmem>>, vector<16xf32>,
      tpu.vector_store %arg12[%swap3A_1015, %swap3A_1016], %add3A_1013 {strides = array<i32>} : memref<16x512xf32, #tpu.memory_space<vmem>>, vector<16xf32>,
      %get3A_1018 = arith.constant 6 : i32
      %get3A_1019 = arith.index_cast %get3A_1018 : i32 to index
      %get3A_1020 = arith.index_cast %mul3A_928 : i32 to index
      %get3A_1021 = tpu.vector_load %arg8[%get3A_1019, %get3A_1020] {strides = array<i32>} : memref<16x512xf32, #tpu.memory_space<vmem>>, vector<16xf32>,
      %get3A_1022 = arith.constant 6 : i32
      %get3A_1023 = arith.index_cast %get3A_1022 : i32 to index
      %get3A_1024 = arith.index_cast %mul3A_928 : i32 to index
      %get3A_1025 = tpu.vector_load %arg10[%get3A_1023, %get3A_1024] {strides = array<i32>} : memref<16x512xf32, #tpu.memory_space<vmem>>, vector<16xf32>,
      %mul3A_1026 = arith.mulf %get3A_894, %get3A_1021 : vector<16xf32>
      %mul3A_1027 = arith.mulf %get3A_898, %get3A_1025 : vector<16xf32>
      %add3A_1028 = arith.addf %mul3A_1026, %mul3A_1027 : vector<16xf32>
      %swap3A_1029 = arith.constant 6 : i32
      %swap3A_1030 = arith.index_cast %swap3A_1029 : i32 to index
      %swap3A_1031 = arith.index_cast %mul3A_928 : i32 to index
      %swap3A_1032 = tpu.vector_load %arg12[%swap3A_1030, %swap3A_1031] {strides = array<i32>} : memref<16x512xf32, #tpu.memory_space<vmem>>, vector<16xf32>,
      tpu.vector_store %arg12[%swap3A_1030, %swap3A_1031], %add3A_1028 {strides = array<i32>} : memref<16x512xf32, #tpu.memory_space<vmem>>, vector<16xf32>,
      %get3A_1033 = arith.constant 7 : i32
      %get3A_1034 = arith.index_cast %get3A_1033 : i32 to index
      %get3A_1035 = arith.index_cast %mul3A_928 : i32 to index
      %get3A_1036 = tpu.vector_load %arg8[%get3A_1034, %get3A_1035] {strides = array<i32>} : memref<16x512xf32, #tpu.memory_space<vmem>>, vector<16xf32>,
      %get3A_1037 = arith.constant 7 : i32
      %get3A_1038 = arith.index_cast %get3A_1037 : i32 to index
      %get3A_1039 = arith.index_cast %mul3A_928 : i32 to index
      %get3A_1040 = tpu.vector_load %arg10[%get3A_1038, %get3A_1039] {strides = array<i32>} : memref<16x512xf32, #tpu.memory_space<vmem>>, vector<16xf32>,
      %mul3A_1041 = arith.mulf %get3A_894, %get3A_1036 : vector<16xf32>
      %mul3A_1042 = arith.mulf %get3A_898, %get3A_1040 : vector<16xf32>
      %add3A_1043 = arith.addf %mul3A_1041, %mul3A_1042 : vector<16xf32>
      %swap3A_1044 = arith.constant 7 : i32
      %swap3A_1045 = arith.index_cast %swap3A_1044 : i32 to index
      %swap3A_1046 = arith.index_cast %mul3A_928 : i32 to index
      %swap3A_1047 = tpu.vector_load %arg12[%swap3A_1045, %swap3A_1046] {strides = array<i32>} : memref<16x512xf32, #tpu.memory_space<vmem>>, vector<16xf32>,
      tpu.vector_store %arg12[%swap3A_1045, %swap3A_1046], %add3A_1043 {strides = array<i32>} : memref<16x512xf32, #tpu.memory_space<vmem>>, vector<16xf32>,
      %get3A_1048 = arith.constant 8 : i32
      %get3A_1049 = arith.index_cast %get3A_1048 : i32 to index
      %get3A_1050 = arith.index_cast %mul3A_928 : i32 to index
      %get3A_1051 = tpu.vector_load %arg8[%get3A_1049, %get3A_1050] {strides = array<i32>} : memref<16x512xf32, #tpu.memory_space<vmem>>, vector<16xf32>,
      %get3A_1052 = arith.constant 8 : i32
      %get3A_1053 = arith.index_cast %get3A_1052 : i32 to index
      %get3A_1054 = arith.index_cast %mul3A_928 : i32 to index
      %get3A_1055 = tpu.vector_load %arg10[%get3A_1053, %get3A_1054] {strides = array<i32>} : memref<16x512xf32, #tpu.memory_space<vmem>>, vector<16xf32>,
      %mul3A_1056 = arith.mulf %get3A_894, %get3A_1051 : vector<16xf32>
      %mul3A_1057 = arith.mulf %get3A_898, %get3A_1055 : vector<16xf32>
      %add3A_1058 = arith.addf %mul3A_1056, %mul3A_1057 : vector<16xf32>
      %swap3A_1059 = arith.constant 8 : i32
      %swap3A_1060 = arith.index_cast %swap3A_1059 : i32 to index
      %swap3A_1061 = arith.index_cast %mul3A_928 : i32 to index
      %swap3A_1062 = tpu.vector_load %arg12[%swap3A_1060, %swap3A_1061] {strides = array<i32>} : memref<16x512xf32, #tpu.memory_space<vmem>>, vector<16xf32>,
      tpu.vector_store %arg12[%swap3A_1060, %swap3A_1061], %add3A_1058 {strides = array<i32>} : memref<16x512xf32, #tpu.memory_space<vmem>>, vector<16xf32>,
      %get3A_1063 = arith.constant 9 : i32
      %get3A_1064 = arith.index_cast %get3A_1063 : i32 to index
      %get3A_1065 = arith.index_cast %mul3A_928 : i32 to index
      %get3A_1066 = tpu.vector_load %arg8[%get3A_1064, %get3A_1065] {strides = array<i32>} : memref<16x512xf32, #tpu.memory_space<vmem>>, vector<16xf32>,
      %get3A_1067 = arith.constant 9 : i32
      %get3A_1068 = arith.index_cast %get3A_1067 : i32 to index
      %get3A_1069 = arith.index_cast %mul3A_928 : i32 to index
      %get3A_1070 = tpu.vector_load %arg10[%get3A_1068, %get3A_1069] {strides = array<i32>} : memref<16x512xf32, #tpu.memory_space<vmem>>, vector<16xf32>,
      %mul3A_1071 = arith.mulf %get3A_894, %get3A_1066 : vector<16xf32>
      %mul3A_1072 = arith.mulf %get3A_898, %get3A_1070 : vector<16xf32>
      %add3A_1073 = arith.addf %mul3A_1071, %mul3A_1072 : vector<16xf32>
      %swap3A_1074 = arith.constant 9 : i32
      %swap3A_1075 = arith.index_cast %swap3A_1074 : i32 to index
      %swap3A_1076 = arith.index_cast %mul3A_928 : i32 to index
      %swap3A_1077 = tpu.vector_load %arg12[%swap3A_1075, %swap3A_1076] {strides = array<i32>} : memref<16x512xf32, #tpu.memory_space<vmem>>, vector<16xf32>,
      tpu.vector_store %arg12[%swap3A_1075, %swap3A_1076], %add3A_1073 {strides = array<i32>} : memref<16x512xf32, #tpu.memory_space<vmem>>, vector<16xf32>,
      %get3A_1078 = arith.constant 10 : i32
      %get3A_1079 = arith.index_cast %get3A_1078 : i32 to index
      %get3A_1080 = arith.index_cast %mul3A_928 : i32 to index
      %get3A_1081 = tpu.vector_load %arg8[%get3A_1079, %get3A_1080] {strides = array<i32>} : memref<16x512xf32, #tpu.memory_space<vmem>>, vector<16xf32>,
      %get3A_1082 = arith.constant 10 : i32
      %get3A_1083 = arith.index_cast %get3A_1082 : i32 to index
      %get3A_1084 = arith.index_cast %mul3A_928 : i32 to index
      %get3A_1085 = tpu.vector_load %arg10[%get3A_1083, %get3A_1084] {strides = array<i32>} : memref<16x512xf32, #tpu.memory_space<vmem>>, vector<16xf32>,
      %mul3A_1086 = arith.mulf %get3A_894, %get3A_1081 : vector<16xf32>
      %mul3A_1087 = arith.mulf %get3A_898, %get3A_1085 : vector<16xf32>
      %add3A_1088 = arith.addf %mul3A_1086, %mul3A_1087 : vector<16xf32>
      %swap3A_1089 = arith.constant 10 : i32
      %swap3A_1090 = arith.index_cast %swap3A_1089 : i32 to index
      %swap3A_1091 = arith.index_cast %mul3A_928 : i32 to index
      %swap3A_1092 = tpu.vector_load %arg12[%swap3A_1090, %swap3A_1091] {strides = array<i32>} : memref<16x512xf32, #tpu.memory_space<vmem>>, vector<16xf32>,
      tpu.vector_store %arg12[%swap3A_1090, %swap3A_1091], %add3A_1088 {strides = array<i32>} : memref<16x512xf32, #tpu.memory_space<vmem>>, vector<16xf32>,
      %get3A_1093 = arith.constant 11 : i32
      %get3A_1094 = arith.index_cast %get3A_1093 : i32 to index
      %get3A_1095 = arith.index_cast %mul3A_928 : i32 to index
      %get3A_1096 = tpu.vector_load %arg8[%get3A_1094, %get3A_1095] {strides = array<i32>} : memref<16x512xf32, #tpu.memory_space<vmem>>, vector<16xf32>,
      %get3A_1097 = arith.constant 11 : i32
      %get3A_1098 = arith.index_cast %get3A_1097 : i32 to index
      %get3A_1099 = arith.index_cast %mul3A_928 : i32 to index
      %get3A_1100 = tpu.vector_load %arg10[%get3A_1098, %get3A_1099] {strides = array<i32>} : memref<16x512xf32, #tpu.memory_space<vmem>>, vector<16xf32>,
      %mul3A_1101 = arith.mulf %get3A_894, %get3A_1096 : vector<16xf32>
      %mul3A_1102 = arith.mulf %get3A_898, %get3A_1100 : vector<16xf32>
      %add3A_1103 = arith.addf %mul3A_1101, %mul3A_1102 : vector<16xf32>
      %swap3A_1104 = arith.constant 11 : i32
      %swap3A_1105 = arith.index_cast %swap3A_1104 : i32 to index
      %swap3A_1106 = arith.index_cast %mul3A_928 : i32 to index
      %swap3A_1107 = tpu.vector_load %arg12[%swap3A_1105, %swap3A_1106] {strides = array<i32>} : memref<16x512xf32, #tpu.memory_space<vmem>>, vector<16xf32>,
      tpu.vector_store %arg12[%swap3A_1105, %swap3A_1106], %add3A_1103 {strides = array<i32>} : memref<16x512xf32, #tpu.memory_space<vmem>>, vector<16xf32>,
      %get3A_1108 = arith.constant 12 : i32
      %get3A_1109 = arith.index_cast %get3A_1108 : i32 to index
      %get3A_1110 = arith.index_cast %mul3A_928 : i32 to index
      %get3A_1111 = tpu.vector_load %arg8[%get3A_1109, %get3A_1110] {strides = array<i32>} : memref<16x512xf32, #tpu.memory_space<vmem>>, vector<16xf32>,
      %get3A_1112 = arith.constant 12 : i32
      %get3A_1113 = arith.index_cast %get3A_1112 : i32 to index
      %get3A_1114 = arith.index_cast %mul3A_928 : i32 to index
      %get3A_1115 = tpu.vector_load %arg10[%get3A_1113, %get3A_1114] {strides = array<i32>} : memref<16x512xf32, #tpu.memory_space<vmem>>, vector<16xf32>,
      %mul3A_1116 = arith.mulf %get3A_894, %get3A_1111 : vector<16xf32>
      %mul3A_1117 = arith.mulf %get3A_898, %get3A_1115 : vector<16xf32>
      %add3A_1118 = arith.addf %mul3A_1116, %mul3A_1117 : vector<16xf32>
      %swap3A_1119 = arith.constant 12 : i32
      %swap3A_1120 = arith.index_cast %swap3A_1119 : i32 to index
      %swap3A_1121 = arith.index_cast %mul3A_928 : i32 to index
      %swap3A_1122 = tpu.vector_load %arg12[%swap3A_1120, %swap3A_1121] {strides = array<i32>} : memref<16x512xf32, #tpu.memory_space<vmem>>, vector<16xf32>,
      tpu.vector_store %arg12[%swap3A_1120, %swap3A_1121], %add3A_1118 {strides = array<i32>} : memref<16x512xf32, #tpu.memory_space<vmem>>, vector<16xf32>,
      %get3A_1123 = arith.constant 13 : i32
      %get3A_1124 = arith.index_cast %get3A_1123 : i32 to index
      %get3A_1125 = arith.index_cast %mul3A_928 : i32 to index
      %get3A_1126 = tpu.vector_load %arg8[%get3A_1124, %get3A_1125] {strides = array<i32>} : memref<16x512xf32, #tpu.memory_space<vmem>>, vector<16xf32>,
      %get3A_1127 = arith.constant 13 : i32
      %get3A_1128 = arith.index_cast %get3A_1127 : i32 to index
      %get3A_1129 = arith.index_cast %mul3A_928 : i32 to index
      %get3A_1130 = tpu.vector_load %arg10[%get3A_1128, %get3A_1129] {strides = array<i32>} : memref<16x512xf32, #tpu.memory_space<vmem>>, vector<16xf32>,
      %mul3A_1131 = arith.mulf %get3A_894, %get3A_1126 : vector<16xf32>
      %mul3A_1132 = arith.mulf %get3A_898, %get3A_1130 : vector<16xf32>
      %add3A_1133 = arith.addf %mul3A_1131, %mul3A_1132 : vector<16xf32>
      %swap3A_1134 = arith.constant 13 : i32
      %swap3A_1135 = arith.index_cast %swap3A_1134 : i32 to index
      %swap3A_1136 = arith.index_cast %mul3A_928 : i32 to index
      %swap3A_1137 = tpu.vector_load %arg12[%swap3A_1135, %swap3A_1136] {strides = array<i32>} : memref<16x512xf32, #tpu.memory_space<vmem>>, vector<16xf32>,
      tpu.vector_store %arg12[%swap3A_1135, %swap3A_1136], %add3A_1133 {strides = array<i32>} : memref<16x512xf32, #tpu.memory_space<vmem>>, vector<16xf32>,
      %get3A_1138 = arith.constant 14 : i32
      %get3A_1139 = arith.index_cast %get3A_1138 : i32 to index
      %get3A_1140 = arith.index_cast %mul3A_928 : i32 to index
      %get3A_1141 = tpu.vector_load %arg8[%get3A_1139, %get3A_1140] {strides = array<i32>} : memref<16x512xf32, #tpu.memory_space<vmem>>, vector<16xf32>,
      %get3A_1142 = arith.constant 14 : i32
      %get3A_1143 = arith.index_cast %get3A_1142 : i32 to index
      %get3A_1144 = arith.index_cast %mul3A_928 : i32 to index
      %get3A_1145 = tpu.vector_load %arg10[%get3A_1143, %get3A_1144] {strides = array<i32>} : memref<16x512xf32, #tpu.memory_space<vmem>>, vector<16xf32>,
      %mul3A_1146 = arith.mulf %get3A_894, %get3A_1141 : vector<16xf32>
      %mul3A_1147 = arith.mulf %get3A_898, %get3A_1145 : vector<16xf32>
      %add3A_1148 = arith.addf %mul3A_1146, %mul3A_1147 : vector<16xf32>
      %swap3A_1149 = arith.constant 14 : i32
      %swap3A_1150 = arith.index_cast %swap3A_1149 : i32 to index
      %swap3A_1151 = arith.index_cast %mul3A_928 : i32 to index
      %swap3A_1152 = tpu.vector_load %arg12[%swap3A_1150, %swap3A_1151] {strides = array<i32>} : memref<16x512xf32, #tpu.memory_space<vmem>>, vector<16xf32>,
      tpu.vector_store %arg12[%swap3A_1150, %swap3A_1151], %add3A_1148 {strides = array<i32>} : memref<16x512xf32, #tpu.memory_space<vmem>>, vector<16xf32>,
      %get3A_1153 = arith.constant 15 : i32
      %get3A_1154 = arith.index_cast %get3A_1153 : i32 to index
      %get3A_1155 = arith.index_cast %mul3A_928 : i32 to index
      %get3A_1156 = tpu.vector_load %arg8[%get3A_1154, %get3A_1155] {strides = array<i32>} : memref<16x512xf32, #tpu.memory_space<vmem>>, vector<16xf32>,
      %get3A_1157 = arith.constant 15 : i32
      %get3A_1158 = arith.index_cast %get3A_1157 : i32 to index
      %get3A_1159 = arith.index_cast %mul3A_928 : i32 to index
      %get3A_1160 = tpu.vector_load %arg10[%get3A_1158, %get3A_1159] {strides = array<i32>} : memref<16x512xf32, #tpu.memory_space<vmem>>, vector<16xf32>,
      %mul3A_1161 = arith.mulf %get3A_894, %get3A_1156 : vector<16xf32>
      %mul3A_1162 = arith.mulf %get3A_898, %get3A_1160 : vector<16xf32>
      %add3A_1163 = arith.addf %mul3A_1161, %mul3A_1162 : vector<16xf32>
      %swap3A_1164 = arith.constant 15 : i32
      %swap3A_1165 = arith.index_cast %swap3A_1164 : i32 to index
      %swap3A_1166 = arith.index_cast %mul3A_928 : i32 to index
      %swap3A_1167 = tpu.vector_load %arg12[%swap3A_1165, %swap3A_1166] {strides = array<i32>} : memref<16x512xf32, #tpu.memory_space<vmem>>, vector<16xf32>,
      tpu.vector_store %arg12[%swap3A_1165, %swap3A_1166], %add3A_1163 {strides = array<i32>} : memref<16x512xf32, #tpu.memory_space<vmem>>, vector<16xf32>,
    }
    %scan3A_904 = arith.constant 32 : i32
    %dma_start3A_905 = arith.constant 7 : i32
    %dma_start3A_906 = arith.constant 0 : i32
    %dma_start3A_907 = tpu.memref_slice %arg5[%dma_start3A_905, %dma_start3A_906, %mul3A_2] : memref<8x16x16384xf32, #tpu.memory_space<hbm>> -> memref<1x16x512xf32, #tpu.memory_space<hbm>>
    %dma_start3A_908 = tpu.memref_squeeze %dma_start3A_907 : memref<1x16x512xf32, #tpu.memory_space<hbm>> -> memref<16x512xf32, #tpu.memory_space<hbm>>
    %dma_start3A_909 = arith.constant 0 : i32
    %dma_start3A_910 = tpu.memref_slice %arg5[%dma_start3A_905, %dma_start3A_909, %mul3A_2] : memref<8x16x16384xf32, #tpu.memory_space<hbm>> -> memref<1x16x512xf32, #tpu.memory_space<hbm>>
    %dma_start3A_911 = tpu.memref_squeeze %dma_start3A_910 : memref<1x16x512xf32, #tpu.memory_space<hbm>> -> memref<16x512xf32, #tpu.memory_space<hbm>>
    tpu.enqueue_dma source(%arg12 : memref<16x512xf32, #tpu.memory_space<vmem>>) target(%dma_start3A_911 : memref<16x512xf32, #tpu.memory_space<hbm>>) target_semaphore(%arg18 : memref<!tpu.dma_semaphore, #tpu.memory_space<semaphore_mem>>)
    %dma_wait3A_912 = arith.constant 6 : i32
    %dma_wait3A_913 = arith.constant 0 : i32
    %dma_wait3A_914 = tpu.memref_slice %arg5[%dma_wait3A_912, %dma_wait3A_913, %mul3A_2] : memref<8x16x16384xf32, #tpu.memory_space<hbm>> -> memref<1x16x512xf32, #tpu.memory_space<hbm>>
    %dma_wait3A_915 = tpu.memref_squeeze %dma_wait3A_914 : memref<1x16x512xf32, #tpu.memory_space<hbm>> -> memref<16x512xf32, #tpu.memory_space<hbm>>
    %dma_wait3A_916 = arith.constant 0 : i32
    %dma_wait3A_917 = tpu.memref_slice %arg5[%dma_wait3A_912, %dma_wait3A_916, %mul3A_2] : memref<8x16x16384xf32, #tpu.memory_space<hbm>> -> memref<1x16x512xf32, #tpu.memory_space<hbm>>
    %dma_wait3A_918 = tpu.memref_squeeze %dma_wait3A_917 : memref<1x16x512xf32, #tpu.memory_space<hbm>> -> memref<16x512xf32, #tpu.memory_space<hbm>>
    tpu.wait_dma2 semaphore(%arg17 : memref<!tpu.dma_semaphore, #tpu.memory_space<semaphore_mem>>) src(%arg11 : memref<16x512xf32, #tpu.memory_space<vmem>>) dst(%dma_wait3A_918 : memref<16x512xf32, #tpu.memory_space<hbm>>)
    %dma_wait3A_919 = arith.constant 7 : i32
    %dma_wait3A_920 = arith.constant 0 : i32
    %dma_wait3A_921 = tpu.memref_slice %arg5[%dma_wait3A_919, %dma_wait3A_920, %mul3A_2] : memref<8x16x16384xf32, #tpu.memory_space<hbm>> -> memref<1x16x512xf32, #tpu.memory_space<hbm>>
    %dma_wait3A_922 = tpu.memref_squeeze %dma_wait3A_921 : memref<1x16x512xf32, #tpu.memory_space<hbm>> -> memref<16x512xf32, #tpu.memory_space<hbm>>
    %dma_wait3A_923 = arith.constant 0 : i32
    %dma_wait3A_924 = tpu.memref_slice %arg5[%dma_wait3A_919, %dma_wait3A_923, %mul3A_2] : memref<8x16x16384xf32, #tpu.memory_space<hbm>> -> memref<1x16x512xf32, #tpu.memory_space<hbm>>
    %dma_wait3A_925 = tpu.memref_squeeze %dma_wait3A_924 : memref<1x16x512xf32, #tpu.memory_space<hbm>> -> memref<16x512xf32, #tpu.memory_space<hbm>>
    tpu.wait_dma2 semaphore(%arg18 : memref<!tpu.dma_semaphore, #tpu.memory_space<semaphore_mem>>) src(%arg12 : memref<16x512xf32, #tpu.memory_space<vmem>>) dst(%dma_wait3A_925 : memref<16x512xf32, #tpu.memory_space<hbm>>)
    return
  }
}

</mosaic_0001>

<sc_bundles>
// kernel: _sc_delay.3.cloned.1.call-start
scs
__scs_entry_jumppad:
0x0: {  	(pc) =	sbr.rel $0x88, $3  }
0x1: {  	(tag) =	ssettag $0x0;
	lr =	simm.s32 $0x1  }
0x2: {  	[smem:$0x3F9E] =	sst lr;
	_ =	strace $0xD0000000  }
0x3: {  	_ = 	snop  }
0x4: {  	_ = 	snop  }
0x5: {  	_ = 	snop  }
0x6: {  	_ = 	snop  }
0x7: {  	_ = 	snop  }
__scs_overlays_trampoline_lowered:
0x8: {  	[smem:$0x3FAD] =	sst s0  }
0x9: {  	[smem:$0x3FAE] =	sst s1  }
0xa: {  	[smem:$0x3FAF] =	sst s2  }
0xb: {  	[smem:$0x3FB0] =	sst s3  }
0xc: {  	[smem:$0x3FB1] =	sst s4  }
0xd: {  	[smem:$0x3FB2] =	sst s5  }
0xe: {  	[smem:$0x3FB3] =	sst s6  }
0xf: {  	[smem:$0x3FB4] =	sst s7  }
0x10: {  	[smem:$0x3FB5] =	sst s8  }
0x11: {  	[smem:$0x3FB6] =	sst s9;
	s0 =	simm.s32 @!p0 $0x0  }
0x12: {  	s1 =	sld [smem:$0x3F9C];
	s0 =	simm.s32 @p0 $0x1  }
0x13: {  	[smem:$0x3FB7] =	sst s0;
	s0 =	simm.s32 @!p1 $0x0  }
0x14: {  	s2 =	sld [smem:$0x3F9B];
	s0 =	simm.s32 @p1 $0x1  }
0x15: {  	[smem:$0x3FB8] =	sst s0;
	s0 =	simm.s32 @!p2 $0x0  }
0x16: {  	s3 =	sld [smem:$0x3FDB];
	s0 =	simm.s32 @p2 $0x1  }
0x17: {  	s4 =	simm.s32 $0x1BF5;
	[smem:$0x3FBA] =	sst s0  }
0x18: {  	s0 =	sld [smem:$0x3F9D];
	_ =	swait.ge [sflag:s4], $0x0  }
0x19: {  	s7 =	sld [smem:$0x3F9E]  }
0x1a: {  	s8 =	sadd.s32 $0xFFFFE003, lr  }
0x1b: {  	s9 =	sadd.s32 $0xFFFFFEF7, lr;
	s5 =	simm.s32 $0xFFFFFFFF;
	p2 =	slt.u32 s8, $0xFFFFF086  }
0x1c: {  	p1 =	slt.u32 s9, $0xF7A;
	s5 =	simm.s32 @!p2 $0x0  }
0x1d: {  	s5 =	simm.s32 @p1 $0x1;
	p0 =	seq.s32 s7, s2  }
0x1e: {  	s7 =	smul.u32 @!p0 $0xF7A, s2;
	p2 =	seq.s32 @!p0 s5, $0x0  }
0x1f: {  	s9 =	smul.u32 $0xF7A, s1;
	s8 =	simm.s32 @!p0 $0x1BF5;
	p2 =	por !p2, p0  }
0x20: {  	[sflag:s8] =	ssyncset.s32 @!p0 $0xFFFFF086;
	s6 =	sadd.s32 @!p0 s3, s7;
	s7 =	simm.s32 @!p0 $0x108  }
0x21: {  	s3 =	sadd.s32 s3, s9;
	s6 =	sadd.s32 @!p0 $0x88, s6;
	s7 =	simm.s32 @p2 $0x1082  }
0x22: {  	[simem:s7], [sflag:s8] =	dma.local @!p0 [hbm:s6], $0xF7A  }
0x23: {  	s9 =	sor.u32 $0xD0000000, s2;
	s6 =	simm.s32 $0x108;
	_ =	swait.ge @!p0 [sflag:s8], $0x0  }
0x24: {  	s3 =	sadd.s32 $0x88, s3;
	s6 =	simm.s32 @!p1 $0x1082;
	[sflag:s4] =	ssyncset.s32 $0xFFFFF086  }
0x25: {  	[simem:s6], [sflag:s4] =	dma.local [hbm:s3], $0xF7A  }
0x26: {  	[smem:$0x3F9E] =	sst s1;
	(tag) =	ssettag s2;
	_ =	strace s9  }
0x27: {  	s1 =	sld [smem:$0x3FAE]  }
0x28: {  	s2 =	sld [smem:$0x3FAF]  }
0x29: {  	s4 =	sld [smem:$0x3FB1]  }
0x2a: {  	p0 =	seq.s32 s5, $0x0;
	s5 =	sld [smem:$0x3FB2]  }
0x2b: {  	s6 =	sld [smem:$0x3FB3]  }
0x2c: {  	s7 =	sld [smem:$0x3FB4]  }
0x2d: {  	s3 =	simm.s32 $0x108;
	s8 =	sld [smem:$0x3FB5]  }
0x2e: {  	s3 =	simm.s32 @!p0 $0x1082;
	s9 =	sld [smem:$0x3FB6]  }
0x2f: {  	lr =	sadd.s32 s0, s3;
	s0 =	sld [smem:$0x3FAD]  }
0x30: {  	s3 =	sld [smem:$0x3FB0]  }
0x31: {  	[smem:$0x3FB9] =	sst s10  }
0x32: {  	s10 =	sld [smem:$0x3FB7];
	_ =	sdelay $0x3  }
0x33: {  	p0 =	seq.s32 s10, $0x1;
	s10 =	sld [smem:$0x3FB9];
	_ =	sdelay $0x3  }
0x34: {  	[smem:$0x3FB9] =	sst s10  }
0x35: {  	s10 =	sld [smem:$0x3FB8];
	_ =	sdelay $0x3  }
0x36: {  	p1 =	seq.s32 s10, $0x1;
	s10 =	sld [smem:$0x3FB9];
	_ =	sdelay $0x3  }
0x37: {  	[smem:$0x3FB9] =	sst s10  }
0x38: {  	s10 =	sld [smem:$0x3FBA]  }
0x39: {  	_ = 	snop;
	(pc) =	sbr.ind lr, $3  }
0x3a: {  	_ = 	snop  }
0x3b: {  	_ = 	snop  }
0x3c: {  	p2 =	seq.s32 s10, $0x1;
	s10 =	sld [smem:$0x3FB9]  }
0x3d: {  	_ =	shalt  }
0x3e: {  	_ =	shalt  }
0x3f: {  	_ =	shalt  }
0x40: {  	_ =	shalt  }
0x41: {  	_ =	shalt  }
0x42: {  	_ =	shalt  }
0x43: {  	_ =	shalt  }
0x44: {  	_ =	shalt  }
0x45: {  	_ =	shalt  }
0x46: {  	_ =	shalt  }
0x47: {  	_ =	shalt  }
0x48: {  	_ =	shalt  }
0x49: {  	_ =	shalt  }
0x4a: {  	_ =	shalt  }
0x4b: {  	_ =	shalt  }
0x4c: {  	_ =	shalt  }
0x4d: {  	_ =	shalt  }
0x4e: {  	_ =	shalt  }
0x4f: {  	_ =	shalt  }
0x50: {  	_ =	shalt  }
0x51: {  	_ =	shalt  }
0x52: {  	_ =	shalt  }
0x53: {  	_ =	shalt  }
0x54: {  	_ =	shalt  }
0x55: {  	_ =	shalt  }
0x56: {  	_ =	shalt  }
0x57: {  	_ =	shalt  }
0x58: {  	_ =	shalt  }
0x59: {  	_ =	shalt  }
0x5a: {  	_ =	shalt  }
0x5b: {  	_ =	shalt  }
0x5c: {  	_ =	shalt  }
0x5d: {  	_ =	shalt  }
0x5e: {  	_ =	shalt  }
0x5f: {  	_ =	shalt  }
0x60: {  	_ =	shalt  }
0x61: {  	_ =	shalt  }
0x62: {  	_ =	shalt  }
0x63: {  	_ =	shalt  }
0x64: {  	_ =	shalt  }
0x65: {  	_ =	shalt  }
0x66: {  	_ =	shalt  }
0x67: {  	_ =	shalt  }
0x68: {  	_ =	shalt  }
0x69: {  	_ =	shalt  }
0x6a: {  	_ =	shalt  }
0x6b: {  	_ =	shalt  }
0x6c: {  	_ =	shalt  }
0x6d: {  	_ =	shalt  }
0x6e: {  	_ =	shalt  }
0x6f: {  	_ =	shalt  }
0x70: {  	_ =	shalt  }
0x71: {  	_ =	shalt  }
0x72: {  	_ =	shalt  }
0x73: {  	_ =	shalt  }
0x74: {  	_ =	shalt  }
0x75: {  	_ =	shalt  }
0x76: {  	_ =	shalt  }
0x77: {  	_ =	shalt  }
0x78: {  	_ =	shalt  }
0x79: {  	_ =	shalt  }
0x7a: {  	_ =	shalt  }
0x7b: {  	_ =	shalt  }
0x7c: {  	_ =	shalt  }
0x7d: {  	_ =	shalt  }
0x7e: {  	_ =	shalt  }
0x7f: {  	_ =	shalt  }
0x80: {  	_ =	shalt  }
0x81: {  	_ =	shalt  }
0x82: {  	_ =	shalt  }
0x83: {  	_ =	shalt  }
0x84: {  	_ =	shalt  }
0x85: {  	_ =	shalt  }
0x86: {  	_ =	shalt  }
0x87: {  	_ =	shalt  }
.Lfunc_end0:
.L_simem_size_0:
called_computation_lowered:
.L_overlay_start_0:
0x88: {  	s2 =	sld [smem:$0x3FD9]  }
0x89: {  	s3 =	sld [smem:$0x3FFE];
	_ =	sdelay $0x1  }
0x8a: {  	s1 =	srdreg.scid  }
0x8b: {  	s0 =	sand.u32 $0x1, s1  }
0x8c: {  	s18 =	sshll.u32 s0, $0xA;
	s2 =	sadd.s32 s3, s2  }
0x8d: {  	s2 =	sadd.s32 s2, s18  }
0x8e: {  	[smem:$0x3FC5] =	sst s2  }
0x8f: {  	_ = 	snop  }
0x90: {  	s2 =	sld [smem:$0x3FC9]  }
0x91: {  	s19 =	sld [smem:$0x3FC8]  }
0x92: {  	s4 =	sld [smem:$0x3FC7]  }
0x93: {  	s5 =	sld [smem:$0x3FD0];
	(tm) =	ssettm $0x1  }
0x94: {  	s6 =	sld [smem:$0x3FFB];
	_ =	sdelay $0x3  }
0x95: {  	_ =	strace s6  }
0x96: {  	s6 =	sld [smem:$0x3FFC];
	_ =	sdelay $0x3  }
0x97: {  	_ =	strace s6  }
0x98: {  	s6 =	sld [smem:$0x3FFD];
	_ =	sdelay $0x3  }
0x99: {  	_ =	strace s6  }
0x9a: {  	_ =	strace $0x8FFFFFFF  }
0x9b: {  	s20 =	sld [smem:$0x3FDB];
	_ =	sdelay $0x1  }
0x9c: {  	s7 =	simm.s32 $_scs_section_size  }
0x9d: {  	s8 =	simm.s32 $_size__tile_overlayer_lowered;
	s9 =	simm.s32 $_tile_overlayer_lowered  }
0x9e: {  	s23 =	simm.s32 $0x1BFF;
	s22 =	sshll.u32 s9, $0x1;
	s6 =	sadd.s32 s7, s20  }
0x9f: {  	s10 =	simm.s32 $0x0;
	s21 =	sshll.u32 s8, $0x1;
	s8 =	sadd.s32 s22, s6  }
0xa0: {  	[timem:s10], [sflag:s23] =	dma.local [hbm:s8], s21  }
0xa1: {  	_ =	swait.ge [sflag:s23], s21  }
0xa2: {  	s7 =	ssub.s32 $0x0, s21;
	[sflag:s23] =	ssyncset.done $0x0  }
0xa3: {  	[sflag:s23] =	ssyncadd.s32 s7;
	_ =	sdelay $0x1  }
0xa4: {  	s24 =	simm.s32 $0x1B8B  }
0xa5: {  	_ =	swait.ge [sflag:s24], $0x1  }
0xa6: {  	[sflag:s24] =	ssyncset.done $0x0  }
0xa7: {  	s25 =	simm.s32 $0x1B8E;
	[sflag:s24] =	ssyncadd.s32 $0xFFFFFFFF  }
0xa8: {  	s26 =	simm.s32 $execute0_lowered;
	[smem:$0x3FD2] =	sst s25  }
0xa9: {  	s7 =	sshll.u32 s26, $0x1;
	_ =	strace $0x80000046;
	[dreg:$0x1] =	wrdreg $0xFFFFFFFF  }
0xaa: {  	s28 =	simm.s32 $_size_execute0_lowered;
	s6 =	sadd.s32 s6, s7;
	[dreg:$0x0] =	wrdreg $0x0  }
0xab: {  	s7 =	sshll.u32 s28, $0x1;
	[dreg:$0x2] =	wrdreg s6  }
0xac: {  	[dreg:$0x3] =	wrdreg s7  }
0xad: {  	[dreg:$0x4] =	wrdreg $0xC0  }
0xae: {  	_ =	task [dreg:s10], $0x5FFFF  }
0xaf: {  	[dreg:$0x1] =	wrdreg $0xFFFFFFFF  }
0xb0: {  	[dreg:$0x0] =	wrdreg $0x60  }
0xb1: {  	[dreg:$0x2] =	wrdreg s2  }
0xb2: {  	[dreg:$0x3] =	wrdreg s19  }
0xb3: {  	[dreg:$0x4] =	wrdreg s4  }
0xb4: {  	[dreg:$0x5] =	wrdreg s5  }
0xb5: {  	[dreg:$0x6] =	wrdreg $0x9  }
0xb6: {  	_ =	task.clear_ibuf [dreg:s10], $0x7FFFF;
	_ =	strace $0x90000046  }
0xb7: {  	s29 =	simm.s32 $0x9;
	_ =	strace $0x80000048  }
0xb8: {  	_ =	swait.ge [sflag:s29], $0x1  }
0xb9: {  	[sflag:s29] =	ssyncadd.s32 $0xFFFFFFFF  }
0xba: {  	_ =	strace $0x90000048  }
0xbb: {  	_ =	sfence  }
0xbc: {  	s30 =	sld [smem:$0x0];
	_ =	sdelay $0x2  }
0xbd: {  	s31 =	sshll.u32 s1, $0xD;
	s1 =	sshrl.u32 s1, $0x2  }
0xbe: {  	s3 =	sand.u32 $0x4000, s31;
	s1 =	sadd.s32 s1, s30  }
0xbf: {  	s0 =	sor.u32 s3, s0;
	s1 =	sshll.u32 s1, $0x11  }
0xc0: {  	s0 =	sor.u32 s1, s0  }
0xc1: {  	s0 =	sadd.s32 $0x8F2B, s0  }
0xc2: {  	[sflag:s0] =	ssyncadd.remote.s32 $0x1  }
0xc3: {  	_ =	sfence.sel $0xFFFF  }
0xc4: {  	[dreg:$0x0] =	wrdreg $0xFFFFFFFF;
	(pc) =	sbr.abs _section_cstart, $3  }
0xc5: {  	[dreg:$0x1] =	wrdreg $0xFFFFFFFF  }
0xc6: {  	_ =	task.clear_ibuf [dreg:s10], $0x2FFFF;
	_ =	strace $0x9FFFFFFF  }
0xc7: {  	(tm) =	ssettm $0x7FFFFFFF  }
tec
execute0_lowered:
.L_overlay_start_1:
0x0: {  	(tag) =	ssettag $0x1  }
0x1: {  	s0 =	rddreg [dreg:$0x0];
	vm1 =	vcmask $0x300;
	v14 =	vimm.f32 $0.0e+00;
	vm2 =	vcmask $0x2320  }
0x2: {  	s1 =	rddreg [dreg:$0x1];
	vm0 =	vcmask $0x1F24;
	s3 =	srdreg.scid;
	vm3 =	vcmask $0x2724;
	vm4 =	vcmask $0xB08  }
0x3: {  	s2 =	rddreg [dreg:$0x3];
	s6 =	stileid.u32;
	vm5 =	vcmask $0x2B28;
	vm6 =	vcmask $0xF0C;
	vm7 =	vcmask $0x2F2C;
	s3 =	sand.u32 $0x1, s3  }
0x4: {  	vm8 =	vcmask $0x1310;
	vm9 =	vcmask $0x3330;
	vm10 =	vcmask $0x1714;
	s6 =	sshll.u32 s6, $0xA;
	s19 =	ssub.s32 $0x2, s3;
	s3 =	sshll.u32 s3, $0x9  }
0x5: {  	s4 =	simm.s32 $0x0;
	vm11 =	vcmask $0x3734;
	s16 =	simm.s32 $0x1000;
	vm12 =	vcmask $0x1B18;
	vm13 =	vcmask $0x3B38;
	s3 =	sor.u32 s3, s6  }
0x6: {  	s17 =	simm.s32 $0x20000;
	v15 =	vimm.f32 $1.000000000e+00;
	vm14 =	vcmask $0x3B00;
	v0 =	vsel vm1, $0x3F800000, v14;
	[smem:$0x7FF] =	sst s4;
	s20 =	sadd.s32 s2, s3  }
0x7: {  	v1 =	vsel vm2, $0x3F800000, v14;
	vm1 =	vcmask $0x2328;
	vm2 =	vcmask $0x704;
	_ =	strace $0x80000047;
	s21 =	sadd.s32 $0x8000, s20;
	[dreg:$0x5] =	wrdreg s20  }
0x8: {  	s29 =	simm.s32 $0x5;
	v3 =	vsel vm3, $0x3F800000, v14;
	vm3 =	vcmask $0x272C;
	v4 =	vsel vm4, $0x3F800000, v14;
	s22 =	sadd.s32 $0x10000, s20;
	[dreg:$0x6] =	wrdreg s21  }
0x9: {  	s30 =	simm.s32 $0x6;
	v5 =	vsel vm5, $0x3F800000, v14;
	vm4 =	vcmask $0xB10;
	vm5 =	vcmask $0x2B30;
	s23 =	sadd.s32 $0x18000, s20;
	[dreg:$0x7] =	wrdreg s22  }
0xa: {  	s31 =	simm.s32 $0x0;
	v6 =	vsel vm6, $0x3F800000, v14;
	v7 =	vsel vm7, $0x3F800000, v14;
	vm6 =	vcmask $0xF14;
	s24 =	sadd.s32 $0x20000, s20;
	[dreg:$0x8] =	wrdreg s23  }
0xb: {  	vm7 =	vcmask $0x2F34;
	v8 =	vsel vm8, $0x3F800000, v14;
	v9 =	vsel vm9, $0x3F800000, v14;
	s5 =	sshrl.u32 s19, $0x1;
	s25 =	sadd.s32 $0x28000, s20;
	[dreg:$0x9] =	wrdreg s24  }
0xc: {  	vm8 =	vcmask $0x1318;
	vm9 =	vcmask $0x3338;
	v10 =	vsel vm10, $0x3F800000, v14;
	s7 =	ssub.s32 s19, s5;
	s26 =	sadd.s32 $0x30000, s20;
	[dreg:$0xa] =	wrdreg s25  }
0xd: {  	v11 =	vsel vm11, $0x3F800000, v14;
	vm10 =	vcmask $0x171C;
	vm11 =	vcmask $0x373C;
	s5 =	sadd.s32 s0, s3;
	s0 =	sadd.s32 $0x38000, s20;
	[dreg:$0xb] =	wrdreg s26  }
0xe: {  	s15 =	simm.s32 $0x6400;
	v12 =	vsel vm12, $0x3F800000, v14;
	v13 =	vsel vm13, $0x3F800000, v14;
	vm12 =	vcmask $0x1B20;
	s28 =	smax.u32 s7, $0x1;
	[dreg:$0xc] =	wrdreg s0  }
0xf: {  	vm13 =	vcmask $0x1F1C;
	v15 =	vsel vm14, $0x0, v15;
	v2 =	vsel vm2, $0x3F800000, v14;
	s4 =	sadd.s32 s1, s3;
	[dreg:$0xd] =	wrdreg s28;
	s22 =	simm.s32 $0x1  }
0x10: {  	vm2 =	vcmask $0x70C;
	v14 =	vsel vm13, $0x3F800000, v14;
	vm13 =	vmmov $0x7fff;
	s23 =	simm.s32 $0x3;
	s25 =	simm.s32 $0x2;
	s26 =	simm.s32 $0x4  }
.LBB2_1:
0x11: {  	s0 =	rddreg [dreg:$0x2];
	s13 =	simm.s32 $0x0;
	s14 =	simm.s32 $0x7  }
0x12: {  	[tilespmem:s13], [sflag:$0x7] =	stream.linear.gather [hbm4b:s0+s13], $0x400, $0x38;
	[tilespmem:$0xC400] =	vst v63  }
0x13: {  	_ =	swait.ge [sflag:s14], $0x400  }
0x14: {  	[sflag:s14] =	ssyncset.done $0x0  }
0x15: {  	[sflag:s14] =	ssyncadd.s32 $0xFFFFFC00  }
0x16: {  	v16 =	vld [tilespmem:$0x100]  }
0x17: {  	v17 =	vld [tilespmem:$0x180];
	_ =	sdelay $0x3  }
0x18: {  	v18 =	vsel vm0, $0x0, v16  }
0x19: {  	vm14 =	veq.s32 v17, $0x1;
	v18 =	vxor.u32 $0x80000000, v18  }
0x1a: {  	v17 =	vnsel vm14, $0x0, v0;
	(xrf0) =	vmax.scan.msk.u32 $0xffff, v18  }
0x1b: {  	(xrf0) =	vmax.scan.msk.f32 $0xffff, v17;
	_ =	sdelay $0x4  }
0x1c: {  	v17, _, _ =	vpop (xrf0)  }
0x1d: {  	(v2sf) =	vpush v17, $0xF;
	v17, _, _ =	vpop (xrf0)  }
0x1e: {  	(v2sf) =	vpush v17, $0xF;
	_ =	sdelay $0xd  }
0x1f: {  	s8 =	spop (v2sf)  }
0x20: {  	s18 =	spop (v2sf)  }
0x21: {  	p0 =	sgt.f32 s18, $0.0e+00;
	_ =	sdelay $0x1  }
0x22: {  	vm15 =	vmmov @!p0 $0x1  }
0x23: {  	v17 =	vnsel vm14, $0x0, v1;
	v18 =	vnsel @!p0 vm15, $0x0, v16  }
0x24: {  	(xrf0) =	vmax.scan.msk.f32 $0xffff, v17;
	v17 =	vxor.u32 @!p0 $0x80000000, v18;
	v18 =	vsel vm1, $0x0, v16  }
0x25: {  	(xrf0) =	vmax.scan.msk.u32 @!p0 $0xffff, v17;
	v17 =	vxor.u32 $0x80000000, v18  }
0x26: {  	(xrf0) =	vmax.scan.msk.u32 $0xffff, v17;
	v17 =	vnsel vm14, $0x0, v2  }
0x27: {  	v18 =	vsel vm2, $0x0, v16;
	(xrf0) =	vmax.scan.msk.f32 $0xffff, v17;
	v17 =	vnsel vm14, $0x0, v3  }
0x28: {  	(xrf0) =	vmax.scan.msk.f32 $0xffff, v17;
	v17 =	vxor.u32 $0x80000000, v18;
	v18 =	vsel vm3, $0x0, v16;
	_ =	sdelay $0x1  }
0x29: {  	(xrf0) =	vmax.scan.msk.u32 $0xffff, v17;
	v17 =	vxor.u32 $0x80000000, v18  }
0x2a: {  	v18, _, _ =	vpop (xrf0);
	(xrf0) =	vmax.scan.msk.u32 $0xffff, v17  }
0x2b: {  	v17 =	vnsel vm14, $0x0, v4;
	(v2sf) =	vpush v18, $0xF;
	v18, _, _ =	vpop @!p0 (xrf0)  }
0x2c: {  	v19 =	vsel vm4, $0x0, v16;
	(xrf0) =	vmax.scan.msk.f32 $0xffff, v17;
	v17 =	vnsel vm14, $0x0, v5;
	(v2sf) =	vpush @!p0 v18, $0xF;
	v18, _, _ =	vpop (xrf0)  }
0x2d: {  	(xrf0) =	vmax.scan.msk.f32 $0xffff, v17;
	v17 =	vxor.u32 $0x80000000, v19;
	v19 =	vsel vm5, $0x0, v16;
	(v2sf) =	vpush v18, $0xF;
	v18, _, _ =	vpop (xrf0)  }
0x2e: {  	(xrf0) =	vmax.scan.msk.u32 $0xffff, v17;
	v17 =	vxor.u32 $0x80000000, v19;
	(v2sf) =	vpush v18, $0xF;
	v18, _, _ =	vpop (xrf0)  }
0x2f: {  	(xrf0) =	vmax.scan.msk.u32 $0xffff, v17;
	v17 =	vnsel vm14, $0x0, v6;
	(v2sf) =	vpush v18, $0xF;
	v18, _, _ =	vpop (xrf0)  }
0x30: {  	v19 =	vsel vm6, $0x0, v16;
	(xrf0) =	vmax.scan.msk.f32 $0xffff, v17;
	v17 =	vnsel vm14, $0x0, v7;
	(v2sf) =	vpush v18, $0xF;
	v18, _, _ =	vpop (xrf0)  }
0x31: {  	(xrf0) =	vmax.scan.msk.f32 $0xffff, v17;
	v17 =	vxor.u32 $0x80000000, v19;
	v19 =	vsel vm7, $0x0, v16;
	(v2sf) =	vpush v18, $0xF  }
0x32: {  	v18, _, _ =	vpop (xrf0);
	(xrf0) =	vmax.scan.msk.u32 $0xffff, v17;
	v17 =	vxor.u32 $0x80000000, v19  }
0x33: {  	(v2sf) =	vpush v18, $0xF;
	v18, _, _ =	vpop (xrf0);
	(xrf0) =	vmax.scan.msk.u32 $0xffff, v17;
	v17 =	vnsel vm14, $0x0, v8  }
0x34: {  	v19 =	vsel vm8, $0x0, v16;
	(v2sf) =	vpush v18, $0xF;
	v18, _, _ =	vpop (xrf0);
	(xrf0) =	vmax.scan.msk.f32 $0xffff, v17;
	v17 =	vnsel vm14, $0x0, v9  }
0x35: {  	(v2sf) =	vpush v18, $0xF;
	v18, _, _ =	vpop (xrf0);
	(xrf0) =	vmax.scan.msk.f32 $0xffff, v17;
	v17 =	vxor.u32 $0x80000000, v19;
	v19 =	vsel vm9, $0x0, v16  }
0x36: {  	(v2sf) =	vpush v18, $0xF;
	v18, _, _ =	vpop (xrf0);
	(xrf0) =	vmax.scan.msk.u32 $0xffff, v17;
	v17 =	vxor.u32 $0x80000000, v19  }
0x37: {  	(v2sf) =	vpush v18, $0xF;
	v18, _, _ =	vpop (xrf0);
	(xrf0) =	vmax.scan.msk.u32 $0xffff, v17;
	v17 =	vnsel vm14, $0x0, v10  }
0x38: {  	v19 =	vsel vm10, $0x0, v16;
	(v2sf) =	vpush v18, $0xF;
	v18, _, _ =	vpop (xrf0);
	(xrf0) =	vmax.scan.msk.f32 $0xffff, v17;
	v17 =	vnsel vm14, $0x0, v11  }
0x39: {  	(v2sf) =	vpush v18, $0xF;
	v18, _, _ =	vpop (xrf0);
	(xrf0) =	vmax.scan.msk.f32 $0xffff, v17;
	v17 =	vxor.u32 $0x80000000, v19;
	v19 =	vsel vm11, $0x0, v16  }
0x3a: {  	(v2sf) =	vpush v18, $0xF;
	v18, _, _ =	vpop (xrf0);
	(xrf0) =	vmax.scan.msk.u32 $0xffff, v17;
	v17 =	vxor.u32 $0x80000000, v19;
	s10 =	spop (v2sf)  }
0x3b: {  	(v2sf) =	vpush v18, $0xF;
	v18, _, _ =	vpop (xrf0);
	(xrf0) =	vmax.scan.msk.u32 $0xffff, v17;
	v17 =	vnsel vm14, $0x0, v12;
	s12 =	spop @!p0 (v2sf)  }
0x3c: {  	(v2sf) =	vpush v18, $0xF;
	v18, _, _ =	vpop (xrf0);
	s9 =	spop (v2sf)  }
0x3d: {  	v19 =	vsel vm12, $0x0, v16;
	(xrf0) =	vmax.scan.msk.f32 $0xffff, v17;
	(v2sf) =	vpush v18, $0xF;
	v18 =	vnsel vm14, $0x0, v13;
	s12 =	sshll.u32 @!p0 s12, $0xF;
	s19 =	spop (v2sf)  }
0x3e: {  	v17, _, _ =	vpop (xrf0);
	(xrf0) =	vmax.scan.msk.f32 $0xffff, v18;
	v18 =	vxor.u32 $0x80000000, v19;
	v19 =	vsel vm13, $0x0, v16;
	s12 =	sand.u32 @!p0 $0x1FFF8000, s12;
	s11 =	spop (v2sf)  }
0x3f: {  	(v2sf) =	vpush v17, $0xF;
	v17, _, _ =	vpop (xrf0);
	p1 =	sgt.f32 s19, $0.0e+00;
	(xrf0) =	vmax.scan.msk.u32 $0xffff, v18;
	v18 =	vxor.u32 $0x80000000, v19;
	s12 =	sadd.s32 @!p0 s12, s5;
	s3 =	spop (v2sf)  }
0x40: {  	s14 =	simm.s32 $0x400;
	(v2sf) =	vpush v17, $0xF;
	v17, _, _ =	vpop (xrf0);
	(xrf0) =	vmax.scan.msk.u32 $0xffff, v18;
	s12 =	smov.u32 @p0 s4;
	s1 =	spop (v2sf)  }
0x41: {  	v18 =	vnsel vm14, $0x0, v14;
	(v2sf) =	vpush v17, $0xF;
	v17, _, _ =	vpop (xrf0);
	vm15 =	vcmask @!p1 $0x308;
	[tilespmem:s14], [sflag:$0x1] =	stream.strided.gather [hbm4b:s12+s16], $0x2000, s17, s16, $0x38;
	[tilespmem:$0xC400] =	vst v63  }
0x42: {  	(xrf0) =	vmax.scan.msk.f32 $0xffff, v18;
	v18 =	vnsel vm14, $0x0, v15;
	(v2sf) =	vpush v17, $0xF;
	v17, _, _ =	vpop (xrf0);
	s7 =	spop (v2sf);
	v16 =	vsel @!p1 vm15, $0x0, v16  }
0x43: {  	(xrf0) =	vmax.scan.msk.f32 $0xffff, v18;
	(v2sf) =	vpush v17, $0xF;
	v17, _, _ =	vpop (xrf0);
	s0 =	spop (v2sf);
	v16 =	vxor.u32 @!p1 $0x80000000, v16  }
0x44: {  	(v2sf) =	vpush v17, $0xF;
	s24 =	spop (v2sf);
	v17, _, _ =	vpop (xrf0);
	(xrf0) =	vmax.scan.msk.u32 @!p1 $0xffff, v16  }
0x45: {  	s21 =	spop (v2sf)  }
0x46: {  	(v2sf) =	vpush v17, $0xF;
	v16, _, _ =	vpop (xrf0);
	s2 =	spop (v2sf)  }
0x47: {  	v17, _, _ =	vpop (xrf0);
	(v2sf) =	vpush v16, $0xF;
	s28 =	spop (v2sf)  }
0x48: {  	v16, _, _ =	vpop (xrf0);
	(v2sf) =	vpush v17, $0xF;
	s18 =	spop (v2sf)  }
0x49: {  	s8 =	sshll.u32 s8, $0xF;
	p0 =	sgt.f32 s10, $0.0e+00;
	(v2sf) =	vpush v16, $0xF;
	v16, _, _ =	vpop (xrf0);
	s20 =	spop (v2sf)  }
0x4a: {  	s8 =	sand.u32 $0x1FFF8000, s8;
	[dreg:$0x19] =	wrdreg s20;
	s20 =	spop (v2sf);
	(v2sf) =	vpush v16, $0xF;
	v16, _, _ =	vpop @!p1 (xrf0)  }
0x4b: {  	s8 =	sadd.s32 s8, s5;
	s19 =	spop (v2sf);
	(v2sf) =	vpush @!p1 v16, $0xF  }
0x4c: {  	s14 =	simm.s32 $0x4400;
	s8 =	smov.u32 @p0 s4  }
0x4d: {  	[tilespmem:s14], [sflag:$0x3] =	stream.strided.gather [hbm4b:s8+s16], $0x2000, s17, s16, $0x38;
	[tilespmem:$0xC400] =	vst v63  }
0x4e: {  	[dreg:$0x1a] =	wrdreg s18;
	s18 =	spop (v2sf)  }
0x4f: {  	[dreg:$0x17] =	wrdreg s18;
	s18 =	spop (v2sf)  }
0x50: {  	[dreg:$0x15] =	wrdreg s18;
	s18 =	spop (v2sf)  }
0x51: {  	[dreg:$0x18] =	wrdreg s18;
	s18 =	spop (v2sf)  }
0x52: {  	[dreg:$0x16] =	wrdreg s18;
	s18 =	spop (v2sf)  }
0x53: {  	[dreg:$0x13] =	wrdreg s18;
	s18 =	spop (v2sf)  }
0x54: {  	[dreg:$0x12] =	wrdreg s18;
	s18 =	spop (v2sf)  }
0x55: {  	[dreg:$0x14] =	wrdreg s18;
	s18 =	spop (v2sf)  }
0x56: {  	s12 =	spop (v2sf)  }
0x57: {  	[dreg:$0xf] =	wrdreg s12;
	s12 =	spop (v2sf)  }
0x58: {  	[dreg:$0xe] =	wrdreg s12;
	s12 =	spop (v2sf)  }
0x59: {  	[dreg:$0x11] =	wrdreg s12;
	s12 =	spop (v2sf)  }
0x5a: {  	s8 =	spop @!p1 (v2sf)  }
0x5b: {  	s8 =	sshll.u32 @!p1 s8, $0xF  }
0x5c: {  	s8 =	sand.u32 @!p1 $0x1FFF8000, s8  }
0x5d: {  	s8 =	sadd.s32 @!p1 s8, s5  }
0x5e: {  	s6 =	simm.s32 $0x2400;
	s8 =	smov.u32 @p1 s4  }
0x5f: {  	[tilespmem:s6], [sflag:$0x2] =	stream.strided.gather [hbm4b:s8+s16], $0x2000, s17, s16, $0x38;
	[tilespmem:$0xC400] =	vst v63  }
0x60: {  	s6 =	sshll.u32 s9, $0xF  }
0x61: {  	p0 =	sgt.f32 s11, $0.0e+00;
	s8 =	sand.u32 $0x1FFF8000, s6  }
0x62: {  	s8 =	sadd.s32 s8, s5  }
0x63: {  	[dreg:$0x10] =	wrdreg s12;
	s8 =	smov.u32 @p0 s4  }
0x64: {  	[tilespmem:s15], [sflag:$0x4] =	stream.strided.gather [hbm4b:s8+s16], $0x2000, s17, s16, $0x38;
	[tilespmem:$0xC400] =	vst v63  }
0x65: {  	_ =	swait.ge [sflag:s22], $0x2000  }
0x66: {  	[sflag:s22] =	ssyncset.done $0x0  }
0x67: {  	[sflag:s22] =	ssyncadd.s32 $0xFFFFE000  }
0x68: {  	_ =	swait.ge [sflag:s23], $0x2000  }
0x69: {  	[sflag:s23] =	ssyncset.done $0x0  }
0x6a: {  	[sflag:s23] =	ssyncadd.s32 $0xFFFFE000  }
0x6b: {  	s10 =	sand.u32 $0xC00, s13;
	s9 =	sand.u32 $0x70, s13;
	v16 =	vld [tilespmem:$0x0]  }
0x6c: {  	s8 =	sor.u32 s9, s10;
	v17 =	vld [tilespmem:$0x80]  }
0x6d: {  	v18 =	vld [tilespmem:s8+$0x4500]  }
0x6e: {  	v19 =	vld [tilespmem:s8+$0x4480]  }
0x6f: {  	v20 =	vld [tilespmem:s8+$0x500]  }
0x70: {  	v21 =	vld [tilespmem:s8+$0x480]  }
0x71: {  	v22 =	vld [tilespmem:s8+$0x4400]  }
0x72: {  	v23 =	vld [tilespmem:s8+$0x400];
	_ =	sdelay $0x2  }
0x73: {  	v18 =	vmul.f32 v18, v17;
	v20 =	vmul.f32 v20, v16  }
0x74: {  	v19 =	vmul.f32 v19, v17;
	v21 =	vmul.f32 v21, v16  }
0x75: {  	v22 =	vmul.f32 v22, v17;
	v55 =	vmul.f32 v23, v16;
	v18 =	vadd.f32 v18, v20  }
0x76: {  	v19 =	vadd.f32 v19, v21  }
0x77: {  	s11 =	sand.u32 $0xFFFFFC00, s13;
	[tilespmem:s8+$0x8500] =	vst v18;
	v18 =	vadd.f32 v22, v55  }
0x78: {  	s9 =	sadd.s32 $0x0, s11;
	[tilespmem:s8+$0x8480] =	vst v19  }
0x79: {  	s12 =	sor.u32 $0x180, s9;
	[tilespmem:s8+$0x8400] =	vst v18  }
0x7a: {  	v18 =	vld [tilespmem:s12+$0x400]  }
0x7b: {  	v19 =	vld [tilespmem:s12+$0x4400];
	_ =	sdelay $0x4  }
0x7c: {  	v18 =	vmul.f32 v18, v16;
	v19 =	vmul.f32 v19, v17;
	_ =	sdelay $0x1  }
0x7d: {  	v18 =	vadd.f32 v19, v18;
	_ =	sdelay $0x1  }
0x7e: {  	[tilespmem:s12+$0x8400] =	vst v18  }
0x7f: {  	v18 =	vld [tilespmem:s8+$0x4700]  }
0x80: {  	v19 =	vld [tilespmem:s8+$0x700]  }
0x81: {  	v56 =	vld [tilespmem:s8+$0x680]  }
0x82: {  	v57 =	vld [tilespmem:s8+$0x600]  }
0x83: {  	v58 =	vld [tilespmem:s8+$0x4600]  }
0x84: {  	v59 =	vld [tilespmem:s8+$0x4680];
	_ =	sdelay $0x2  }
0x85: {  	v19 =	vmul.f32 v19, v16;
	v18 =	vmul.f32 v18, v17  }
0x86: {  	v21 =	vmul.f32 v57, v16;
	v22 =	vmul.f32 v58, v17  }
0x87: {  	v20 =	vmul.f32 v56, v16;
	v18 =	vadd.f32 v18, v19;
	v19 =	vmul.f32 v59, v17  }
0x88: {  	v21 =	vadd.f32 v22, v21  }
0x89: {  	[tilespmem:s8+$0x8700] =	vst v18;
	v18 =	vadd.f32 v19, v20  }
0x8a: {  	s11 =	sor.u32 s13, s13;
	[tilespmem:s8+$0x8600] =	vst v21  }
0x8b: {  	s13 =	sor.u32 $0x380, s11;
	[tilespmem:s8+$0x8680] =	vst v18  }
0x8c: {  	v18 =	vld [tilespmem:s13+$0x400]  }
0x8d: {  	v19 =	vld [tilespmem:s13+$0x4400];
	_ =	sdelay $0x4  }
0x8e: {  	v18 =	vmul.f32 v18, v16;
	v19 =	vmul.f32 v19, v17;
	_ =	sdelay $0x1  }
0x8f: {  	v18 =	vadd.f32 v19, v18;
	_ =	sdelay $0x1  }
0x90: {  	[tilespmem:s13+$0x8400] =	vst v18  }
0x91: {  	v18 =	vld [tilespmem:s8+$0x5500]  }
0x92: {  	v19 =	vld [tilespmem:s8+$0x1400]  }
0x93: {  	v60 =	vld [tilespmem:s8+$0x1480]  }
0x94: {  	v61 =	vld [tilespmem:s8+$0x5400]  }
0x95: {  	v62 =	vld [tilespmem:s8+$0x1500]  }
0x96: {  	v63 =	vld [tilespmem:s8+$0x5480];
	_ =	sdelay $0x2  }
0x97: {  	v19 =	vmul.f32 v19, v16;
	v21 =	vmul.f32 v61, v17  }
0x98: {  	v22 =	vmul.f32 v62, v16;
	v18 =	vmul.f32 v18, v17  }
0x99: {  	v20 =	vmul.f32 v60, v16;
	v23 =	vmul.f32 v63, v17;
	v19 =	vadd.f32 v21, v19  }
0x9a: {  	v18 =	vadd.f32 v18, v22  }
0x9b: {  	v20 =	vadd.f32 v23, v20;
	[tilespmem:s8+$0x9400] =	vst v19  }
0x9c: {  	[tilespmem:s8+$0x9500] =	vst v18  }
0x9d: {  	s9 =	sor.u32 $0x1180, s9;
	[tilespmem:s8+$0x9480] =	vst v20  }
0x9e: {  	v18 =	vld [tilespmem:s9+$0x400]  }
0x9f: {  	v19 =	vld [tilespmem:s9+$0x4400];
	_ =	sdelay $0x4  }
0xa0: {  	v18 =	vmul.f32 v18, v16;
	v19 =	vmul.f32 v19, v17;
	_ =	sdelay $0x1  }
0xa1: {  	v18 =	vadd.f32 v19, v18;
	_ =	sdelay $0x1  }
0xa2: {  	s10 =	simm.s32 $0x0;
	[tilespmem:s9+$0x8400] =	vst v18;
	s9 =	simm.s32 $0x10  }
.LBB2_2:
0xa3: {  	p0 =	sne.s32 s9, $0x1F0  }
0xa4: {  	v18 =	vld [tilespmem:s8+$0x1600];
	s10 =	sadd.s32 $0x80, s10;
	s12 =	smov.u32 s9;
	s9 =	sadd.s32 $0x10, s9  }
0xa5: {  	v19 =	vld [tilespmem:s8+$0x5680]  }
0xa6: {  	v20 =	vld [tilespmem:s8+$0x1700]  }
0xa7: {  	v21 =	vld [tilespmem:s8+$0x1680]  }
0xa8: {  	v22 =	vld [tilespmem:s8+$0x5700]  }
0xa9: {  	v23 =	vld [tilespmem:s8+$0x5600];
	_ =	sdelay $0x1  }
0xaa: {  	v18 =	vmul.f32 v18, v16;
	v20 =	vmul.f32 v20, v16  }
0xab: {  	v19 =	vmul.f32 v19, v17  }
0xac: {  	v21 =	vmul.f32 v21, v16  }
0xad: {  	v22 =	vmul.f32 v22, v17;
	v23 =	vmul.f32 v23, v17  }
0xae: {  	v19 =	vadd.f32 v19, v21  }
0xaf: {  	v20 =	vadd.f32 v22, v20;
	v18 =	vadd.f32 v23, v18  }
0xb0: {  	[tilespmem:s8+$0x9680] =	vst v19  }
0xb1: {  	[tilespmem:s8+$0x9600] =	vst v18  }
0xb2: {  	s11 =	sor.u32 $0x1380, s11;
	[tilespmem:s8+$0x9700] =	vst v20  }
0xb3: {  	v18 =	vld [tilespmem:s11+$0x400]  }
0xb4: {  	v19 =	vld [tilespmem:s11+$0x4400];
	_ =	sdelay $0x4  }
0xb5: {  	v18 =	vmul.f32 v18, v16;
	v19 =	vmul.f32 v19, v17;
	_ =	sdelay $0x1  }
0xb6: {  	v18 =	vadd.f32 v19, v18  }
0xb7: {  	s13 =	sand.u32 $0xC00, s10;
	s8 =	sand.u32 $0x70, s12  }
0xb8: {  	s8 =	sor.u32 s8, s13;
	[tilespmem:s11+$0x8400] =	vst v18  }
0xb9: {  	v18 =	vld [tilespmem:s8+$0x4500]  }
0xba: {  	v19 =	vld [tilespmem:s8+$0x4480]  }
0xbb: {  	v20 =	vld [tilespmem:s8+$0x500]  }
0xbc: {  	v21 =	vld [tilespmem:s8+$0x480]  }
0xbd: {  	v22 =	vld [tilespmem:s8+$0x4400]  }
0xbe: {  	v23 =	vld [tilespmem:s8+$0x400];
	v18 =	vmul.f32 v18, v17;
	_ =	sdelay $0x1  }
0xbf: {  	v19 =	vmul.f32 v19, v17;
	v20 =	vmul.f32 v20, v16  }
0xc0: {  	v21 =	vmul.f32 v21, v16  }
0xc1: {  	v22 =	vmul.f32 v22, v17;
	v18 =	vadd.f32 v18, v20  }
0xc2: {  	v20 =	vmul.f32 v23, v16;
	v19 =	vadd.f32 v19, v21  }
0xc3: {  	[tilespmem:s8+$0x8500] =	vst v18  }
0xc4: {  	s11 =	sand.u32 $0xFFFFFC00, s10;
	v18 =	vadd.f32 v22, v20;
	[tilespmem:s8+$0x8480] =	vst v19  }
0xc5: {  	s13 =	sadd.s32 s11, s12  }
0xc6: {  	s11 =	sor.u32 $0x180, s13;
	[tilespmem:s8+$0x8400] =	vst v18  }
0xc7: {  	v18 =	vld [tilespmem:s11+$0x400]  }
0xc8: {  	v19 =	vld [tilespmem:s11+$0x4400];
	_ =	sdelay $0x4  }
0xc9: {  	v18 =	vmul.f32 v18, v16;
	v19 =	vmul.f32 v19, v17;
	_ =	sdelay $0x1  }
0xca: {  	v18 =	vadd.f32 v19, v18;
	_ =	sdelay $0x1  }
0xcb: {  	[tilespmem:s11+$0x8400] =	vst v18  }
0xcc: {  	v18 =	vld [tilespmem:s8+$0x4700]  }
0xcd: {  	v19 =	vld [tilespmem:s8+$0x700]  }
0xce: {  	v20 =	vld [tilespmem:s8+$0x680]  }
0xcf: {  	v21 =	vld [tilespmem:s8+$0x600]  }
0xd0: {  	v22 =	vld [tilespmem:s8+$0x4600]  }
0xd1: {  	v23 =	vld [tilespmem:s8+$0x4680]  }
0xd2: {  	v18 =	vmul.f32 v18, v17;
	v19 =	vmul.f32 v19, v16  }
0xd3: {  	v20 =	vmul.f32 v20, v16  }
0xd4: {  	v21 =	vmul.f32 v21, v16;
	v18 =	vadd.f32 v18, v19  }
0xd5: {  	v19 =	vmul.f32 v22, v17  }
0xd6: {  	v22 =	vmul.f32 v23, v17;
	[tilespmem:s8+$0x8700] =	vst v18  }
0xd7: {  	v18 =	vadd.f32 v19, v21  }
0xd8: {  	v19 =	vadd.f32 v22, v20  }
0xd9: {  	s11 =	sor.u32 s12, s10;
	[tilespmem:s8+$0x8600] =	vst v18  }
0xda: {  	s12 =	sor.u32 $0x380, s11;
	[tilespmem:s8+$0x8680] =	vst v19  }
0xdb: {  	v18 =	vld [tilespmem:s12+$0x400]  }
0xdc: {  	v19 =	vld [tilespmem:s12+$0x4400];
	_ =	sdelay $0x3  }
0xdd: {  	v18 =	vmul.f32 v18, v16  }
0xde: {  	v19 =	vmul.f32 v19, v17;
	_ =	sdelay $0x1  }
0xdf: {  	v18 =	vadd.f32 v19, v18;
	_ =	sdelay $0x1  }
0xe0: {  	[tilespmem:s12+$0x8400] =	vst v18  }
0xe1: {  	v18 =	vld [tilespmem:s8+$0x5500]  }
0xe2: {  	v19 =	vld [tilespmem:s8+$0x1400]  }
0xe3: {  	v20 =	vld [tilespmem:s8+$0x1480]  }
0xe4: {  	v21 =	vld [tilespmem:s8+$0x1500]  }
0xe5: {  	v22 =	vld [tilespmem:s8+$0x5400]  }
0xe6: {  	v23 =	vld [tilespmem:s8+$0x5480]  }
0xe7: {  	v19 =	vmul.f32 v19, v16  }
0xe8: {  	v20 =	vmul.f32 v20, v16  }
0xe9: {  	v18 =	vmul.f32 v18, v17;
	v21 =	vmul.f32 v21, v16  }
0xea: {  	v22 =	vmul.f32 v22, v17  }
0xeb: {  	v23 =	vmul.f32 v23, v17;
	v18 =	vadd.f32 v18, v21  }
0xec: {  	v19 =	vadd.f32 v22, v19  }
0xed: {  	v20 =	vadd.f32 v23, v20  }
0xee: {  	[tilespmem:s8+$0x9400] =	vst v19  }
0xef: {  	[tilespmem:s8+$0x9500] =	vst v18  }
0xf0: {  	s12 =	sor.u32 $0x1180, s13;
	[tilespmem:s8+$0x9480] =	vst v20  }
0xf1: {  	v18 =	vld [tilespmem:s12+$0x400]  }
0xf2: {  	v19 =	vld [tilespmem:s12+$0x4400];
	_ =	sdelay $0x3  }
0xf3: {  	v18 =	vmul.f32 v18, v16  }
.Ltmp0:
0xf4: {  	v19 =	vmul.f32 v19, v17;
	(pc) =	sbr.rel @p0 .LBB2_2-.Ltmp0, $3  }
0xf5: {  	_ = 	snop  }
0xf6: {  	v18 =	vadd.f32 v19, v18;
	_ =	sdelay $0x1  }
0xf7: {  	[tilespmem:s12+$0x8400] =	vst v18  }
0xf8: {  	v18 =	vld [tilespmem:s8+$0x1600]  }
0xf9: {  	v19 =	vld [tilespmem:s8+$0x5680]  }
0xfa: {  	v20 =	vld [tilespmem:s8+$0x1700]  }
0xfb: {  	v21 =	vld [tilespmem:s8+$0x1680]  }
0xfc: {  	v22 =	vld [tilespmem:s8+$0x5600]  }
0xfd: {  	v23 =	vld [tilespmem:s8+$0x5700];
	_ =	sdelay $0x2  }
0xfe: {  	v19 =	vmul.f32 v19, v17;
	v21 =	vmul.f32 v21, v16  }
0xff: {  	v18 =	vmul.f32 v18, v16;
	v22 =	vmul.f32 v22, v17  }
0x100: {  	v20 =	vmul.f32 v20, v16;
	v23 =	vmul.f32 v23, v17;
	v19 =	vadd.f32 v19, v21  }
0x101: {  	v18 =	vadd.f32 v22, v18  }
0x102: {  	v20 =	vadd.f32 v23, v20;
	[tilespmem:s8+$0x9680] =	vst v19  }
0x103: {  	[tilespmem:s8+$0x9600] =	vst v18  }
0x104: {  	s12 =	sor.u32 $0x1380, s11;
	[tilespmem:s8+$0x9700] =	vst v20  }
0x105: {  	v18 =	vld [tilespmem:s12+$0x400]  }
0x106: {  	v19 =	vld [tilespmem:s12+$0x4400];
	_ =	sdelay $0x4  }
0x107: {  	v16 =	vmul.f32 v18, v16;
	v17 =	vmul.f32 v19, v17;
	_ =	sdelay $0x1  }
0x108: {  	s3 =	sshll.u32 s3, $0xF;
	v16 =	vadd.f32 v17, v16  }
0x109: {  	s13 =	rddreg [dreg:$0x5];
	s3 =	sand.u32 $0x1FFF8000, s3  }
0x10a: {  	p0 =	sgt.f32 s7, $0.0e+00;
	s3 =	sadd.s32 s3, s5;
	[tilespmem:s12+$0x8400] =	vst v16;
	s12 =	simm.s32 $0x8400  }
0x10b: {  	[hbm4b:s13+s16] =	stream.strided.scatter [tilespmem:s12], [sflag:$0x5], $0x2000, s17, s16, $0x38;
	[tilespmem:$0xC400] =	vst v63  }
0x10c: {  	s10 =	simm.s32 $0x400;
	s1 =	sshll.u32 s1, $0xF;
	s3 =	smov.u32 @p0 s4  }
0x10d: {  	[tilespmem:s10], [sflag:$0x1] =	stream.strided.gather [hbm4b:s3+s16], $0x2000, s17, s16, $0x38;
	[tilespmem:$0xC400] =	vst v63  }
0x10e: {  	p0 =	sgt.f32 s0, $0.0e+00;
	s3 =	sand.u32 $0x1FFF8000, s1  }
0x10f: {  	s0 =	sadd.s32 s3, s5  }
0x110: {  	s0 =	smov.u32 @p0 s4  }
0x111: {  	[tilespmem:s14], [sflag:$0x3] =	stream.strided.gather [hbm4b:s0+s16], $0x2000, s17, s16, $0x38;
	[tilespmem:$0xC400] =	vst v63  }
0x112: {  	_ =	swait.ge [sflag:s25], $0x2000  }
0x113: {  	[sflag:s25] =	ssyncset.done $0x0  }
0x114: {  	[sflag:s25] =	ssyncadd.s32 $0xFFFFE000  }
0x115: {  	_ =	swait.ge [sflag:s26], $0x2000  }
0x116: {  	[sflag:s26] =	ssyncset.done $0x0  }
0x117: {  	s0 =	simm.s32 $0x0;
	[sflag:s26] =	ssyncadd.s32 $0xFFFFE000  }
0x118: {  	s6 =	sand.u32 $0x70, s0;
	s7 =	sand.u32 $0xC00, s0;
	v16 =	vld [tilespmem:$0x10]  }
0x119: {  	s1 =	sor.u32 s6, s7;
	v17 =	vld [tilespmem:$0x90]  }
0x11a: {  	v18 =	vld [tilespmem:s1+$0x6500]  }
0x11b: {  	v19 =	vld [tilespmem:s1+$0x6480]  }
0x11c: {  	v51 =	vld [tilespmem:s1+$0x2500]  }
0x11d: {  	v52 =	vld [tilespmem:s1+$0x2480]  }
0x11e: {  	v53 =	vld [tilespmem:s1+$0x6400]  }
0x11f: {  	v54 =	vld [tilespmem:s1+$0x2400];
	_ =	sdelay $0x2  }
0x120: {  	v18 =	vmul.f32 v18, v17;
	v20 =	vmul.f32 v51, v16  }
0x121: {  	v19 =	vmul.f32 v19, v17;
	v21 =	vmul.f32 v52, v16  }
0x122: {  	v22 =	vmul.f32 v53, v17;
	v55 =	vmul.f32 v54, v16;
	v18 =	vadd.f32 v18, v20  }
0x123: {  	v19 =	vadd.f32 v19, v21  }
0x124: {  	s8 =	sand.u32 $0xFFFFFC00, s0;
	[tilespmem:s1+$0xA500] =	vst v18;
	v18 =	vadd.f32 v22, v55  }
0x125: {  	s3 =	sadd.s32 $0x0, s8;
	[tilespmem:s1+$0xA480] =	vst v19  }
0x126: {  	s9 =	sor.u32 $0x180, s3;
	[tilespmem:s1+$0xA400] =	vst v18  }
0x127: {  	v18 =	vld [tilespmem:s9+$0x2400]  }
0x128: {  	v19 =	vld [tilespmem:s9+$0x6400];
	_ =	sdelay $0x4  }
0x129: {  	v18 =	vmul.f32 v18, v16;
	v19 =	vmul.f32 v19, v17;
	_ =	sdelay $0x1  }
0x12a: {  	v18 =	vadd.f32 v19, v18;
	_ =	sdelay $0x1  }
0x12b: {  	[tilespmem:s9+$0xA400] =	vst v18  }
0x12c: {  	v18 =	vld [tilespmem:s1+$0x6700]  }
0x12d: {  	v19 =	vld [tilespmem:s1+$0x2700]  }
0x12e: {  	v56 =	vld [tilespmem:s1+$0x2680]  }
0x12f: {  	v57 =	vld [tilespmem:s1+$0x2600]  }
0x130: {  	v58 =	vld [tilespmem:s1+$0x6600]  }
0x131: {  	v59 =	vld [tilespmem:s1+$0x6680];
	_ =	sdelay $0x2  }
0x132: {  	v19 =	vmul.f32 v19, v16;
	v18 =	vmul.f32 v18, v17  }
0x133: {  	v21 =	vmul.f32 v57, v16;
	v22 =	vmul.f32 v58, v17  }
0x134: {  	v20 =	vmul.f32 v56, v16;
	v18 =	vadd.f32 v18, v19;
	v19 =	vmul.f32 v59, v17  }
0x135: {  	v21 =	vadd.f32 v22, v21  }
0x136: {  	[tilespmem:s1+$0xA700] =	vst v18;
	v18 =	vadd.f32 v19, v20  }
0x137: {  	s7 =	sor.u32 s0, s0;
	[tilespmem:s1+$0xA600] =	vst v21  }
0x138: {  	s11 =	sor.u32 $0x380, s7;
	[tilespmem:s1+$0xA680] =	vst v18  }
0x139: {  	v18 =	vld [tilespmem:s11+$0x2400]  }
0x13a: {  	v19 =	vld [tilespmem:s11+$0x6400];
	_ =	sdelay $0x4  }
0x13b: {  	v18 =	vmul.f32 v18, v16;
	v19 =	vmul.f32 v19, v17;
	_ =	sdelay $0x1  }
0x13c: {  	v18 =	vadd.f32 v19, v18;
	_ =	sdelay $0x1  }
0x13d: {  	[tilespmem:s11+$0xA400] =	vst v18  }
0x13e: {  	v18 =	vld [tilespmem:s1+$0x7500]  }
0x13f: {  	v19 =	vld [tilespmem:s1+$0x3400]  }
0x140: {  	v60 =	vld [tilespmem:s1+$0x3480]  }
0x141: {  	v61 =	vld [tilespmem:s1+$0x7400]  }
0x142: {  	v62 =	vld [tilespmem:s1+$0x3500]  }
0x143: {  	v63 =	vld [tilespmem:s1+$0x7480];
	_ =	sdelay $0x2  }
0x144: {  	v19 =	vmul.f32 v19, v16;
	v21 =	vmul.f32 v61, v17  }
0x145: {  	v22 =	vmul.f32 v62, v16;
	v18 =	vmul.f32 v18, v17  }
0x146: {  	v20 =	vmul.f32 v60, v16;
	v23 =	vmul.f32 v63, v17;
	v19 =	vadd.f32 v21, v19  }
0x147: {  	v18 =	vadd.f32 v18, v22  }
0x148: {  	v20 =	vadd.f32 v23, v20;
	[tilespmem:s1+$0xB400] =	vst v19  }
0x149: {  	[tilespmem:s1+$0xB500] =	vst v18  }
0x14a: {  	s13 =	sor.u32 $0x1180, s3;
	[tilespmem:s1+$0xB480] =	vst v20  }
0x14b: {  	v18 =	vld [tilespmem:s13+$0x2400]  }
0x14c: {  	v19 =	vld [tilespmem:s13+$0x6400];
	_ =	sdelay $0x4  }
0x14d: {  	v18 =	vmul.f32 v18, v16;
	v19 =	vmul.f32 v19, v17;
	_ =	sdelay $0x1  }
0x14e: {  	v18 =	vadd.f32 v19, v18;
	_ =	sdelay $0x1  }
0x14f: {  	s3 =	simm.s32 $0x10;
	[tilespmem:s13+$0xA400] =	vst v18;
	s13 =	simm.s32 $0xA400  }
.LBB2_4:
0x150: {  	p0 =	sne.s32 s3, $0x1F0  }
0x151: {  	v18 =	vld [tilespmem:s1+$0x3600];
	s0 =	sadd.s32 $0x80, s0;
	s8 =	smov.u32 s3;
	s3 =	sadd.s32 $0x10, s3  }
0x152: {  	v19 =	vld [tilespmem:s1+$0x7680]  }
0x153: {  	v20 =	vld [tilespmem:s1+$0x3700]  }
0x154: {  	v21 =	vld [tilespmem:s1+$0x3680]  }
0x155: {  	v22 =	vld [tilespmem:s1+$0x7700]  }
0x156: {  	v23 =	vld [tilespmem:s1+$0x7600];
	_ =	sdelay $0x1  }
0x157: {  	v18 =	vmul.f32 v18, v16;
	v20 =	vmul.f32 v20, v16  }
0x158: {  	v19 =	vmul.f32 v19, v17  }
0x159: {  	v21 =	vmul.f32 v21, v16  }
0x15a: {  	v22 =	vmul.f32 v22, v17;
	v23 =	vmul.f32 v23, v17  }
0x15b: {  	v19 =	vadd.f32 v19, v21  }
0x15c: {  	v20 =	vadd.f32 v22, v20;
	v18 =	vadd.f32 v23, v18  }
0x15d: {  	[tilespmem:s1+$0xB680] =	vst v19  }
0x15e: {  	[tilespmem:s1+$0xB600] =	vst v18  }
0x15f: {  	s7 =	sor.u32 $0x1380, s7;
	[tilespmem:s1+$0xB700] =	vst v20  }
0x160: {  	v18 =	vld [tilespmem:s7+$0x2400]  }
0x161: {  	v19 =	vld [tilespmem:s7+$0x6400];
	_ =	sdelay $0x4  }
0x162: {  	v18 =	vmul.f32 v18, v16;
	v19 =	vmul.f32 v19, v17;
	_ =	sdelay $0x1  }
0x163: {  	v18 =	vadd.f32 v19, v18  }
0x164: {  	s9 =	sand.u32 $0xC00, s0;
	s1 =	sand.u32 $0x70, s8  }
0x165: {  	s1 =	sor.u32 s1, s9;
	[tilespmem:s7+$0xA400] =	vst v18  }
0x166: {  	v18 =	vld [tilespmem:s1+$0x6500]  }
0x167: {  	v19 =	vld [tilespmem:s1+$0x6480]  }
0x168: {  	v20 =	vld [tilespmem:s1+$0x2500]  }
0x169: {  	v21 =	vld [tilespmem:s1+$0x2480]  }
0x16a: {  	v22 =	vld [tilespmem:s1+$0x6400]  }
0x16b: {  	v23 =	vld [tilespmem:s1+$0x2400];
	v18 =	vmul.f32 v18, v17;
	_ =	sdelay $0x1  }
0x16c: {  	v19 =	vmul.f32 v19, v17;
	v20 =	vmul.f32 v20, v16  }
0x16d: {  	v21 =	vmul.f32 v21, v16  }
0x16e: {  	v22 =	vmul.f32 v22, v17;
	v18 =	vadd.f32 v18, v20  }
0x16f: {  	v20 =	vmul.f32 v23, v16;
	v19 =	vadd.f32 v19, v21  }
0x170: {  	[tilespmem:s1+$0xA500] =	vst v18  }
0x171: {  	s7 =	sand.u32 $0xFFFFFC00, s0;
	v18 =	vadd.f32 v22, v20;
	[tilespmem:s1+$0xA480] =	vst v19  }
0x172: {  	s9 =	sadd.s32 s7, s8  }
0x173: {  	s7 =	sor.u32 $0x180, s9;
	[tilespmem:s1+$0xA400] =	vst v18  }
0x174: {  	v18 =	vld [tilespmem:s7+$0x2400]  }
0x175: {  	v19 =	vld [tilespmem:s7+$0x6400];
	_ =	sdelay $0x4  }
0x176: {  	v18 =	vmul.f32 v18, v16;
	v19 =	vmul.f32 v19, v17;
	_ =	sdelay $0x1  }
0x177: {  	v18 =	vadd.f32 v19, v18;
	_ =	sdelay $0x1  }
0x178: {  	[tilespmem:s7+$0xA400] =	vst v18  }
0x179: {  	v18 =	vld [tilespmem:s1+$0x6700]  }
0x17a: {  	v19 =	vld [tilespmem:s1+$0x2700]  }
0x17b: {  	v20 =	vld [tilespmem:s1+$0x2680]  }
0x17c: {  	v21 =	vld [tilespmem:s1+$0x2600]  }
0x17d: {  	v22 =	vld [tilespmem:s1+$0x6600]  }
0x17e: {  	v23 =	vld [tilespmem:s1+$0x6680]  }
0x17f: {  	v18 =	vmul.f32 v18, v17;
	v19 =	vmul.f32 v19, v16  }
0x180: {  	v20 =	vmul.f32 v20, v16  }
0x181: {  	v21 =	vmul.f32 v21, v16;
	v18 =	vadd.f32 v18, v19  }
0x182: {  	v19 =	vmul.f32 v22, v17  }
0x183: {  	v22 =	vmul.f32 v23, v17;
	[tilespmem:s1+$0xA700] =	vst v18  }
0x184: {  	v18 =	vadd.f32 v19, v21  }
0x185: {  	v19 =	vadd.f32 v22, v20  }
0x186: {  	s7 =	sor.u32 s8, s0;
	[tilespmem:s1+$0xA600] =	vst v18  }
0x187: {  	s8 =	sor.u32 $0x380, s7;
	[tilespmem:s1+$0xA680] =	vst v19  }
0x188: {  	v18 =	vld [tilespmem:s8+$0x2400]  }
0x189: {  	v19 =	vld [tilespmem:s8+$0x6400];
	_ =	sdelay $0x3  }
0x18a: {  	v18 =	vmul.f32 v18, v16  }
0x18b: {  	v19 =	vmul.f32 v19, v17;
	_ =	sdelay $0x1  }
0x18c: {  	v18 =	vadd.f32 v19, v18;
	_ =	sdelay $0x1  }
0x18d: {  	[tilespmem:s8+$0xA400] =	vst v18  }
0x18e: {  	v18 =	vld [tilespmem:s1+$0x7500]  }
0x18f: {  	v19 =	vld [tilespmem:s1+$0x3400]  }
0x190: {  	v20 =	vld [tilespmem:s1+$0x3480]  }
0x191: {  	v21 =	vld [tilespmem:s1+$0x3500]  }
0x192: {  	v22 =	vld [tilespmem:s1+$0x7400]  }
0x193: {  	v23 =	vld [tilespmem:s1+$0x7480]  }
0x194: {  	v19 =	vmul.f32 v19, v16  }
0x195: {  	v20 =	vmul.f32 v20, v16  }
0x196: {  	v18 =	vmul.f32 v18, v17;
	v21 =	vmul.f32 v21, v16  }
0x197: {  	v22 =	vmul.f32 v22, v17  }
0x198: {  	v23 =	vmul.f32 v23, v17;
	v18 =	vadd.f32 v18, v21  }
0x199: {  	v19 =	vadd.f32 v22, v19  }
0x19a: {  	v20 =	vadd.f32 v23, v20  }
0x19b: {  	[tilespmem:s1+$0xB400] =	vst v19  }
0x19c: {  	[tilespmem:s1+$0xB500] =	vst v18  }
0x19d: {  	s8 =	sor.u32 $0x1180, s9;
	[tilespmem:s1+$0xB480] =	vst v20  }
0x19e: {  	v18 =	vld [tilespmem:s8+$0x2400]  }
0x19f: {  	v19 =	vld [tilespmem:s8+$0x6400];
	_ =	sdelay $0x3  }
0x1a0: {  	v18 =	vmul.f32 v18, v16  }
.Ltmp1:
0x1a1: {  	v19 =	vmul.f32 v19, v17;
	(pc) =	sbr.rel @p0 .LBB2_4-.Ltmp1, $3  }
0x1a2: {  	_ = 	snop  }
0x1a3: {  	v18 =	vadd.f32 v19, v18;
	_ =	sdelay $0x1  }
0x1a4: {  	[tilespmem:s8+$0xA400] =	vst v18  }
0x1a5: {  	v18 =	vld [tilespmem:s1+$0x3600]  }
0x1a6: {  	v19 =	vld [tilespmem:s1+$0x7680]  }
0x1a7: {  	v20 =	vld [tilespmem:s1+$0x3700]  }
0x1a8: {  	v21 =	vld [tilespmem:s1+$0x3680]  }
0x1a9: {  	v22 =	vld [tilespmem:s1+$0x7600]  }
0x1aa: {  	v23 =	vld [tilespmem:s1+$0x7700];
	_ =	sdelay $0x2  }
0x1ab: {  	v19 =	vmul.f32 v19, v17;
	v21 =	vmul.f32 v21, v16  }
0x1ac: {  	v18 =	vmul.f32 v18, v16;
	v22 =	vmul.f32 v22, v17  }
0x1ad: {  	v20 =	vmul.f32 v20, v16;
	v23 =	vmul.f32 v23, v17;
	v19 =	vadd.f32 v19, v21  }
0x1ae: {  	v18 =	vadd.f32 v22, v18  }
0x1af: {  	v20 =	vadd.f32 v23, v20;
	[tilespmem:s1+$0xB680] =	vst v19  }
0x1b0: {  	[tilespmem:s1+$0xB600] =	vst v18  }
0x1b1: {  	s0 =	sor.u32 $0x1380, s7;
	[tilespmem:s1+$0xB700] =	vst v20  }
0x1b2: {  	v18 =	vld [tilespmem:s0+$0x2400]  }
0x1b3: {  	v19 =	vld [tilespmem:s0+$0x6400];
	_ =	sdelay $0x4  }
0x1b4: {  	v16 =	vmul.f32 v18, v16;
	v17 =	vmul.f32 v19, v17;
	_ =	sdelay $0x1  }
0x1b5: {  	v16 =	vadd.f32 v17, v16  }
0x1b6: {  	s3 =	sshll.u32 s24, $0xF  }
0x1b7: {  	p0 =	sgt.f32 s2, $0.0e+00;
	s1 =	rddreg [dreg:$0x6];
	[tilespmem:s0+$0xA400] =	vst v16;
	s0 =	sand.u32 $0x1FFF8000, s3  }
0x1b8: {  	[hbm4b:s1+s16] =	stream.strided.scatter [tilespmem:s13], [sflag:$0x6], $0x2000, s17, s16, $0x38;
	[tilespmem:$0xC400] =	vst v63  }
0x1b9: {  	s0 =	sadd.s32 s0, s5  }
0x1ba: {  	s9 =	simm.s32 $0x2400;
	s6 =	sshll.u32 s21, $0xF;
	s0 =	smov.u32 @p0 s4  }
0x1bb: {  	[tilespmem:s9], [sflag:$0x2] =	stream.strided.gather [hbm4b:s0+s16], $0x2000, s17, s16, $0x38;
	[tilespmem:$0xC400] =	vst v63  }
0x1bc: {  	p0 =	sgt.f32 s28, $0.0e+00;
	s0 =	sand.u32 $0x1FFF8000, s6  }
0x1bd: {  	s0 =	sadd.s32 s0, s5  }
0x1be: {  	s11 =	simm.s32 $0x6400;
	s0 =	smov.u32 @p0 s4  }
0x1bf: {  	[tilespmem:s11], [sflag:$0x4] =	stream.strided.gather [hbm4b:s0+s16], $0x2000, s17, s16, $0x38;
	[tilespmem:$0xC400] =	vst v63  }
0x1c0: {  	_ =	swait.ge [sflag:s22], $0x2000  }
0x1c1: {  	[sflag:s22] =	ssyncset.done $0x0  }
0x1c2: {  	[sflag:s22] =	ssyncadd.s32 $0xFFFFE000  }
0x1c3: {  	_ =	swait.ge [sflag:s23], $0x2000  }
0x1c4: {  	[sflag:s23] =	ssyncset.done $0x0  }
0x1c5: {  	[sflag:s23] =	ssyncadd.s32 $0xFFFFE000  }
0x1c6: {  	_ =	swait.ge [sflag:s29], $0x2000  }
0x1c7: {  	[sflag:s29] =	ssyncset.done $0x0  }
0x1c8: {  	s0 =	simm.s32 $0x0;
	[sflag:s29] =	ssyncadd.s32 $0xFFFFE000  }
0x1c9: {  	s7 =	sand.u32 $0x70, s0;
	s8 =	sand.u32 $0xC00, s0;
	v16 =	vld [tilespmem:$0x20]  }
0x1ca: {  	s1 =	sor.u32 s7, s8;
	v17 =	vld [tilespmem:$0xA0]  }
0x1cb: {  	v18 =	vld [tilespmem:s1+$0x4500]  }
0x1cc: {  	v19 =	vld [tilespmem:s1+$0x4480]  }
0x1cd: {  	v51 =	vld [tilespmem:s1+$0x500]  }
0x1ce: {  	v52 =	vld [tilespmem:s1+$0x480]  }
0x1cf: {  	v53 =	vld [tilespmem:s1+$0x4400]  }
0x1d0: {  	v54 =	vld [tilespmem:s1+$0x400];
	_ =	sdelay $0x2  }
0x1d1: {  	v18 =	vmul.f32 v18, v17;
	v20 =	vmul.f32 v51, v16  }
0x1d2: {  	v19 =	vmul.f32 v19, v17;
	v21 =	vmul.f32 v52, v16  }
0x1d3: {  	v22 =	vmul.f32 v53, v17;
	v55 =	vmul.f32 v54, v16;
	v18 =	vadd.f32 v18, v20  }
0x1d4: {  	v19 =	vadd.f32 v19, v21  }
0x1d5: {  	s21 =	sand.u32 $0xFFFFFC00, s0;
	[tilespmem:s1+$0x8500] =	vst v18;
	v18 =	vadd.f32 v22, v55  }
0x1d6: {  	s2 =	sadd.s32 $0x0, s21;
	[tilespmem:s1+$0x8480] =	vst v19  }
0x1d7: {  	s3 =	sor.u32 $0x180, s2;
	[tilespmem:s1+$0x8400] =	vst v18  }
0x1d8: {  	v18 =	vld [tilespmem:s3+$0x400]  }
0x1d9: {  	v19 =	vld [tilespmem:s3+$0x4400];
	_ =	sdelay $0x4  }
0x1da: {  	v18 =	vmul.f32 v18, v16;
	v19 =	vmul.f32 v19, v17;
	_ =	sdelay $0x1  }
0x1db: {  	v18 =	vadd.f32 v19, v18;
	_ =	sdelay $0x1  }
0x1dc: {  	[tilespmem:s3+$0x8400] =	vst v18  }
0x1dd: {  	v18 =	vld [tilespmem:s1+$0x4700]  }
0x1de: {  	v19 =	vld [tilespmem:s1+$0x700]  }
0x1df: {  	v56 =	vld [tilespmem:s1+$0x680]  }
0x1e0: {  	v57 =	vld [tilespmem:s1+$0x600]  }
0x1e1: {  	v58 =	vld [tilespmem:s1+$0x4600]  }
0x1e2: {  	v59 =	vld [tilespmem:s1+$0x4680];
	_ =	sdelay $0x2  }
0x1e3: {  	v19 =	vmul.f32 v19, v16;
	v18 =	vmul.f32 v18, v17  }
0x1e4: {  	v21 =	vmul.f32 v57, v16;
	v22 =	vmul.f32 v58, v17  }
0x1e5: {  	v20 =	vmul.f32 v56, v16;
	v18 =	vadd.f32 v18, v19;
	v19 =	vmul.f32 v59, v17  }
0x1e6: {  	v21 =	vadd.f32 v22, v21  }
0x1e7: {  	[tilespmem:s1+$0x8700] =	vst v18;
	v18 =	vadd.f32 v19, v20  }
0x1e8: {  	s3 =	sor.u32 s0, s0;
	[tilespmem:s1+$0x8600] =	vst v21  }
0x1e9: {  	s24 =	sor.u32 $0x380, s3;
	[tilespmem:s1+$0x8680] =	vst v18  }
0x1ea: {  	v18 =	vld [tilespmem:s24+$0x400]  }
0x1eb: {  	v19 =	vld [tilespmem:s24+$0x4400];
	_ =	sdelay $0x4  }
0x1ec: {  	v18 =	vmul.f32 v18, v16;
	v19 =	vmul.f32 v19, v17;
	_ =	sdelay $0x1  }
0x1ed: {  	v18 =	vadd.f32 v19, v18;
	_ =	sdelay $0x1  }
0x1ee: {  	[tilespmem:s24+$0x8400] =	vst v18  }
0x1ef: {  	v18 =	vld [tilespmem:s1+$0x5500]  }
0x1f0: {  	v19 =	vld [tilespmem:s1+$0x1400]  }
0x1f1: {  	v60 =	vld [tilespmem:s1+$0x1480]  }
0x1f2: {  	v61 =	vld [tilespmem:s1+$0x5400]  }
0x1f3: {  	v62 =	vld [tilespmem:s1+$0x1500]  }
0x1f4: {  	v63 =	vld [tilespmem:s1+$0x5480];
	_ =	sdelay $0x2  }
0x1f5: {  	v19 =	vmul.f32 v19, v16;
	v21 =	vmul.f32 v61, v17  }
0x1f6: {  	v22 =	vmul.f32 v62, v16;
	v18 =	vmul.f32 v18, v17  }
0x1f7: {  	v20 =	vmul.f32 v60, v16;
	v23 =	vmul.f32 v63, v17;
	v19 =	vadd.f32 v21, v19  }
0x1f8: {  	v18 =	vadd.f32 v18, v22  }
0x1f9: {  	v20 =	vadd.f32 v23, v20;
	[tilespmem:s1+$0x9400] =	vst v19  }
0x1fa: {  	[tilespmem:s1+$0x9500] =	vst v18  }
0x1fb: {  	s28 =	sor.u32 $0x1180, s2;
	[tilespmem:s1+$0x9480] =	vst v20  }
0x1fc: {  	v18 =	vld [tilespmem:s28+$0x400]  }
0x1fd: {  	v19 =	vld [tilespmem:s28+$0x4400];
	_ =	sdelay $0x4  }
0x1fe: {  	v18 =	vmul.f32 v18, v16;
	v19 =	vmul.f32 v19, v17;
	_ =	sdelay $0x1  }
0x1ff: {  	v18 =	vadd.f32 v19, v18;
	_ =	sdelay $0x1  }
0x200: {  	s2 =	simm.s32 $0x10;
	[tilespmem:s28+$0x8400] =	vst v18  }
.LBB2_6:
0x201: {  	p0 =	sne.s32 s2, $0x1F0  }
0x202: {  	v18 =	vld [tilespmem:s1+$0x1600];
	s0 =	sadd.s32 $0x80, s0;
	s7 =	smov.u32 s2;
	s2 =	sadd.s32 $0x10, s2  }
0x203: {  	v19 =	vld [tilespmem:s1+$0x5680]  }
0x204: {  	v20 =	vld [tilespmem:s1+$0x1700]  }
0x205: {  	v21 =	vld [tilespmem:s1+$0x1680]  }
0x206: {  	v22 =	vld [tilespmem:s1+$0x5700]  }
0x207: {  	v23 =	vld [tilespmem:s1+$0x5600];
	_ =	sdelay $0x1  }
0x208: {  	v18 =	vmul.f32 v18, v16;
	v20 =	vmul.f32 v20, v16  }
0x209: {  	v19 =	vmul.f32 v19, v17  }
0x20a: {  	v21 =	vmul.f32 v21, v16  }
0x20b: {  	v22 =	vmul.f32 v22, v17;
	v23 =	vmul.f32 v23, v17  }
0x20c: {  	v19 =	vadd.f32 v19, v21  }
0x20d: {  	v20 =	vadd.f32 v22, v20;
	v18 =	vadd.f32 v23, v18  }
0x20e: {  	[tilespmem:s1+$0x9680] =	vst v19  }
0x20f: {  	[tilespmem:s1+$0x9600] =	vst v18  }
0x210: {  	s3 =	sor.u32 $0x1380, s3;
	[tilespmem:s1+$0x9700] =	vst v20  }
0x211: {  	v18 =	vld [tilespmem:s3+$0x400]  }
0x212: {  	v19 =	vld [tilespmem:s3+$0x4400];
	_ =	sdelay $0x4  }
0x213: {  	v18 =	vmul.f32 v18, v16;
	v19 =	vmul.f32 v19, v17;
	_ =	sdelay $0x1  }
0x214: {  	v18 =	vadd.f32 v19, v18  }
0x215: {  	s8 =	sand.u32 $0xC00, s0;
	s1 =	sand.u32 $0x70, s7  }
0x216: {  	s1 =	sor.u32 s1, s8;
	[tilespmem:s3+$0x8400] =	vst v18  }
0x217: {  	v18 =	vld [tilespmem:s1+$0x4500]  }
0x218: {  	v19 =	vld [tilespmem:s1+$0x4480]  }
0x219: {  	v20 =	vld [tilespmem:s1+$0x500]  }
0x21a: {  	v21 =	vld [tilespmem:s1+$0x480]  }
0x21b: {  	v22 =	vld [tilespmem:s1+$0x4400]  }
0x21c: {  	v23 =	vld [tilespmem:s1+$0x400];
	v18 =	vmul.f32 v18, v17;
	_ =	sdelay $0x1  }
0x21d: {  	v19 =	vmul.f32 v19, v17;
	v20 =	vmul.f32 v20, v16  }
0x21e: {  	v21 =	vmul.f32 v21, v16  }
0x21f: {  	v22 =	vmul.f32 v22, v17;
	v18 =	vadd.f32 v18, v20  }
0x220: {  	v20 =	vmul.f32 v23, v16;
	v19 =	vadd.f32 v19, v21  }
0x221: {  	[tilespmem:s1+$0x8500] =	vst v18  }
0x222: {  	s3 =	sand.u32 $0xFFFFFC00, s0;
	v18 =	vadd.f32 v22, v20;
	[tilespmem:s1+$0x8480] =	vst v19  }
0x223: {  	s8 =	sadd.s32 s3, s7  }
0x224: {  	s3 =	sor.u32 $0x180, s8;
	[tilespmem:s1+$0x8400] =	vst v18  }
0x225: {  	v18 =	vld [tilespmem:s3+$0x400]  }
0x226: {  	v19 =	vld [tilespmem:s3+$0x4400];
	_ =	sdelay $0x4  }
0x227: {  	v18 =	vmul.f32 v18, v16;
	v19 =	vmul.f32 v19, v17;
	_ =	sdelay $0x1  }
0x228: {  	v18 =	vadd.f32 v19, v18;
	_ =	sdelay $0x1  }
0x229: {  	[tilespmem:s3+$0x8400] =	vst v18  }
0x22a: {  	v18 =	vld [tilespmem:s1+$0x4700]  }
0x22b: {  	v19 =	vld [tilespmem:s1+$0x700]  }
0x22c: {  	v20 =	vld [tilespmem:s1+$0x680]  }
0x22d: {  	v21 =	vld [tilespmem:s1+$0x600]  }
0x22e: {  	v22 =	vld [tilespmem:s1+$0x4600]  }
0x22f: {  	v23 =	vld [tilespmem:s1+$0x4680]  }
0x230: {  	v18 =	vmul.f32 v18, v17;
	v19 =	vmul.f32 v19, v16  }
0x231: {  	v20 =	vmul.f32 v20, v16  }
0x232: {  	v21 =	vmul.f32 v21, v16;
	v18 =	vadd.f32 v18, v19  }
0x233: {  	v19 =	vmul.f32 v22, v17  }
0x234: {  	v22 =	vmul.f32 v23, v17;
	[tilespmem:s1+$0x8700] =	vst v18  }
0x235: {  	v18 =	vadd.f32 v19, v21  }
0x236: {  	v19 =	vadd.f32 v22, v20  }
0x237: {  	s3 =	sor.u32 s7, s0;
	[tilespmem:s1+$0x8600] =	vst v18  }
0x238: {  	s7 =	sor.u32 $0x380, s3;
	[tilespmem:s1+$0x8680] =	vst v19  }
0x239: {  	v18 =	vld [tilespmem:s7+$0x400]  }
0x23a: {  	v19 =	vld [tilespmem:s7+$0x4400];
	_ =	sdelay $0x3  }
0x23b: {  	v18 =	vmul.f32 v18, v16  }
0x23c: {  	v19 =	vmul.f32 v19, v17;
	_ =	sdelay $0x1  }
0x23d: {  	v18 =	vadd.f32 v19, v18;
	_ =	sdelay $0x1  }
0x23e: {  	[tilespmem:s7+$0x8400] =	vst v18  }
0x23f: {  	v18 =	vld [tilespmem:s1+$0x5500]  }
0x240: {  	v19 =	vld [tilespmem:s1+$0x1400]  }
0x241: {  	v20 =	vld [tilespmem:s1+$0x1480]  }
0x242: {  	v21 =	vld [tilespmem:s1+$0x1500]  }
0x243: {  	v22 =	vld [tilespmem:s1+$0x5400]  }
0x244: {  	v23 =	vld [tilespmem:s1+$0x5480]  }
0x245: {  	v19 =	vmul.f32 v19, v16  }
0x246: {  	v20 =	vmul.f32 v20, v16  }
0x247: {  	v18 =	vmul.f32 v18, v17;
	v21 =	vmul.f32 v21, v16  }
0x248: {  	v22 =	vmul.f32 v22, v17  }
0x249: {  	v23 =	vmul.f32 v23, v17;
	v18 =	vadd.f32 v18, v21  }
0x24a: {  	v19 =	vadd.f32 v22, v19  }
0x24b: {  	v20 =	vadd.f32 v23, v20  }
0x24c: {  	[tilespmem:s1+$0x9400] =	vst v19  }
0x24d: {  	[tilespmem:s1+$0x9500] =	vst v18  }
0x24e: {  	s7 =	sor.u32 $0x1180, s8;
	[tilespmem:s1+$0x9480] =	vst v20  }
0x24f: {  	v18 =	vld [tilespmem:s7+$0x400]  }
0x250: {  	v19 =	vld [tilespmem:s7+$0x4400];
	_ =	sdelay $0x3  }
0x251: {  	v18 =	vmul.f32 v18, v16  }
.Ltmp2:
0x252: {  	v19 =	vmul.f32 v19, v17;
	(pc) =	sbr.rel @p0 .LBB2_6-.Ltmp2, $3  }
0x253: {  	_ = 	snop  }
0x254: {  	v18 =	vadd.f32 v19, v18;
	_ =	sdelay $0x1  }
0x255: {  	[tilespmem:s7+$0x8400] =	vst v18  }
0x256: {  	v18 =	vld [tilespmem:s1+$0x1600]  }
0x257: {  	v19 =	vld [tilespmem:s1+$0x5680]  }
0x258: {  	v20 =	vld [tilespmem:s1+$0x1700]  }
0x259: {  	v21 =	vld [tilespmem:s1+$0x1680]  }
0x25a: {  	v22 =	vld [tilespmem:s1+$0x5600]  }
0x25b: {  	v23 =	vld [tilespmem:s1+$0x5700];
	_ =	sdelay $0x2  }
0x25c: {  	v19 =	vmul.f32 v19, v17;
	v21 =	vmul.f32 v21, v16  }
0x25d: {  	v18 =	vmul.f32 v18, v16;
	v22 =	vmul.f32 v22, v17  }
0x25e: {  	v20 =	vmul.f32 v20, v16;
	v23 =	vmul.f32 v23, v17;
	v19 =	vadd.f32 v19, v21  }
0x25f: {  	v18 =	vadd.f32 v22, v18  }
0x260: {  	v20 =	vadd.f32 v23, v20;
	[tilespmem:s1+$0x9680] =	vst v19  }
0x261: {  	[tilespmem:s1+$0x9600] =	vst v18  }
0x262: {  	s0 =	sor.u32 $0x1380, s3;
	[tilespmem:s1+$0x9700] =	vst v20  }
0x263: {  	v18 =	vld [tilespmem:s0+$0x400]  }
0x264: {  	v19 =	vld [tilespmem:s0+$0x4400];
	_ =	sdelay $0x4  }
0x265: {  	v16 =	vmul.f32 v18, v16;
	v17 =	vmul.f32 v19, v17;
	_ =	sdelay $0x1  }
0x266: {  	v16 =	vadd.f32 v17, v16  }
0x267: {  	s7 =	rddreg [dreg:$0x1a]  }
0x268: {  	s6 =	rddreg [dreg:$0x7];
	[tilespmem:s0+$0x8400] =	vst v16;
	s0 =	sshll.u32 s7, $0xF  }
0x269: {  	[hbm4b:s6+s16] =	stream.strided.scatter [tilespmem:s12], [sflag:$0x5], $0x2000, s17, s16, $0x38;
	[tilespmem:$0xC400] =	vst v63  }
0x26a: {  	p0 =	sgt.f32 s20, $0.0e+00;
	s0 =	sand.u32 $0x1FFF8000, s0  }
0x26b: {  	s0 =	sadd.s32 s0, s5  }
0x26c: {  	s8 =	rddreg [dreg:$0x19];
	s0 =	smov.u32 @p0 s4  }
0x26d: {  	[tilespmem:s10], [sflag:$0x1] =	stream.strided.gather [hbm4b:s0+s16], $0x2000, s17, s16, $0x38;
	[tilespmem:$0xC400] =	vst v63  }
0x26e: {  	s0 =	sshll.u32 s8, $0xF  }
0x26f: {  	p0 =	sgt.f32 s19, $0.0e+00;
	s0 =	sand.u32 $0x1FFF8000, s0  }
0x270: {  	s0 =	sadd.s32 s0, s5  }
0x271: {  	s0 =	smov.u32 @p0 s4  }
0x272: {  	[tilespmem:s14], [sflag:$0x3] =	stream.strided.gather [hbm4b:s0+s16], $0x2000, s17, s16, $0x38;
	[tilespmem:$0xC400] =	vst v63  }
0x273: {  	_ =	swait.ge [sflag:s25], $0x2000  }
0x274: {  	[sflag:s25] =	ssyncset.done $0x0  }
0x275: {  	[sflag:s25] =	ssyncadd.s32 $0xFFFFE000  }
0x276: {  	_ =	swait.ge [sflag:s26], $0x2000  }
0x277: {  	[sflag:s26] =	ssyncset.done $0x0  }
0x278: {  	[sflag:s26] =	ssyncadd.s32 $0xFFFFE000  }
0x279: {  	_ =	swait.ge [sflag:s30], $0x2000  }
0x27a: {  	[sflag:s30] =	ssyncset.done $0x0  }
0x27b: {  	s0 =	simm.s32 $0x0;
	[sflag:s30] =	ssyncadd.s32 $0xFFFFE000  }
0x27c: {  	s20 =	sand.u32 $0x70, s0;
	s2 =	sand.u32 $0xC00, s0;
	v16 =	vld [tilespmem:$0x30]  }
0x27d: {  	s1 =	sor.u32 s20, s2;
	v17 =	vld [tilespmem:$0xB0]  }
0x27e: {  	v18 =	vld [tilespmem:s1+$0x6500]  }
0x27f: {  	v19 =	vld [tilespmem:s1+$0x6480]  }
0x280: {  	v51 =	vld [tilespmem:s1+$0x2500]  }
0x281: {  	v52 =	vld [tilespmem:s1+$0x2480]  }
0x282: {  	v53 =	vld [tilespmem:s1+$0x6400]  }
0x283: {  	v54 =	vld [tilespmem:s1+$0x2400];
	_ =	sdelay $0x2  }
0x284: {  	v18 =	vmul.f32 v18, v17;
	v20 =	vmul.f32 v51, v16  }
0x285: {  	v19 =	vmul.f32 v19, v17;
	v21 =	vmul.f32 v52, v16  }
0x286: {  	v22 =	vmul.f32 v53, v17;
	v55 =	vmul.f32 v54, v16;
	v18 =	vadd.f32 v18, v20  }
0x287: {  	v19 =	vadd.f32 v19, v21  }
0x288: {  	s21 =	sand.u32 $0xFFFFFC00, s0;
	[tilespmem:s1+$0xA500] =	vst v18;
	v18 =	vadd.f32 v22, v55  }
0x289: {  	s2 =	sadd.s32 $0x0, s21;
	[tilespmem:s1+$0xA480] =	vst v19  }
0x28a: {  	s24 =	sor.u32 $0x180, s2;
	[tilespmem:s1+$0xA400] =	vst v18  }
0x28b: {  	v18 =	vld [tilespmem:s24+$0x2400]  }
0x28c: {  	v19 =	vld [tilespmem:s24+$0x6400];
	_ =	sdelay $0x4  }
0x28d: {  	v18 =	vmul.f32 v18, v16;
	v19 =	vmul.f32 v19, v17;
	_ =	sdelay $0x1  }
0x28e: {  	v18 =	vadd.f32 v19, v18;
	_ =	sdelay $0x1  }
0x28f: {  	[tilespmem:s24+$0xA400] =	vst v18  }
0x290: {  	v18 =	vld [tilespmem:s1+$0x6700]  }
0x291: {  	v19 =	vld [tilespmem:s1+$0x2700]  }
0x292: {  	v56 =	vld [tilespmem:s1+$0x2680]  }
0x293: {  	v57 =	vld [tilespmem:s1+$0x2600]  }
0x294: {  	v58 =	vld [tilespmem:s1+$0x6600]  }
0x295: {  	v59 =	vld [tilespmem:s1+$0x6680];
	_ =	sdelay $0x2  }
0x296: {  	v19 =	vmul.f32 v19, v16;
	v18 =	vmul.f32 v18, v17  }
0x297: {  	v21 =	vmul.f32 v57, v16;
	v22 =	vmul.f32 v58, v17  }
0x298: {  	v20 =	vmul.f32 v56, v16;
	v18 =	vadd.f32 v18, v19;
	v19 =	vmul.f32 v59, v17  }
0x299: {  	v21 =	vadd.f32 v22, v21  }
0x29a: {  	[tilespmem:s1+$0xA700] =	vst v18;
	v18 =	vadd.f32 v19, v20  }
0x29b: {  	s3 =	sor.u32 s0, s0;
	[tilespmem:s1+$0xA600] =	vst v21  }
0x29c: {  	s7 =	sor.u32 $0x380, s3;
	[tilespmem:s1+$0xA680] =	vst v18  }
0x29d: {  	v18 =	vld [tilespmem:s7+$0x2400]  }
0x29e: {  	v19 =	vld [tilespmem:s7+$0x6400];
	_ =	sdelay $0x4  }
0x29f: {  	v18 =	vmul.f32 v18, v16;
	v19 =	vmul.f32 v19, v17;
	_ =	sdelay $0x1  }
0x2a0: {  	v18 =	vadd.f32 v19, v18;
	_ =	sdelay $0x1  }
0x2a1: {  	[tilespmem:s7+$0xA400] =	vst v18  }
0x2a2: {  	v18 =	vld [tilespmem:s1+$0x7500]  }
0x2a3: {  	v19 =	vld [tilespmem:s1+$0x3400]  }
0x2a4: {  	v60 =	vld [tilespmem:s1+$0x3480]  }
0x2a5: {  	v61 =	vld [tilespmem:s1+$0x7400]  }
0x2a6: {  	v62 =	vld [tilespmem:s1+$0x3500]  }
0x2a7: {  	v63 =	vld [tilespmem:s1+$0x7480];
	_ =	sdelay $0x2  }
0x2a8: {  	v19 =	vmul.f32 v19, v16;
	v21 =	vmul.f32 v61, v17  }
0x2a9: {  	v22 =	vmul.f32 v62, v16;
	v18 =	vmul.f32 v18, v17  }
0x2aa: {  	v20 =	vmul.f32 v60, v16;
	v23 =	vmul.f32 v63, v17;
	v19 =	vadd.f32 v21, v19  }
0x2ab: {  	v18 =	vadd.f32 v18, v22  }
0x2ac: {  	v20 =	vadd.f32 v23, v20;
	[tilespmem:s1+$0xB400] =	vst v19  }
0x2ad: {  	[tilespmem:s1+$0xB500] =	vst v18  }
0x2ae: {  	s28 =	sor.u32 $0x1180, s2;
	[tilespmem:s1+$0xB480] =	vst v20  }
0x2af: {  	v18 =	vld [tilespmem:s28+$0x2400]  }
0x2b0: {  	v19 =	vld [tilespmem:s28+$0x6400];
	_ =	sdelay $0x4  }
0x2b1: {  	v18 =	vmul.f32 v18, v16;
	v19 =	vmul.f32 v19, v17;
	_ =	sdelay $0x1  }
0x2b2: {  	v18 =	vadd.f32 v19, v18;
	_ =	sdelay $0x1  }
0x2b3: {  	s2 =	simm.s32 $0x10;
	[tilespmem:s28+$0xA400] =	vst v18  }
.LBB2_8:
0x2b4: {  	p0 =	sne.s32 s2, $0x1F0  }
0x2b5: {  	v18 =	vld [tilespmem:s1+$0x3600];
	s0 =	sadd.s32 $0x80, s0;
	s7 =	smov.u32 s2;
	s2 =	sadd.s32 $0x10, s2  }
0x2b6: {  	v19 =	vld [tilespmem:s1+$0x7680]  }
0x2b7: {  	v20 =	vld [tilespmem:s1+$0x3700]  }
0x2b8: {  	v21 =	vld [tilespmem:s1+$0x3680]  }
0x2b9: {  	v22 =	vld [tilespmem:s1+$0x7700]  }
0x2ba: {  	v23 =	vld [tilespmem:s1+$0x7600];
	_ =	sdelay $0x1  }
0x2bb: {  	v18 =	vmul.f32 v18, v16;
	v20 =	vmul.f32 v20, v16  }
0x2bc: {  	v19 =	vmul.f32 v19, v17  }
0x2bd: {  	v21 =	vmul.f32 v21, v16  }
0x2be: {  	v22 =	vmul.f32 v22, v17;
	v23 =	vmul.f32 v23, v17  }
0x2bf: {  	v19 =	vadd.f32 v19, v21  }
0x2c0: {  	v20 =	vadd.f32 v22, v20;
	v18 =	vadd.f32 v23, v18  }
0x2c1: {  	[tilespmem:s1+$0xB680] =	vst v19  }
0x2c2: {  	[tilespmem:s1+$0xB600] =	vst v18  }
0x2c3: {  	s3 =	sor.u32 $0x1380, s3;
	[tilespmem:s1+$0xB700] =	vst v20  }
0x2c4: {  	v18 =	vld [tilespmem:s3+$0x2400]  }
0x2c5: {  	v19 =	vld [tilespmem:s3+$0x6400];
	_ =	sdelay $0x4  }
0x2c6: {  	v18 =	vmul.f32 v18, v16;
	v19 =	vmul.f32 v19, v17;
	_ =	sdelay $0x1  }
0x2c7: {  	v18 =	vadd.f32 v19, v18  }
0x2c8: {  	s8 =	sand.u32 $0xC00, s0;
	s1 =	sand.u32 $0x70, s7  }
0x2c9: {  	s1 =	sor.u32 s1, s8;
	[tilespmem:s3+$0xA400] =	vst v18  }
0x2ca: {  	v18 =	vld [tilespmem:s1+$0x6500]  }
0x2cb: {  	v19 =	vld [tilespmem:s1+$0x6480]  }
0x2cc: {  	v20 =	vld [tilespmem:s1+$0x2500]  }
0x2cd: {  	v21 =	vld [tilespmem:s1+$0x2480]  }
0x2ce: {  	v22 =	vld [tilespmem:s1+$0x6400]  }
0x2cf: {  	v23 =	vld [tilespmem:s1+$0x2400];
	v18 =	vmul.f32 v18, v17;
	_ =	sdelay $0x1  }
0x2d0: {  	v19 =	vmul.f32 v19, v17;
	v20 =	vmul.f32 v20, v16  }
0x2d1: {  	v21 =	vmul.f32 v21, v16  }
0x2d2: {  	v22 =	vmul.f32 v22, v17;
	v18 =	vadd.f32 v18, v20  }
0x2d3: {  	v20 =	vmul.f32 v23, v16;
	v19 =	vadd.f32 v19, v21  }
0x2d4: {  	[tilespmem:s1+$0xA500] =	vst v18  }
0x2d5: {  	s3 =	sand.u32 $0xFFFFFC00, s0;
	v18 =	vadd.f32 v22, v20;
	[tilespmem:s1+$0xA480] =	vst v19  }
0x2d6: {  	s8 =	sadd.s32 s3, s7  }
0x2d7: {  	s3 =	sor.u32 $0x180, s8;
	[tilespmem:s1+$0xA400] =	vst v18  }
0x2d8: {  	v18 =	vld [tilespmem:s3+$0x2400]  }
0x2d9: {  	v19 =	vld [tilespmem:s3+$0x6400];
	_ =	sdelay $0x4  }
0x2da: {  	v18 =	vmul.f32 v18, v16;
	v19 =	vmul.f32 v19, v17;
	_ =	sdelay $0x1  }
0x2db: {  	v18 =	vadd.f32 v19, v18;
	_ =	sdelay $0x1  }
0x2dc: {  	[tilespmem:s3+$0xA400] =	vst v18  }
0x2dd: {  	v18 =	vld [tilespmem:s1+$0x6700]  }
0x2de: {  	v19 =	vld [tilespmem:s1+$0x2700]  }
0x2df: {  	v20 =	vld [tilespmem:s1+$0x2680]  }
0x2e0: {  	v21 =	vld [tilespmem:s1+$0x2600]  }
0x2e1: {  	v22 =	vld [tilespmem:s1+$0x6600]  }
0x2e2: {  	v23 =	vld [tilespmem:s1+$0x6680]  }
0x2e3: {  	v18 =	vmul.f32 v18, v17;
	v19 =	vmul.f32 v19, v16  }
0x2e4: {  	v20 =	vmul.f32 v20, v16  }
0x2e5: {  	v21 =	vmul.f32 v21, v16;
	v18 =	vadd.f32 v18, v19  }
0x2e6: {  	v19 =	vmul.f32 v22, v17  }
0x2e7: {  	v22 =	vmul.f32 v23, v17;
	[tilespmem:s1+$0xA700] =	vst v18  }
0x2e8: {  	v18 =	vadd.f32 v19, v21  }
0x2e9: {  	v19 =	vadd.f32 v22, v20  }
0x2ea: {  	s3 =	sor.u32 s7, s0;
	[tilespmem:s1+$0xA600] =	vst v18  }
0x2eb: {  	s7 =	sor.u32 $0x380, s3;
	[tilespmem:s1+$0xA680] =	vst v19  }
0x2ec: {  	v18 =	vld [tilespmem:s7+$0x2400]  }
0x2ed: {  	v19 =	vld [tilespmem:s7+$0x6400];
	_ =	sdelay $0x3  }
0x2ee: {  	v18 =	vmul.f32 v18, v16  }
0x2ef: {  	v19 =	vmul.f32 v19, v17;
	_ =	sdelay $0x1  }
0x2f0: {  	v18 =	vadd.f32 v19, v18;
	_ =	sdelay $0x1  }
0x2f1: {  	[tilespmem:s7+$0xA400] =	vst v18  }
0x2f2: {  	v18 =	vld [tilespmem:s1+$0x7500]  }
0x2f3: {  	v19 =	vld [tilespmem:s1+$0x3400]  }
0x2f4: {  	v20 =	vld [tilespmem:s1+$0x3480]  }
0x2f5: {  	v21 =	vld [tilespmem:s1+$0x3500]  }
0x2f6: {  	v22 =	vld [tilespmem:s1+$0x7400]  }
0x2f7: {  	v23 =	vld [tilespmem:s1+$0x7480]  }
0x2f8: {  	v19 =	vmul.f32 v19, v16  }
0x2f9: {  	v20 =	vmul.f32 v20, v16  }
0x2fa: {  	v18 =	vmul.f32 v18, v17;
	v21 =	vmul.f32 v21, v16  }
0x2fb: {  	v22 =	vmul.f32 v22, v17  }
0x2fc: {  	v23 =	vmul.f32 v23, v17;
	v18 =	vadd.f32 v18, v21  }
0x2fd: {  	v19 =	vadd.f32 v22, v19  }
0x2fe: {  	v20 =	vadd.f32 v23, v20  }
0x2ff: {  	[tilespmem:s1+$0xB400] =	vst v19  }
0x300: {  	[tilespmem:s1+$0xB500] =	vst v18  }
0x301: {  	s7 =	sor.u32 $0x1180, s8;
	[tilespmem:s1+$0xB480] =	vst v20  }
0x302: {  	v18 =	vld [tilespmem:s7+$0x2400]  }
0x303: {  	v19 =	vld [tilespmem:s7+$0x6400];
	_ =	sdelay $0x3  }
0x304: {  	v18 =	vmul.f32 v18, v16  }
.Ltmp3:
0x305: {  	v19 =	vmul.f32 v19, v17;
	(pc) =	sbr.rel @p0 .LBB2_8-.Ltmp3, $3  }
0x306: {  	_ = 	snop  }
0x307: {  	v18 =	vadd.f32 v19, v18;
	_ =	sdelay $0x1  }
0x308: {  	[tilespmem:s7+$0xA400] =	vst v18  }
0x309: {  	v18 =	vld [tilespmem:s1+$0x3600]  }
0x30a: {  	v19 =	vld [tilespmem:s1+$0x7680]  }
0x30b: {  	v20 =	vld [tilespmem:s1+$0x3700]  }
0x30c: {  	v21 =	vld [tilespmem:s1+$0x3680]  }
0x30d: {  	v22 =	vld [tilespmem:s1+$0x7600]  }
0x30e: {  	v23 =	vld [tilespmem:s1+$0x7700];
	_ =	sdelay $0x2  }
0x30f: {  	v19 =	vmul.f32 v19, v17;
	v21 =	vmul.f32 v21, v16  }
0x310: {  	v18 =	vmul.f32 v18, v16;
	v22 =	vmul.f32 v22, v17  }
0x311: {  	v20 =	vmul.f32 v20, v16;
	v23 =	vmul.f32 v23, v17;
	v19 =	vadd.f32 v19, v21  }
0x312: {  	v18 =	vadd.f32 v22, v18  }
0x313: {  	v20 =	vadd.f32 v23, v20;
	[tilespmem:s1+$0xB680] =	vst v19  }
0x314: {  	[tilespmem:s1+$0xB600] =	vst v18  }
0x315: {  	s0 =	sor.u32 $0x1380, s3;
	[tilespmem:s1+$0xB700] =	vst v20  }
0x316: {  	v18 =	vld [tilespmem:s0+$0x2400]  }
0x317: {  	v19 =	vld [tilespmem:s0+$0x6400];
	_ =	sdelay $0x4  }
0x318: {  	v16 =	vmul.f32 v18, v16;
	v17 =	vmul.f32 v19, v17;
	_ =	sdelay $0x1  }
0x319: {  	s3 =	rddreg [dreg:$0x8];
	v16 =	vadd.f32 v17, v16  }
0x31a: {  	s6 =	rddreg [dreg:$0x17]  }
0x31b: {  	s7 =	rddreg [dreg:$0x18];
	[tilespmem:s0+$0xA400] =	vst v16;
	s0 =	sshll.u32 s6, $0xF  }
0x31c: {  	[hbm4b:s3+s16] =	stream.strided.scatter [tilespmem:s13], [sflag:$0x6], $0x2000, s17, s16, $0x38;
	[tilespmem:$0xC400] =	vst v63  }
0x31d: {  	p0 =	sgt.f32 s7, $0.0e+00;
	s0 =	sand.u32 $0x1FFF8000, s0  }
0x31e: {  	s0 =	sadd.s32 s0, s5  }
0x31f: {  	s8 =	rddreg [dreg:$0x15];
	s0 =	smov.u32 @p0 s4  }
0x320: {  	[tilespmem:s9], [sflag:$0x2] =	stream.strided.gather [hbm4b:s0+s16], $0x2000, s17, s16, $0x38;
	[tilespmem:$0xC400] =	vst v63  }
0x321: {  	s19 =	rddreg [dreg:$0x16];
	s0 =	sshll.u32 s8, $0xF  }
0x322: {  	p0 =	sgt.f32 s19, $0.0e+00;
	s0 =	sand.u32 $0x1FFF8000, s0  }
0x323: {  	s0 =	sadd.s32 s0, s5  }
0x324: {  	s0 =	smov.u32 @p0 s4  }
0x325: {  	[tilespmem:s11], [sflag:$0x4] =	stream.strided.gather [hbm4b:s0+s16], $0x2000, s17, s16, $0x38;
	[tilespmem:$0xC400] =	vst v63  }
0x326: {  	_ =	swait.ge [sflag:s22], $0x2000  }
0x327: {  	[sflag:s22] =	ssyncset.done $0x0  }
0x328: {  	[sflag:s22] =	ssyncadd.s32 $0xFFFFE000  }
0x329: {  	_ =	swait.ge [sflag:s23], $0x2000  }
0x32a: {  	[sflag:s23] =	ssyncset.done $0x0  }
0x32b: {  	[sflag:s23] =	ssyncadd.s32 $0xFFFFE000  }
0x32c: {  	_ =	swait.ge [sflag:s29], $0x2000  }
0x32d: {  	[sflag:s29] =	ssyncset.done $0x0  }
0x32e: {  	s0 =	simm.s32 $0x0;
	[sflag:s29] =	ssyncadd.s32 $0xFFFFE000  }
0x32f: {  	s20 =	sand.u32 $0x70, s0;
	s2 =	sand.u32 $0xC00, s0;
	v16 =	vld [tilespmem:$0x40]  }
0x330: {  	s1 =	sor.u32 s20, s2;
	v17 =	vld [tilespmem:$0xC0]  }
0x331: {  	v18 =	vld [tilespmem:s1+$0x4500]  }
0x332: {  	v19 =	vld [tilespmem:s1+$0x4480]  }
0x333: {  	v51 =	vld [tilespmem:s1+$0x500]  }
0x334: {  	v52 =	vld [tilespmem:s1+$0x480]  }
0x335: {  	v53 =	vld [tilespmem:s1+$0x4400]  }
0x336: {  	v54 =	vld [tilespmem:s1+$0x400];
	_ =	sdelay $0x2  }
0x337: {  	v18 =	vmul.f32 v18, v17;
	v20 =	vmul.f32 v51, v16  }
0x338: {  	v19 =	vmul.f32 v19, v17;
	v21 =	vmul.f32 v52, v16  }
0x339: {  	v22 =	vmul.f32 v53, v17;
	v55 =	vmul.f32 v54, v16;
	v18 =	vadd.f32 v18, v20  }
0x33a: {  	v19 =	vadd.f32 v19, v21  }
0x33b: {  	s21 =	sand.u32 $0xFFFFFC00, s0;
	[tilespmem:s1+$0x8500] =	vst v18;
	v18 =	vadd.f32 v22, v55  }
0x33c: {  	s2 =	sadd.s32 $0x0, s21;
	[tilespmem:s1+$0x8480] =	vst v19  }
0x33d: {  	s24 =	sor.u32 $0x180, s2;
	[tilespmem:s1+$0x8400] =	vst v18  }
0x33e: {  	v18 =	vld [tilespmem:s24+$0x400]  }
0x33f: {  	v19 =	vld [tilespmem:s24+$0x4400];
	_ =	sdelay $0x4  }
0x340: {  	v18 =	vmul.f32 v18, v16;
	v19 =	vmul.f32 v19, v17;
	_ =	sdelay $0x1  }
0x341: {  	v18 =	vadd.f32 v19, v18;
	_ =	sdelay $0x1  }
0x342: {  	[tilespmem:s24+$0x8400] =	vst v18  }
0x343: {  	v18 =	vld [tilespmem:s1+$0x4700]  }
0x344: {  	v19 =	vld [tilespmem:s1+$0x700]  }
0x345: {  	v56 =	vld [tilespmem:s1+$0x680]  }
0x346: {  	v57 =	vld [tilespmem:s1+$0x600]  }
0x347: {  	v58 =	vld [tilespmem:s1+$0x4600]  }
0x348: {  	v59 =	vld [tilespmem:s1+$0x4680];
	_ =	sdelay $0x2  }
0x349: {  	v19 =	vmul.f32 v19, v16;
	v18 =	vmul.f32 v18, v17  }
0x34a: {  	v21 =	vmul.f32 v57, v16;
	v22 =	vmul.f32 v58, v17  }
0x34b: {  	v20 =	vmul.f32 v56, v16;
	v18 =	vadd.f32 v18, v19;
	v19 =	vmul.f32 v59, v17  }
0x34c: {  	v21 =	vadd.f32 v22, v21  }
0x34d: {  	[tilespmem:s1+$0x8700] =	vst v18;
	v18 =	vadd.f32 v19, v20  }
0x34e: {  	s3 =	sor.u32 s0, s0;
	[tilespmem:s1+$0x8600] =	vst v21  }
0x34f: {  	s6 =	sor.u32 $0x380, s3;
	[tilespmem:s1+$0x8680] =	vst v18  }
0x350: {  	v18 =	vld [tilespmem:s6+$0x400]  }
0x351: {  	v19 =	vld [tilespmem:s6+$0x4400];
	_ =	sdelay $0x4  }
0x352: {  	v18 =	vmul.f32 v18, v16;
	v19 =	vmul.f32 v19, v17;
	_ =	sdelay $0x1  }
0x353: {  	v18 =	vadd.f32 v19, v18;
	_ =	sdelay $0x1  }
0x354: {  	[tilespmem:s6+$0x8400] =	vst v18  }
0x355: {  	v18 =	vld [tilespmem:s1+$0x5500]  }
0x356: {  	v19 =	vld [tilespmem:s1+$0x1400]  }
0x357: {  	v60 =	vld [tilespmem:s1+$0x1480]  }
0x358: {  	v61 =	vld [tilespmem:s1+$0x5400]  }
0x359: {  	v62 =	vld [tilespmem:s1+$0x1500]  }
0x35a: {  	v63 =	vld [tilespmem:s1+$0x5480];
	_ =	sdelay $0x2  }
0x35b: {  	v19 =	vmul.f32 v19, v16;
	v21 =	vmul.f32 v61, v17  }
0x35c: {  	v22 =	vmul.f32 v62, v16;
	v18 =	vmul.f32 v18, v17  }
0x35d: {  	v20 =	vmul.f32 v60, v16;
	v23 =	vmul.f32 v63, v17;
	v19 =	vadd.f32 v21, v19  }
0x35e: {  	v18 =	vadd.f32 v18, v22  }
0x35f: {  	v20 =	vadd.f32 v23, v20;
	[tilespmem:s1+$0x9400] =	vst v19  }
0x360: {  	[tilespmem:s1+$0x9500] =	vst v18  }
0x361: {  	s28 =	sor.u32 $0x1180, s2;
	[tilespmem:s1+$0x9480] =	vst v20  }
0x362: {  	v18 =	vld [tilespmem:s28+$0x400]  }
0x363: {  	v19 =	vld [tilespmem:s28+$0x4400];
	_ =	sdelay $0x4  }
0x364: {  	v18 =	vmul.f32 v18, v16;
	v19 =	vmul.f32 v19, v17;
	_ =	sdelay $0x1  }
0x365: {  	v18 =	vadd.f32 v19, v18;
	_ =	sdelay $0x1  }
0x366: {  	s2 =	simm.s32 $0x10;
	[tilespmem:s28+$0x8400] =	vst v18  }
.LBB2_10:
0x367: {  	p0 =	sne.s32 s2, $0x1F0  }
0x368: {  	v18 =	vld [tilespmem:s1+$0x1600];
	s0 =	sadd.s32 $0x80, s0;
	s6 =	smov.u32 s2;
	s2 =	sadd.s32 $0x10, s2  }
0x369: {  	v19 =	vld [tilespmem:s1+$0x5680]  }
0x36a: {  	v20 =	vld [tilespmem:s1+$0x1700]  }
0x36b: {  	v21 =	vld [tilespmem:s1+$0x1680]  }
0x36c: {  	v22 =	vld [tilespmem:s1+$0x5700]  }
0x36d: {  	v23 =	vld [tilespmem:s1+$0x5600];
	_ =	sdelay $0x1  }
0x36e: {  	v18 =	vmul.f32 v18, v16;
	v20 =	vmul.f32 v20, v16  }
0x36f: {  	v19 =	vmul.f32 v19, v17  }
0x370: {  	v21 =	vmul.f32 v21, v16  }
0x371: {  	v22 =	vmul.f32 v22, v17;
	v23 =	vmul.f32 v23, v17  }
0x372: {  	v19 =	vadd.f32 v19, v21  }
0x373: {  	v20 =	vadd.f32 v22, v20;
	v18 =	vadd.f32 v23, v18  }
0x374: {  	[tilespmem:s1+$0x9680] =	vst v19  }
0x375: {  	[tilespmem:s1+$0x9600] =	vst v18  }
0x376: {  	s3 =	sor.u32 $0x1380, s3;
	[tilespmem:s1+$0x9700] =	vst v20  }
0x377: {  	v18 =	vld [tilespmem:s3+$0x400]  }
0x378: {  	v19 =	vld [tilespmem:s3+$0x4400];
	_ =	sdelay $0x4  }
0x379: {  	v18 =	vmul.f32 v18, v16;
	v19 =	vmul.f32 v19, v17;
	_ =	sdelay $0x1  }
0x37a: {  	v18 =	vadd.f32 v19, v18  }
0x37b: {  	s7 =	sand.u32 $0xC00, s0;
	s1 =	sand.u32 $0x70, s6  }
0x37c: {  	s1 =	sor.u32 s1, s7;
	[tilespmem:s3+$0x8400] =	vst v18  }
0x37d: {  	v18 =	vld [tilespmem:s1+$0x4500]  }
0x37e: {  	v19 =	vld [tilespmem:s1+$0x4480]  }
0x37f: {  	v20 =	vld [tilespmem:s1+$0x500]  }
0x380: {  	v21 =	vld [tilespmem:s1+$0x480]  }
0x381: {  	v22 =	vld [tilespmem:s1+$0x4400]  }
0x382: {  	v23 =	vld [tilespmem:s1+$0x400];
	v18 =	vmul.f32 v18, v17;
	_ =	sdelay $0x1  }
0x383: {  	v19 =	vmul.f32 v19, v17;
	v20 =	vmul.f32 v20, v16  }
0x384: {  	v21 =	vmul.f32 v21, v16  }
0x385: {  	v22 =	vmul.f32 v22, v17;
	v18 =	vadd.f32 v18, v20  }
0x386: {  	v20 =	vmul.f32 v23, v16;
	v19 =	vadd.f32 v19, v21  }
0x387: {  	[tilespmem:s1+$0x8500] =	vst v18  }
0x388: {  	s3 =	sand.u32 $0xFFFFFC00, s0;
	v18 =	vadd.f32 v22, v20;
	[tilespmem:s1+$0x8480] =	vst v19  }
0x389: {  	s7 =	sadd.s32 s3, s6  }
0x38a: {  	s3 =	sor.u32 $0x180, s7;
	[tilespmem:s1+$0x8400] =	vst v18  }
0x38b: {  	v18 =	vld [tilespmem:s3+$0x400]  }
0x38c: {  	v19 =	vld [tilespmem:s3+$0x4400];
	_ =	sdelay $0x4  }
0x38d: {  	v18 =	vmul.f32 v18, v16;
	v19 =	vmul.f32 v19, v17;
	_ =	sdelay $0x1  }
0x38e: {  	v18 =	vadd.f32 v19, v18;
	_ =	sdelay $0x1  }
0x38f: {  	[tilespmem:s3+$0x8400] =	vst v18  }
0x390: {  	v18 =	vld [tilespmem:s1+$0x4700]  }
0x391: {  	v19 =	vld [tilespmem:s1+$0x700]  }
0x392: {  	v20 =	vld [tilespmem:s1+$0x680]  }
0x393: {  	v21 =	vld [tilespmem:s1+$0x600]  }
0x394: {  	v22 =	vld [tilespmem:s1+$0x4600]  }
0x395: {  	v23 =	vld [tilespmem:s1+$0x4680]  }
0x396: {  	v18 =	vmul.f32 v18, v17;
	v19 =	vmul.f32 v19, v16  }
0x397: {  	v20 =	vmul.f32 v20, v16  }
0x398: {  	v21 =	vmul.f32 v21, v16;
	v18 =	vadd.f32 v18, v19  }
0x399: {  	v19 =	vmul.f32 v22, v17  }
0x39a: {  	v22 =	vmul.f32 v23, v17;
	[tilespmem:s1+$0x8700] =	vst v18  }
0x39b: {  	v18 =	vadd.f32 v19, v21  }
0x39c: {  	v19 =	vadd.f32 v22, v20  }
0x39d: {  	s3 =	sor.u32 s6, s0;
	[tilespmem:s1+$0x8600] =	vst v18  }
0x39e: {  	s6 =	sor.u32 $0x380, s3;
	[tilespmem:s1+$0x8680] =	vst v19  }
0x39f: {  	v18 =	vld [tilespmem:s6+$0x400]  }
0x3a0: {  	v19 =	vld [tilespmem:s6+$0x4400];
	_ =	sdelay $0x3  }
0x3a1: {  	v18 =	vmul.f32 v18, v16  }
0x3a2: {  	v19 =	vmul.f32 v19, v17;
	_ =	sdelay $0x1  }
0x3a3: {  	v18 =	vadd.f32 v19, v18;
	_ =	sdelay $0x1  }
0x3a4: {  	[tilespmem:s6+$0x8400] =	vst v18  }
0x3a5: {  	v18 =	vld [tilespmem:s1+$0x5500]  }
0x3a6: {  	v19 =	vld [tilespmem:s1+$0x1400]  }
0x3a7: {  	v20 =	vld [tilespmem:s1+$0x1480]  }
0x3a8: {  	v21 =	vld [tilespmem:s1+$0x1500]  }
0x3a9: {  	v22 =	vld [tilespmem:s1+$0x5400]  }
0x3aa: {  	v23 =	vld [tilespmem:s1+$0x5480]  }
0x3ab: {  	v19 =	vmul.f32 v19, v16  }
0x3ac: {  	v20 =	vmul.f32 v20, v16  }
0x3ad: {  	v18 =	vmul.f32 v18, v17;
	v21 =	vmul.f32 v21, v16  }
0x3ae: {  	v22 =	vmul.f32 v22, v17  }
0x3af: {  	v23 =	vmul.f32 v23, v17;
	v18 =	vadd.f32 v18, v21  }
0x3b0: {  	v19 =	vadd.f32 v22, v19  }
0x3b1: {  	v20 =	vadd.f32 v23, v20  }
0x3b2: {  	[tilespmem:s1+$0x9400] =	vst v19  }
0x3b3: {  	[tilespmem:s1+$0x9500] =	vst v18  }
0x3b4: {  	s6 =	sor.u32 $0x1180, s7;
	[tilespmem:s1+$0x9480] =	vst v20  }
0x3b5: {  	v18 =	vld [tilespmem:s6+$0x400]  }
0x3b6: {  	v19 =	vld [tilespmem:s6+$0x4400];
	_ =	sdelay $0x3  }
0x3b7: {  	v18 =	vmul.f32 v18, v16  }
.Ltmp4:
0x3b8: {  	v19 =	vmul.f32 v19, v17;
	(pc) =	sbr.rel @p0 .LBB2_10-.Ltmp4, $3  }
0x3b9: {  	_ = 	snop  }
0x3ba: {  	v18 =	vadd.f32 v19, v18;
	_ =	sdelay $0x1  }
0x3bb: {  	[tilespmem:s6+$0x8400] =	vst v18  }
0x3bc: {  	v18 =	vld [tilespmem:s1+$0x1600]  }
0x3bd: {  	v19 =	vld [tilespmem:s1+$0x5680]  }
0x3be: {  	v20 =	vld [tilespmem:s1+$0x1700]  }
0x3bf: {  	v21 =	vld [tilespmem:s1+$0x1680]  }
0x3c0: {  	v22 =	vld [tilespmem:s1+$0x5600]  }
0x3c1: {  	v23 =	vld [tilespmem:s1+$0x5700];
	_ =	sdelay $0x2  }
0x3c2: {  	v19 =	vmul.f32 v19, v17;
	v21 =	vmul.f32 v21, v16  }
0x3c3: {  	v18 =	vmul.f32 v18, v16;
	v22 =	vmul.f32 v22, v17  }
0x3c4: {  	v20 =	vmul.f32 v20, v16;
	v23 =	vmul.f32 v23, v17;
	v19 =	vadd.f32 v19, v21  }
0x3c5: {  	v18 =	vadd.f32 v22, v18  }
0x3c6: {  	v20 =	vadd.f32 v23, v20;
	[tilespmem:s1+$0x9680] =	vst v19  }
0x3c7: {  	[tilespmem:s1+$0x9600] =	vst v18  }
0x3c8: {  	s0 =	sor.u32 $0x1380, s3;
	[tilespmem:s1+$0x9700] =	vst v20  }
0x3c9: {  	v18 =	vld [tilespmem:s0+$0x400]  }
0x3ca: {  	v19 =	vld [tilespmem:s0+$0x4400];
	_ =	sdelay $0x4  }
0x3cb: {  	v16 =	vmul.f32 v18, v16;
	v17 =	vmul.f32 v19, v17;
	_ =	sdelay $0x1  }
0x3cc: {  	s6 =	rddreg [dreg:$0x9];
	v16 =	vadd.f32 v17, v16  }
0x3cd: {  	s7 =	rddreg [dreg:$0x13]  }
0x3ce: {  	s8 =	rddreg [dreg:$0x14];
	[tilespmem:s0+$0x8400] =	vst v16;
	s0 =	sshll.u32 s7, $0xF  }
0x3cf: {  	[hbm4b:s6+s16] =	stream.strided.scatter [tilespmem:s12], [sflag:$0x5], $0x2000, s17, s16, $0x38;
	[tilespmem:$0xC400] =	vst v63  }
0x3d0: {  	p0 =	sgt.f32 s8, $0.0e+00;
	s0 =	sand.u32 $0x1FFF8000, s0  }
0x3d1: {  	s0 =	sadd.s32 s0, s5  }
0x3d2: {  	s19 =	rddreg [dreg:$0x12];
	s0 =	smov.u32 @p0 s4  }
0x3d3: {  	[tilespmem:s10], [sflag:$0x1] =	stream.strided.gather [hbm4b:s0+s16], $0x2000, s17, s16, $0x38;
	[tilespmem:$0xC400] =	vst v63  }
0x3d4: {  	s0 =	sshll.u32 s19, $0xF  }
0x3d5: {  	p0 =	sgt.f32 s18, $0.0e+00;
	s0 =	sand.u32 $0x1FFF8000, s0  }
0x3d6: {  	s0 =	sadd.s32 s0, s5  }
0x3d7: {  	s0 =	smov.u32 @p0 s4  }
0x3d8: {  	[tilespmem:s14], [sflag:$0x3] =	stream.strided.gather [hbm4b:s0+s16], $0x2000, s17, s16, $0x38;
	[tilespmem:$0xC400] =	vst v63  }
0x3d9: {  	_ =	swait.ge [sflag:s25], $0x2000  }
0x3da: {  	[sflag:s25] =	ssyncset.done $0x0  }
0x3db: {  	[sflag:s25] =	ssyncadd.s32 $0xFFFFE000  }
0x3dc: {  	_ =	swait.ge [sflag:s26], $0x2000  }
0x3dd: {  	[sflag:s26] =	ssyncset.done $0x0  }
0x3de: {  	[sflag:s26] =	ssyncadd.s32 $0xFFFFE000  }
0x3df: {  	_ =	swait.ge [sflag:s30], $0x2000  }
0x3e0: {  	[sflag:s30] =	ssyncset.done $0x0  }
0x3e1: {  	s0 =	simm.s32 $0x0;
	[sflag:s30] =	ssyncadd.s32 $0xFFFFE000  }
0x3e2: {  	s20 =	sand.u32 $0x70, s0;
	s2 =	sand.u32 $0xC00, s0;
	v16 =	vld [tilespmem:$0x50]  }
0x3e3: {  	s1 =	sor.u32 s20, s2;
	v17 =	vld [tilespmem:$0xD0]  }
0x3e4: {  	v18 =	vld [tilespmem:s1+$0x6500]  }
0x3e5: {  	v19 =	vld [tilespmem:s1+$0x6480]  }
0x3e6: {  	v51 =	vld [tilespmem:s1+$0x2500]  }
0x3e7: {  	v52 =	vld [tilespmem:s1+$0x2480]  }
0x3e8: {  	v53 =	vld [tilespmem:s1+$0x6400]  }
0x3e9: {  	v54 =	vld [tilespmem:s1+$0x2400];
	_ =	sdelay $0x2  }
0x3ea: {  	v18 =	vmul.f32 v18, v17;
	v20 =	vmul.f32 v51, v16  }
0x3eb: {  	v19 =	vmul.f32 v19, v17;
	v21 =	vmul.f32 v52, v16  }
0x3ec: {  	v22 =	vmul.f32 v53, v17;
	v55 =	vmul.f32 v54, v16;
	v18 =	vadd.f32 v18, v20  }
0x3ed: {  	v19 =	vadd.f32 v19, v21  }
0x3ee: {  	s21 =	sand.u32 $0xFFFFFC00, s0;
	[tilespmem:s1+$0xA500] =	vst v18;
	v18 =	vadd.f32 v22, v55  }
0x3ef: {  	s2 =	sadd.s32 $0x0, s21;
	[tilespmem:s1+$0xA480] =	vst v19  }
0x3f0: {  	s24 =	sor.u32 $0x180, s2;
	[tilespmem:s1+$0xA400] =	vst v18  }
0x3f1: {  	v18 =	vld [tilespmem:s24+$0x2400]  }
0x3f2: {  	v19 =	vld [tilespmem:s24+$0x6400];
	_ =	sdelay $0x4  }
0x3f3: {  	v18 =	vmul.f32 v18, v16;
	v19 =	vmul.f32 v19, v17;
	_ =	sdelay $0x1  }
0x3f4: {  	v18 =	vadd.f32 v19, v18;
	_ =	sdelay $0x1  }
0x3f5: {  	[tilespmem:s24+$0xA400] =	vst v18  }
0x3f6: {  	v18 =	vld [tilespmem:s1+$0x6700]  }
0x3f7: {  	v19 =	vld [tilespmem:s1+$0x2700]  }
0x3f8: {  	v56 =	vld [tilespmem:s1+$0x2680]  }
0x3f9: {  	v57 =	vld [tilespmem:s1+$0x2600]  }
0x3fa: {  	v58 =	vld [tilespmem:s1+$0x6600]  }
0x3fb: {  	v59 =	vld [tilespmem:s1+$0x6680];
	_ =	sdelay $0x2  }
0x3fc: {  	v19 =	vmul.f32 v19, v16;
	v18 =	vmul.f32 v18, v17  }
0x3fd: {  	v21 =	vmul.f32 v57, v16;
	v22 =	vmul.f32 v58, v17  }
0x3fe: {  	v20 =	vmul.f32 v56, v16;
	v18 =	vadd.f32 v18, v19;
	v19 =	vmul.f32 v59, v17  }
0x3ff: {  	v21 =	vadd.f32 v22, v21  }
0x400: {  	[tilespmem:s1+$0xA700] =	vst v18;
	v18 =	vadd.f32 v19, v20  }
0x401: {  	s3 =	sor.u32 s0, s0;
	[tilespmem:s1+$0xA600] =	vst v21  }
0x402: {  	s6 =	sor.u32 $0x380, s3;
	[tilespmem:s1+$0xA680] =	vst v18  }
0x403: {  	v18 =	vld [tilespmem:s6+$0x2400]  }
0x404: {  	v19 =	vld [tilespmem:s6+$0x6400];
	_ =	sdelay $0x4  }
0x405: {  	v18 =	vmul.f32 v18, v16;
	v19 =	vmul.f32 v19, v17;
	_ =	sdelay $0x1  }
0x406: {  	v18 =	vadd.f32 v19, v18;
	_ =	sdelay $0x1  }
0x407: {  	[tilespmem:s6+$0xA400] =	vst v18  }
0x408: {  	v18 =	vld [tilespmem:s1+$0x7500]  }
0x409: {  	v19 =	vld [tilespmem:s1+$0x3400]  }
0x40a: {  	v60 =	vld [tilespmem:s1+$0x3480]  }
0x40b: {  	v61 =	vld [tilespmem:s1+$0x7400]  }
0x40c: {  	v62 =	vld [tilespmem:s1+$0x3500]  }
0x40d: {  	v63 =	vld [tilespmem:s1+$0x7480];
	_ =	sdelay $0x2  }
0x40e: {  	v19 =	vmul.f32 v19, v16;
	v21 =	vmul.f32 v61, v17  }
0x40f: {  	v22 =	vmul.f32 v62, v16;
	v18 =	vmul.f32 v18, v17  }
0x410: {  	v20 =	vmul.f32 v60, v16;
	v23 =	vmul.f32 v63, v17;
	v19 =	vadd.f32 v21, v19  }
0x411: {  	v18 =	vadd.f32 v18, v22  }
0x412: {  	v20 =	vadd.f32 v23, v20;
	[tilespmem:s1+$0xB400] =	vst v19  }
0x413: {  	[tilespmem:s1+$0xB500] =	vst v18  }
0x414: {  	s28 =	sor.u32 $0x1180, s2;
	[tilespmem:s1+$0xB480] =	vst v20  }
0x415: {  	v18 =	vld [tilespmem:s28+$0x2400]  }
0x416: {  	v19 =	vld [tilespmem:s28+$0x6400];
	_ =	sdelay $0x4  }
0x417: {  	v18 =	vmul.f32 v18, v16;
	v19 =	vmul.f32 v19, v17;
	_ =	sdelay $0x1  }
0x418: {  	v18 =	vadd.f32 v19, v18;
	_ =	sdelay $0x1  }
0x419: {  	s2 =	simm.s32 $0x10;
	[tilespmem:s28+$0xA400] =	vst v18  }
.LBB2_12:
0x41a: {  	p0 =	sne.s32 s2, $0x1F0  }
0x41b: {  	v18 =	vld [tilespmem:s1+$0x3600];
	s0 =	sadd.s32 $0x80, s0;
	s6 =	smov.u32 s2;
	s2 =	sadd.s32 $0x10, s2  }
0x41c: {  	v19 =	vld [tilespmem:s1+$0x7680]  }
0x41d: {  	v20 =	vld [tilespmem:s1+$0x3700]  }
0x41e: {  	v21 =	vld [tilespmem:s1+$0x3680]  }
0x41f: {  	v22 =	vld [tilespmem:s1+$0x7700]  }
0x420: {  	v23 =	vld [tilespmem:s1+$0x7600];
	_ =	sdelay $0x1  }
0x421: {  	v18 =	vmul.f32 v18, v16;
	v20 =	vmul.f32 v20, v16  }
0x422: {  	v19 =	vmul.f32 v19, v17  }
0x423: {  	v21 =	vmul.f32 v21, v16  }
0x424: {  	v22 =	vmul.f32 v22, v17;
	v23 =	vmul.f32 v23, v17  }
0x425: {  	v19 =	vadd.f32 v19, v21  }
0x426: {  	v20 =	vadd.f32 v22, v20;
	v18 =	vadd.f32 v23, v18  }
0x427: {  	[tilespmem:s1+$0xB680] =	vst v19  }
0x428: {  	[tilespmem:s1+$0xB600] =	vst v18  }
0x429: {  	s3 =	sor.u32 $0x1380, s3;
	[tilespmem:s1+$0xB700] =	vst v20  }
0x42a: {  	v18 =	vld [tilespmem:s3+$0x2400]  }
0x42b: {  	v19 =	vld [tilespmem:s3+$0x6400];
	_ =	sdelay $0x4  }
0x42c: {  	v18 =	vmul.f32 v18, v16;
	v19 =	vmul.f32 v19, v17;
	_ =	sdelay $0x1  }
0x42d: {  	v18 =	vadd.f32 v19, v18  }
0x42e: {  	s7 =	sand.u32 $0xC00, s0;
	s1 =	sand.u32 $0x70, s6  }
0x42f: {  	s1 =	sor.u32 s1, s7;
	[tilespmem:s3+$0xA400] =	vst v18  }
0x430: {  	v18 =	vld [tilespmem:s1+$0x6500]  }
0x431: {  	v19 =	vld [tilespmem:s1+$0x6480]  }
0x432: {  	v20 =	vld [tilespmem:s1+$0x2500]  }
0x433: {  	v21 =	vld [tilespmem:s1+$0x2480]  }
0x434: {  	v22 =	vld [tilespmem:s1+$0x6400]  }
0x435: {  	v23 =	vld [tilespmem:s1+$0x2400];
	v18 =	vmul.f32 v18, v17;
	_ =	sdelay $0x1  }
0x436: {  	v19 =	vmul.f32 v19, v17;
	v20 =	vmul.f32 v20, v16  }
0x437: {  	v21 =	vmul.f32 v21, v16  }
0x438: {  	v22 =	vmul.f32 v22, v17;
	v18 =	vadd.f32 v18, v20  }
0x439: {  	v20 =	vmul.f32 v23, v16;
	v19 =	vadd.f32 v19, v21  }
0x43a: {  	[tilespmem:s1+$0xA500] =	vst v18  }
0x43b: {  	s3 =	sand.u32 $0xFFFFFC00, s0;
	v18 =	vadd.f32 v22, v20;
	[tilespmem:s1+$0xA480] =	vst v19  }
0x43c: {  	s7 =	sadd.s32 s3, s6  }
0x43d: {  	s3 =	sor.u32 $0x180, s7;
	[tilespmem:s1+$0xA400] =	vst v18  }
0x43e: {  	v18 =	vld [tilespmem:s3+$0x2400]  }
0x43f: {  	v19 =	vld [tilespmem:s3+$0x6400];
	_ =	sdelay $0x4  }
0x440: {  	v18 =	vmul.f32 v18, v16;
	v19 =	vmul.f32 v19, v17;
	_ =	sdelay $0x1  }
0x441: {  	v18 =	vadd.f32 v19, v18;
	_ =	sdelay $0x1  }
0x442: {  	[tilespmem:s3+$0xA400] =	vst v18  }
0x443: {  	v18 =	vld [tilespmem:s1+$0x6700]  }
0x444: {  	v19 =	vld [tilespmem:s1+$0x2700]  }
0x445: {  	v20 =	vld [tilespmem:s1+$0x2680]  }
0x446: {  	v21 =	vld [tilespmem:s1+$0x2600]  }
0x447: {  	v22 =	vld [tilespmem:s1+$0x6600]  }
0x448: {  	v23 =	vld [tilespmem:s1+$0x6680]  }
0x449: {  	v18 =	vmul.f32 v18, v17;
	v19 =	vmul.f32 v19, v16  }
0x44a: {  	v20 =	vmul.f32 v20, v16  }
0x44b: {  	v21 =	vmul.f32 v21, v16;
	v18 =	vadd.f32 v18, v19  }
0x44c: {  	v19 =	vmul.f32 v22, v17  }
0x44d: {  	v22 =	vmul.f32 v23, v17;
	[tilespmem:s1+$0xA700] =	vst v18  }
0x44e: {  	v18 =	vadd.f32 v19, v21  }
0x44f: {  	v19 =	vadd.f32 v22, v20  }
0x450: {  	s3 =	sor.u32 s6, s0;
	[tilespmem:s1+$0xA600] =	vst v18  }
0x451: {  	s6 =	sor.u32 $0x380, s3;
	[tilespmem:s1+$0xA680] =	vst v19  }
0x452: {  	v18 =	vld [tilespmem:s6+$0x2400]  }
0x453: {  	v19 =	vld [tilespmem:s6+$0x6400];
	_ =	sdelay $0x3  }
0x454: {  	v18 =	vmul.f32 v18, v16  }
0x455: {  	v19 =	vmul.f32 v19, v17;
	_ =	sdelay $0x1  }
0x456: {  	v18 =	vadd.f32 v19, v18;
	_ =	sdelay $0x1  }
0x457: {  	[tilespmem:s6+$0xA400] =	vst v18  }
0x458: {  	v18 =	vld [tilespmem:s1+$0x7500]  }
0x459: {  	v19 =	vld [tilespmem:s1+$0x3400]  }
0x45a: {  	v20 =	vld [tilespmem:s1+$0x3480]  }
0x45b: {  	v21 =	vld [tilespmem:s1+$0x3500]  }
0x45c: {  	v22 =	vld [tilespmem:s1+$0x7400]  }
0x45d: {  	v23 =	vld [tilespmem:s1+$0x7480]  }
0x45e: {  	v19 =	vmul.f32 v19, v16  }
0x45f: {  	v20 =	vmul.f32 v20, v16  }
0x460: {  	v18 =	vmul.f32 v18, v17;
	v21 =	vmul.f32 v21, v16  }
0x461: {  	v22 =	vmul.f32 v22, v17  }
0x462: {  	v23 =	vmul.f32 v23, v17;
	v18 =	vadd.f32 v18, v21  }
0x463: {  	v19 =	vadd.f32 v22, v19  }
0x464: {  	v20 =	vadd.f32 v23, v20  }
0x465: {  	[tilespmem:s1+$0xB400] =	vst v19  }
0x466: {  	[tilespmem:s1+$0xB500] =	vst v18  }
0x467: {  	s6 =	sor.u32 $0x1180, s7;
	[tilespmem:s1+$0xB480] =	vst v20  }
0x468: {  	v18 =	vld [tilespmem:s6+$0x2400]  }
0x469: {  	v19 =	vld [tilespmem:s6+$0x6400];
	_ =	sdelay $0x3  }
0x46a: {  	v18 =	vmul.f32 v18, v16  }
.Ltmp5:
0x46b: {  	v19 =	vmul.f32 v19, v17;
	(pc) =	sbr.rel @p0 .LBB2_12-.Ltmp5, $3  }
0x46c: {  	_ = 	snop  }
0x46d: {  	v18 =	vadd.f32 v19, v18;
	_ =	sdelay $0x1  }
0x46e: {  	[tilespmem:s6+$0xA400] =	vst v18  }
0x46f: {  	v18 =	vld [tilespmem:s1+$0x3600]  }
0x470: {  	v19 =	vld [tilespmem:s1+$0x7680]  }
0x471: {  	v20 =	vld [tilespmem:s1+$0x3700]  }
0x472: {  	v21 =	vld [tilespmem:s1+$0x3680]  }
0x473: {  	v22 =	vld [tilespmem:s1+$0x7600]  }
0x474: {  	v23 =	vld [tilespmem:s1+$0x7700];
	_ =	sdelay $0x2  }
0x475: {  	v19 =	vmul.f32 v19, v17;
	v21 =	vmul.f32 v21, v16  }
0x476: {  	v18 =	vmul.f32 v18, v16;
	v22 =	vmul.f32 v22, v17  }
0x477: {  	v20 =	vmul.f32 v20, v16;
	v23 =	vmul.f32 v23, v17;
	v19 =	vadd.f32 v19, v21  }
0x478: {  	v18 =	vadd.f32 v22, v18  }
0x479: {  	v20 =	vadd.f32 v23, v20;
	[tilespmem:s1+$0xB680] =	vst v19  }
0x47a: {  	[tilespmem:s1+$0xB600] =	vst v18  }
0x47b: {  	s0 =	sor.u32 $0x1380, s3;
	[tilespmem:s1+$0xB700] =	vst v20  }
0x47c: {  	v18 =	vld [tilespmem:s0+$0x2400]  }
0x47d: {  	v19 =	vld [tilespmem:s0+$0x6400];
	_ =	sdelay $0x4  }
0x47e: {  	v16 =	vmul.f32 v18, v16;
	v17 =	vmul.f32 v19, v17;
	_ =	sdelay $0x1  }
0x47f: {  	s8 =	rddreg [dreg:$0xa];
	v16 =	vadd.f32 v17, v16  }
0x480: {  	s10 =	rddreg [dreg:$0xf]  }
0x481: {  	s14 =	rddreg [dreg:$0x11];
	[tilespmem:s0+$0xA400] =	vst v16;
	s0 =	sshll.u32 s10, $0xF  }
0x482: {  	[hbm4b:s8+s16] =	stream.strided.scatter [tilespmem:s13], [sflag:$0x6], $0x2000, s17, s16, $0x38;
	[tilespmem:$0xC400] =	vst v63  }
0x483: {  	p0 =	sgt.f32 s14, $0.0e+00;
	s0 =	sand.u32 $0x1FFF8000, s0  }
0x484: {  	s0 =	sadd.s32 s0, s5  }
0x485: {  	s18 =	rddreg [dreg:$0xe];
	s0 =	smov.u32 @p0 s4  }
0x486: {  	[tilespmem:s9], [sflag:$0x2] =	stream.strided.gather [hbm4b:s0+s16], $0x2000, s17, s16, $0x38;
	[tilespmem:$0xC400] =	vst v63  }
0x487: {  	s19 =	rddreg [dreg:$0x10];
	s0 =	sshll.u32 s18, $0xF  }
0x488: {  	p0 =	sgt.f32 s19, $0.0e+00;
	s0 =	sand.u32 $0x1FFF8000, s0  }
0x489: {  	s0 =	sadd.s32 s0, s5  }
0x48a: {  	s0 =	smov.u32 @p0 s4  }
0x48b: {  	[tilespmem:s11], [sflag:$0x4] =	stream.strided.gather [hbm4b:s0+s16], $0x2000, s17, s16, $0x38;
	[tilespmem:$0xC400] =	vst v63  }
0x48c: {  	_ =	swait.ge [sflag:s22], $0x2000  }
0x48d: {  	[sflag:s22] =	ssyncset.done $0x0  }
0x48e: {  	[sflag:s22] =	ssyncadd.s32 $0xFFFFE000  }
0x48f: {  	_ =	swait.ge [sflag:s23], $0x2000  }
0x490: {  	[sflag:s23] =	ssyncset.done $0x0  }
0x491: {  	[sflag:s23] =	ssyncadd.s32 $0xFFFFE000  }
0x492: {  	_ =	swait.ge [sflag:s29], $0x2000  }
0x493: {  	[sflag:s29] =	ssyncset.done $0x0  }
0x494: {  	s0 =	simm.s32 $0x0;
	[sflag:s29] =	ssyncadd.s32 $0xFFFFE000  }
0x495: {  	s20 =	sand.u32 $0x70, s0;
	s2 =	sand.u32 $0xC00, s0;
	v16 =	vld [tilespmem:$0x60]  }
0x496: {  	s1 =	sor.u32 s20, s2;
	v17 =	vld [tilespmem:$0xE0]  }
0x497: {  	v18 =	vld [tilespmem:s1+$0x4500]  }
0x498: {  	v19 =	vld [tilespmem:s1+$0x4480]  }
0x499: {  	v51 =	vld [tilespmem:s1+$0x500]  }
0x49a: {  	v52 =	vld [tilespmem:s1+$0x480]  }
0x49b: {  	v53 =	vld [tilespmem:s1+$0x4400]  }
0x49c: {  	v54 =	vld [tilespmem:s1+$0x400];
	_ =	sdelay $0x2  }
0x49d: {  	v18 =	vmul.f32 v18, v17;
	v20 =	vmul.f32 v51, v16  }
0x49e: {  	v19 =	vmul.f32 v19, v17;
	v21 =	vmul.f32 v52, v16  }
0x49f: {  	v22 =	vmul.f32 v53, v17;
	v55 =	vmul.f32 v54, v16;
	v18 =	vadd.f32 v18, v20  }
0x4a0: {  	v19 =	vadd.f32 v19, v21  }
0x4a1: {  	s21 =	sand.u32 $0xFFFFFC00, s0;
	[tilespmem:s1+$0x8500] =	vst v18;
	v18 =	vadd.f32 v22, v55  }
0x4a2: {  	s2 =	sadd.s32 $0x0, s21;
	[tilespmem:s1+$0x8480] =	vst v19  }
0x4a3: {  	s24 =	sor.u32 $0x180, s2;
	[tilespmem:s1+$0x8400] =	vst v18  }
0x4a4: {  	v18 =	vld [tilespmem:s24+$0x400]  }
0x4a5: {  	v19 =	vld [tilespmem:s24+$0x4400];
	_ =	sdelay $0x4  }
0x4a6: {  	v18 =	vmul.f32 v18, v16;
	v19 =	vmul.f32 v19, v17;
	_ =	sdelay $0x1  }
0x4a7: {  	v18 =	vadd.f32 v19, v18;
	_ =	sdelay $0x1  }
0x4a8: {  	[tilespmem:s24+$0x8400] =	vst v18  }
0x4a9: {  	v18 =	vld [tilespmem:s1+$0x4700]  }
0x4aa: {  	v19 =	vld [tilespmem:s1+$0x700]  }
0x4ab: {  	v56 =	vld [tilespmem:s1+$0x680]  }
0x4ac: {  	v57 =	vld [tilespmem:s1+$0x600]  }
0x4ad: {  	v58 =	vld [tilespmem:s1+$0x4600]  }
0x4ae: {  	v59 =	vld [tilespmem:s1+$0x4680];
	_ =	sdelay $0x2  }
0x4af: {  	v19 =	vmul.f32 v19, v16;
	v18 =	vmul.f32 v18, v17  }
0x4b0: {  	v21 =	vmul.f32 v57, v16;
	v22 =	vmul.f32 v58, v17  }
0x4b1: {  	v20 =	vmul.f32 v56, v16;
	v18 =	vadd.f32 v18, v19;
	v19 =	vmul.f32 v59, v17  }
0x4b2: {  	v21 =	vadd.f32 v22, v21  }
0x4b3: {  	[tilespmem:s1+$0x8700] =	vst v18;
	v18 =	vadd.f32 v19, v20  }
0x4b4: {  	s3 =	sor.u32 s0, s0;
	[tilespmem:s1+$0x8600] =	vst v21  }
0x4b5: {  	s6 =	sor.u32 $0x380, s3;
	[tilespmem:s1+$0x8680] =	vst v18  }
0x4b6: {  	v18 =	vld [tilespmem:s6+$0x400]  }
0x4b7: {  	v19 =	vld [tilespmem:s6+$0x4400];
	_ =	sdelay $0x4  }
0x4b8: {  	v18 =	vmul.f32 v18, v16;
	v19 =	vmul.f32 v19, v17;
	_ =	sdelay $0x1  }
0x4b9: {  	v18 =	vadd.f32 v19, v18;
	_ =	sdelay $0x1  }
0x4ba: {  	[tilespmem:s6+$0x8400] =	vst v18  }
0x4bb: {  	v18 =	vld [tilespmem:s1+$0x5500]  }
0x4bc: {  	v19 =	vld [tilespmem:s1+$0x1400]  }
0x4bd: {  	v60 =	vld [tilespmem:s1+$0x1480]  }
0x4be: {  	v61 =	vld [tilespmem:s1+$0x5400]  }
0x4bf: {  	v62 =	vld [tilespmem:s1+$0x1500]  }
0x4c0: {  	v63 =	vld [tilespmem:s1+$0x5480];
	_ =	sdelay $0x2  }
0x4c1: {  	v19 =	vmul.f32 v19, v16;
	v21 =	vmul.f32 v61, v17  }
0x4c2: {  	v22 =	vmul.f32 v62, v16;
	v18 =	vmul.f32 v18, v17  }
0x4c3: {  	v20 =	vmul.f32 v60, v16;
	v23 =	vmul.f32 v63, v17;
	v19 =	vadd.f32 v21, v19  }
0x4c4: {  	v18 =	vadd.f32 v18, v22  }
0x4c5: {  	v20 =	vadd.f32 v23, v20;
	[tilespmem:s1+$0x9400] =	vst v19  }
0x4c6: {  	[tilespmem:s1+$0x9500] =	vst v18  }
0x4c7: {  	s28 =	sor.u32 $0x1180, s2;
	[tilespmem:s1+$0x9480] =	vst v20  }
0x4c8: {  	v18 =	vld [tilespmem:s28+$0x400]  }
0x4c9: {  	v19 =	vld [tilespmem:s28+$0x4400];
	_ =	sdelay $0x4  }
0x4ca: {  	v18 =	vmul.f32 v18, v16;
	v19 =	vmul.f32 v19, v17;
	_ =	sdelay $0x1  }
0x4cb: {  	v18 =	vadd.f32 v19, v18;
	_ =	sdelay $0x1  }
0x4cc: {  	s2 =	simm.s32 $0x10;
	[tilespmem:s28+$0x8400] =	vst v18  }
.LBB2_14:
0x4cd: {  	p0 =	sne.s32 s2, $0x1F0  }
0x4ce: {  	v18 =	vld [tilespmem:s1+$0x1600];
	s0 =	sadd.s32 $0x80, s0;
	s6 =	smov.u32 s2;
	s2 =	sadd.s32 $0x10, s2  }
0x4cf: {  	v19 =	vld [tilespmem:s1+$0x5680]  }
0x4d0: {  	v20 =	vld [tilespmem:s1+$0x1700]  }
0x4d1: {  	v21 =	vld [tilespmem:s1+$0x1680]  }
0x4d2: {  	v22 =	vld [tilespmem:s1+$0x5700]  }
0x4d3: {  	v23 =	vld [tilespmem:s1+$0x5600];
	_ =	sdelay $0x1  }
0x4d4: {  	v18 =	vmul.f32 v18, v16;
	v20 =	vmul.f32 v20, v16  }
0x4d5: {  	v19 =	vmul.f32 v19, v17  }
0x4d6: {  	v21 =	vmul.f32 v21, v16  }
0x4d7: {  	v22 =	vmul.f32 v22, v17;
	v23 =	vmul.f32 v23, v17  }
0x4d8: {  	v19 =	vadd.f32 v19, v21  }
0x4d9: {  	v20 =	vadd.f32 v22, v20;
	v18 =	vadd.f32 v23, v18  }
0x4da: {  	[tilespmem:s1+$0x9680] =	vst v19  }
0x4db: {  	[tilespmem:s1+$0x9600] =	vst v18  }
0x4dc: {  	s3 =	sor.u32 $0x1380, s3;
	[tilespmem:s1+$0x9700] =	vst v20  }
0x4dd: {  	v18 =	vld [tilespmem:s3+$0x400]  }
0x4de: {  	v19 =	vld [tilespmem:s3+$0x4400];
	_ =	sdelay $0x4  }
0x4df: {  	v18 =	vmul.f32 v18, v16;
	v19 =	vmul.f32 v19, v17;
	_ =	sdelay $0x1  }
0x4e0: {  	v18 =	vadd.f32 v19, v18  }
0x4e1: {  	s7 =	sand.u32 $0xC00, s0;
	s1 =	sand.u32 $0x70, s6  }
0x4e2: {  	s1 =	sor.u32 s1, s7;
	[tilespmem:s3+$0x8400] =	vst v18  }
0x4e3: {  	v18 =	vld [tilespmem:s1+$0x4500]  }
0x4e4: {  	v19 =	vld [tilespmem:s1+$0x4480]  }
0x4e5: {  	v20 =	vld [tilespmem:s1+$0x500]  }
0x4e6: {  	v21 =	vld [tilespmem:s1+$0x480]  }
0x4e7: {  	v22 =	vld [tilespmem:s1+$0x4400]  }
0x4e8: {  	v23 =	vld [tilespmem:s1+$0x400];
	v18 =	vmul.f32 v18, v17;
	_ =	sdelay $0x1  }
0x4e9: {  	v19 =	vmul.f32 v19, v17;
	v20 =	vmul.f32 v20, v16  }
0x4ea: {  	v21 =	vmul.f32 v21, v16  }
0x4eb: {  	v22 =	vmul.f32 v22, v17;
	v18 =	vadd.f32 v18, v20  }
0x4ec: {  	v20 =	vmul.f32 v23, v16;
	v19 =	vadd.f32 v19, v21  }
0x4ed: {  	[tilespmem:s1+$0x8500] =	vst v18  }
0x4ee: {  	s3 =	sand.u32 $0xFFFFFC00, s0;
	v18 =	vadd.f32 v22, v20;
	[tilespmem:s1+$0x8480] =	vst v19  }
0x4ef: {  	s7 =	sadd.s32 s3, s6  }
0x4f0: {  	s3 =	sor.u32 $0x180, s7;
	[tilespmem:s1+$0x8400] =	vst v18  }
0x4f1: {  	v18 =	vld [tilespmem:s3+$0x400]  }
0x4f2: {  	v19 =	vld [tilespmem:s3+$0x4400];
	_ =	sdelay $0x4  }
0x4f3: {  	v18 =	vmul.f32 v18, v16;
	v19 =	vmul.f32 v19, v17;
	_ =	sdelay $0x1  }
0x4f4: {  	v18 =	vadd.f32 v19, v18;
	_ =	sdelay $0x1  }
0x4f5: {  	[tilespmem:s3+$0x8400] =	vst v18  }
0x4f6: {  	v18 =	vld [tilespmem:s1+$0x4700]  }
0x4f7: {  	v19 =	vld [tilespmem:s1+$0x700]  }
0x4f8: {  	v20 =	vld [tilespmem:s1+$0x680]  }
0x4f9: {  	v21 =	vld [tilespmem:s1+$0x600]  }
0x4fa: {  	v22 =	vld [tilespmem:s1+$0x4600]  }
0x4fb: {  	v23 =	vld [tilespmem:s1+$0x4680]  }
0x4fc: {  	v18 =	vmul.f32 v18, v17;
	v19 =	vmul.f32 v19, v16  }
0x4fd: {  	v20 =	vmul.f32 v20, v16  }
0x4fe: {  	v21 =	vmul.f32 v21, v16;
	v18 =	vadd.f32 v18, v19  }
0x4ff: {  	v19 =	vmul.f32 v22, v17  }
0x500: {  	v22 =	vmul.f32 v23, v17;
	[tilespmem:s1+$0x8700] =	vst v18  }
0x501: {  	v18 =	vadd.f32 v19, v21  }
0x502: {  	v19 =	vadd.f32 v22, v20  }
0x503: {  	s3 =	sor.u32 s6, s0;
	[tilespmem:s1+$0x8600] =	vst v18  }
0x504: {  	s6 =	sor.u32 $0x380, s3;
	[tilespmem:s1+$0x8680] =	vst v19  }
0x505: {  	v18 =	vld [tilespmem:s6+$0x400]  }
0x506: {  	v19 =	vld [tilespmem:s6+$0x4400];
	_ =	sdelay $0x3  }
0x507: {  	v18 =	vmul.f32 v18, v16  }
0x508: {  	v19 =	vmul.f32 v19, v17;
	_ =	sdelay $0x1  }
0x509: {  	v18 =	vadd.f32 v19, v18;
	_ =	sdelay $0x1  }
0x50a: {  	[tilespmem:s6+$0x8400] =	vst v18  }
0x50b: {  	v18 =	vld [tilespmem:s1+$0x5500]  }
0x50c: {  	v19 =	vld [tilespmem:s1+$0x1400]  }
0x50d: {  	v20 =	vld [tilespmem:s1+$0x1480]  }
0x50e: {  	v21 =	vld [tilespmem:s1+$0x1500]  }
0x50f: {  	v22 =	vld [tilespmem:s1+$0x5400]  }
0x510: {  	v23 =	vld [tilespmem:s1+$0x5480]  }
0x511: {  	v19 =	vmul.f32 v19, v16  }
0x512: {  	v20 =	vmul.f32 v20, v16  }
0x513: {  	v18 =	vmul.f32 v18, v17;
	v21 =	vmul.f32 v21, v16  }
0x514: {  	v22 =	vmul.f32 v22, v17  }
0x515: {  	v23 =	vmul.f32 v23, v17;
	v18 =	vadd.f32 v18, v21  }
0x516: {  	v19 =	vadd.f32 v22, v19  }
0x517: {  	v20 =	vadd.f32 v23, v20  }
0x518: {  	[tilespmem:s1+$0x9400] =	vst v19  }
0x519: {  	[tilespmem:s1+$0x9500] =	vst v18  }
0x51a: {  	s6 =	sor.u32 $0x1180, s7;
	[tilespmem:s1+$0x9480] =	vst v20  }
0x51b: {  	v18 =	vld [tilespmem:s6+$0x400]  }
0x51c: {  	v19 =	vld [tilespmem:s6+$0x4400];
	_ =	sdelay $0x3  }
0x51d: {  	v18 =	vmul.f32 v18, v16  }
.Ltmp6:
0x51e: {  	v19 =	vmul.f32 v19, v17;
	(pc) =	sbr.rel @p0 .LBB2_14-.Ltmp6, $3  }
0x51f: {  	_ = 	snop  }
0x520: {  	v18 =	vadd.f32 v19, v18;
	_ =	sdelay $0x1  }
0x521: {  	[tilespmem:s6+$0x8400] =	vst v18  }
0x522: {  	v18 =	vld [tilespmem:s1+$0x1600]  }
0x523: {  	v19 =	vld [tilespmem:s1+$0x5680]  }
0x524: {  	v20 =	vld [tilespmem:s1+$0x1700]  }
0x525: {  	v21 =	vld [tilespmem:s1+$0x1680]  }
0x526: {  	v22 =	vld [tilespmem:s1+$0x5600]  }
0x527: {  	v23 =	vld [tilespmem:s1+$0x5700];
	_ =	sdelay $0x2  }
0x528: {  	v19 =	vmul.f32 v19, v17;
	v21 =	vmul.f32 v21, v16  }
0x529: {  	v18 =	vmul.f32 v18, v16;
	v22 =	vmul.f32 v22, v17  }
0x52a: {  	v20 =	vmul.f32 v20, v16;
	v23 =	vmul.f32 v23, v17;
	v19 =	vadd.f32 v19, v21  }
0x52b: {  	v18 =	vadd.f32 v22, v18  }
0x52c: {  	v20 =	vadd.f32 v23, v20;
	[tilespmem:s1+$0x9680] =	vst v19  }
0x52d: {  	[tilespmem:s1+$0x9600] =	vst v18  }
0x52e: {  	s0 =	sor.u32 $0x1380, s3;
	[tilespmem:s1+$0x9700] =	vst v20  }
0x52f: {  	v18 =	vld [tilespmem:s0+$0x400]  }
0x530: {  	v19 =	vld [tilespmem:s0+$0x4400];
	_ =	sdelay $0x4  }
0x531: {  	v16 =	vmul.f32 v18, v16;
	v17 =	vmul.f32 v19, v17;
	_ =	sdelay $0x1  }
0x532: {  	v16 =	vadd.f32 v17, v16;
	_ =	sdelay $0x1  }
0x533: {  	s19 =	rddreg [dreg:$0xb];
	[tilespmem:s0+$0x8400] =	vst v16  }
0x534: {  	[hbm4b:s19+s16] =	stream.strided.scatter [tilespmem:s12], [sflag:$0x5], $0x2000, s17, s16, $0x38;
	[tilespmem:$0xC400] =	vst v63  }
0x535: {  	_ =	swait.ge [sflag:s25], $0x2000  }
0x536: {  	[sflag:s25] =	ssyncset.done $0x0  }
0x537: {  	[sflag:s25] =	ssyncadd.s32 $0xFFFFE000  }
0x538: {  	_ =	swait.ge [sflag:s26], $0x2000  }
0x539: {  	[sflag:s26] =	ssyncset.done $0x0  }
0x53a: {  	[sflag:s26] =	ssyncadd.s32 $0xFFFFE000  }
0x53b: {  	_ =	swait.ge [sflag:s30], $0x2000  }
0x53c: {  	[sflag:s30] =	ssyncset.done $0x0  }
0x53d: {  	s0 =	simm.s32 $0x0;
	[sflag:s30] =	ssyncadd.s32 $0xFFFFE000  }
0x53e: {  	s20 =	sand.u32 $0x70, s0;
	s2 =	sand.u32 $0xC00, s0;
	v16 =	vld [tilespmem:$0x70]  }
0x53f: {  	s1 =	sor.u32 s20, s2;
	v17 =	vld [tilespmem:$0xF0]  }
0x540: {  	v18 =	vld [tilespmem:s1+$0x6500]  }
0x541: {  	v19 =	vld [tilespmem:s1+$0x6480]  }
0x542: {  	v51 =	vld [tilespmem:s1+$0x2500]  }
0x543: {  	v52 =	vld [tilespmem:s1+$0x2480]  }
0x544: {  	v53 =	vld [tilespmem:s1+$0x6400]  }
0x545: {  	v54 =	vld [tilespmem:s1+$0x2400];
	_ =	sdelay $0x2  }
0x546: {  	v18 =	vmul.f32 v18, v17;
	v20 =	vmul.f32 v51, v16  }
0x547: {  	v19 =	vmul.f32 v19, v17;
	v21 =	vmul.f32 v52, v16  }
0x548: {  	v22 =	vmul.f32 v53, v17;
	v55 =	vmul.f32 v54, v16;
	v18 =	vadd.f32 v18, v20  }
0x549: {  	v19 =	vadd.f32 v19, v21  }
0x54a: {  	s21 =	sand.u32 $0xFFFFFC00, s0;
	[tilespmem:s1+$0xA500] =	vst v18;
	v18 =	vadd.f32 v22, v55  }
0x54b: {  	s2 =	sadd.s32 $0x0, s21;
	[tilespmem:s1+$0xA480] =	vst v19  }
0x54c: {  	s24 =	sor.u32 $0x180, s2;
	[tilespmem:s1+$0xA400] =	vst v18  }
0x54d: {  	v18 =	vld [tilespmem:s24+$0x2400]  }
0x54e: {  	v19 =	vld [tilespmem:s24+$0x6400];
	_ =	sdelay $0x4  }
0x54f: {  	v18 =	vmul.f32 v18, v16;
	v19 =	vmul.f32 v19, v17;
	_ =	sdelay $0x1  }
0x550: {  	v18 =	vadd.f32 v19, v18;
	_ =	sdelay $0x1  }
0x551: {  	[tilespmem:s24+$0xA400] =	vst v18  }
0x552: {  	v18 =	vld [tilespmem:s1+$0x6700]  }
0x553: {  	v19 =	vld [tilespmem:s1+$0x2700]  }
0x554: {  	v56 =	vld [tilespmem:s1+$0x2680]  }
0x555: {  	v57 =	vld [tilespmem:s1+$0x2600]  }
0x556: {  	v58 =	vld [tilespmem:s1+$0x6600]  }
0x557: {  	v59 =	vld [tilespmem:s1+$0x6680];
	_ =	sdelay $0x2  }
0x558: {  	v19 =	vmul.f32 v19, v16;
	v18 =	vmul.f32 v18, v17  }
0x559: {  	v21 =	vmul.f32 v57, v16;
	v22 =	vmul.f32 v58, v17  }
0x55a: {  	v20 =	vmul.f32 v56, v16;
	v18 =	vadd.f32 v18, v19;
	v19 =	vmul.f32 v59, v17  }
0x55b: {  	v21 =	vadd.f32 v22, v21  }
0x55c: {  	[tilespmem:s1+$0xA700] =	vst v18;
	v18 =	vadd.f32 v19, v20  }
0x55d: {  	s3 =	sor.u32 s0, s0;
	[tilespmem:s1+$0xA600] =	vst v21  }
0x55e: {  	s6 =	sor.u32 $0x380, s3;
	[tilespmem:s1+$0xA680] =	vst v18  }
0x55f: {  	v18 =	vld [tilespmem:s6+$0x2400]  }
0x560: {  	v19 =	vld [tilespmem:s6+$0x6400];
	_ =	sdelay $0x4  }
0x561: {  	v18 =	vmul.f32 v18, v16;
	v19 =	vmul.f32 v19, v17;
	_ =	sdelay $0x1  }
0x562: {  	v18 =	vadd.f32 v19, v18;
	_ =	sdelay $0x1  }
0x563: {  	[tilespmem:s6+$0xA400] =	vst v18  }
0x564: {  	v18 =	vld [tilespmem:s1+$0x7500]  }
0x565: {  	v19 =	vld [tilespmem:s1+$0x3400]  }
0x566: {  	v60 =	vld [tilespmem:s1+$0x3480]  }
0x567: {  	v61 =	vld [tilespmem:s1+$0x7400]  }
0x568: {  	v62 =	vld [tilespmem:s1+$0x3500]  }
0x569: {  	v63 =	vld [tilespmem:s1+$0x7480];
	_ =	sdelay $0x2  }
0x56a: {  	v19 =	vmul.f32 v19, v16;
	v21 =	vmul.f32 v61, v17  }
0x56b: {  	v22 =	vmul.f32 v62, v16;
	v18 =	vmul.f32 v18, v17  }
0x56c: {  	v20 =	vmul.f32 v60, v16;
	v23 =	vmul.f32 v63, v17;
	v19 =	vadd.f32 v21, v19  }
0x56d: {  	v18 =	vadd.f32 v18, v22  }
0x56e: {  	v20 =	vadd.f32 v23, v20;
	[tilespmem:s1+$0xB400] =	vst v19  }
0x56f: {  	[tilespmem:s1+$0xB500] =	vst v18  }
0x570: {  	s28 =	sor.u32 $0x1180, s2;
	[tilespmem:s1+$0xB480] =	vst v20  }
0x571: {  	v18 =	vld [tilespmem:s28+$0x2400]  }
0x572: {  	v19 =	vld [tilespmem:s28+$0x6400];
	_ =	sdelay $0x4  }
0x573: {  	v18 =	vmul.f32 v18, v16;
	v19 =	vmul.f32 v19, v17;
	_ =	sdelay $0x1  }
0x574: {  	v18 =	vadd.f32 v19, v18;
	_ =	sdelay $0x1  }
0x575: {  	s2 =	simm.s32 $0x10;
	[tilespmem:s28+$0xA400] =	vst v18  }
.LBB2_16:
0x576: {  	p0 =	sne.s32 s2, $0x1F0  }
0x577: {  	v18 =	vld [tilespmem:s1+$0x3600];
	s0 =	sadd.s32 $0x80, s0;
	s6 =	smov.u32 s2;
	s2 =	sadd.s32 $0x10, s2  }
0x578: {  	v19 =	vld [tilespmem:s1+$0x7680]  }
0x579: {  	v20 =	vld [tilespmem:s1+$0x3700]  }
0x57a: {  	v21 =	vld [tilespmem:s1+$0x3680]  }
0x57b: {  	v22 =	vld [tilespmem:s1+$0x7700]  }
0x57c: {  	v23 =	vld [tilespmem:s1+$0x7600];
	_ =	sdelay $0x1  }
0x57d: {  	v18 =	vmul.f32 v18, v16;
	v20 =	vmul.f32 v20, v16  }
0x57e: {  	v19 =	vmul.f32 v19, v17  }
0x57f: {  	v21 =	vmul.f32 v21, v16  }
0x580: {  	v22 =	vmul.f32 v22, v17;
	v23 =	vmul.f32 v23, v17  }
0x581: {  	v19 =	vadd.f32 v19, v21  }
0x582: {  	v20 =	vadd.f32 v22, v20;
	v18 =	vadd.f32 v23, v18  }
0x583: {  	[tilespmem:s1+$0xB680] =	vst v19  }
0x584: {  	[tilespmem:s1+$0xB600] =	vst v18  }
0x585: {  	s3 =	sor.u32 $0x1380, s3;
	[tilespmem:s1+$0xB700] =	vst v20  }
0x586: {  	v18 =	vld [tilespmem:s3+$0x2400]  }
0x587: {  	v19 =	vld [tilespmem:s3+$0x6400];
	_ =	sdelay $0x4  }
0x588: {  	v18 =	vmul.f32 v18, v16;
	v19 =	vmul.f32 v19, v17;
	_ =	sdelay $0x1  }
0x589: {  	v18 =	vadd.f32 v19, v18  }
0x58a: {  	s7 =	sand.u32 $0xC00, s0;
	s1 =	sand.u32 $0x70, s6  }
0x58b: {  	s1 =	sor.u32 s1, s7;
	[tilespmem:s3+$0xA400] =	vst v18  }
0x58c: {  	v18 =	vld [tilespmem:s1+$0x6500]  }
0x58d: {  	v19 =	vld [tilespmem:s1+$0x6480]  }
0x58e: {  	v20 =	vld [tilespmem:s1+$0x2500]  }
0x58f: {  	v21 =	vld [tilespmem:s1+$0x2480]  }
0x590: {  	v22 =	vld [tilespmem:s1+$0x6400]  }
0x591: {  	v23 =	vld [tilespmem:s1+$0x2400];
	v18 =	vmul.f32 v18, v17;
	_ =	sdelay $0x1  }
0x592: {  	v19 =	vmul.f32 v19, v17;
	v20 =	vmul.f32 v20, v16  }
0x593: {  	v21 =	vmul.f32 v21, v16  }
0x594: {  	v22 =	vmul.f32 v22, v17;
	v18 =	vadd.f32 v18, v20  }
0x595: {  	v20 =	vmul.f32 v23, v16;
	v19 =	vadd.f32 v19, v21  }
0x596: {  	[tilespmem:s1+$0xA500] =	vst v18  }
0x597: {  	s3 =	sand.u32 $0xFFFFFC00, s0;
	v18 =	vadd.f32 v22, v20;
	[tilespmem:s1+$0xA480] =	vst v19  }
0x598: {  	s7 =	sadd.s32 s3, s6  }
0x599: {  	s3 =	sor.u32 $0x180, s7;
	[tilespmem:s1+$0xA400] =	vst v18  }
0x59a: {  	v18 =	vld [tilespmem:s3+$0x2400]  }
0x59b: {  	v19 =	vld [tilespmem:s3+$0x6400];
	_ =	sdelay $0x4  }
0x59c: {  	v18 =	vmul.f32 v18, v16;
	v19 =	vmul.f32 v19, v17;
	_ =	sdelay $0x1  }
0x59d: {  	v18 =	vadd.f32 v19, v18;
	_ =	sdelay $0x1  }
0x59e: {  	[tilespmem:s3+$0xA400] =	vst v18  }
0x59f: {  	v18 =	vld [tilespmem:s1+$0x6700]  }
0x5a0: {  	v19 =	vld [tilespmem:s1+$0x2700]  }
0x5a1: {  	v20 =	vld [tilespmem:s1+$0x2680]  }
0x5a2: {  	v21 =	vld [tilespmem:s1+$0x2600]  }
0x5a3: {  	v22 =	vld [tilespmem:s1+$0x6600]  }
0x5a4: {  	v23 =	vld [tilespmem:s1+$0x6680]  }
0x5a5: {  	v18 =	vmul.f32 v18, v17;
	v19 =	vmul.f32 v19, v16  }
0x5a6: {  	v20 =	vmul.f32 v20, v16  }
0x5a7: {  	v21 =	vmul.f32 v21, v16;
	v18 =	vadd.f32 v18, v19  }
0x5a8: {  	v19 =	vmul.f32 v22, v17  }
0x5a9: {  	v22 =	vmul.f32 v23, v17;
	[tilespmem:s1+$0xA700] =	vst v18  }
0x5aa: {  	v18 =	vadd.f32 v19, v21  }
0x5ab: {  	v19 =	vadd.f32 v22, v20  }
0x5ac: {  	s3 =	sor.u32 s6, s0;
	[tilespmem:s1+$0xA600] =	vst v18  }
0x5ad: {  	s6 =	sor.u32 $0x380, s3;
	[tilespmem:s1+$0xA680] =	vst v19  }
0x5ae: {  	v18 =	vld [tilespmem:s6+$0x2400]  }
0x5af: {  	v19 =	vld [tilespmem:s6+$0x6400];
	_ =	sdelay $0x3  }
0x5b0: {  	v18 =	vmul.f32 v18, v16  }
0x5b1: {  	v19 =	vmul.f32 v19, v17;
	_ =	sdelay $0x1  }
0x5b2: {  	v18 =	vadd.f32 v19, v18;
	_ =	sdelay $0x1  }
0x5b3: {  	[tilespmem:s6+$0xA400] =	vst v18  }
0x5b4: {  	v18 =	vld [tilespmem:s1+$0x7500]  }
0x5b5: {  	v19 =	vld [tilespmem:s1+$0x3400]  }
0x5b6: {  	v20 =	vld [tilespmem:s1+$0x3480]  }
0x5b7: {  	v21 =	vld [tilespmem:s1+$0x3500]  }
0x5b8: {  	v22 =	vld [tilespmem:s1+$0x7400]  }
0x5b9: {  	v23 =	vld [tilespmem:s1+$0x7480]  }
0x5ba: {  	v19 =	vmul.f32 v19, v16  }
0x5bb: {  	v20 =	vmul.f32 v20, v16  }
0x5bc: {  	v18 =	vmul.f32 v18, v17;
	v21 =	vmul.f32 v21, v16  }
0x5bd: {  	v22 =	vmul.f32 v22, v17  }
0x5be: {  	v23 =	vmul.f32 v23, v17;
	v18 =	vadd.f32 v18, v21  }
0x5bf: {  	v19 =	vadd.f32 v22, v19  }
0x5c0: {  	v20 =	vadd.f32 v23, v20  }
0x5c1: {  	[tilespmem:s1+$0xB400] =	vst v19  }
0x5c2: {  	[tilespmem:s1+$0xB500] =	vst v18  }
0x5c3: {  	s6 =	sor.u32 $0x1180, s7;
	[tilespmem:s1+$0xB480] =	vst v20  }
0x5c4: {  	v18 =	vld [tilespmem:s6+$0x2400]  }
0x5c5: {  	v19 =	vld [tilespmem:s6+$0x6400];
	_ =	sdelay $0x3  }
0x5c6: {  	v18 =	vmul.f32 v18, v16  }
.Ltmp7:
0x5c7: {  	v19 =	vmul.f32 v19, v17;
	(pc) =	sbr.rel @p0 .LBB2_16-.Ltmp7, $3  }
0x5c8: {  	_ = 	snop  }
0x5c9: {  	v18 =	vadd.f32 v19, v18;
	_ =	sdelay $0x1  }
0x5ca: {  	[tilespmem:s6+$0xA400] =	vst v18  }
0x5cb: {  	v18 =	vld [tilespmem:s1+$0x3600]  }
0x5cc: {  	v19 =	vld [tilespmem:s1+$0x7680]  }
0x5cd: {  	v20 =	vld [tilespmem:s1+$0x3700]  }
0x5ce: {  	v21 =	vld [tilespmem:s1+$0x3680]  }
0x5cf: {  	v22 =	vld [tilespmem:s1+$0x7600]  }
0x5d0: {  	v23 =	vld [tilespmem:s1+$0x7700];
	_ =	sdelay $0x2  }
0x5d1: {  	v19 =	vmul.f32 v19, v17;
	v21 =	vmul.f32 v21, v16  }
0x5d2: {  	v18 =	vmul.f32 v18, v16;
	v22 =	vmul.f32 v22, v17  }
0x5d3: {  	v20 =	vmul.f32 v20, v16;
	v23 =	vmul.f32 v23, v17;
	v19 =	vadd.f32 v19, v21  }
0x5d4: {  	v18 =	vadd.f32 v22, v18  }
0x5d5: {  	v20 =	vadd.f32 v23, v20;
	[tilespmem:s1+$0xB680] =	vst v19  }
0x5d6: {  	[tilespmem:s1+$0xB600] =	vst v18  }
0x5d7: {  	s0 =	sor.u32 $0x1380, s3;
	[tilespmem:s1+$0xB700] =	vst v20  }
0x5d8: {  	v18 =	vld [tilespmem:s0+$0x2400]  }
0x5d9: {  	v19 =	vld [tilespmem:s0+$0x6400];
	_ =	sdelay $0x4  }
0x5da: {  	v16 =	vmul.f32 v18, v16;
	v17 =	vmul.f32 v19, v17;
	_ =	sdelay $0x1  }
0x5db: {  	v16 =	vadd.f32 v17, v16;
	_ =	sdelay $0x1  }
0x5dc: {  	s24 =	rddreg [dreg:$0xc];
	[tilespmem:s0+$0xA400] =	vst v16  }
0x5dd: {  	[hbm4b:s24+s16] =	stream.strided.scatter [tilespmem:s13], [sflag:$0x6], $0x2000, s17, s16, $0x38;
	[tilespmem:$0xC400] =	vst v63  }
0x5de: {  	_ =	swait.ge [sflag:s29], $0x2000  }
0x5df: {  	[sflag:s29] =	ssyncset.done $0x0  }
0x5e0: {  	[sflag:s29] =	ssyncadd.s32 $0xFFFFE000  }
0x5e1: {  	_ =	swait.ge [sflag:s30], $0x2000  }
0x5e2: {  	s31 =	sadd.s32 $0x1, s31;
	s28 =	rddreg [dreg:$0xd]  }
0x5e3: {  	p0 =	sne.s32 s31, s28  }
.Ltmp8:
0x5e4: {  	_ = 	snop;
	(pc) =	sbr.rel @p0 .LBB2_1-.Ltmp8, $3  }
0x5e5: {  	_ =	sdelay $0x1  }
0x5e6: {  	[sflag:s30] =	ssyncset.done $0x0  }
0x5e7: {  	[sflag:s30] =	ssyncadd.s32 $0xFFFFE000  }
0x5e8: {  	_ =	sfence.sel $0x180000  }
0x5e9: {  	[bflag:$0x0] =	sbarrier.arrive $0xFFFF  }
0x5ea: {  	_ =	strace $0x90000047  }
0x5eb: {  	s0 =	stileid.u32;
	[bflag:$0x2] =	sbarrier.arrive $0xFFFF  }
0x5ec: {  	p0 =	sne.s32 s0, $0x0;
	s0 =	rddreg [dreg:$0x4]  }
0x5ed: {  	s0 =	sadd.s32 @!p0 $0x100000, s0  }
0x5ee: {  	[sflag:s0] =	ssyncadd.tile.s32 @!p0 $0x1;
	_ =	shalt  }
.Lfunc_end2:
_tile_overlayer_lowered:
.L_overlay_start_2:
0x5ef: {  	(tag) =	ssettag $0x2  }
0x5f0: {  	s0 =	rddreg [dreg:$0x0];
	s2 =	stileid.u32  }
0x5f1: {  	s1 =	rddreg [dreg:$0x1];
	p0 =	sne.s32 s2, $0x0  }
0x5f2: {  	s3 =	rddreg [dreg:$0x2];
	[bflag:$0x3] =	sbarrier.arrive $0xFFFF;
	s2 =	simm.s32 @!p0 $0x1C07  }
0x5f3: {  	[timem:s3], [sflag:s2] =	dma.local @!p0 [hbm:s0], s1  }
0x5f4: {  	s0 =	simm.s32 @!p0 $0x7  }
0x5f5: {  	_ =	swait.ge @!p0 [sflag:s0], s1  }
0x5f6: {  	s1 =	ssub.s32 @!p0 $0x0, s1;
	[sflag:s0] =	ssyncset.done @!p0 $0x0  }
0x5f7: {  	[sflag:s0] =	ssyncadd.s32 @!p0 s1  }
0x5f8: {  	[bflag:$0x3] =	sbarrier.arrive $0xFFFF  }
0x5f9: {  	_ =	shalt  }

</sc_bundles>
